<compile_context>
chip_gen: v7x
topology: tpu7x:2x2x1
jax: 0.10.2.dev20260603
libtpu: 0.0.44.dev20260713+nightly
codegen_flags: <defaults>
</compile_context>

<pallas_src>
import functools

import jax
import jax.numpy as jnp
from jax import lax
from jax.experimental import pallas as pl
from jax.experimental.pallas import tpu as pltpu
from jax.experimental.pallas import tpu_sc as plsc

NC = 2
NS = 16
NW = NC * NS
L = 16


@functools.lru_cache(maxsize=None)
def _sc_segsum(n, e, d, with_counts):
    epw = e // NW
    K = 80
    nchunk = epw // K
    tsz = epw - nchunk * K
    rquot = 8 * (n // (NS * 8))
    tail = n - NS * rquot
    assert K % 8 == 0 and tsz % 8 == 0 and tsz % L == 0
    assert tail % 8 == 0 and tail <= rquot and n % L == 0

    NBUF = 3 if with_counts else 4
    NQ = 2 * NBUF

    mesh = plsc.VectorSubcoreMesh(core_axis_name="c", subcore_axis_name="s")
    out_type = [jax.ShapeDtypeStruct((NC, n, d), jnp.float32)]
    scratch = {
        "src_c": pltpu.VMEM((NQ, K), jnp.int32),
        "dst_b": pltpu.VMEM((NQ, K), jnp.int32),
        "acc_s": pltpu.VMEM_SHARED((n, d), jnp.float32),
    }
    if tsz:
        scratch["tsrc_v"] = pltpu.VMEM((tsz,), jnp.int32)
        scratch["tdst_v"] = pltpu.VMEM((tsz,), jnp.int32)
    for b in range(NBUF):
        scratch[f"rows{b}"] = pltpu.VMEM((K, d), jnp.float32)
        scratch[f"gsem{b}"] = pltpu.SemaphoreType.DMA
        scratch[f"ssem{b}"] = pltpu.SemaphoreType.DMA
    for q in range(NQ):
        scratch[f"isem{q}"] = pltpu.SemaphoreType.DMA
    if with_counts:
        out_type.append(jax.ShapeDtypeStruct((NW * n,), jnp.float32))
        scratch["cnt_v"] = pltpu.VMEM((n,), jnp.float32)

    def body(x_hbm, src_hbm, dst_hbm, zeros_hbm, sums_hbm, cnts_hbm=None,
             *, src_c, dst_b, acc_s, cnt_v=None, tsrc_v=None, tdst_v=None,
             **scr):
        c = lax.axis_index("c")
        s = lax.axis_index("s")
        w = c * NS + s
        rbase = s * rquot
        ebase = w * epw

        def over_rows(fn):
            fn(rbase, rquot)
            if tail:
                @pl.when(s == NS - 1)
                def _():
                    fn(NS * rquot, tail)

        over_rows(lambda b, m: pltpu.sync_copy(
            zeros_hbm.at[pl.ds(0, m)], acc_s.at[pl.ds(b, m)]))
        if with_counts:
            def zero_cnt(i, carry):
                cnt_v[pl.ds(i * L, L)] = jnp.zeros((L,), jnp.float32)
                return carry
            lax.fori_loop(0, n // L, zero_cnt, 0)
        plsc.subcore_barrier()

        ones16 = jnp.ones((L,), jnp.float32)
        rows = tuple(scr[f"rows{b}"] for b in range(NBUF))
        gsems = tuple(scr[f"gsem{b}"] for b in range(NBUF))
        ssems = tuple(scr[f"ssem{b}"] for b in range(NBUF))
        isems = tuple(scr[f"isem{q}"] for q in range(NQ))

        def idx_load(i, q):
            off = ebase + i * K
            pltpu.async_copy(src_hbm.at[pl.ds(off, K)], src_c.at[q],
                             isems[q])
            pltpu.async_copy(dst_hbm.at[pl.ds(off, K)], dst_b.at[q],
                             isems[q])

        def iwait(i, q):
            off = ebase + i * K
            pltpu.make_async_copy(src_hbm.at[pl.ds(off, K)], src_c.at[q],
                                  isems[q]).wait()
            pltpu.make_async_copy(dst_hbm.at[pl.ds(off, K)], dst_b.at[q],
                                  isems[q]).wait()

        def gfire(p, q):
            pltpu.async_copy(x_hbm.at[src_c.at[q]], rows[p], gsems[p])

        def gwait(p, q):
            pltpu.make_async_copy(x_hbm.at[src_c.at[q]], rows[p],
                                  gsems[p]).wait()

        def sfire(p, q):
            pltpu.async_copy(rows[p], acc_s.at[dst_b.at[q]], ssems[p],
                             add=True)

        def swaitf(p, q):
            pltpu.make_async_copy(rows[p], acc_s.at[dst_b.at[q]],
                                  ssems[p]).wait()

        def counts(q):
            if with_counts:
                for j in range(K // L):
                    idx = dst_b[q, pl.ds(j * L, L)]
                    plsc.addupdate_scatter(cnt_v, [idx], ones16)

        def substep(i, k, head=False, fire_g=True, fire_i=True):
            p, pn = k % NBUF, (k + 1) % NBUF
            q, qn, q2 = k % NQ, (k + 1) % NQ, (k + 2) % NQ
            if not head:
                swaitf(pn, (k + 1 + NBUF) % NQ)
            if fire_g:
                iwait(i + 1, qn)
                gfire(pn, qn)
            if fire_i:
                idx_load(i + 2, q2)
            gwait(p, q)
            sfire(p, q)
            counts(q)

        S = NBUF - 1
        NLOOP = (nchunk - S) // NQ
        idx_load(0, 0)
        iwait(0, 0)
        gfire(0, 0)
        idx_load(1, 1)
        for i in range(S):
            substep(i, i, head=True)

        def steady(t, carry):
            i0 = NQ * t + S
            for k in range(NQ):
                substep(i0 + k, (S + k) % NQ)
            return carry

        lax.fori_loop(0, NLOOP, steady, 0)
        for i in range(S + NQ * NLOOP, nchunk):
            substep(i, i % NQ, fire_g=(i + 1 < nchunk),
                    fire_i=(i + 2 < nchunk))
        for j in range(nchunk - S, nchunk):
            swaitf(j % NBUF, j % NQ)
        if tsz:
            toff = ebase + nchunk * K
            pltpu.sync_copy(src_hbm.at[pl.ds(toff, tsz)], tsrc_v)
            pltpu.sync_copy(dst_hbm.at[pl.ds(toff, tsz)], tdst_v)
            trows = rows[0].at[pl.ds(0, tsz)]
            pltpu.async_copy(x_hbm.at[tsrc_v], trows, gsems[0]).wait()
            pltpu.sync_copy(trows, acc_s.at[tdst_v], add=True)
            if with_counts:
                for j in range(tsz // L):
                    idx = tdst_v[pl.ds(j * L, L)]
                    plsc.addupdate_scatter(cnt_v, [idx], ones16)
        plsc.subcore_barrier()
        over_rows(lambda b, m: pltpu.sync_copy(
            acc_s.at[pl.ds(b, m)], sums_hbm.at[c].at[pl.ds(b, m)]))
        if with_counts:
            pltpu.sync_copy(cnt_v, cnts_hbm.at[pl.ds(w * n, n)])

    if with_counts:
        def body_wc(x, src, dst, z, sums, cnts, **scr):
            body(x, src, dst, z, sums, cnts, **scr)
        fn = body_wc
    else:
        def body_nc(x, src, dst, z, sums, **scr):
            body(x, src, dst, z, sums, None, **scr)
        fn = body_nc

    return pl.kernel(
        fn, out_type=out_type, mesh=mesh, scratch_types=scratch,
        compiler_params=pltpu.CompilerParams(needs_layout_passes=False))


def _tc1_body(sums_ref, cnts_ref, x_ref, wl_ref, bl_ref, wr_ref, g_ref,
              b_ref, o_ref, cnt_ref):
    cnt = jnp.maximum(jnp.sum(cnts_ref[...], axis=0), 1.0)[:, None]
    cnt_ref[...] = cnt
    ssum = sums_ref[0] + sums_ref[1]
    mean = ssum / cnt
    h = (jnp.dot(mean, wl_ref[...], preferred_element_type=jnp.float32)
         + bl_ref[...]
         + jnp.dot(x_ref[...], wr_ref[...], preferred_element_type=jnp.float32))
    mu = jnp.mean(h, axis=0, keepdims=True)
    var = jnp.mean((h - mu) ** 2, axis=0, keepdims=True)
    hn = (h - mu) * lax.rsqrt(var + 1e-5) * g_ref[...] + b_ref[...]
    o_ref[...] = jnp.where(hn >= 0, hn, 0.01 * hn)


def _tc2_body(sums_ref, cnt_ref, h_ref, wl_ref, bl_ref, wr_ref, o_ref):
    ssum = sums_ref[0] + sums_ref[1]
    mean = ssum / cnt_ref[...]
    o_ref[...] = (jnp.dot(mean, wl_ref[...], preferred_element_type=jnp.float32)
                  + bl_ref[...]
                  + jnp.dot(h_ref[...], wr_ref[...],
                            preferred_element_type=jnp.float32))


def kernel(x, edge_index, Wl1, bl1, Wr1, gamma, beta, Wl2, bl2, Wr2):
    n, d = x.shape
    e = edge_index.shape[1]
    src = edge_index[0].astype(jnp.int32)
    dst = edge_index[1].astype(jnp.int32)
    rquot = 8 * (n // (NS * 8))
    zeros = jnp.zeros((rquot, d), jnp.float32)

    sums1, cnts = _sc_segsum(n, e, d, True)(x, src, dst, zeros)
    h, cnt_col = pl.pallas_call(
        _tc1_body,
        out_shape=[jax.ShapeDtypeStruct((n, d), jnp.float32),
                   jax.ShapeDtypeStruct((n, 1), jnp.float32)],
    )(sums1, cnts.reshape(NW, n), x, Wl1, bl1.reshape(1, -1), Wr1,
      gamma.reshape(1, -1), beta.reshape(1, -1))
    (sums2,) = _sc_segsum(n, e, d, False)(h, src, dst, zeros)
    out = pl.pallas_call(
        _tc2_body,
        out_shape=jax.ShapeDtypeStruct((n, d), jnp.float32),
    )(sums2, cnt_col, h, Wl2, bl2.reshape(1, -1), Wr2)
    return out

# --- scband reference (transcript-rebuilt; emitter-appended) ---
"""Pipeline reference for scband-co-mgl-5454608466352 (READ-ONLY COPY).

The authoritative reference and input builder live on the scoring server;
editing this copy changes nothing except your own understanding.
"""

import jax, jax.numpy as jnp
import numpy as np

N_NODES = 10000
N_EDGES = 320000
D_FEAT = 128
HIDDEN = 128


def setup_inputs(seed: int = 0) -> dict:
    key = jax.random.key(seed)
    ks = jax.random.split(key, 12)
    x = jax.random.normal(ks[0], (N_NODES, D_FEAT), dtype=jnp.float32)
    edge_index = jax.random.randint(ks[1], (2, N_EDGES), 0, N_NODES, dtype=jnp.int64 if jax.config.jax_enable_x64 else jnp.int32)
    s = 1.0 / np.sqrt(D_FEAT)
    # SAGEConv layer 1: lin_l (applied to aggregated neighbors, with bias), lin_r (applied to self)
    Wl1 = jax.random.uniform(ks[2], (D_FEAT, HIDDEN), minval=-s, maxval=s, dtype=jnp.float32)
    bl1 = jnp.zeros((HIDDEN,), dtype=jnp.float32)
    Wr1 = jax.random.uniform(ks[3], (D_FEAT, HIDDEN), minval=-s, maxval=s, dtype=jnp.float32)
    # BatchNorm params
    gamma = jnp.ones((HIDDEN,), dtype=jnp.float32)
    beta = jnp.zeros((HIDDEN,), dtype=jnp.float32)
    s2 = 1.0 / np.sqrt(HIDDEN)
    # SAGEConv layer 2
    Wl2 = jax.random.uniform(ks[4], (HIDDEN, HIDDEN), minval=-s2, maxval=s2, dtype=jnp.float32)
    bl2 = jnp.zeros((HIDDEN,), dtype=jnp.float32)
    Wr2 = jax.random.uniform(ks[5], (HIDDEN, HIDDEN), minval=-s2, maxval=s2, dtype=jnp.float32)
    return {"x": x, "edge_index": edge_index, "Wl1": Wl1, "bl1": bl1, "Wr1": Wr1,
            "gamma": gamma, "beta": beta, "Wl2": Wl2, "bl2": bl2, "Wr2": Wr2}


def _sage_conv(x, src, dst, Wl, bl, Wr, n_nodes):
    # PyG SAGEConv with mean aggregation: out = lin_l(mean_{j in N(i)} x_j) + lin_r(x_i)
    msgs = jnp.take(x, src, axis=0)
    summed = jax.ops.segment_sum(msgs, dst, num_segments=n_nodes)
    cnt = jax.ops.segment_sum(jnp.ones((src.shape[0],), dtype=x.dtype), dst, num_segments=n_nodes)
    mean = summed / jnp.clip(cnt, 1.0)[:, None]
    return mean @ Wl + bl + x @ Wr


def _batch_norm(h, gamma, beta, eps=1e-5):
    mu = jnp.mean(h, axis=0)
    var = jnp.var(h, axis=0)
    return (h - mu) / jnp.sqrt(var + eps) * gamma + beta


def reference(x, edge_index, Wl1, bl1, Wr1, gamma, beta, Wl2, bl2, Wr2):
    n_nodes = x.shape[0]
    src = edge_index[0]
    dst = edge_index[1]
    # GNNEncoder layer 1: SAGEConv -> BatchNorm -> leaky_relu -> dropout(p=0)
    h = _sage_conv(x, src, dst, Wl1, bl1, Wr1, n_nodes)
    h = _batch_norm(h, gamma, beta)
    h = jax.nn.leaky_relu(h, negative_slope=0.01)
    # GNNEncoder last layer: SAGEConv only
    out = _sage_conv(h, src, dst, Wl2, bl2, Wr2, n_nodes)
    return out

if __name__ == "__main__":
    import jax
    _d = setup_inputs()
    print(jax.jit(kernel)(*tuple(_d.values())))

</pallas_src>

<mosaic_0001>
#map = affine_map<(d0, d1) -> (0, 0)>
#map1 = affine_map<(d0, d1) -> (0)>
#map2 = affine_map<(d0, d1) -> (0, 0, 0)>
module attributes {stable_mosaic.version = 14 : i64} {
  func.func @body_wc(%arg0: i32, %arg1: i32, %arg2: memref<10000x128xf32, #tpu.memory_space<hbm>>, %arg3: memref<320000xi32, #tpu.memory_space<hbm>>, %arg4: memref<320000xi32, #tpu.memory_space<hbm>>, %arg5: memref<624x128xf32, #tpu.memory_space<hbm>>, %arg6: memref<2x10000x128xf32, #tpu.memory_space<hbm>>, %arg7: memref<320000xf32, #tpu.memory_space<hbm>>, %arg8: memref<10000x128xf32, #tpu.memory_space<vmem_shared>>, %arg9: memref<10000xf32, #tpu.memory_space<vmem>>, %arg10: memref<6x80xi32, #tpu.memory_space<vmem>>, %arg11: memref<!tpu.dma_semaphore, #tpu.memory_space<semaphore_mem>>, %arg12: memref<!tpu.dma_semaphore, #tpu.memory_space<semaphore_mem>>, %arg13: memref<!tpu.dma_semaphore, #tpu.memory_space<semaphore_mem>>, %arg14: memref<!tpu.dma_semaphore, #tpu.memory_space<semaphore_mem>>, %arg15: memref<!tpu.dma_semaphore, #tpu.memory_space<semaphore_mem>>, %arg16: memref<!tpu.dma_semaphore, #tpu.memory_space<semaphore_mem>>, %arg17: memref<!tpu.dma_semaphore, #tpu.memory_space<semaphore_mem>>, %arg18: memref<!tpu.dma_semaphore, #tpu.memory_space<semaphore_mem>>, %arg19: memref<!tpu.dma_semaphore, #tpu.memory_space<semaphore_mem>>, %arg20: memref<80x128xf32, #tpu.memory_space<vmem>>, %arg21: memref<80x128xf32, #tpu.memory_space<vmem>>, %arg22: memref<80x128xf32, #tpu.memory_space<vmem>>, %arg23: memref<6x80xi32, #tpu.memory_space<vmem>>, %arg24: memref<!tpu.dma_semaphore, #tpu.memory_space<semaphore_mem>>, %arg25: memref<!tpu.dma_semaphore, #tpu.memory_space<semaphore_mem>>, %arg26: memref<!tpu.dma_semaphore, #tpu.memory_space<semaphore_mem>>) attributes {dimension_semantics = [#tpu.dimension_semantics<core_parallel>, #tpu.dimension_semantics<subcore_parallel>], iteration_bounds = array<i64: 2, 16>, scalar_prefetch = 0 : i64, scratch_operands = 19 : i64, tpu.core_type = #tpu.core_type<sc_vector_subcore>, window_params = [{transform_indices = #map}, {transform_indices = #map1}, {transform_indices = #map1}, {transform_indices = #map}, {transform_indices = #map2}, {transform_indices = #map1}]} {
    %mul3A = arith.constant 16 : i32
    %mul3A_0 = arith.muli %arg0, %mul3A : i32
    %add3A = arith.addi %mul3A_0, %arg1 : i32
    %mul3A_1 = arith.constant 624 : i32
    %mul3A_2 = arith.muli %arg1, %mul3A_1 : i32
    %mul3A_3 = arith.constant 10000 : i32
    %mul3A_4 = arith.muli %add3A, %mul3A_3 : i32
    "tpu.region"() ({
      %run_scoped3A = tpu.sem_alloc : memref<!tpu.dma_semaphore, #tpu.memory_space<semaphore_mem>>
      %dma_start3A_464 = arith.constant 0 : i32
      %dma_start3A_465 = tpu.memref_slice %arg8[%mul3A_2, %dma_start3A_464] : memref<10000x128xf32, #tpu.memory_space<vmem_shared>> -> memref<624x128xf32, #tpu.memory_space<vmem_shared>>
      %dma_start3A_466 = arith.constant 0 : i32
      %dma_start3A_467 = arith.constant 0 : i32
      %dma_start3A_468 = tpu.memref_slice %arg5[%dma_start3A_466, %dma_start3A_467] : memref<624x128xf32, #tpu.memory_space<hbm>> -> memref<624x128xf32, #tpu.memory_space<hbm>>
      tpu.enqueue_dma source(%dma_start3A_468 : memref<624x128xf32, #tpu.memory_space<hbm>>) target(%dma_start3A_465 : memref<624x128xf32, #tpu.memory_space<vmem_shared>>) target_semaphore(%run_scoped3A : memref<!tpu.dma_semaphore, #tpu.memory_space<semaphore_mem>>)
      %dma_wait3A_469 = arith.constant 0 : i32
      %dma_wait3A_470 = tpu.memref_slice %arg8[%mul3A_2, %dma_wait3A_469] : memref<10000x128xf32, #tpu.memory_space<vmem_shared>> -> memref<624x128xf32, #tpu.memory_space<vmem_shared>>
      %dma_wait3A_471 = arith.constant 0 : i32
      %dma_wait3A_472 = arith.constant 0 : i32
      %dma_wait3A_473 = tpu.memref_slice %arg5[%dma_wait3A_471, %dma_wait3A_472] : memref<624x128xf32, #tpu.memory_space<hbm>> -> memref<624x128xf32, #tpu.memory_space<hbm>>
      tpu.wait_dma2 semaphore(%run_scoped3A : memref<!tpu.dma_semaphore, #tpu.memory_space<semaphore_mem>>) src(%dma_wait3A_473 : memref<624x128xf32, #tpu.memory_space<hbm>>) dst(%dma_wait3A_470 : memref<624x128xf32, #tpu.memory_space<vmem_shared>>)
      tpu.yield
    }) : () -> ()
    %eq3A = arith.constant 15 : i32
    %eq3A_5 = arith.cmpi eq, %arg1, %eq3A : i32
    %convert_element_type3A = arith.extui %eq3A_5 : i1 to i32
    %cond3A = arith.constant 0 : i32
    %cond3A_6 = arith.cmpi ne, %convert_element_type3A, %cond3A : i32
    scf.if %cond3A_6 {
      "tpu.region"() ({
        %run_scoped3A = tpu.sem_alloc : memref<!tpu.dma_semaphore, #tpu.memory_space<semaphore_mem>>
        %dma_start3A_464 = arith.constant 9984 : i32
        %dma_start3A_465 = arith.constant 0 : i32
        %dma_start3A_466 = tpu.memref_slice %arg8[%dma_start3A_464, %dma_start3A_465] : memref<10000x128xf32, #tpu.memory_space<vmem_shared>> -> memref<16x128xf32, #tpu.memory_space<vmem_shared>>
        %dma_start3A_467 = arith.constant 0 : i32
        %dma_start3A_468 = arith.constant 0 : i32
        %dma_start3A_469 = tpu.memref_slice %arg5[%dma_start3A_467, %dma_start3A_468] : memref<624x128xf32, #tpu.memory_space<hbm>> -> memref<16x128xf32, #tpu.memory_space<hbm>>
        tpu.enqueue_dma source(%dma_start3A_469 : memref<16x128xf32, #tpu.memory_space<hbm>>) target(%dma_start3A_466 : memref<16x128xf32, #tpu.memory_space<vmem_shared>>) target_semaphore(%run_scoped3A : memref<!tpu.dma_semaphore, #tpu.memory_space<semaphore_mem>>)
        %dma_wait3A_470 = arith.constant 9984 : i32
        %dma_wait3A_471 = arith.constant 0 : i32
        %dma_wait3A_472 = tpu.memref_slice %arg8[%dma_wait3A_470, %dma_wait3A_471] : memref<10000x128xf32, #tpu.memory_space<vmem_shared>> -> memref<16x128xf32, #tpu.memory_space<vmem_shared>>
        %dma_wait3A_473 = arith.constant 0 : i32
        %dma_wait3A_474 = arith.constant 0 : i32
        %dma_wait3A_475 = tpu.memref_slice %arg5[%dma_wait3A_473, %dma_wait3A_474] : memref<624x128xf32, #tpu.memory_space<hbm>> -> memref<16x128xf32, #tpu.memory_space<hbm>>
        tpu.wait_dma2 semaphore(%run_scoped3A : memref<!tpu.dma_semaphore, #tpu.memory_space<semaphore_mem>>) src(%dma_wait3A_475 : memref<16x128xf32, #tpu.memory_space<hbm>>) dst(%dma_wait3A_472 : memref<16x128xf32, #tpu.memory_space<vmem_shared>>)
        tpu.yield
      }) : () -> ()
    } else {
    }
    %scan3A = arith.constant 0 : i32
    %scan3A_7 = arith.constant 0 : i32
    %scan3A_8 = arith.constant 625 : i32
    %scan3A_9 = arith.addi %scan3A_7, %scan3A_8 : i32
    %scan3A_10 = arith.constant 1 : i32
    scf.for %scan3A_464 = %scan3A_7 to %scan3A_9 step %scan3A_10  : i32 {
      %broadcast_in_dim3A_465 = arith.constant 0.000000e+00 : f32
      %broadcast_in_dim3A_466 = vector.broadcast %broadcast_in_dim3A_465 : f32 to vector<16xf32>
      %mul3A_467 = arith.constant 16 : i32
      %mul3A_468 = arith.muli %scan3A_464, %mul3A_467 : i32
      %swap3A = arith.index_cast %mul3A_468 : i32 to index
      %swap3A_469 = tpu.vector_load %arg9[%swap3A] {strides = array<i32>} : memref<10000xf32, #tpu.memory_space<vmem>>, vector<16xf32>,
      tpu.vector_store %arg9[%swap3A], %broadcast_in_dim3A_466 {strides = array<i32>} : memref<10000xf32, #tpu.memory_space<vmem>>, vector<16xf32>,
    }
    %scan3A_11 = arith.constant 625 : i32
    %barrier3A = arith.constant 0 : index
    tpu.barrier barrier_id(%barrier3A)
    %broadcast_in_dim3A = arith.constant 1.000000e+00 : f32
    %broadcast_in_dim3A_12 = vector.broadcast %broadcast_in_dim3A : f32 to vector<16xf32>
    %add3A_13 = arith.constant 0 : i32
    %add3A_14 = arith.addi %mul3A_4, %add3A_13 : i32
    %dma_start3A = arith.constant 0 : i32
    %dma_start3A_15 = arith.constant 0 : i32
    %dma_start3A_16 = tpu.memref_slice %arg23[%dma_start3A, %dma_start3A_15] : memref<6x80xi32, #tpu.memory_space<vmem>> -> memref<1x80xi32, #tpu.memory_space<vmem>>
    %dma_start3A_17 = tpu.memref_squeeze %dma_start3A_16 : memref<1x80xi32, #tpu.memory_space<vmem>> -> memref<80xi32, #tpu.memory_space<vmem>>
    %dma_start3A_18 = tpu.memref_slice %arg3[%add3A_14] : memref<320000xi32, #tpu.memory_space<hbm>> -> memref<80xi32, #tpu.memory_space<hbm>>
    %dma_start3A_19 = arith.constant 0 : i32
    %dma_start3A_20 = tpu.memref_slice %arg23[%dma_start3A, %dma_start3A_19] : memref<6x80xi32, #tpu.memory_space<vmem>> -> memref<1x80xi32, #tpu.memory_space<vmem>>
    %dma_start3A_21 = tpu.memref_squeeze %dma_start3A_20 : memref<1x80xi32, #tpu.memory_space<vmem>> -> memref<80xi32, #tpu.memory_space<vmem>>
    %dma_start3A_22 = tpu.memref_slice %arg3[%add3A_14] : memref<320000xi32, #tpu.memory_space<hbm>> -> memref<80xi32, #tpu.memory_space<hbm>>
    tpu.enqueue_dma source(%dma_start3A_22 : memref<80xi32, #tpu.memory_space<hbm>>) target(%dma_start3A_21 : memref<80xi32, #tpu.memory_space<vmem>>) target_semaphore(%arg14 : memref<!tpu.dma_semaphore, #tpu.memory_space<semaphore_mem>>)
    %dma_start3A_23 = arith.constant 0 : i32
    %dma_start3A_24 = arith.constant 0 : i32
    %dma_start3A_25 = tpu.memref_slice %arg10[%dma_start3A_23, %dma_start3A_24] : memref<6x80xi32, #tpu.memory_space<vmem>> -> memref<1x80xi32, #tpu.memory_space<vmem>>
    %dma_start3A_26 = tpu.memref_squeeze %dma_start3A_25 : memref<1x80xi32, #tpu.memory_space<vmem>> -> memref<80xi32, #tpu.memory_space<vmem>>
    %dma_start3A_27 = tpu.memref_slice %arg4[%add3A_14] : memref<320000xi32, #tpu.memory_space<hbm>> -> memref<80xi32, #tpu.memory_space<hbm>>
    %dma_start3A_28 = arith.constant 0 : i32
    %dma_start3A_29 = tpu.memref_slice %arg10[%dma_start3A_23, %dma_start3A_28] : memref<6x80xi32, #tpu.memory_space<vmem>> -> memref<1x80xi32, #tpu.memory_space<vmem>>
    %dma_start3A_30 = tpu.memref_squeeze %dma_start3A_29 : memref<1x80xi32, #tpu.memory_space<vmem>> -> memref<80xi32, #tpu.memory_space<vmem>>
    %dma_start3A_31 = tpu.memref_slice %arg4[%add3A_14] : memref<320000xi32, #tpu.memory_space<hbm>> -> memref<80xi32, #tpu.memory_space<hbm>>
    tpu.enqueue_dma source(%dma_start3A_31 : memref<80xi32, #tpu.memory_space<hbm>>) target(%dma_start3A_30 : memref<80xi32, #tpu.memory_space<vmem>>) target_semaphore(%arg14 : memref<!tpu.dma_semaphore, #tpu.memory_space<semaphore_mem>>)
    %add3A_32 = arith.constant 0 : i32
    %add3A_33 = arith.addi %mul3A_4, %add3A_32 : i32
    %dma_wait3A = arith.constant 0 : i32
    %dma_wait3A_34 = arith.constant 0 : i32
    %dma_wait3A_35 = tpu.memref_slice %arg23[%dma_wait3A, %dma_wait3A_34] : memref<6x80xi32, #tpu.memory_space<vmem>> -> memref<1x80xi32, #tpu.memory_space<vmem>>
    %dma_wait3A_36 = tpu.memref_squeeze %dma_wait3A_35 : memref<1x80xi32, #tpu.memory_space<vmem>> -> memref<80xi32, #tpu.memory_space<vmem>>
    %dma_wait3A_37 = tpu.memref_slice %arg3[%add3A_33] : memref<320000xi32, #tpu.memory_space<hbm>> -> memref<80xi32, #tpu.memory_space<hbm>>
    %dma_wait3A_38 = arith.constant 0 : i32
    %dma_wait3A_39 = tpu.memref_slice %arg23[%dma_wait3A, %dma_wait3A_38] : memref<6x80xi32, #tpu.memory_space<vmem>> -> memref<1x80xi32, #tpu.memory_space<vmem>>
    %dma_wait3A_40 = tpu.memref_squeeze %dma_wait3A_39 : memref<1x80xi32, #tpu.memory_space<vmem>> -> memref<80xi32, #tpu.memory_space<vmem>>
    %dma_wait3A_41 = tpu.memref_slice %arg3[%add3A_33] : memref<320000xi32, #tpu.memory_space<hbm>> -> memref<80xi32, #tpu.memory_space<hbm>>
    tpu.wait_dma2 semaphore(%arg14 : memref<!tpu.dma_semaphore, #tpu.memory_space<semaphore_mem>>) src(%dma_wait3A_41 : memref<80xi32, #tpu.memory_space<hbm>>) dst(%dma_wait3A_40 : memref<80xi32, #tpu.memory_space<vmem>>)
    %dma_wait3A_42 = arith.constant 0 : i32
    %dma_wait3A_43 = arith.constant 0 : i32
    %dma_wait3A_44 = tpu.memref_slice %arg10[%dma_wait3A_42, %dma_wait3A_43] : memref<6x80xi32, #tpu.memory_space<vmem>> -> memref<1x80xi32, #tpu.memory_space<vmem>>
    %dma_wait3A_45 = tpu.memref_squeeze %dma_wait3A_44 : memref<1x80xi32, #tpu.memory_space<vmem>> -> memref<80xi32, #tpu.memory_space<vmem>>
    %dma_wait3A_46 = tpu.memref_slice %arg4[%add3A_33] : memref<320000xi32, #tpu.memory_space<hbm>> -> memref<80xi32, #tpu.memory_space<hbm>>
    %dma_wait3A_47 = arith.constant 0 : i32
    %dma_wait3A_48 = tpu.memref_slice %arg10[%dma_wait3A_42, %dma_wait3A_47] : memref<6x80xi32, #tpu.memory_space<vmem>> -> memref<1x80xi32, #tpu.memory_space<vmem>>
    %dma_wait3A_49 = tpu.memref_squeeze %dma_wait3A_48 : memref<1x80xi32, #tpu.memory_space<vmem>> -> memref<80xi32, #tpu.memory_space<vmem>>
    %dma_wait3A_50 = tpu.memref_slice %arg4[%add3A_33] : memref<320000xi32, #tpu.memory_space<hbm>> -> memref<80xi32, #tpu.memory_space<hbm>>
    tpu.wait_dma2 semaphore(%arg14 : memref<!tpu.dma_semaphore, #tpu.memory_space<semaphore_mem>>) src(%dma_wait3A_50 : memref<80xi32, #tpu.memory_space<hbm>>) dst(%dma_wait3A_49 : memref<80xi32, #tpu.memory_space<vmem>>)
    %dma_start3A_51 = arith.constant 0 : i32
    %dma_start3A_52 = arith.constant 0 : i32
    %dma_start3A_53 = tpu.memref_slice %arg23[%dma_start3A_51, %dma_start3A_52] : memref<6x80xi32, #tpu.memory_space<vmem>> -> memref<1x80xi32, #tpu.memory_space<vmem>>
    %dma_start3A_54 = tpu.memref_squeeze %dma_start3A_53 : memref<1x80xi32, #tpu.memory_space<vmem>> -> memref<80xi32, #tpu.memory_space<vmem>>
    %dma_start3A_55 = arith.constant 0 : i32
    %dma_start3A_56 = arith.constant 0 : i32
    %dma_start3A_57 = tpu.memref_slice %arg2[%dma_start3A_55, %dma_start3A_56] : memref<10000x128xf32, #tpu.memory_space<hbm>> -> memref<10000x128xf32, #tpu.memory_space<hbm>>
    tpu.enqueue_indirect_dma source(%dma_start3A_57 : memref<10000x128xf32, #tpu.memory_space<hbm>>) target(%arg20 : memref<80x128xf32, #tpu.memory_space<vmem>>) offsets(%dma_start3A_54 : memref<80xi32, #tpu.memory_space<vmem>>) semaphore(%arg11 : memref<!tpu.dma_semaphore, #tpu.memory_space<semaphore_mem>>)
    %add3A_58 = arith.constant 80 : i32
    %add3A_59 = arith.addi %mul3A_4, %add3A_58 : i32
    %dma_start3A_60 = arith.constant 1 : i32
    %dma_start3A_61 = arith.constant 0 : i32
    %dma_start3A_62 = tpu.memref_slice %arg23[%dma_start3A_60, %dma_start3A_61] : memref<6x80xi32, #tpu.memory_space<vmem>> -> memref<1x80xi32, #tpu.memory_space<vmem>>
    %dma_start3A_63 = tpu.memref_squeeze %dma_start3A_62 : memref<1x80xi32, #tpu.memory_space<vmem>> -> memref<80xi32, #tpu.memory_space<vmem>>
    %dma_start3A_64 = tpu.memref_slice %arg3[%add3A_59] : memref<320000xi32, #tpu.memory_space<hbm>> -> memref<80xi32, #tpu.memory_space<hbm>>
    %dma_start3A_65 = arith.constant 0 : i32
    %dma_start3A_66 = tpu.memref_slice %arg23[%dma_start3A_60, %dma_start3A_65] : memref<6x80xi32, #tpu.memory_space<vmem>> -> memref<1x80xi32, #tpu.memory_space<vmem>>
    %dma_start3A_67 = tpu.memref_squeeze %dma_start3A_66 : memref<1x80xi32, #tpu.memory_space<vmem>> -> memref<80xi32, #tpu.memory_space<vmem>>
    %dma_start3A_68 = tpu.memref_slice %arg3[%add3A_59] : memref<320000xi32, #tpu.memory_space<hbm>> -> memref<80xi32, #tpu.memory_space<hbm>>
    tpu.enqueue_dma source(%dma_start3A_68 : memref<80xi32, #tpu.memory_space<hbm>>) target(%dma_start3A_67 : memref<80xi32, #tpu.memory_space<vmem>>) target_semaphore(%arg15 : memref<!tpu.dma_semaphore, #tpu.memory_space<semaphore_mem>>)
    %dma_start3A_69 = arith.constant 1 : i32
    %dma_start3A_70 = arith.constant 0 : i32
    %dma_start3A_71 = tpu.memref_slice %arg10[%dma_start3A_69, %dma_start3A_70] : memref<6x80xi32, #tpu.memory_space<vmem>> -> memref<1x80xi32, #tpu.memory_space<vmem>>
    %dma_start3A_72 = tpu.memref_squeeze %dma_start3A_71 : memref<1x80xi32, #tpu.memory_space<vmem>> -> memref<80xi32, #tpu.memory_space<vmem>>
    %dma_start3A_73 = tpu.memref_slice %arg4[%add3A_59] : memref<320000xi32, #tpu.memory_space<hbm>> -> memref<80xi32, #tpu.memory_space<hbm>>
    %dma_start3A_74 = arith.constant 0 : i32
    %dma_start3A_75 = tpu.memref_slice %arg10[%dma_start3A_69, %dma_start3A_74] : memref<6x80xi32, #tpu.memory_space<vmem>> -> memref<1x80xi32, #tpu.memory_space<vmem>>
    %dma_start3A_76 = tpu.memref_squeeze %dma_start3A_75 : memref<1x80xi32, #tpu.memory_space<vmem>> -> memref<80xi32, #tpu.memory_space<vmem>>
    %dma_start3A_77 = tpu.memref_slice %arg4[%add3A_59] : memref<320000xi32, #tpu.memory_space<hbm>> -> memref<80xi32, #tpu.memory_space<hbm>>
    tpu.enqueue_dma source(%dma_start3A_77 : memref<80xi32, #tpu.memory_space<hbm>>) target(%dma_start3A_76 : memref<80xi32, #tpu.memory_space<vmem>>) target_semaphore(%arg15 : memref<!tpu.dma_semaphore, #tpu.memory_space<semaphore_mem>>)
    %add3A_78 = arith.constant 80 : i32
    %add3A_79 = arith.addi %mul3A_4, %add3A_78 : i32
    %dma_wait3A_80 = arith.constant 1 : i32
    %dma_wait3A_81 = arith.constant 0 : i32
    %dma_wait3A_82 = tpu.memref_slice %arg23[%dma_wait3A_80, %dma_wait3A_81] : memref<6x80xi32, #tpu.memory_space<vmem>> -> memref<1x80xi32, #tpu.memory_space<vmem>>
    %dma_wait3A_83 = tpu.memref_squeeze %dma_wait3A_82 : memref<1x80xi32, #tpu.memory_space<vmem>> -> memref<80xi32, #tpu.memory_space<vmem>>
    %dma_wait3A_84 = tpu.memref_slice %arg3[%add3A_79] : memref<320000xi32, #tpu.memory_space<hbm>> -> memref<80xi32, #tpu.memory_space<hbm>>
    %dma_wait3A_85 = arith.constant 0 : i32
    %dma_wait3A_86 = tpu.memref_slice %arg23[%dma_wait3A_80, %dma_wait3A_85] : memref<6x80xi32, #tpu.memory_space<vmem>> -> memref<1x80xi32, #tpu.memory_space<vmem>>
    %dma_wait3A_87 = tpu.memref_squeeze %dma_wait3A_86 : memref<1x80xi32, #tpu.memory_space<vmem>> -> memref<80xi32, #tpu.memory_space<vmem>>
    %dma_wait3A_88 = tpu.memref_slice %arg3[%add3A_79] : memref<320000xi32, #tpu.memory_space<hbm>> -> memref<80xi32, #tpu.memory_space<hbm>>
    tpu.wait_dma2 semaphore(%arg15 : memref<!tpu.dma_semaphore, #tpu.memory_space<semaphore_mem>>) src(%dma_wait3A_88 : memref<80xi32, #tpu.memory_space<hbm>>) dst(%dma_wait3A_87 : memref<80xi32, #tpu.memory_space<vmem>>)
    %dma_wait3A_89 = arith.constant 1 : i32
    %dma_wait3A_90 = arith.constant 0 : i32
    %dma_wait3A_91 = tpu.memref_slice %arg10[%dma_wait3A_89, %dma_wait3A_90] : memref<6x80xi32, #tpu.memory_space<vmem>> -> memref<1x80xi32, #tpu.memory_space<vmem>>
    %dma_wait3A_92 = tpu.memref_squeeze %dma_wait3A_91 : memref<1x80xi32, #tpu.memory_space<vmem>> -> memref<80xi32, #tpu.memory_space<vmem>>
    %dma_wait3A_93 = tpu.memref_slice %arg4[%add3A_79] : memref<320000xi32, #tpu.memory_space<hbm>> -> memref<80xi32, #tpu.memory_space<hbm>>
    %dma_wait3A_94 = arith.constant 0 : i32
    %dma_wait3A_95 = tpu.memref_slice %arg10[%dma_wait3A_89, %dma_wait3A_94] : memref<6x80xi32, #tpu.memory_space<vmem>> -> memref<1x80xi32, #tpu.memory_space<vmem>>
    %dma_wait3A_96 = tpu.memref_squeeze %dma_wait3A_95 : memref<1x80xi32, #tpu.memory_space<vmem>> -> memref<80xi32, #tpu.memory_space<vmem>>
    %dma_wait3A_97 = tpu.memref_slice %arg4[%add3A_79] : memref<320000xi32, #tpu.memory_space<hbm>> -> memref<80xi32, #tpu.memory_space<hbm>>
    tpu.wait_dma2 semaphore(%arg15 : memref<!tpu.dma_semaphore, #tpu.memory_space<semaphore_mem>>) src(%dma_wait3A_97 : memref<80xi32, #tpu.memory_space<hbm>>) dst(%dma_wait3A_96 : memref<80xi32, #tpu.memory_space<vmem>>)
    %dma_start3A_98 = arith.constant 1 : i32
    %dma_start3A_99 = arith.constant 0 : i32
    %dma_start3A_100 = tpu.memref_slice %arg23[%dma_start3A_98, %dma_start3A_99] : memref<6x80xi32, #tpu.memory_space<vmem>> -> memref<1x80xi32, #tpu.memory_space<vmem>>
    %dma_start3A_101 = tpu.memref_squeeze %dma_start3A_100 : memref<1x80xi32, #tpu.memory_space<vmem>> -> memref<80xi32, #tpu.memory_space<vmem>>
    %dma_start3A_102 = arith.constant 0 : i32
    %dma_start3A_103 = arith.constant 0 : i32
    %dma_start3A_104 = tpu.memref_slice %arg2[%dma_start3A_102, %dma_start3A_103] : memref<10000x128xf32, #tpu.memory_space<hbm>> -> memref<10000x128xf32, #tpu.memory_space<hbm>>
    tpu.enqueue_indirect_dma source(%dma_start3A_104 : memref<10000x128xf32, #tpu.memory_space<hbm>>) target(%arg21 : memref<80x128xf32, #tpu.memory_space<vmem>>) offsets(%dma_start3A_101 : memref<80xi32, #tpu.memory_space<vmem>>) semaphore(%arg12 : memref<!tpu.dma_semaphore, #tpu.memory_space<semaphore_mem>>)
    %add3A_105 = arith.constant 160 : i32
    %add3A_106 = arith.addi %mul3A_4, %add3A_105 : i32
    %dma_start3A_107 = arith.constant 2 : i32
    %dma_start3A_108 = arith.constant 0 : i32
    %dma_start3A_109 = tpu.memref_slice %arg23[%dma_start3A_107, %dma_start3A_108] : memref<6x80xi32, #tpu.memory_space<vmem>> -> memref<1x80xi32, #tpu.memory_space<vmem>>
    %dma_start3A_110 = tpu.memref_squeeze %dma_start3A_109 : memref<1x80xi32, #tpu.memory_space<vmem>> -> memref<80xi32, #tpu.memory_space<vmem>>
    %dma_start3A_111 = tpu.memref_slice %arg3[%add3A_106] : memref<320000xi32, #tpu.memory_space<hbm>> -> memref<80xi32, #tpu.memory_space<hbm>>
    %dma_start3A_112 = arith.constant 0 : i32
    %dma_start3A_113 = tpu.memref_slice %arg23[%dma_start3A_107, %dma_start3A_112] : memref<6x80xi32, #tpu.memory_space<vmem>> -> memref<1x80xi32, #tpu.memory_space<vmem>>
    %dma_start3A_114 = tpu.memref_squeeze %dma_start3A_113 : memref<1x80xi32, #tpu.memory_space<vmem>> -> memref<80xi32, #tpu.memory_space<vmem>>
    %dma_start3A_115 = tpu.memref_slice %arg3[%add3A_106] : memref<320000xi32, #tpu.memory_space<hbm>> -> memref<80xi32, #tpu.memory_space<hbm>>
    tpu.enqueue_dma source(%dma_start3A_115 : memref<80xi32, #tpu.memory_space<hbm>>) target(%dma_start3A_114 : memref<80xi32, #tpu.memory_space<vmem>>) target_semaphore(%arg16 : memref<!tpu.dma_semaphore, #tpu.memory_space<semaphore_mem>>)
    %dma_start3A_116 = arith.constant 2 : i32
    %dma_start3A_117 = arith.constant 0 : i32
    %dma_start3A_118 = tpu.memref_slice %arg10[%dma_start3A_116, %dma_start3A_117] : memref<6x80xi32, #tpu.memory_space<vmem>> -> memref<1x80xi32, #tpu.memory_space<vmem>>
    %dma_start3A_119 = tpu.memref_squeeze %dma_start3A_118 : memref<1x80xi32, #tpu.memory_space<vmem>> -> memref<80xi32, #tpu.memory_space<vmem>>
    %dma_start3A_120 = tpu.memref_slice %arg4[%add3A_106] : memref<320000xi32, #tpu.memory_space<hbm>> -> memref<80xi32, #tpu.memory_space<hbm>>
    %dma_start3A_121 = arith.constant 0 : i32
    %dma_start3A_122 = tpu.memref_slice %arg10[%dma_start3A_116, %dma_start3A_121] : memref<6x80xi32, #tpu.memory_space<vmem>> -> memref<1x80xi32, #tpu.memory_space<vmem>>
    %dma_start3A_123 = tpu.memref_squeeze %dma_start3A_122 : memref<1x80xi32, #tpu.memory_space<vmem>> -> memref<80xi32, #tpu.memory_space<vmem>>
    %dma_start3A_124 = tpu.memref_slice %arg4[%add3A_106] : memref<320000xi32, #tpu.memory_space<hbm>> -> memref<80xi32, #tpu.memory_space<hbm>>
    tpu.enqueue_dma source(%dma_start3A_124 : memref<80xi32, #tpu.memory_space<hbm>>) target(%dma_start3A_123 : memref<80xi32, #tpu.memory_space<vmem>>) target_semaphore(%arg16 : memref<!tpu.dma_semaphore, #tpu.memory_space<semaphore_mem>>)
    %dma_wait3A_125 = arith.constant 0 : i32
    %dma_wait3A_126 = arith.constant 0 : i32
    %dma_wait3A_127 = tpu.memref_slice %arg23[%dma_wait3A_125, %dma_wait3A_126] : memref<6x80xi32, #tpu.memory_space<vmem>> -> memref<1x80xi32, #tpu.memory_space<vmem>>
    %dma_wait3A_128 = tpu.memref_squeeze %dma_wait3A_127 : memref<1x80xi32, #tpu.memory_space<vmem>> -> memref<80xi32, #tpu.memory_space<vmem>>
    %dma_wait3A_129 = arith.constant 0 : i32
    %dma_wait3A_130 = arith.constant 0 : i32
    %dma_wait3A_131 = tpu.memref_slice %arg2[%dma_wait3A_129, %dma_wait3A_130] : memref<10000x128xf32, #tpu.memory_space<hbm>> -> memref<10000x128xf32, #tpu.memory_space<hbm>>
    tpu.wait_indirect_dma semaphore(%arg11 : memref<!tpu.dma_semaphore, #tpu.memory_space<semaphore_mem>>) src(%dma_wait3A_131 : memref<10000x128xf32, #tpu.memory_space<hbm>>) dst(%arg20 : memref<80x128xf32, #tpu.memory_space<vmem>>)
    %dma_start3A_132 = arith.constant 0 : i32
    %dma_start3A_133 = arith.constant 0 : i32
    %dma_start3A_134 = tpu.memref_slice %arg10[%dma_start3A_132, %dma_start3A_133] : memref<6x80xi32, #tpu.memory_space<vmem>> -> memref<1x80xi32, #tpu.memory_space<vmem>>
    %dma_start3A_135 = tpu.memref_squeeze %dma_start3A_134 : memref<1x80xi32, #tpu.memory_space<vmem>> -> memref<80xi32, #tpu.memory_space<vmem>>
    %dma_start3A_136 = arith.constant 0 : i32
    %dma_start3A_137 = arith.constant 0 : i32
    %dma_start3A_138 = tpu.memref_slice %arg8[%dma_start3A_136, %dma_start3A_137] : memref<10000x128xf32, #tpu.memory_space<vmem_shared>> -> memref<10000x128xf32, #tpu.memory_space<vmem_shared>>
    tpu.enqueue_indirect_dma source(%arg20 : memref<80x128xf32, #tpu.memory_space<vmem>>) target(%dma_start3A_138 : memref<10000x128xf32, #tpu.memory_space<vmem_shared>>) offsets(%dma_start3A_135 : memref<80xi32, #tpu.memory_space<vmem>>) semaphore(%arg24 : memref<!tpu.dma_semaphore, #tpu.memory_space<semaphore_mem>>) {add = true}
    %get3A = arith.constant 0 : i32
    %get3A_139 = arith.index_cast %get3A : i32 to index
    %get3A_140 = arith.constant 0 : index
    %get3A_141 = tpu.vector_load %arg10[%get3A_139, %get3A_140] {strides = array<i32>} : memref<6x80xi32, #tpu.memory_space<vmem>>, vector<16xi32>,
    tpu.vector_store_idx %arg9[%get3A_141], %broadcast_in_dim3A_12 {add = true} : memref<10000xf32, #tpu.memory_space<vmem>>[vector<16xi32>], vector<16xf32>,
    %get3A_142 = arith.constant 0 : i32
    %get3A_143 = arith.index_cast %get3A_142 : i32 to index
    %get3A_144 = arith.constant 16 : index
    %get3A_145 = tpu.vector_load %arg10[%get3A_143, %get3A_144] {strides = array<i32>} : memref<6x80xi32, #tpu.memory_space<vmem>>, vector<16xi32>,
    tpu.vector_store_idx %arg9[%get3A_145], %broadcast_in_dim3A_12 {add = true} : memref<10000xf32, #tpu.memory_space<vmem>>[vector<16xi32>], vector<16xf32>,
    %get3A_146 = arith.constant 0 : i32
    %get3A_147 = arith.index_cast %get3A_146 : i32 to index
    %get3A_148 = arith.constant 32 : index
    %get3A_149 = tpu.vector_load %arg10[%get3A_147, %get3A_148] {strides = array<i32>} : memref<6x80xi32, #tpu.memory_space<vmem>>, vector<16xi32>,
    tpu.vector_store_idx %arg9[%get3A_149], %broadcast_in_dim3A_12 {add = true} : memref<10000xf32, #tpu.memory_space<vmem>>[vector<16xi32>], vector<16xf32>,
    %get3A_150 = arith.constant 0 : i32
    %get3A_151 = arith.index_cast %get3A_150 : i32 to index
    %get3A_152 = arith.constant 48 : index
    %get3A_153 = tpu.vector_load %arg10[%get3A_151, %get3A_152] {strides = array<i32>} : memref<6x80xi32, #tpu.memory_space<vmem>>, vector<16xi32>,
    tpu.vector_store_idx %arg9[%get3A_153], %broadcast_in_dim3A_12 {add = true} : memref<10000xf32, #tpu.memory_space<vmem>>[vector<16xi32>], vector<16xf32>,
    %get3A_154 = arith.constant 0 : i32
    %get3A_155 = arith.index_cast %get3A_154 : i32 to index
    %get3A_156 = arith.constant 64 : index
    %get3A_157 = tpu.vector_load %arg10[%get3A_155, %get3A_156] {strides = array<i32>} : memref<6x80xi32, #tpu.memory_space<vmem>>, vector<16xi32>,
    tpu.vector_store_idx %arg9[%get3A_157], %broadcast_in_dim3A_12 {add = true} : memref<10000xf32, #tpu.memory_space<vmem>>[vector<16xi32>], vector<16xf32>,
    %add3A_158 = arith.constant 160 : i32
    %add3A_159 = arith.addi %mul3A_4, %add3A_158 : i32
    %dma_wait3A_160 = arith.constant 2 : i32
    %dma_wait3A_161 = arith.constant 0 : i32
    %dma_wait3A_162 = tpu.memref_slice %arg23[%dma_wait3A_160, %dma_wait3A_161] : memref<6x80xi32, #tpu.memory_space<vmem>> -> memref<1x80xi32, #tpu.memory_space<vmem>>
    %dma_wait3A_163 = tpu.memref_squeeze %dma_wait3A_162 : memref<1x80xi32, #tpu.memory_space<vmem>> -> memref<80xi32, #tpu.memory_space<vmem>>
    %dma_wait3A_164 = tpu.memref_slice %arg3[%add3A_159] : memref<320000xi32, #tpu.memory_space<hbm>> -> memref<80xi32, #tpu.memory_space<hbm>>
    %dma_wait3A_165 = arith.constant 0 : i32
    %dma_wait3A_166 = tpu.memref_slice %arg23[%dma_wait3A_160, %dma_wait3A_165] : memref<6x80xi32, #tpu.memory_space<vmem>> -> memref<1x80xi32, #tpu.memory_space<vmem>>
    %dma_wait3A_167 = tpu.memref_squeeze %dma_wait3A_166 : memref<1x80xi32, #tpu.memory_space<vmem>> -> memref<80xi32, #tpu.memory_space<vmem>>
    %dma_wait3A_168 = tpu.memref_slice %arg3[%add3A_159] : memref<320000xi32, #tpu.memory_space<hbm>> -> memref<80xi32, #tpu.memory_space<hbm>>
    tpu.wait_dma2 semaphore(%arg16 : memref<!tpu.dma_semaphore, #tpu.memory_space<semaphore_mem>>) src(%dma_wait3A_168 : memref<80xi32, #tpu.memory_space<hbm>>) dst(%dma_wait3A_167 : memref<80xi32, #tpu.memory_space<vmem>>)
    %dma_wait3A_169 = arith.constant 2 : i32
    %dma_wait3A_170 = arith.constant 0 : i32
    %dma_wait3A_171 = tpu.memref_slice %arg10[%dma_wait3A_169, %dma_wait3A_170] : memref<6x80xi32, #tpu.memory_space<vmem>> -> memref<1x80xi32, #tpu.memory_space<vmem>>
    %dma_wait3A_172 = tpu.memref_squeeze %dma_wait3A_171 : memref<1x80xi32, #tpu.memory_space<vmem>> -> memref<80xi32, #tpu.memory_space<vmem>>
    %dma_wait3A_173 = tpu.memref_slice %arg4[%add3A_159] : memref<320000xi32, #tpu.memory_space<hbm>> -> memref<80xi32, #tpu.memory_space<hbm>>
    %dma_wait3A_174 = arith.constant 0 : i32
    %dma_wait3A_175 = tpu.memref_slice %arg10[%dma_wait3A_169, %dma_wait3A_174] : memref<6x80xi32, #tpu.memory_space<vmem>> -> memref<1x80xi32, #tpu.memory_space<vmem>>
    %dma_wait3A_176 = tpu.memref_squeeze %dma_wait3A_175 : memref<1x80xi32, #tpu.memory_space<vmem>> -> memref<80xi32, #tpu.memory_space<vmem>>
    %dma_wait3A_177 = tpu.memref_slice %arg4[%add3A_159] : memref<320000xi32, #tpu.memory_space<hbm>> -> memref<80xi32, #tpu.memory_space<hbm>>
    tpu.wait_dma2 semaphore(%arg16 : memref<!tpu.dma_semaphore, #tpu.memory_space<semaphore_mem>>) src(%dma_wait3A_177 : memref<80xi32, #tpu.memory_space<hbm>>) dst(%dma_wait3A_176 : memref<80xi32, #tpu.memory_space<vmem>>)
    %dma_start3A_178 = arith.constant 2 : i32
    %dma_start3A_179 = arith.constant 0 : i32
    %dma_start3A_180 = tpu.memref_slice %arg23[%dma_start3A_178, %dma_start3A_179] : memref<6x80xi32, #tpu.memory_space<vmem>> -> memref<1x80xi32, #tpu.memory_space<vmem>>
    %dma_start3A_181 = tpu.memref_squeeze %dma_start3A_180 : memref<1x80xi32, #tpu.memory_space<vmem>> -> memref<80xi32, #tpu.memory_space<vmem>>
    %dma_start3A_182 = arith.constant 0 : i32
    %dma_start3A_183 = arith.constant 0 : i32
    %dma_start3A_184 = tpu.memref_slice %arg2[%dma_start3A_182, %dma_start3A_183] : memref<10000x128xf32, #tpu.memory_space<hbm>> -> memref<10000x128xf32, #tpu.memory_space<hbm>>
    tpu.enqueue_indirect_dma source(%dma_start3A_184 : memref<10000x128xf32, #tpu.memory_space<hbm>>) target(%arg22 : memref<80x128xf32, #tpu.memory_space<vmem>>) offsets(%dma_start3A_181 : memref<80xi32, #tpu.memory_space<vmem>>) semaphore(%arg13 : memref<!tpu.dma_semaphore, #tpu.memory_space<semaphore_mem>>)
    %add3A_185 = arith.constant 240 : i32
    %add3A_186 = arith.addi %mul3A_4, %add3A_185 : i32
    %dma_start3A_187 = arith.constant 3 : i32
    %dma_start3A_188 = arith.constant 0 : i32
    %dma_start3A_189 = tpu.memref_slice %arg23[%dma_start3A_187, %dma_start3A_188] : memref<6x80xi32, #tpu.memory_space<vmem>> -> memref<1x80xi32, #tpu.memory_space<vmem>>
    %dma_start3A_190 = tpu.memref_squeeze %dma_start3A_189 : memref<1x80xi32, #tpu.memory_space<vmem>> -> memref<80xi32, #tpu.memory_space<vmem>>
    %dma_start3A_191 = tpu.memref_slice %arg3[%add3A_186] : memref<320000xi32, #tpu.memory_space<hbm>> -> memref<80xi32, #tpu.memory_space<hbm>>
    %dma_start3A_192 = arith.constant 0 : i32
    %dma_start3A_193 = tpu.memref_slice %arg23[%dma_start3A_187, %dma_start3A_192] : memref<6x80xi32, #tpu.memory_space<vmem>> -> memref<1x80xi32, #tpu.memory_space<vmem>>
    %dma_start3A_194 = tpu.memref_squeeze %dma_start3A_193 : memref<1x80xi32, #tpu.memory_space<vmem>> -> memref<80xi32, #tpu.memory_space<vmem>>
    %dma_start3A_195 = tpu.memref_slice %arg3[%add3A_186] : memref<320000xi32, #tpu.memory_space<hbm>> -> memref<80xi32, #tpu.memory_space<hbm>>
    tpu.enqueue_dma source(%dma_start3A_195 : memref<80xi32, #tpu.memory_space<hbm>>) target(%dma_start3A_194 : memref<80xi32, #tpu.memory_space<vmem>>) target_semaphore(%arg17 : memref<!tpu.dma_semaphore, #tpu.memory_space<semaphore_mem>>)
    %dma_start3A_196 = arith.constant 3 : i32
    %dma_start3A_197 = arith.constant 0 : i32
    %dma_start3A_198 = tpu.memref_slice %arg10[%dma_start3A_196, %dma_start3A_197] : memref<6x80xi32, #tpu.memory_space<vmem>> -> memref<1x80xi32, #tpu.memory_space<vmem>>
    %dma_start3A_199 = tpu.memref_squeeze %dma_start3A_198 : memref<1x80xi32, #tpu.memory_space<vmem>> -> memref<80xi32, #tpu.memory_space<vmem>>
    %dma_start3A_200 = tpu.memref_slice %arg4[%add3A_186] : memref<320000xi32, #tpu.memory_space<hbm>> -> memref<80xi32, #tpu.memory_space<hbm>>
    %dma_start3A_201 = arith.constant 0 : i32
    %dma_start3A_202 = tpu.memref_slice %arg10[%dma_start3A_196, %dma_start3A_201] : memref<6x80xi32, #tpu.memory_space<vmem>> -> memref<1x80xi32, #tpu.memory_space<vmem>>
    %dma_start3A_203 = tpu.memref_squeeze %dma_start3A_202 : memref<1x80xi32, #tpu.memory_space<vmem>> -> memref<80xi32, #tpu.memory_space<vmem>>
    %dma_start3A_204 = tpu.memref_slice %arg4[%add3A_186] : memref<320000xi32, #tpu.memory_space<hbm>> -> memref<80xi32, #tpu.memory_space<hbm>>
    tpu.enqueue_dma source(%dma_start3A_204 : memref<80xi32, #tpu.memory_space<hbm>>) target(%dma_start3A_203 : memref<80xi32, #tpu.memory_space<vmem>>) target_semaphore(%arg17 : memref<!tpu.dma_semaphore, #tpu.memory_space<semaphore_mem>>)
    %dma_wait3A_205 = arith.constant 1 : i32
    %dma_wait3A_206 = arith.constant 0 : i32
    %dma_wait3A_207 = tpu.memref_slice %arg23[%dma_wait3A_205, %dma_wait3A_206] : memref<6x80xi32, #tpu.memory_space<vmem>> -> memref<1x80xi32, #tpu.memory_space<vmem>>
    %dma_wait3A_208 = tpu.memref_squeeze %dma_wait3A_207 : memref<1x80xi32, #tpu.memory_space<vmem>> -> memref<80xi32, #tpu.memory_space<vmem>>
    %dma_wait3A_209 = arith.constant 0 : i32
    %dma_wait3A_210 = arith.constant 0 : i32
    %dma_wait3A_211 = tpu.memref_slice %arg2[%dma_wait3A_209, %dma_wait3A_210] : memref<10000x128xf32, #tpu.memory_space<hbm>> -> memref<10000x128xf32, #tpu.memory_space<hbm>>
    tpu.wait_indirect_dma semaphore(%arg12 : memref<!tpu.dma_semaphore, #tpu.memory_space<semaphore_mem>>) src(%dma_wait3A_211 : memref<10000x128xf32, #tpu.memory_space<hbm>>) dst(%arg21 : memref<80x128xf32, #tpu.memory_space<vmem>>)
    %dma_start3A_212 = arith.constant 1 : i32
    %dma_start3A_213 = arith.constant 0 : i32
    %dma_start3A_214 = tpu.memref_slice %arg10[%dma_start3A_212, %dma_start3A_213] : memref<6x80xi32, #tpu.memory_space<vmem>> -> memref<1x80xi32, #tpu.memory_space<vmem>>
    %dma_start3A_215 = tpu.memref_squeeze %dma_start3A_214 : memref<1x80xi32, #tpu.memory_space<vmem>> -> memref<80xi32, #tpu.memory_space<vmem>>
    %dma_start3A_216 = arith.constant 0 : i32
    %dma_start3A_217 = arith.constant 0 : i32
    %dma_start3A_218 = tpu.memref_slice %arg8[%dma_start3A_216, %dma_start3A_217] : memref<10000x128xf32, #tpu.memory_space<vmem_shared>> -> memref<10000x128xf32, #tpu.memory_space<vmem_shared>>
    tpu.enqueue_indirect_dma source(%arg21 : memref<80x128xf32, #tpu.memory_space<vmem>>) target(%dma_start3A_218 : memref<10000x128xf32, #tpu.memory_space<vmem_shared>>) offsets(%dma_start3A_215 : memref<80xi32, #tpu.memory_space<vmem>>) semaphore(%arg25 : memref<!tpu.dma_semaphore, #tpu.memory_space<semaphore_mem>>) {add = true}
    %get3A_219 = arith.constant 1 : i32
    %get3A_220 = arith.index_cast %get3A_219 : i32 to index
    %get3A_221 = arith.constant 0 : index
    %get3A_222 = tpu.vector_load %arg10[%get3A_220, %get3A_221] {strides = array<i32>} : memref<6x80xi32, #tpu.memory_space<vmem>>, vector<16xi32>,
    tpu.vector_store_idx %arg9[%get3A_222], %broadcast_in_dim3A_12 {add = true} : memref<10000xf32, #tpu.memory_space<vmem>>[vector<16xi32>], vector<16xf32>,
    %get3A_223 = arith.constant 1 : i32
    %get3A_224 = arith.index_cast %get3A_223 : i32 to index
    %get3A_225 = arith.constant 16 : index
    %get3A_226 = tpu.vector_load %arg10[%get3A_224, %get3A_225] {strides = array<i32>} : memref<6x80xi32, #tpu.memory_space<vmem>>, vector<16xi32>,
    tpu.vector_store_idx %arg9[%get3A_226], %broadcast_in_dim3A_12 {add = true} : memref<10000xf32, #tpu.memory_space<vmem>>[vector<16xi32>], vector<16xf32>,
    %get3A_227 = arith.constant 1 : i32
    %get3A_228 = arith.index_cast %get3A_227 : i32 to index
    %get3A_229 = arith.constant 32 : index
    %get3A_230 = tpu.vector_load %arg10[%get3A_228, %get3A_229] {strides = array<i32>} : memref<6x80xi32, #tpu.memory_space<vmem>>, vector<16xi32>,
    tpu.vector_store_idx %arg9[%get3A_230], %broadcast_in_dim3A_12 {add = true} : memref<10000xf32, #tpu.memory_space<vmem>>[vector<16xi32>], vector<16xf32>,
    %get3A_231 = arith.constant 1 : i32
    %get3A_232 = arith.index_cast %get3A_231 : i32 to index
    %get3A_233 = arith.constant 48 : index
    %get3A_234 = tpu.vector_load %arg10[%get3A_232, %get3A_233] {strides = array<i32>} : memref<6x80xi32, #tpu.memory_space<vmem>>, vector<16xi32>,
    tpu.vector_store_idx %arg9[%get3A_234], %broadcast_in_dim3A_12 {add = true} : memref<10000xf32, #tpu.memory_space<vmem>>[vector<16xi32>], vector<16xf32>,
    %get3A_235 = arith.constant 1 : i32
    %get3A_236 = arith.index_cast %get3A_235 : i32 to index
    %get3A_237 = arith.constant 64 : index
    %get3A_238 = tpu.vector_load %arg10[%get3A_236, %get3A_237] {strides = array<i32>} : memref<6x80xi32, #tpu.memory_space<vmem>>, vector<16xi32>,
    tpu.vector_store_idx %arg9[%get3A_238], %broadcast_in_dim3A_12 {add = true} : memref<10000xf32, #tpu.memory_space<vmem>>[vector<16xi32>], vector<16xf32>,
    %scan3A_239 = arith.constant 0 : i32
    %scan3A_240 = arith.constant 0 : i32
    %scan3A_241 = arith.constant 20 : i32
    %scan3A_242 = arith.addi %scan3A_240, %scan3A_241 : i32
    %scan3A_243 = arith.constant 1 : i32
    scf.for %scan3A_464 = %scan3A_240 to %scan3A_242 step %scan3A_243  : i32 {
      %mul3A_465 = arith.constant 6 : i32
      %mul3A_466 = arith.muli %mul3A_465, %scan3A_464 : i32
      %add3A_467 = arith.constant 2 : i32
      %add3A_468 = arith.addi %mul3A_466, %add3A_467 : i32
      %add3A_469 = arith.constant 0 : i32
      %add3A_470 = arith.addi %add3A_468, %add3A_469 : i32
      %dma_wait3A_471 = arith.constant 0 : i32
      %dma_wait3A_472 = arith.constant 0 : i32
      %dma_wait3A_473 = tpu.memref_slice %arg10[%dma_wait3A_471, %dma_wait3A_472] : memref<6x80xi32, #tpu.memory_space<vmem>> -> memref<1x80xi32, #tpu.memory_space<vmem>>
      %dma_wait3A_474 = tpu.memref_squeeze %dma_wait3A_473 : memref<1x80xi32, #tpu.memory_space<vmem>> -> memref<80xi32, #tpu.memory_space<vmem>>
      %dma_wait3A_475 = arith.constant 0 : i32
      %dma_wait3A_476 = arith.constant 0 : i32
      %dma_wait3A_477 = tpu.memref_slice %arg8[%dma_wait3A_475, %dma_wait3A_476] : memref<10000x128xf32, #tpu.memory_space<vmem_shared>> -> memref<10000x128xf32, #tpu.memory_space<vmem_shared>>
      tpu.wait_indirect_dma semaphore(%arg24 : memref<!tpu.dma_semaphore, #tpu.memory_space<semaphore_mem>>) src(%arg20 : memref<80x128xf32, #tpu.memory_space<vmem>>) dst(%dma_wait3A_477 : memref<10000x128xf32, #tpu.memory_space<vmem_shared>>)
      %add3A_478 = arith.constant 1 : i32
      %add3A_479 = arith.addi %add3A_470, %add3A_478 : i32
      %mul3A_480 = arith.constant 80 : i32
      %mul3A_481 = arith.muli %add3A_479, %mul3A_480 : i32
      %add3A_482 = arith.addi %mul3A_4, %mul3A_481 : i32
      %dma_wait3A_483 = arith.constant 3 : i32
      %dma_wait3A_484 = arith.constant 0 : i32
      %dma_wait3A_485 = tpu.memref_slice %arg23[%dma_wait3A_483, %dma_wait3A_484] : memref<6x80xi32, #tpu.memory_space<vmem>> -> memref<1x80xi32, #tpu.memory_space<vmem>>
      %dma_wait3A_486 = tpu.memref_squeeze %dma_wait3A_485 : memref<1x80xi32, #tpu.memory_space<vmem>> -> memref<80xi32, #tpu.memory_space<vmem>>
      %dma_wait3A_487 = tpu.memref_slice %arg3[%add3A_482] : memref<320000xi32, #tpu.memory_space<hbm>> -> memref<80xi32, #tpu.memory_space<hbm>>
      %dma_wait3A_488 = arith.constant 0 : i32
      %dma_wait3A_489 = tpu.memref_slice %arg23[%dma_wait3A_483, %dma_wait3A_488] : memref<6x80xi32, #tpu.memory_space<vmem>> -> memref<1x80xi32, #tpu.memory_space<vmem>>
      %dma_wait3A_490 = tpu.memref_squeeze %dma_wait3A_489 : memref<1x80xi32, #tpu.memory_space<vmem>> -> memref<80xi32, #tpu.memory_space<vmem>>
      %dma_wait3A_491 = tpu.memref_slice %arg3[%add3A_482] : memref<320000xi32, #tpu.memory_space<hbm>> -> memref<80xi32, #tpu.memory_space<hbm>>
      tpu.wait_dma2 semaphore(%arg17 : memref<!tpu.dma_semaphore, #tpu.memory_space<semaphore_mem>>) src(%dma_wait3A_491 : memref<80xi32, #tpu.memory_space<hbm>>) dst(%dma_wait3A_490 : memref<80xi32, #tpu.memory_space<vmem>>)
      %dma_wait3A_492 = arith.constant 3 : i32
      %dma_wait3A_493 = arith.constant 0 : i32
      %dma_wait3A_494 = tpu.memref_slice %arg10[%dma_wait3A_492, %dma_wait3A_493] : memref<6x80xi32, #tpu.memory_space<vmem>> -> memref<1x80xi32, #tpu.memory_space<vmem>>
      %dma_wait3A_495 = tpu.memref_squeeze %dma_wait3A_494 : memref<1x80xi32, #tpu.memory_space<vmem>> -> memref<80xi32, #tpu.memory_space<vmem>>
      %dma_wait3A_496 = tpu.memref_slice %arg4[%add3A_482] : memref<320000xi32, #tpu.memory_space<hbm>> -> memref<80xi32, #tpu.memory_space<hbm>>
      %dma_wait3A_497 = arith.constant 0 : i32
      %dma_wait3A_498 = tpu.memref_slice %arg10[%dma_wait3A_492, %dma_wait3A_497] : memref<6x80xi32, #tpu.memory_space<vmem>> -> memref<1x80xi32, #tpu.memory_space<vmem>>
      %dma_wait3A_499 = tpu.memref_squeeze %dma_wait3A_498 : memref<1x80xi32, #tpu.memory_space<vmem>> -> memref<80xi32, #tpu.memory_space<vmem>>
      %dma_wait3A_500 = tpu.memref_slice %arg4[%add3A_482] : memref<320000xi32, #tpu.memory_space<hbm>> -> memref<80xi32, #tpu.memory_space<hbm>>
      tpu.wait_dma2 semaphore(%arg17 : memref<!tpu.dma_semaphore, #tpu.memory_space<semaphore_mem>>) src(%dma_wait3A_500 : memref<80xi32, #tpu.memory_space<hbm>>) dst(%dma_wait3A_499 : memref<80xi32, #tpu.memory_space<vmem>>)
      %dma_start3A_501 = arith.constant 3 : i32
      %dma_start3A_502 = arith.constant 0 : i32
      %dma_start3A_503 = tpu.memref_slice %arg23[%dma_start3A_501, %dma_start3A_502] : memref<6x80xi32, #tpu.memory_space<vmem>> -> memref<1x80xi32, #tpu.memory_space<vmem>>
      %dma_start3A_504 = tpu.memref_squeeze %dma_start3A_503 : memref<1x80xi32, #tpu.memory_space<vmem>> -> memref<80xi32, #tpu.memory_space<vmem>>
      %dma_start3A_505 = arith.constant 0 : i32
      %dma_start3A_506 = arith.constant 0 : i32
      %dma_start3A_507 = tpu.memref_slice %arg2[%dma_start3A_505, %dma_start3A_506] : memref<10000x128xf32, #tpu.memory_space<hbm>> -> memref<10000x128xf32, #tpu.memory_space<hbm>>
      tpu.enqueue_indirect_dma source(%dma_start3A_507 : memref<10000x128xf32, #tpu.memory_space<hbm>>) target(%arg20 : memref<80x128xf32, #tpu.memory_space<vmem>>) offsets(%dma_start3A_504 : memref<80xi32, #tpu.memory_space<vmem>>) semaphore(%arg11 : memref<!tpu.dma_semaphore, #tpu.memory_space<semaphore_mem>>)
      %add3A_508 = arith.constant 2 : i32
      %add3A_509 = arith.addi %add3A_470, %add3A_508 : i32
      %mul3A_510 = arith.constant 80 : i32
      %mul3A_511 = arith.muli %add3A_509, %mul3A_510 : i32
      %add3A_512 = arith.addi %mul3A_4, %mul3A_511 : i32
      %dma_start3A_513 = arith.constant 4 : i32
      %dma_start3A_514 = arith.constant 0 : i32
      %dma_start3A_515 = tpu.memref_slice %arg23[%dma_start3A_513, %dma_start3A_514] : memref<6x80xi32, #tpu.memory_space<vmem>> -> memref<1x80xi32, #tpu.memory_space<vmem>>
      %dma_start3A_516 = tpu.memref_squeeze %dma_start3A_515 : memref<1x80xi32, #tpu.memory_space<vmem>> -> memref<80xi32, #tpu.memory_space<vmem>>
      %dma_start3A_517 = tpu.memref_slice %arg3[%add3A_512] : memref<320000xi32, #tpu.memory_space<hbm>> -> memref<80xi32, #tpu.memory_space<hbm>>
      %dma_start3A_518 = arith.constant 0 : i32
      %dma_start3A_519 = tpu.memref_slice %arg23[%dma_start3A_513, %dma_start3A_518] : memref<6x80xi32, #tpu.memory_space<vmem>> -> memref<1x80xi32, #tpu.memory_space<vmem>>
      %dma_start3A_520 = tpu.memref_squeeze %dma_start3A_519 : memref<1x80xi32, #tpu.memory_space<vmem>> -> memref<80xi32, #tpu.memory_space<vmem>>
      %dma_start3A_521 = tpu.memref_slice %arg3[%add3A_512] : memref<320000xi32, #tpu.memory_space<hbm>> -> memref<80xi32, #tpu.memory_space<hbm>>
      tpu.enqueue_dma source(%dma_start3A_521 : memref<80xi32, #tpu.memory_space<hbm>>) target(%dma_start3A_520 : memref<80xi32, #tpu.memory_space<vmem>>) target_semaphore(%arg18 : memref<!tpu.dma_semaphore, #tpu.memory_space<semaphore_mem>>)
      %dma_start3A_522 = arith.constant 4 : i32
      %dma_start3A_523 = arith.constant 0 : i32
      %dma_start3A_524 = tpu.memref_slice %arg10[%dma_start3A_522, %dma_start3A_523] : memref<6x80xi32, #tpu.memory_space<vmem>> -> memref<1x80xi32, #tpu.memory_space<vmem>>
      %dma_start3A_525 = tpu.memref_squeeze %dma_start3A_524 : memref<1x80xi32, #tpu.memory_space<vmem>> -> memref<80xi32, #tpu.memory_space<vmem>>
      %dma_start3A_526 = tpu.memref_slice %arg4[%add3A_512] : memref<320000xi32, #tpu.memory_space<hbm>> -> memref<80xi32, #tpu.memory_space<hbm>>
      %dma_start3A_527 = arith.constant 0 : i32
      %dma_start3A_528 = tpu.memref_slice %arg10[%dma_start3A_522, %dma_start3A_527] : memref<6x80xi32, #tpu.memory_space<vmem>> -> memref<1x80xi32, #tpu.memory_space<vmem>>
      %dma_start3A_529 = tpu.memref_squeeze %dma_start3A_528 : memref<1x80xi32, #tpu.memory_space<vmem>> -> memref<80xi32, #tpu.memory_space<vmem>>
      %dma_start3A_530 = tpu.memref_slice %arg4[%add3A_512] : memref<320000xi32, #tpu.memory_space<hbm>> -> memref<80xi32, #tpu.memory_space<hbm>>
      tpu.enqueue_dma source(%dma_start3A_530 : memref<80xi32, #tpu.memory_space<hbm>>) target(%dma_start3A_529 : memref<80xi32, #tpu.memory_space<vmem>>) target_semaphore(%arg18 : memref<!tpu.dma_semaphore, #tpu.memory_space<semaphore_mem>>)
      %dma_wait3A_531 = arith.constant 2 : i32
      %dma_wait3A_532 = arith.constant 0 : i32
      %dma_wait3A_533 = tpu.memref_slice %arg23[%dma_wait3A_531, %dma_wait3A_532] : memref<6x80xi32, #tpu.memory_space<vmem>> -> memref<1x80xi32, #tpu.memory_space<vmem>>
      %dma_wait3A_534 = tpu.memref_squeeze %dma_wait3A_533 : memref<1x80xi32, #tpu.memory_space<vmem>> -> memref<80xi32, #tpu.memory_space<vmem>>
      %dma_wait3A_535 = arith.constant 0 : i32
      %dma_wait3A_536 = arith.constant 0 : i32
      %dma_wait3A_537 = tpu.memref_slice %arg2[%dma_wait3A_535, %dma_wait3A_536] : memref<10000x128xf32, #tpu.memory_space<hbm>> -> memref<10000x128xf32, #tpu.memory_space<hbm>>
      tpu.wait_indirect_dma semaphore(%arg13 : memref<!tpu.dma_semaphore, #tpu.memory_space<semaphore_mem>>) src(%dma_wait3A_537 : memref<10000x128xf32, #tpu.memory_space<hbm>>) dst(%arg22 : memref<80x128xf32, #tpu.memory_space<vmem>>)
      %dma_start3A_538 = arith.constant 2 : i32
      %dma_start3A_539 = arith.constant 0 : i32
      %dma_start3A_540 = tpu.memref_slice %arg10[%dma_start3A_538, %dma_start3A_539] : memref<6x80xi32, #tpu.memory_space<vmem>> -> memref<1x80xi32, #tpu.memory_space<vmem>>
      %dma_start3A_541 = tpu.memref_squeeze %dma_start3A_540 : memref<1x80xi32, #tpu.memory_space<vmem>> -> memref<80xi32, #tpu.memory_space<vmem>>
      %dma_start3A_542 = arith.constant 0 : i32
      %dma_start3A_543 = arith.constant 0 : i32
      %dma_start3A_544 = tpu.memref_slice %arg8[%dma_start3A_542, %dma_start3A_543] : memref<10000x128xf32, #tpu.memory_space<vmem_shared>> -> memref<10000x128xf32, #tpu.memory_space<vmem_shared>>
      tpu.enqueue_indirect_dma source(%arg22 : memref<80x128xf32, #tpu.memory_space<vmem>>) target(%dma_start3A_544 : memref<10000x128xf32, #tpu.memory_space<vmem_shared>>) offsets(%dma_start3A_541 : memref<80xi32, #tpu.memory_space<vmem>>) semaphore(%arg26 : memref<!tpu.dma_semaphore, #tpu.memory_space<semaphore_mem>>) {add = true}
      %get3A_545 = arith.constant 2 : i32
      %get3A_546 = arith.index_cast %get3A_545 : i32 to index
      %get3A_547 = arith.constant 0 : index
      %get3A_548 = tpu.vector_load %arg10[%get3A_546, %get3A_547] {strides = array<i32>} : memref<6x80xi32, #tpu.memory_space<vmem>>, vector<16xi32>,
      tpu.vector_store_idx %arg9[%get3A_548], %broadcast_in_dim3A_12 {add = true} : memref<10000xf32, #tpu.memory_space<vmem>>[vector<16xi32>], vector<16xf32>,
      %get3A_549 = arith.constant 2 : i32
      %get3A_550 = arith.index_cast %get3A_549 : i32 to index
      %get3A_551 = arith.constant 16 : index
      %get3A_552 = tpu.vector_load %arg10[%get3A_550, %get3A_551] {strides = array<i32>} : memref<6x80xi32, #tpu.memory_space<vmem>>, vector<16xi32>,
      tpu.vector_store_idx %arg9[%get3A_552], %broadcast_in_dim3A_12 {add = true} : memref<10000xf32, #tpu.memory_space<vmem>>[vector<16xi32>], vector<16xf32>,
      %get3A_553 = arith.constant 2 : i32
      %get3A_554 = arith.index_cast %get3A_553 : i32 to index
      %get3A_555 = arith.constant 32 : index
      %get3A_556 = tpu.vector_load %arg10[%get3A_554, %get3A_555] {strides = array<i32>} : memref<6x80xi32, #tpu.memory_space<vmem>>, vector<16xi32>,
      tpu.vector_store_idx %arg9[%get3A_556], %broadcast_in_dim3A_12 {add = true} : memref<10000xf32, #tpu.memory_space<vmem>>[vector<16xi32>], vector<16xf32>,
      %get3A_557 = arith.constant 2 : i32
      %get3A_558 = arith.index_cast %get3A_557 : i32 to index
      %get3A_559 = arith.constant 48 : index
      %get3A_560 = tpu.vector_load %arg10[%get3A_558, %get3A_559] {strides = array<i32>} : memref<6x80xi32, #tpu.memory_space<vmem>>, vector<16xi32>,
      tpu.vector_store_idx %arg9[%get3A_560], %broadcast_in_dim3A_12 {add = true} : memref<10000xf32, #tpu.memory_space<vmem>>[vector<16xi32>], vector<16xf32>,
      %get3A_561 = arith.constant 2 : i32
      %get3A_562 = arith.index_cast %get3A_561 : i32 to index
      %get3A_563 = arith.constant 64 : index
      %get3A_564 = tpu.vector_load %arg10[%get3A_562, %get3A_563] {strides = array<i32>} : memref<6x80xi32, #tpu.memory_space<vmem>>, vector<16xi32>,
      tpu.vector_store_idx %arg9[%get3A_564], %broadcast_in_dim3A_12 {add = true} : memref<10000xf32, #tpu.memory_space<vmem>>[vector<16xi32>], vector<16xf32>,
      %add3A_565 = arith.constant 1 : i32
      %add3A_566 = arith.addi %add3A_468, %add3A_565 : i32
      %dma_wait3A_567 = arith.constant 1 : i32
      %dma_wait3A_568 = arith.constant 0 : i32
      %dma_wait3A_569 = tpu.memref_slice %arg10[%dma_wait3A_567, %dma_wait3A_568] : memref<6x80xi32, #tpu.memory_space<vmem>> -> memref<1x80xi32, #tpu.memory_space<vmem>>
      %dma_wait3A_570 = tpu.memref_squeeze %dma_wait3A_569 : memref<1x80xi32, #tpu.memory_space<vmem>> -> memref<80xi32, #tpu.memory_space<vmem>>
      %dma_wait3A_571 = arith.constant 0 : i32
      %dma_wait3A_572 = arith.constant 0 : i32
      %dma_wait3A_573 = tpu.memref_slice %arg8[%dma_wait3A_571, %dma_wait3A_572] : memref<10000x128xf32, #tpu.memory_space<vmem_shared>> -> memref<10000x128xf32, #tpu.memory_space<vmem_shared>>
      tpu.wait_indirect_dma semaphore(%arg25 : memref<!tpu.dma_semaphore, #tpu.memory_space<semaphore_mem>>) src(%arg21 : memref<80x128xf32, #tpu.memory_space<vmem>>) dst(%dma_wait3A_573 : memref<10000x128xf32, #tpu.memory_space<vmem_shared>>)
      %add3A_574 = arith.constant 1 : i32
      %add3A_575 = arith.addi %add3A_566, %add3A_574 : i32
      %mul3A_576 = arith.constant 80 : i32
      %mul3A_577 = arith.muli %add3A_575, %mul3A_576 : i32
      %add3A_578 = arith.addi %mul3A_4, %mul3A_577 : i32
      %dma_wait3A_579 = arith.constant 4 : i32
      %dma_wait3A_580 = arith.constant 0 : i32
      %dma_wait3A_581 = tpu.memref_slice %arg23[%dma_wait3A_579, %dma_wait3A_580] : memref<6x80xi32, #tpu.memory_space<vmem>> -> memref<1x80xi32, #tpu.memory_space<vmem>>
      %dma_wait3A_582 = tpu.memref_squeeze %dma_wait3A_581 : memref<1x80xi32, #tpu.memory_space<vmem>> -> memref<80xi32, #tpu.memory_space<vmem>>
      %dma_wait3A_583 = tpu.memref_slice %arg3[%add3A_578] : memref<320000xi32, #tpu.memory_space<hbm>> -> memref<80xi32, #tpu.memory_space<hbm>>
      %dma_wait3A_584 = arith.constant 0 : i32
      %dma_wait3A_585 = tpu.memref_slice %arg23[%dma_wait3A_579, %dma_wait3A_584] : memref<6x80xi32, #tpu.memory_space<vmem>> -> memref<1x80xi32, #tpu.memory_space<vmem>>
      %dma_wait3A_586 = tpu.memref_squeeze %dma_wait3A_585 : memref<1x80xi32, #tpu.memory_space<vmem>> -> memref<80xi32, #tpu.memory_space<vmem>>
      %dma_wait3A_587 = tpu.memref_slice %arg3[%add3A_578] : memref<320000xi32, #tpu.memory_space<hbm>> -> memref<80xi32, #tpu.memory_space<hbm>>
      tpu.wait_dma2 semaphore(%arg18 : memref<!tpu.dma_semaphore, #tpu.memory_space<semaphore_mem>>) src(%dma_wait3A_587 : memref<80xi32, #tpu.memory_space<hbm>>) dst(%dma_wait3A_586 : memref<80xi32, #tpu.memory_space<vmem>>)
      %dma_wait3A_588 = arith.constant 4 : i32
      %dma_wait3A_589 = arith.constant 0 : i32
      %dma_wait3A_590 = tpu.memref_slice %arg10[%dma_wait3A_588, %dma_wait3A_589] : memref<6x80xi32, #tpu.memory_space<vmem>> -> memref<1x80xi32, #tpu.memory_space<vmem>>
      %dma_wait3A_591 = tpu.memref_squeeze %dma_wait3A_590 : memref<1x80xi32, #tpu.memory_space<vmem>> -> memref<80xi32, #tpu.memory_space<vmem>>
      %dma_wait3A_592 = tpu.memref_slice %arg4[%add3A_578] : memref<320000xi32, #tpu.memory_space<hbm>> -> memref<80xi32, #tpu.memory_space<hbm>>
      %dma_wait3A_593 = arith.constant 0 : i32
      %dma_wait3A_594 = tpu.memref_slice %arg10[%dma_wait3A_588, %dma_wait3A_593] : memref<6x80xi32, #tpu.memory_space<vmem>> -> memref<1x80xi32, #tpu.memory_space<vmem>>
      %dma_wait3A_595 = tpu.memref_squeeze %dma_wait3A_594 : memref<1x80xi32, #tpu.memory_space<vmem>> -> memref<80xi32, #tpu.memory_space<vmem>>
      %dma_wait3A_596 = tpu.memref_slice %arg4[%add3A_578] : memref<320000xi32, #tpu.memory_space<hbm>> -> memref<80xi32, #tpu.memory_space<hbm>>
      tpu.wait_dma2 semaphore(%arg18 : memref<!tpu.dma_semaphore, #tpu.memory_space<semaphore_mem>>) src(%dma_wait3A_596 : memref<80xi32, #tpu.memory_space<hbm>>) dst(%dma_wait3A_595 : memref<80xi32, #tpu.memory_space<vmem>>)
      %dma_start3A_597 = arith.constant 4 : i32
      %dma_start3A_598 = arith.constant 0 : i32
      %dma_start3A_599 = tpu.memref_slice %arg23[%dma_start3A_597, %dma_start3A_598] : memref<6x80xi32, #tpu.memory_space<vmem>> -> memref<1x80xi32, #tpu.memory_space<vmem>>
      %dma_start3A_600 = tpu.memref_squeeze %dma_start3A_599 : memref<1x80xi32, #tpu.memory_space<vmem>> -> memref<80xi32, #tpu.memory_space<vmem>>
      %dma_start3A_601 = arith.constant 0 : i32
      %dma_start3A_602 = arith.constant 0 : i32
      %dma_start3A_603 = tpu.memref_slice %arg2[%dma_start3A_601, %dma_start3A_602] : memref<10000x128xf32, #tpu.memory_space<hbm>> -> memref<10000x128xf32, #tpu.memory_space<hbm>>
      tpu.enqueue_indirect_dma source(%dma_start3A_603 : memref<10000x128xf32, #tpu.memory_space<hbm>>) target(%arg21 : memref<80x128xf32, #tpu.memory_space<vmem>>) offsets(%dma_start3A_600 : memref<80xi32, #tpu.memory_space<vmem>>) semaphore(%arg12 : memref<!tpu.dma_semaphore, #tpu.memory_space<semaphore_mem>>)
      %add3A_604 = arith.constant 2 : i32
      %add3A_605 = arith.addi %add3A_566, %add3A_604 : i32
      %mul3A_606 = arith.constant 80 : i32
      %mul3A_607 = arith.muli %add3A_605, %mul3A_606 : i32
      %add3A_608 = arith.addi %mul3A_4, %mul3A_607 : i32
      %dma_start3A_609 = arith.constant 5 : i32
      %dma_start3A_610 = arith.constant 0 : i32
      %dma_start3A_611 = tpu.memref_slice %arg23[%dma_start3A_609, %dma_start3A_610] : memref<6x80xi32, #tpu.memory_space<vmem>> -> memref<1x80xi32, #tpu.memory_space<vmem>>
      %dma_start3A_612 = tpu.memref_squeeze %dma_start3A_611 : memref<1x80xi32, #tpu.memory_space<vmem>> -> memref<80xi32, #tpu.memory_space<vmem>>
      %dma_start3A_613 = tpu.memref_slice %arg3[%add3A_608] : memref<320000xi32, #tpu.memory_space<hbm>> -> memref<80xi32, #tpu.memory_space<hbm>>
      %dma_start3A_614 = arith.constant 0 : i32
      %dma_start3A_615 = tpu.memref_slice %arg23[%dma_start3A_609, %dma_start3A_614] : memref<6x80xi32, #tpu.memory_space<vmem>> -> memref<1x80xi32, #tpu.memory_space<vmem>>
      %dma_start3A_616 = tpu.memref_squeeze %dma_start3A_615 : memref<1x80xi32, #tpu.memory_space<vmem>> -> memref<80xi32, #tpu.memory_space<vmem>>
      %dma_start3A_617 = tpu.memref_slice %arg3[%add3A_608] : memref<320000xi32, #tpu.memory_space<hbm>> -> memref<80xi32, #tpu.memory_space<hbm>>
      tpu.enqueue_dma source(%dma_start3A_617 : memref<80xi32, #tpu.memory_space<hbm>>) target(%dma_start3A_616 : memref<80xi32, #tpu.memory_space<vmem>>) target_semaphore(%arg19 : memref<!tpu.dma_semaphore, #tpu.memory_space<semaphore_mem>>)
      %dma_start3A_618 = arith.constant 5 : i32
      %dma_start3A_619 = arith.constant 0 : i32
      %dma_start3A_620 = tpu.memref_slice %arg10[%dma_start3A_618, %dma_start3A_619] : memref<6x80xi32, #tpu.memory_space<vmem>> -> memref<1x80xi32, #tpu.memory_space<vmem>>
      %dma_start3A_621 = tpu.memref_squeeze %dma_start3A_620 : memref<1x80xi32, #tpu.memory_space<vmem>> -> memref<80xi32, #tpu.memory_space<vmem>>
      %dma_start3A_622 = tpu.memref_slice %arg4[%add3A_608] : memref<320000xi32, #tpu.memory_space<hbm>> -> memref<80xi32, #tpu.memory_space<hbm>>
      %dma_start3A_623 = arith.constant 0 : i32
      %dma_start3A_624 = tpu.memref_slice %arg10[%dma_start3A_618, %dma_start3A_623] : memref<6x80xi32, #tpu.memory_space<vmem>> -> memref<1x80xi32, #tpu.memory_space<vmem>>
      %dma_start3A_625 = tpu.memref_squeeze %dma_start3A_624 : memref<1x80xi32, #tpu.memory_space<vmem>> -> memref<80xi32, #tpu.memory_space<vmem>>
      %dma_start3A_626 = tpu.memref_slice %arg4[%add3A_608] : memref<320000xi32, #tpu.memory_space<hbm>> -> memref<80xi32, #tpu.memory_space<hbm>>
      tpu.enqueue_dma source(%dma_start3A_626 : memref<80xi32, #tpu.memory_space<hbm>>) target(%dma_start3A_625 : memref<80xi32, #tpu.memory_space<vmem>>) target_semaphore(%arg19 : memref<!tpu.dma_semaphore, #tpu.memory_space<semaphore_mem>>)
      %dma_wait3A_627 = arith.constant 3 : i32
      %dma_wait3A_628 = arith.constant 0 : i32
      %dma_wait3A_629 = tpu.memref_slice %arg23[%dma_wait3A_627, %dma_wait3A_628] : memref<6x80xi32, #tpu.memory_space<vmem>> -> memref<1x80xi32, #tpu.memory_space<vmem>>
      %dma_wait3A_630 = tpu.memref_squeeze %dma_wait3A_629 : memref<1x80xi32, #tpu.memory_space<vmem>> -> memref<80xi32, #tpu.memory_space<vmem>>
      %dma_wait3A_631 = arith.constant 0 : i32
      %dma_wait3A_632 = arith.constant 0 : i32
      %dma_wait3A_633 = tpu.memref_slice %arg2[%dma_wait3A_631, %dma_wait3A_632] : memref<10000x128xf32, #tpu.memory_space<hbm>> -> memref<10000x128xf32, #tpu.memory_space<hbm>>
      tpu.wait_indirect_dma semaphore(%arg11 : memref<!tpu.dma_semaphore, #tpu.memory_space<semaphore_mem>>) src(%dma_wait3A_633 : memref<10000x128xf32, #tpu.memory_space<hbm>>) dst(%arg20 : memref<80x128xf32, #tpu.memory_space<vmem>>)
      %dma_start3A_634 = arith.constant 3 : i32
      %dma_start3A_635 = arith.constant 0 : i32
      %dma_start3A_636 = tpu.memref_slice %arg10[%dma_start3A_634, %dma_start3A_635] : memref<6x80xi32, #tpu.memory_space<vmem>> -> memref<1x80xi32, #tpu.memory_space<vmem>>
      %dma_start3A_637 = tpu.memref_squeeze %dma_start3A_636 : memref<1x80xi32, #tpu.memory_space<vmem>> -> memref<80xi32, #tpu.memory_space<vmem>>
      %dma_start3A_638 = arith.constant 0 : i32
      %dma_start3A_639 = arith.constant 0 : i32
      %dma_start3A_640 = tpu.memref_slice %arg8[%dma_start3A_638, %dma_start3A_639] : memref<10000x128xf32, #tpu.memory_space<vmem_shared>> -> memref<10000x128xf32, #tpu.memory_space<vmem_shared>>
      tpu.enqueue_indirect_dma source(%arg20 : memref<80x128xf32, #tpu.memory_space<vmem>>) target(%dma_start3A_640 : memref<10000x128xf32, #tpu.memory_space<vmem_shared>>) offsets(%dma_start3A_637 : memref<80xi32, #tpu.memory_space<vmem>>) semaphore(%arg24 : memref<!tpu.dma_semaphore, #tpu.memory_space<semaphore_mem>>) {add = true}
      %get3A_641 = arith.constant 3 : i32
      %get3A_642 = arith.index_cast %get3A_641 : i32 to index
      %get3A_643 = arith.constant 0 : index
      %get3A_644 = tpu.vector_load %arg10[%get3A_642, %get3A_643] {strides = array<i32>} : memref<6x80xi32, #tpu.memory_space<vmem>>, vector<16xi32>,
      tpu.vector_store_idx %arg9[%get3A_644], %broadcast_in_dim3A_12 {add = true} : memref<10000xf32, #tpu.memory_space<vmem>>[vector<16xi32>], vector<16xf32>,
      %get3A_645 = arith.constant 3 : i32
      %get3A_646 = arith.index_cast %get3A_645 : i32 to index
      %get3A_647 = arith.constant 16 : index
      %get3A_648 = tpu.vector_load %arg10[%get3A_646, %get3A_647] {strides = array<i32>} : memref<6x80xi32, #tpu.memory_space<vmem>>, vector<16xi32>,
      tpu.vector_store_idx %arg9[%get3A_648], %broadcast_in_dim3A_12 {add = true} : memref<10000xf32, #tpu.memory_space<vmem>>[vector<16xi32>], vector<16xf32>,
      %get3A_649 = arith.constant 3 : i32
      %get3A_650 = arith.index_cast %get3A_649 : i32 to index
      %get3A_651 = arith.constant 32 : index
      %get3A_652 = tpu.vector_load %arg10[%get3A_650, %get3A_651] {strides = array<i32>} : memref<6x80xi32, #tpu.memory_space<vmem>>, vector<16xi32>,
      tpu.vector_store_idx %arg9[%get3A_652], %broadcast_in_dim3A_12 {add = true} : memref<10000xf32, #tpu.memory_space<vmem>>[vector<16xi32>], vector<16xf32>,
      %get3A_653 = arith.constant 3 : i32
      %get3A_654 = arith.index_cast %get3A_653 : i32 to index
      %get3A_655 = arith.constant 48 : index
      %get3A_656 = tpu.vector_load %arg10[%get3A_654, %get3A_655] {strides = array<i32>} : memref<6x80xi32, #tpu.memory_space<vmem>>, vector<16xi32>,
      tpu.vector_store_idx %arg9[%get3A_656], %broadcast_in_dim3A_12 {add = true} : memref<10000xf32, #tpu.memory_space<vmem>>[vector<16xi32>], vector<16xf32>,
      %get3A_657 = arith.constant 3 : i32
      %get3A_658 = arith.index_cast %get3A_657 : i32 to index
      %get3A_659 = arith.constant 64 : index
      %get3A_660 = tpu.vector_load %arg10[%get3A_658, %get3A_659] {strides = array<i32>} : memref<6x80xi32, #tpu.memory_space<vmem>>, vector<16xi32>,
      tpu.vector_store_idx %arg9[%get3A_660], %broadcast_in_dim3A_12 {add = true} : memref<10000xf32, #tpu.memory_space<vmem>>[vector<16xi32>], vector<16xf32>,
      %add3A_661 = arith.constant 2 : i32
      %add3A_662 = arith.addi %add3A_468, %add3A_661 : i32
      %dma_wait3A_663 = arith.constant 2 : i32
      %dma_wait3A_664 = arith.constant 0 : i32
      %dma_wait3A_665 = tpu.memref_slice %arg10[%dma_wait3A_663, %dma_wait3A_664] : memref<6x80xi32, #tpu.memory_space<vmem>> -> memref<1x80xi32, #tpu.memory_space<vmem>>
      %dma_wait3A_666 = tpu.memref_squeeze %dma_wait3A_665 : memref<1x80xi32, #tpu.memory_space<vmem>> -> memref<80xi32, #tpu.memory_space<vmem>>
      %dma_wait3A_667 = arith.constant 0 : i32
      %dma_wait3A_668 = arith.constant 0 : i32
      %dma_wait3A_669 = tpu.memref_slice %arg8[%dma_wait3A_667, %dma_wait3A_668] : memref<10000x128xf32, #tpu.memory_space<vmem_shared>> -> memref<10000x128xf32, #tpu.memory_space<vmem_shared>>
      tpu.wait_indirect_dma semaphore(%arg26 : memref<!tpu.dma_semaphore, #tpu.memory_space<semaphore_mem>>) src(%arg22 : memref<80x128xf32, #tpu.memory_space<vmem>>) dst(%dma_wait3A_669 : memref<10000x128xf32, #tpu.memory_space<vmem_shared>>)
      %add3A_670 = arith.constant 1 : i32
      %add3A_671 = arith.addi %add3A_662, %add3A_670 : i32
      %mul3A_672 = arith.constant 80 : i32
      %mul3A_673 = arith.muli %add3A_671, %mul3A_672 : i32
      %add3A_674 = arith.addi %mul3A_4, %mul3A_673 : i32
      %dma_wait3A_675 = arith.constant 5 : i32
      %dma_wait3A_676 = arith.constant 0 : i32
      %dma_wait3A_677 = tpu.memref_slice %arg23[%dma_wait3A_675, %dma_wait3A_676] : memref<6x80xi32, #tpu.memory_space<vmem>> -> memref<1x80xi32, #tpu.memory_space<vmem>>
      %dma_wait3A_678 = tpu.memref_squeeze %dma_wait3A_677 : memref<1x80xi32, #tpu.memory_space<vmem>> -> memref<80xi32, #tpu.memory_space<vmem>>
      %dma_wait3A_679 = tpu.memref_slice %arg3[%add3A_674] : memref<320000xi32, #tpu.memory_space<hbm>> -> memref<80xi32, #tpu.memory_space<hbm>>
      %dma_wait3A_680 = arith.constant 0 : i32
      %dma_wait3A_681 = tpu.memref_slice %arg23[%dma_wait3A_675, %dma_wait3A_680] : memref<6x80xi32, #tpu.memory_space<vmem>> -> memref<1x80xi32, #tpu.memory_space<vmem>>
      %dma_wait3A_682 = tpu.memref_squeeze %dma_wait3A_681 : memref<1x80xi32, #tpu.memory_space<vmem>> -> memref<80xi32, #tpu.memory_space<vmem>>
      %dma_wait3A_683 = tpu.memref_slice %arg3[%add3A_674] : memref<320000xi32, #tpu.memory_space<hbm>> -> memref<80xi32, #tpu.memory_space<hbm>>
      tpu.wait_dma2 semaphore(%arg19 : memref<!tpu.dma_semaphore, #tpu.memory_space<semaphore_mem>>) src(%dma_wait3A_683 : memref<80xi32, #tpu.memory_space<hbm>>) dst(%dma_wait3A_682 : memref<80xi32, #tpu.memory_space<vmem>>)
      %dma_wait3A_684 = arith.constant 5 : i32
      %dma_wait3A_685 = arith.constant 0 : i32
      %dma_wait3A_686 = tpu.memref_slice %arg10[%dma_wait3A_684, %dma_wait3A_685] : memref<6x80xi32, #tpu.memory_space<vmem>> -> memref<1x80xi32, #tpu.memory_space<vmem>>
      %dma_wait3A_687 = tpu.memref_squeeze %dma_wait3A_686 : memref<1x80xi32, #tpu.memory_space<vmem>> -> memref<80xi32, #tpu.memory_space<vmem>>
      %dma_wait3A_688 = tpu.memref_slice %arg4[%add3A_674] : memref<320000xi32, #tpu.memory_space<hbm>> -> memref<80xi32, #tpu.memory_space<hbm>>
      %dma_wait3A_689 = arith.constant 0 : i32
      %dma_wait3A_690 = tpu.memref_slice %arg10[%dma_wait3A_684, %dma_wait3A_689] : memref<6x80xi32, #tpu.memory_space<vmem>> -> memref<1x80xi32, #tpu.memory_space<vmem>>
      %dma_wait3A_691 = tpu.memref_squeeze %dma_wait3A_690 : memref<1x80xi32, #tpu.memory_space<vmem>> -> memref<80xi32, #tpu.memory_space<vmem>>
      %dma_wait3A_692 = tpu.memref_slice %arg4[%add3A_674] : memref<320000xi32, #tpu.memory_space<hbm>> -> memref<80xi32, #tpu.memory_space<hbm>>
      tpu.wait_dma2 semaphore(%arg19 : memref<!tpu.dma_semaphore, #tpu.memory_space<semaphore_mem>>) src(%dma_wait3A_692 : memref<80xi32, #tpu.memory_space<hbm>>) dst(%dma_wait3A_691 : memref<80xi32, #tpu.memory_space<vmem>>)
      %dma_start3A_693 = arith.constant 5 : i32
      %dma_start3A_694 = arith.constant 0 : i32
      %dma_start3A_695 = tpu.memref_slice %arg23[%dma_start3A_693, %dma_start3A_694] : memref<6x80xi32, #tpu.memory_space<vmem>> -> memref<1x80xi32, #tpu.memory_space<vmem>>
      %dma_start3A_696 = tpu.memref_squeeze %dma_start3A_695 : memref<1x80xi32, #tpu.memory_space<vmem>> -> memref<80xi32, #tpu.memory_space<vmem>>
      %dma_start3A_697 = arith.constant 0 : i32
      %dma_start3A_698 = arith.constant 0 : i32
      %dma_start3A_699 = tpu.memref_slice %arg2[%dma_start3A_697, %dma_start3A_698] : memref<10000x128xf32, #tpu.memory_space<hbm>> -> memref<10000x128xf32, #tpu.memory_space<hbm>>
      tpu.enqueue_indirect_dma source(%dma_start3A_699 : memref<10000x128xf32, #tpu.memory_space<hbm>>) target(%arg22 : memref<80x128xf32, #tpu.memory_space<vmem>>) offsets(%dma_start3A_696 : memref<80xi32, #tpu.memory_space<vmem>>) semaphore(%arg13 : memref<!tpu.dma_semaphore, #tpu.memory_space<semaphore_mem>>)
      %add3A_700 = arith.constant 2 : i32
      %add3A_701 = arith.addi %add3A_662, %add3A_700 : i32
      %mul3A_702 = arith.constant 80 : i32
      %mul3A_703 = arith.muli %add3A_701, %mul3A_702 : i32
      %add3A_704 = arith.addi %mul3A_4, %mul3A_703 : i32
      %dma_start3A_705 = arith.constant 0 : i32
      %dma_start3A_706 = arith.constant 0 : i32
      %dma_start3A_707 = tpu.memref_slice %arg23[%dma_start3A_705, %dma_start3A_706] : memref<6x80xi32, #tpu.memory_space<vmem>> -> memref<1x80xi32, #tpu.memory_space<vmem>>
      %dma_start3A_708 = tpu.memref_squeeze %dma_start3A_707 : memref<1x80xi32, #tpu.memory_space<vmem>> -> memref<80xi32, #tpu.memory_space<vmem>>
      %dma_start3A_709 = tpu.memref_slice %arg3[%add3A_704] : memref<320000xi32, #tpu.memory_space<hbm>> -> memref<80xi32, #tpu.memory_space<hbm>>
      %dma_start3A_710 = arith.constant 0 : i32
      %dma_start3A_711 = tpu.memref_slice %arg23[%dma_start3A_705, %dma_start3A_710] : memref<6x80xi32, #tpu.memory_space<vmem>> -> memref<1x80xi32, #tpu.memory_space<vmem>>
      %dma_start3A_712 = tpu.memref_squeeze %dma_start3A_711 : memref<1x80xi32, #tpu.memory_space<vmem>> -> memref<80xi32, #tpu.memory_space<vmem>>
      %dma_start3A_713 = tpu.memref_slice %arg3[%add3A_704] : memref<320000xi32, #tpu.memory_space<hbm>> -> memref<80xi32, #tpu.memory_space<hbm>>
      tpu.enqueue_dma source(%dma_start3A_713 : memref<80xi32, #tpu.memory_space<hbm>>) target(%dma_start3A_712 : memref<80xi32, #tpu.memory_space<vmem>>) target_semaphore(%arg14 : memref<!tpu.dma_semaphore, #tpu.memory_space<semaphore_mem>>)
      %dma_start3A_714 = arith.constant 0 : i32
      %dma_start3A_715 = arith.constant 0 : i32
      %dma_start3A_716 = tpu.memref_slice %arg10[%dma_start3A_714, %dma_start3A_715] : memref<6x80xi32, #tpu.memory_space<vmem>> -> memref<1x80xi32, #tpu.memory_space<vmem>>
      %dma_start3A_717 = tpu.memref_squeeze %dma_start3A_716 : memref<1x80xi32, #tpu.memory_space<vmem>> -> memref<80xi32, #tpu.memory_space<vmem>>
      %dma_start3A_718 = tpu.memref_slice %arg4[%add3A_704] : memref<320000xi32, #tpu.memory_space<hbm>> -> memref<80xi32, #tpu.memory_space<hbm>>
      %dma_start3A_719 = arith.constant 0 : i32
      %dma_start3A_720 = tpu.memref_slice %arg10[%dma_start3A_714, %dma_start3A_719] : memref<6x80xi32, #tpu.memory_space<vmem>> -> memref<1x80xi32, #tpu.memory_space<vmem>>
      %dma_start3A_721 = tpu.memref_squeeze %dma_start3A_720 : memref<1x80xi32, #tpu.memory_space<vmem>> -> memref<80xi32, #tpu.memory_space<vmem>>
      %dma_start3A_722 = tpu.memref_slice %arg4[%add3A_704] : memref<320000xi32, #tpu.memory_space<hbm>> -> memref<80xi32, #tpu.memory_space<hbm>>
      tpu.enqueue_dma source(%dma_start3A_722 : memref<80xi32, #tpu.memory_space<hbm>>) target(%dma_start3A_721 : memref<80xi32, #tpu.memory_space<vmem>>) target_semaphore(%arg14 : memref<!tpu.dma_semaphore, #tpu.memory_space<semaphore_mem>>)
      %dma_wait3A_723 = arith.constant 4 : i32
      %dma_wait3A_724 = arith.constant 0 : i32
      %dma_wait3A_725 = tpu.memref_slice %arg23[%dma_wait3A_723, %dma_wait3A_724] : memref<6x80xi32, #tpu.memory_space<vmem>> -> memref<1x80xi32, #tpu.memory_space<vmem>>
      %dma_wait3A_726 = tpu.memref_squeeze %dma_wait3A_725 : memref<1x80xi32, #tpu.memory_space<vmem>> -> memref<80xi32, #tpu.memory_space<vmem>>
      %dma_wait3A_727 = arith.constant 0 : i32
      %dma_wait3A_728 = arith.constant 0 : i32
      %dma_wait3A_729 = tpu.memref_slice %arg2[%dma_wait3A_727, %dma_wait3A_728] : memref<10000x128xf32, #tpu.memory_space<hbm>> -> memref<10000x128xf32, #tpu.memory_space<hbm>>
      tpu.wait_indirect_dma semaphore(%arg12 : memref<!tpu.dma_semaphore, #tpu.memory_space<semaphore_mem>>) src(%dma_wait3A_729 : memref<10000x128xf32, #tpu.memory_space<hbm>>) dst(%arg21 : memref<80x128xf32, #tpu.memory_space<vmem>>)
      %dma_start3A_730 = arith.constant 4 : i32
      %dma_start3A_731 = arith.constant 0 : i32
      %dma_start3A_732 = tpu.memref_slice %arg10[%dma_start3A_730, %dma_start3A_731] : memref<6x80xi32, #tpu.memory_space<vmem>> -> memref<1x80xi32, #tpu.memory_space<vmem>>
      %dma_start3A_733 = tpu.memref_squeeze %dma_start3A_732 : memref<1x80xi32, #tpu.memory_space<vmem>> -> memref<80xi32, #tpu.memory_space<vmem>>
      %dma_start3A_734 = arith.constant 0 : i32
      %dma_start3A_735 = arith.constant 0 : i32
      %dma_start3A_736 = tpu.memref_slice %arg8[%dma_start3A_734, %dma_start3A_735] : memref<10000x128xf32, #tpu.memory_space<vmem_shared>> -> memref<10000x128xf32, #tpu.memory_space<vmem_shared>>
      tpu.enqueue_indirect_dma source(%arg21 : memref<80x128xf32, #tpu.memory_space<vmem>>) target(%dma_start3A_736 : memref<10000x128xf32, #tpu.memory_space<vmem_shared>>) offsets(%dma_start3A_733 : memref<80xi32, #tpu.memory_space<vmem>>) semaphore(%arg25 : memref<!tpu.dma_semaphore, #tpu.memory_space<semaphore_mem>>) {add = true}
      %get3A_737 = arith.constant 4 : i32
      %get3A_738 = arith.index_cast %get3A_737 : i32 to index
      %get3A_739 = arith.constant 0 : index
      %get3A_740 = tpu.vector_load %arg10[%get3A_738, %get3A_739] {strides = array<i32>} : memref<6x80xi32, #tpu.memory_space<vmem>>, vector<16xi32>,
      tpu.vector_store_idx %arg9[%get3A_740], %broadcast_in_dim3A_12 {add = true} : memref<10000xf32, #tpu.memory_space<vmem>>[vector<16xi32>], vector<16xf32>,
      %get3A_741 = arith.constant 4 : i32
      %get3A_742 = arith.index_cast %get3A_741 : i32 to index
      %get3A_743 = arith.constant 16 : index
      %get3A_744 = tpu.vector_load %arg10[%get3A_742, %get3A_743] {strides = array<i32>} : memref<6x80xi32, #tpu.memory_space<vmem>>, vector<16xi32>,
      tpu.vector_store_idx %arg9[%get3A_744], %broadcast_in_dim3A_12 {add = true} : memref<10000xf32, #tpu.memory_space<vmem>>[vector<16xi32>], vector<16xf32>,
      %get3A_745 = arith.constant 4 : i32
      %get3A_746 = arith.index_cast %get3A_745 : i32 to index
      %get3A_747 = arith.constant 32 : index
      %get3A_748 = tpu.vector_load %arg10[%get3A_746, %get3A_747] {strides = array<i32>} : memref<6x80xi32, #tpu.memory_space<vmem>>, vector<16xi32>,
      tpu.vector_store_idx %arg9[%get3A_748], %broadcast_in_dim3A_12 {add = true} : memref<10000xf32, #tpu.memory_space<vmem>>[vector<16xi32>], vector<16xf32>,
      %get3A_749 = arith.constant 4 : i32
      %get3A_750 = arith.index_cast %get3A_749 : i32 to index
      %get3A_751 = arith.constant 48 : index
      %get3A_752 = tpu.vector_load %arg10[%get3A_750, %get3A_751] {strides = array<i32>} : memref<6x80xi32, #tpu.memory_space<vmem>>, vector<16xi32>,
      tpu.vector_store_idx %arg9[%get3A_752], %broadcast_in_dim3A_12 {add = true} : memref<10000xf32, #tpu.memory_space<vmem>>[vector<16xi32>], vector<16xf32>,
      %get3A_753 = arith.constant 4 : i32
      %get3A_754 = arith.index_cast %get3A_753 : i32 to index
      %get3A_755 = arith.constant 64 : index
      %get3A_756 = tpu.vector_load %arg10[%get3A_754, %get3A_755] {strides = array<i32>} : memref<6x80xi32, #tpu.memory_space<vmem>>, vector<16xi32>,
      tpu.vector_store_idx %arg9[%get3A_756], %broadcast_in_dim3A_12 {add = true} : memref<10000xf32, #tpu.memory_space<vmem>>[vector<16xi32>], vector<16xf32>,
      %add3A_757 = arith.constant 3 : i32
      %add3A_758 = arith.addi %add3A_468, %add3A_757 : i32
      %dma_wait3A_759 = arith.constant 3 : i32
      %dma_wait3A_760 = arith.constant 0 : i32
      %dma_wait3A_761 = tpu.memref_slice %arg10[%dma_wait3A_759, %dma_wait3A_760] : memref<6x80xi32, #tpu.memory_space<vmem>> -> memref<1x80xi32, #tpu.memory_space<vmem>>
      %dma_wait3A_762 = tpu.memref_squeeze %dma_wait3A_761 : memref<1x80xi32, #tpu.memory_space<vmem>> -> memref<80xi32, #tpu.memory_space<vmem>>
      %dma_wait3A_763 = arith.constant 0 : i32
      %dma_wait3A_764 = arith.constant 0 : i32
      %dma_wait3A_765 = tpu.memref_slice %arg8[%dma_wait3A_763, %dma_wait3A_764] : memref<10000x128xf32, #tpu.memory_space<vmem_shared>> -> memref<10000x128xf32, #tpu.memory_space<vmem_shared>>
      tpu.wait_indirect_dma semaphore(%arg24 : memref<!tpu.dma_semaphore, #tpu.memory_space<semaphore_mem>>) src(%arg20 : memref<80x128xf32, #tpu.memory_space<vmem>>) dst(%dma_wait3A_765 : memref<10000x128xf32, #tpu.memory_space<vmem_shared>>)
      %add3A_766 = arith.constant 1 : i32
      %add3A_767 = arith.addi %add3A_758, %add3A_766 : i32
      %mul3A_768 = arith.constant 80 : i32
      %mul3A_769 = arith.muli %add3A_767, %mul3A_768 : i32
      %add3A_770 = arith.addi %mul3A_4, %mul3A_769 : i32
      %dma_wait3A_771 = arith.constant 0 : i32
      %dma_wait3A_772 = arith.constant 0 : i32
      %dma_wait3A_773 = tpu.memref_slice %arg23[%dma_wait3A_771, %dma_wait3A_772] : memref<6x80xi32, #tpu.memory_space<vmem>> -> memref<1x80xi32, #tpu.memory_space<vmem>>
      %dma_wait3A_774 = tpu.memref_squeeze %dma_wait3A_773 : memref<1x80xi32, #tpu.memory_space<vmem>> -> memref<80xi32, #tpu.memory_space<vmem>>
      %dma_wait3A_775 = tpu.memref_slice %arg3[%add3A_770] : memref<320000xi32, #tpu.memory_space<hbm>> -> memref<80xi32, #tpu.memory_space<hbm>>
      %dma_wait3A_776 = arith.constant 0 : i32
      %dma_wait3A_777 = tpu.memref_slice %arg23[%dma_wait3A_771, %dma_wait3A_776] : memref<6x80xi32, #tpu.memory_space<vmem>> -> memref<1x80xi32, #tpu.memory_space<vmem>>
      %dma_wait3A_778 = tpu.memref_squeeze %dma_wait3A_777 : memref<1x80xi32, #tpu.memory_space<vmem>> -> memref<80xi32, #tpu.memory_space<vmem>>
      %dma_wait3A_779 = tpu.memref_slice %arg3[%add3A_770] : memref<320000xi32, #tpu.memory_space<hbm>> -> memref<80xi32, #tpu.memory_space<hbm>>
      tpu.wait_dma2 semaphore(%arg14 : memref<!tpu.dma_semaphore, #tpu.memory_space<semaphore_mem>>) src(%dma_wait3A_779 : memref<80xi32, #tpu.memory_space<hbm>>) dst(%dma_wait3A_778 : memref<80xi32, #tpu.memory_space<vmem>>)
      %dma_wait3A_780 = arith.constant 0 : i32
      %dma_wait3A_781 = arith.constant 0 : i32
      %dma_wait3A_782 = tpu.memref_slice %arg10[%dma_wait3A_780, %dma_wait3A_781] : memref<6x80xi32, #tpu.memory_space<vmem>> -> memref<1x80xi32, #tpu.memory_space<vmem>>
      %dma_wait3A_783 = tpu.memref_squeeze %dma_wait3A_782 : memref<1x80xi32, #tpu.memory_space<vmem>> -> memref<80xi32, #tpu.memory_space<vmem>>
      %dma_wait3A_784 = tpu.memref_slice %arg4[%add3A_770] : memref<320000xi32, #tpu.memory_space<hbm>> -> memref<80xi32, #tpu.memory_space<hbm>>
      %dma_wait3A_785 = arith.constant 0 : i32
      %dma_wait3A_786 = tpu.memref_slice %arg10[%dma_wait3A_780, %dma_wait3A_785] : memref<6x80xi32, #tpu.memory_space<vmem>> -> memref<1x80xi32, #tpu.memory_space<vmem>>
      %dma_wait3A_787 = tpu.memref_squeeze %dma_wait3A_786 : memref<1x80xi32, #tpu.memory_space<vmem>> -> memref<80xi32, #tpu.memory_space<vmem>>
      %dma_wait3A_788 = tpu.memref_slice %arg4[%add3A_770] : memref<320000xi32, #tpu.memory_space<hbm>> -> memref<80xi32, #tpu.memory_space<hbm>>
      tpu.wait_dma2 semaphore(%arg14 : memref<!tpu.dma_semaphore, #tpu.memory_space<semaphore_mem>>) src(%dma_wait3A_788 : memref<80xi32, #tpu.memory_space<hbm>>) dst(%dma_wait3A_787 : memref<80xi32, #tpu.memory_space<vmem>>)
      %dma_start3A_789 = arith.constant 0 : i32
      %dma_start3A_790 = arith.constant 0 : i32
      %dma_start3A_791 = tpu.memref_slice %arg23[%dma_start3A_789, %dma_start3A_790] : memref<6x80xi32, #tpu.memory_space<vmem>> -> memref<1x80xi32, #tpu.memory_space<vmem>>
      %dma_start3A_792 = tpu.memref_squeeze %dma_start3A_791 : memref<1x80xi32, #tpu.memory_space<vmem>> -> memref<80xi32, #tpu.memory_space<vmem>>
      %dma_start3A_793 = arith.constant 0 : i32
      %dma_start3A_794 = arith.constant 0 : i32
      %dma_start3A_795 = tpu.memref_slice %arg2[%dma_start3A_793, %dma_start3A_794] : memref<10000x128xf32, #tpu.memory_space<hbm>> -> memref<10000x128xf32, #tpu.memory_space<hbm>>
      tpu.enqueue_indirect_dma source(%dma_start3A_795 : memref<10000x128xf32, #tpu.memory_space<hbm>>) target(%arg20 : memref<80x128xf32, #tpu.memory_space<vmem>>) offsets(%dma_start3A_792 : memref<80xi32, #tpu.memory_space<vmem>>) semaphore(%arg11 : memref<!tpu.dma_semaphore, #tpu.memory_space<semaphore_mem>>)
      %add3A_796 = arith.constant 2 : i32
      %add3A_797 = arith.addi %add3A_758, %add3A_796 : i32
      %mul3A_798 = arith.constant 80 : i32
      %mul3A_799 = arith.muli %add3A_797, %mul3A_798 : i32
      %add3A_800 = arith.addi %mul3A_4, %mul3A_799 : i32
      %dma_start3A_801 = arith.constant 1 : i32
      %dma_start3A_802 = arith.constant 0 : i32
      %dma_start3A_803 = tpu.memref_slice %arg23[%dma_start3A_801, %dma_start3A_802] : memref<6x80xi32, #tpu.memory_space<vmem>> -> memref<1x80xi32, #tpu.memory_space<vmem>>
      %dma_start3A_804 = tpu.memref_squeeze %dma_start3A_803 : memref<1x80xi32, #tpu.memory_space<vmem>> -> memref<80xi32, #tpu.memory_space<vmem>>
      %dma_start3A_805 = tpu.memref_slice %arg3[%add3A_800] : memref<320000xi32, #tpu.memory_space<hbm>> -> memref<80xi32, #tpu.memory_space<hbm>>
      %dma_start3A_806 = arith.constant 0 : i32
      %dma_start3A_807 = tpu.memref_slice %arg23[%dma_start3A_801, %dma_start3A_806] : memref<6x80xi32, #tpu.memory_space<vmem>> -> memref<1x80xi32, #tpu.memory_space<vmem>>
      %dma_start3A_808 = tpu.memref_squeeze %dma_start3A_807 : memref<1x80xi32, #tpu.memory_space<vmem>> -> memref<80xi32, #tpu.memory_space<vmem>>
      %dma_start3A_809 = tpu.memref_slice %arg3[%add3A_800] : memref<320000xi32, #tpu.memory_space<hbm>> -> memref<80xi32, #tpu.memory_space<hbm>>
      tpu.enqueue_dma source(%dma_start3A_809 : memref<80xi32, #tpu.memory_space<hbm>>) target(%dma_start3A_808 : memref<80xi32, #tpu.memory_space<vmem>>) target_semaphore(%arg15 : memref<!tpu.dma_semaphore, #tpu.memory_space<semaphore_mem>>)
      %dma_start3A_810 = arith.constant 1 : i32
      %dma_start3A_811 = arith.constant 0 : i32
      %dma_start3A_812 = tpu.memref_slice %arg10[%dma_start3A_810, %dma_start3A_811] : memref<6x80xi32, #tpu.memory_space<vmem>> -> memref<1x80xi32, #tpu.memory_space<vmem>>
      %dma_start3A_813 = tpu.memref_squeeze %dma_start3A_812 : memref<1x80xi32, #tpu.memory_space<vmem>> -> memref<80xi32, #tpu.memory_space<vmem>>
      %dma_start3A_814 = tpu.memref_slice %arg4[%add3A_800] : memref<320000xi32, #tpu.memory_space<hbm>> -> memref<80xi32, #tpu.memory_space<hbm>>
      %dma_start3A_815 = arith.constant 0 : i32
      %dma_start3A_816 = tpu.memref_slice %arg10[%dma_start3A_810, %dma_start3A_815] : memref<6x80xi32, #tpu.memory_space<vmem>> -> memref<1x80xi32, #tpu.memory_space<vmem>>
      %dma_start3A_817 = tpu.memref_squeeze %dma_start3A_816 : memref<1x80xi32, #tpu.memory_space<vmem>> -> memref<80xi32, #tpu.memory_space<vmem>>
      %dma_start3A_818 = tpu.memref_slice %arg4[%add3A_800] : memref<320000xi32, #tpu.memory_space<hbm>> -> memref<80xi32, #tpu.memory_space<hbm>>
      tpu.enqueue_dma source(%dma_start3A_818 : memref<80xi32, #tpu.memory_space<hbm>>) target(%dma_start3A_817 : memref<80xi32, #tpu.memory_space<vmem>>) target_semaphore(%arg15 : memref<!tpu.dma_semaphore, #tpu.memory_space<semaphore_mem>>)
      %dma_wait3A_819 = arith.constant 5 : i32
      %dma_wait3A_820 = arith.constant 0 : i32
      %dma_wait3A_821 = tpu.memref_slice %arg23[%dma_wait3A_819, %dma_wait3A_820] : memref<6x80xi32, #tpu.memory_space<vmem>> -> memref<1x80xi32, #tpu.memory_space<vmem>>
      %dma_wait3A_822 = tpu.memref_squeeze %dma_wait3A_821 : memref<1x80xi32, #tpu.memory_space<vmem>> -> memref<80xi32, #tpu.memory_space<vmem>>
      %dma_wait3A_823 = arith.constant 0 : i32
      %dma_wait3A_824 = arith.constant 0 : i32
      %dma_wait3A_825 = tpu.memref_slice %arg2[%dma_wait3A_823, %dma_wait3A_824] : memref<10000x128xf32, #tpu.memory_space<hbm>> -> memref<10000x128xf32, #tpu.memory_space<hbm>>
      tpu.wait_indirect_dma semaphore(%arg13 : memref<!tpu.dma_semaphore, #tpu.memory_space<semaphore_mem>>) src(%dma_wait3A_825 : memref<10000x128xf32, #tpu.memory_space<hbm>>) dst(%arg22 : memref<80x128xf32, #tpu.memory_space<vmem>>)
      %dma_start3A_826 = arith.constant 5 : i32
      %dma_start3A_827 = arith.constant 0 : i32
      %dma_start3A_828 = tpu.memref_slice %arg10[%dma_start3A_826, %dma_start3A_827] : memref<6x80xi32, #tpu.memory_space<vmem>> -> memref<1x80xi32, #tpu.memory_space<vmem>>
      %dma_start3A_829 = tpu.memref_squeeze %dma_start3A_828 : memref<1x80xi32, #tpu.memory_space<vmem>> -> memref<80xi32, #tpu.memory_space<vmem>>
      %dma_start3A_830 = arith.constant 0 : i32
      %dma_start3A_831 = arith.constant 0 : i32
      %dma_start3A_832 = tpu.memref_slice %arg8[%dma_start3A_830, %dma_start3A_831] : memref<10000x128xf32, #tpu.memory_space<vmem_shared>> -> memref<10000x128xf32, #tpu.memory_space<vmem_shared>>
      tpu.enqueue_indirect_dma source(%arg22 : memref<80x128xf32, #tpu.memory_space<vmem>>) target(%dma_start3A_832 : memref<10000x128xf32, #tpu.memory_space<vmem_shared>>) offsets(%dma_start3A_829 : memref<80xi32, #tpu.memory_space<vmem>>) semaphore(%arg26 : memref<!tpu.dma_semaphore, #tpu.memory_space<semaphore_mem>>) {add = true}
      %get3A_833 = arith.constant 5 : i32
      %get3A_834 = arith.index_cast %get3A_833 : i32 to index
      %get3A_835 = arith.constant 0 : index
      %get3A_836 = tpu.vector_load %arg10[%get3A_834, %get3A_835] {strides = array<i32>} : memref<6x80xi32, #tpu.memory_space<vmem>>, vector<16xi32>,
      tpu.vector_store_idx %arg9[%get3A_836], %broadcast_in_dim3A_12 {add = true} : memref<10000xf32, #tpu.memory_space<vmem>>[vector<16xi32>], vector<16xf32>,
      %get3A_837 = arith.constant 5 : i32
      %get3A_838 = arith.index_cast %get3A_837 : i32 to index
      %get3A_839 = arith.constant 16 : index
      %get3A_840 = tpu.vector_load %arg10[%get3A_838, %get3A_839] {strides = array<i32>} : memref<6x80xi32, #tpu.memory_space<vmem>>, vector<16xi32>,
      tpu.vector_store_idx %arg9[%get3A_840], %broadcast_in_dim3A_12 {add = true} : memref<10000xf32, #tpu.memory_space<vmem>>[vector<16xi32>], vector<16xf32>,
      %get3A_841 = arith.constant 5 : i32
      %get3A_842 = arith.index_cast %get3A_841 : i32 to index
      %get3A_843 = arith.constant 32 : index
      %get3A_844 = tpu.vector_load %arg10[%get3A_842, %get3A_843] {strides = array<i32>} : memref<6x80xi32, #tpu.memory_space<vmem>>, vector<16xi32>,
      tpu.vector_store_idx %arg9[%get3A_844], %broadcast_in_dim3A_12 {add = true} : memref<10000xf32, #tpu.memory_space<vmem>>[vector<16xi32>], vector<16xf32>,
      %get3A_845 = arith.constant 5 : i32
      %get3A_846 = arith.index_cast %get3A_845 : i32 to index
      %get3A_847 = arith.constant 48 : index
      %get3A_848 = tpu.vector_load %arg10[%get3A_846, %get3A_847] {strides = array<i32>} : memref<6x80xi32, #tpu.memory_space<vmem>>, vector<16xi32>,
      tpu.vector_store_idx %arg9[%get3A_848], %broadcast_in_dim3A_12 {add = true} : memref<10000xf32, #tpu.memory_space<vmem>>[vector<16xi32>], vector<16xf32>,
      %get3A_849 = arith.constant 5 : i32
      %get3A_850 = arith.index_cast %get3A_849 : i32 to index
      %get3A_851 = arith.constant 64 : index
      %get3A_852 = tpu.vector_load %arg10[%get3A_850, %get3A_851] {strides = array<i32>} : memref<6x80xi32, #tpu.memory_space<vmem>>, vector<16xi32>,
      tpu.vector_store_idx %arg9[%get3A_852], %broadcast_in_dim3A_12 {add = true} : memref<10000xf32, #tpu.memory_space<vmem>>[vector<16xi32>], vector<16xf32>,
      %add3A_853 = arith.constant 4 : i32
      %add3A_854 = arith.addi %add3A_468, %add3A_853 : i32
      %dma_wait3A_855 = arith.constant 4 : i32
      %dma_wait3A_856 = arith.constant 0 : i32
      %dma_wait3A_857 = tpu.memref_slice %arg10[%dma_wait3A_855, %dma_wait3A_856] : memref<6x80xi32, #tpu.memory_space<vmem>> -> memref<1x80xi32, #tpu.memory_space<vmem>>
      %dma_wait3A_858 = tpu.memref_squeeze %dma_wait3A_857 : memref<1x80xi32, #tpu.memory_space<vmem>> -> memref<80xi32, #tpu.memory_space<vmem>>
      %dma_wait3A_859 = arith.constant 0 : i32
      %dma_wait3A_860 = arith.constant 0 : i32
      %dma_wait3A_861 = tpu.memref_slice %arg8[%dma_wait3A_859, %dma_wait3A_860] : memref<10000x128xf32, #tpu.memory_space<vmem_shared>> -> memref<10000x128xf32, #tpu.memory_space<vmem_shared>>
      tpu.wait_indirect_dma semaphore(%arg25 : memref<!tpu.dma_semaphore, #tpu.memory_space<semaphore_mem>>) src(%arg21 : memref<80x128xf32, #tpu.memory_space<vmem>>) dst(%dma_wait3A_861 : memref<10000x128xf32, #tpu.memory_space<vmem_shared>>)
      %add3A_862 = arith.constant 1 : i32
      %add3A_863 = arith.addi %add3A_854, %add3A_862 : i32
      %mul3A_864 = arith.constant 80 : i32
      %mul3A_865 = arith.muli %add3A_863, %mul3A_864 : i32
      %add3A_866 = arith.addi %mul3A_4, %mul3A_865 : i32
      %dma_wait3A_867 = arith.constant 1 : i32
      %dma_wait3A_868 = arith.constant 0 : i32
      %dma_wait3A_869 = tpu.memref_slice %arg23[%dma_wait3A_867, %dma_wait3A_868] : memref<6x80xi32, #tpu.memory_space<vmem>> -> memref<1x80xi32, #tpu.memory_space<vmem>>
      %dma_wait3A_870 = tpu.memref_squeeze %dma_wait3A_869 : memref<1x80xi32, #tpu.memory_space<vmem>> -> memref<80xi32, #tpu.memory_space<vmem>>
      %dma_wait3A_871 = tpu.memref_slice %arg3[%add3A_866] : memref<320000xi32, #tpu.memory_space<hbm>> -> memref<80xi32, #tpu.memory_space<hbm>>
      %dma_wait3A_872 = arith.constant 0 : i32
      %dma_wait3A_873 = tpu.memref_slice %arg23[%dma_wait3A_867, %dma_wait3A_872] : memref<6x80xi32, #tpu.memory_space<vmem>> -> memref<1x80xi32, #tpu.memory_space<vmem>>
      %dma_wait3A_874 = tpu.memref_squeeze %dma_wait3A_873 : memref<1x80xi32, #tpu.memory_space<vmem>> -> memref<80xi32, #tpu.memory_space<vmem>>
      %dma_wait3A_875 = tpu.memref_slice %arg3[%add3A_866] : memref<320000xi32, #tpu.memory_space<hbm>> -> memref<80xi32, #tpu.memory_space<hbm>>
      tpu.wait_dma2 semaphore(%arg15 : memref<!tpu.dma_semaphore, #tpu.memory_space<semaphore_mem>>) src(%dma_wait3A_875 : memref<80xi32, #tpu.memory_space<hbm>>) dst(%dma_wait3A_874 : memref<80xi32, #tpu.memory_space<vmem>>)
      %dma_wait3A_876 = arith.constant 1 : i32
      %dma_wait3A_877 = arith.constant 0 : i32
      %dma_wait3A_878 = tpu.memref_slice %arg10[%dma_wait3A_876, %dma_wait3A_877] : memref<6x80xi32, #tpu.memory_space<vmem>> -> memref<1x80xi32, #tpu.memory_space<vmem>>
      %dma_wait3A_879 = tpu.memref_squeeze %dma_wait3A_878 : memref<1x80xi32, #tpu.memory_space<vmem>> -> memref<80xi32, #tpu.memory_space<vmem>>
      %dma_wait3A_880 = tpu.memref_slice %arg4[%add3A_866] : memref<320000xi32, #tpu.memory_space<hbm>> -> memref<80xi32, #tpu.memory_space<hbm>>
      %dma_wait3A_881 = arith.constant 0 : i32
      %dma_wait3A_882 = tpu.memref_slice %arg10[%dma_wait3A_876, %dma_wait3A_881] : memref<6x80xi32, #tpu.memory_space<vmem>> -> memref<1x80xi32, #tpu.memory_space<vmem>>
      %dma_wait3A_883 = tpu.memref_squeeze %dma_wait3A_882 : memref<1x80xi32, #tpu.memory_space<vmem>> -> memref<80xi32, #tpu.memory_space<vmem>>
      %dma_wait3A_884 = tpu.memref_slice %arg4[%add3A_866] : memref<320000xi32, #tpu.memory_space<hbm>> -> memref<80xi32, #tpu.memory_space<hbm>>
      tpu.wait_dma2 semaphore(%arg15 : memref<!tpu.dma_semaphore, #tpu.memory_space<semaphore_mem>>) src(%dma_wait3A_884 : memref<80xi32, #tpu.memory_space<hbm>>) dst(%dma_wait3A_883 : memref<80xi32, #tpu.memory_space<vmem>>)
      %dma_start3A_885 = arith.constant 1 : i32
      %dma_start3A_886 = arith.constant 0 : i32
      %dma_start3A_887 = tpu.memref_slice %arg23[%dma_start3A_885, %dma_start3A_886] : memref<6x80xi32, #tpu.memory_space<vmem>> -> memref<1x80xi32, #tpu.memory_space<vmem>>
      %dma_start3A_888 = tpu.memref_squeeze %dma_start3A_887 : memref<1x80xi32, #tpu.memory_space<vmem>> -> memref<80xi32, #tpu.memory_space<vmem>>
      %dma_start3A_889 = arith.constant 0 : i32
      %dma_start3A_890 = arith.constant 0 : i32
      %dma_start3A_891 = tpu.memref_slice %arg2[%dma_start3A_889, %dma_start3A_890] : memref<10000x128xf32, #tpu.memory_space<hbm>> -> memref<10000x128xf32, #tpu.memory_space<hbm>>
      tpu.enqueue_indirect_dma source(%dma_start3A_891 : memref<10000x128xf32, #tpu.memory_space<hbm>>) target(%arg21 : memref<80x128xf32, #tpu.memory_space<vmem>>) offsets(%dma_start3A_888 : memref<80xi32, #tpu.memory_space<vmem>>) semaphore(%arg12 : memref<!tpu.dma_semaphore, #tpu.memory_space<semaphore_mem>>)
      %add3A_892 = arith.constant 2 : i32
      %add3A_893 = arith.addi %add3A_854, %add3A_892 : i32
      %mul3A_894 = arith.constant 80 : i32
      %mul3A_895 = arith.muli %add3A_893, %mul3A_894 : i32
      %add3A_896 = arith.addi %mul3A_4, %mul3A_895 : i32
      %dma_start3A_897 = arith.constant 2 : i32
      %dma_start3A_898 = arith.constant 0 : i32
      %dma_start3A_899 = tpu.memref_slice %arg23[%dma_start3A_897, %dma_start3A_898] : memref<6x80xi32, #tpu.memory_space<vmem>> -> memref<1x80xi32, #tpu.memory_space<vmem>>
      %dma_start3A_900 = tpu.memref_squeeze %dma_start3A_899 : memref<1x80xi32, #tpu.memory_space<vmem>> -> memref<80xi32, #tpu.memory_space<vmem>>
      %dma_start3A_901 = tpu.memref_slice %arg3[%add3A_896] : memref<320000xi32, #tpu.memory_space<hbm>> -> memref<80xi32, #tpu.memory_space<hbm>>
      %dma_start3A_902 = arith.constant 0 : i32
      %dma_start3A_903 = tpu.memref_slice %arg23[%dma_start3A_897, %dma_start3A_902] : memref<6x80xi32, #tpu.memory_space<vmem>> -> memref<1x80xi32, #tpu.memory_space<vmem>>
      %dma_start3A_904 = tpu.memref_squeeze %dma_start3A_903 : memref<1x80xi32, #tpu.memory_space<vmem>> -> memref<80xi32, #tpu.memory_space<vmem>>
      %dma_start3A_905 = tpu.memref_slice %arg3[%add3A_896] : memref<320000xi32, #tpu.memory_space<hbm>> -> memref<80xi32, #tpu.memory_space<hbm>>
      tpu.enqueue_dma source(%dma_start3A_905 : memref<80xi32, #tpu.memory_space<hbm>>) target(%dma_start3A_904 : memref<80xi32, #tpu.memory_space<vmem>>) target_semaphore(%arg16 : memref<!tpu.dma_semaphore, #tpu.memory_space<semaphore_mem>>)
      %dma_start3A_906 = arith.constant 2 : i32
      %dma_start3A_907 = arith.constant 0 : i32
      %dma_start3A_908 = tpu.memref_slice %arg10[%dma_start3A_906, %dma_start3A_907] : memref<6x80xi32, #tpu.memory_space<vmem>> -> memref<1x80xi32, #tpu.memory_space<vmem>>
      %dma_start3A_909 = tpu.memref_squeeze %dma_start3A_908 : memref<1x80xi32, #tpu.memory_space<vmem>> -> memref<80xi32, #tpu.memory_space<vmem>>
      %dma_start3A_910 = tpu.memref_slice %arg4[%add3A_896] : memref<320000xi32, #tpu.memory_space<hbm>> -> memref<80xi32, #tpu.memory_space<hbm>>
      %dma_start3A_911 = arith.constant 0 : i32
      %dma_start3A_912 = tpu.memref_slice %arg10[%dma_start3A_906, %dma_start3A_911] : memref<6x80xi32, #tpu.memory_space<vmem>> -> memref<1x80xi32, #tpu.memory_space<vmem>>
      %dma_start3A_913 = tpu.memref_squeeze %dma_start3A_912 : memref<1x80xi32, #tpu.memory_space<vmem>> -> memref<80xi32, #tpu.memory_space<vmem>>
      %dma_start3A_914 = tpu.memref_slice %arg4[%add3A_896] : memref<320000xi32, #tpu.memory_space<hbm>> -> memref<80xi32, #tpu.memory_space<hbm>>
      tpu.enqueue_dma source(%dma_start3A_914 : memref<80xi32, #tpu.memory_space<hbm>>) target(%dma_start3A_913 : memref<80xi32, #tpu.memory_space<vmem>>) target_semaphore(%arg16 : memref<!tpu.dma_semaphore, #tpu.memory_space<semaphore_mem>>)
      %dma_wait3A_915 = arith.constant 0 : i32
      %dma_wait3A_916 = arith.constant 0 : i32
      %dma_wait3A_917 = tpu.memref_slice %arg23[%dma_wait3A_915, %dma_wait3A_916] : memref<6x80xi32, #tpu.memory_space<vmem>> -> memref<1x80xi32, #tpu.memory_space<vmem>>
      %dma_wait3A_918 = tpu.memref_squeeze %dma_wait3A_917 : memref<1x80xi32, #tpu.memory_space<vmem>> -> memref<80xi32, #tpu.memory_space<vmem>>
      %dma_wait3A_919 = arith.constant 0 : i32
      %dma_wait3A_920 = arith.constant 0 : i32
      %dma_wait3A_921 = tpu.memref_slice %arg2[%dma_wait3A_919, %dma_wait3A_920] : memref<10000x128xf32, #tpu.memory_space<hbm>> -> memref<10000x128xf32, #tpu.memory_space<hbm>>
      tpu.wait_indirect_dma semaphore(%arg11 : memref<!tpu.dma_semaphore, #tpu.memory_space<semaphore_mem>>) src(%dma_wait3A_921 : memref<10000x128xf32, #tpu.memory_space<hbm>>) dst(%arg20 : memref<80x128xf32, #tpu.memory_space<vmem>>)
      %dma_start3A_922 = arith.constant 0 : i32
      %dma_start3A_923 = arith.constant 0 : i32
      %dma_start3A_924 = tpu.memref_slice %arg10[%dma_start3A_922, %dma_start3A_923] : memref<6x80xi32, #tpu.memory_space<vmem>> -> memref<1x80xi32, #tpu.memory_space<vmem>>
      %dma_start3A_925 = tpu.memref_squeeze %dma_start3A_924 : memref<1x80xi32, #tpu.memory_space<vmem>> -> memref<80xi32, #tpu.memory_space<vmem>>
      %dma_start3A_926 = arith.constant 0 : i32
      %dma_start3A_927 = arith.constant 0 : i32
      %dma_start3A_928 = tpu.memref_slice %arg8[%dma_start3A_926, %dma_start3A_927] : memref<10000x128xf32, #tpu.memory_space<vmem_shared>> -> memref<10000x128xf32, #tpu.memory_space<vmem_shared>>
      tpu.enqueue_indirect_dma source(%arg20 : memref<80x128xf32, #tpu.memory_space<vmem>>) target(%dma_start3A_928 : memref<10000x128xf32, #tpu.memory_space<vmem_shared>>) offsets(%dma_start3A_925 : memref<80xi32, #tpu.memory_space<vmem>>) semaphore(%arg24 : memref<!tpu.dma_semaphore, #tpu.memory_space<semaphore_mem>>) {add = true}
      %get3A_929 = arith.constant 0 : i32
      %get3A_930 = arith.index_cast %get3A_929 : i32 to index
      %get3A_931 = arith.constant 0 : index
      %get3A_932 = tpu.vector_load %arg10[%get3A_930, %get3A_931] {strides = array<i32>} : memref<6x80xi32, #tpu.memory_space<vmem>>, vector<16xi32>,
      tpu.vector_store_idx %arg9[%get3A_932], %broadcast_in_dim3A_12 {add = true} : memref<10000xf32, #tpu.memory_space<vmem>>[vector<16xi32>], vector<16xf32>,
      %get3A_933 = arith.constant 0 : i32
      %get3A_934 = arith.index_cast %get3A_933 : i32 to index
      %get3A_935 = arith.constant 16 : index
      %get3A_936 = tpu.vector_load %arg10[%get3A_934, %get3A_935] {strides = array<i32>} : memref<6x80xi32, #tpu.memory_space<vmem>>, vector<16xi32>,
      tpu.vector_store_idx %arg9[%get3A_936], %broadcast_in_dim3A_12 {add = true} : memref<10000xf32, #tpu.memory_space<vmem>>[vector<16xi32>], vector<16xf32>,
      %get3A_937 = arith.constant 0 : i32
      %get3A_938 = arith.index_cast %get3A_937 : i32 to index
      %get3A_939 = arith.constant 32 : index
      %get3A_940 = tpu.vector_load %arg10[%get3A_938, %get3A_939] {strides = array<i32>} : memref<6x80xi32, #tpu.memory_space<vmem>>, vector<16xi32>,
      tpu.vector_store_idx %arg9[%get3A_940], %broadcast_in_dim3A_12 {add = true} : memref<10000xf32, #tpu.memory_space<vmem>>[vector<16xi32>], vector<16xf32>,
      %get3A_941 = arith.constant 0 : i32
      %get3A_942 = arith.index_cast %get3A_941 : i32 to index
      %get3A_943 = arith.constant 48 : index
      %get3A_944 = tpu.vector_load %arg10[%get3A_942, %get3A_943] {strides = array<i32>} : memref<6x80xi32, #tpu.memory_space<vmem>>, vector<16xi32>,
      tpu.vector_store_idx %arg9[%get3A_944], %broadcast_in_dim3A_12 {add = true} : memref<10000xf32, #tpu.memory_space<vmem>>[vector<16xi32>], vector<16xf32>,
      %get3A_945 = arith.constant 0 : i32
      %get3A_946 = arith.index_cast %get3A_945 : i32 to index
      %get3A_947 = arith.constant 64 : index
      %get3A_948 = tpu.vector_load %arg10[%get3A_946, %get3A_947] {strides = array<i32>} : memref<6x80xi32, #tpu.memory_space<vmem>>, vector<16xi32>,
      tpu.vector_store_idx %arg9[%get3A_948], %broadcast_in_dim3A_12 {add = true} : memref<10000xf32, #tpu.memory_space<vmem>>[vector<16xi32>], vector<16xf32>,
      %add3A_949 = arith.constant 5 : i32
      %add3A_950 = arith.addi %add3A_468, %add3A_949 : i32
      %dma_wait3A_951 = arith.constant 5 : i32
      %dma_wait3A_952 = arith.constant 0 : i32
      %dma_wait3A_953 = tpu.memref_slice %arg10[%dma_wait3A_951, %dma_wait3A_952] : memref<6x80xi32, #tpu.memory_space<vmem>> -> memref<1x80xi32, #tpu.memory_space<vmem>>
      %dma_wait3A_954 = tpu.memref_squeeze %dma_wait3A_953 : memref<1x80xi32, #tpu.memory_space<vmem>> -> memref<80xi32, #tpu.memory_space<vmem>>
      %dma_wait3A_955 = arith.constant 0 : i32
      %dma_wait3A_956 = arith.constant 0 : i32
      %dma_wait3A_957 = tpu.memref_slice %arg8[%dma_wait3A_955, %dma_wait3A_956] : memref<10000x128xf32, #tpu.memory_space<vmem_shared>> -> memref<10000x128xf32, #tpu.memory_space<vmem_shared>>
      tpu.wait_indirect_dma semaphore(%arg26 : memref<!tpu.dma_semaphore, #tpu.memory_space<semaphore_mem>>) src(%arg22 : memref<80x128xf32, #tpu.memory_space<vmem>>) dst(%dma_wait3A_957 : memref<10000x128xf32, #tpu.memory_space<vmem_shared>>)
      %add3A_958 = arith.constant 1 : i32
      %add3A_959 = arith.addi %add3A_950, %add3A_958 : i32
      %mul3A_960 = arith.constant 80 : i32
      %mul3A_961 = arith.muli %add3A_959, %mul3A_960 : i32
      %add3A_962 = arith.addi %mul3A_4, %mul3A_961 : i32
      %dma_wait3A_963 = arith.constant 2 : i32
      %dma_wait3A_964 = arith.constant 0 : i32
      %dma_wait3A_965 = tpu.memref_slice %arg23[%dma_wait3A_963, %dma_wait3A_964] : memref<6x80xi32, #tpu.memory_space<vmem>> -> memref<1x80xi32, #tpu.memory_space<vmem>>
      %dma_wait3A_966 = tpu.memref_squeeze %dma_wait3A_965 : memref<1x80xi32, #tpu.memory_space<vmem>> -> memref<80xi32, #tpu.memory_space<vmem>>
      %dma_wait3A_967 = tpu.memref_slice %arg3[%add3A_962] : memref<320000xi32, #tpu.memory_space<hbm>> -> memref<80xi32, #tpu.memory_space<hbm>>
      %dma_wait3A_968 = arith.constant 0 : i32
      %dma_wait3A_969 = tpu.memref_slice %arg23[%dma_wait3A_963, %dma_wait3A_968] : memref<6x80xi32, #tpu.memory_space<vmem>> -> memref<1x80xi32, #tpu.memory_space<vmem>>
      %dma_wait3A_970 = tpu.memref_squeeze %dma_wait3A_969 : memref<1x80xi32, #tpu.memory_space<vmem>> -> memref<80xi32, #tpu.memory_space<vmem>>
      %dma_wait3A_971 = tpu.memref_slice %arg3[%add3A_962] : memref<320000xi32, #tpu.memory_space<hbm>> -> memref<80xi32, #tpu.memory_space<hbm>>
      tpu.wait_dma2 semaphore(%arg16 : memref<!tpu.dma_semaphore, #tpu.memory_space<semaphore_mem>>) src(%dma_wait3A_971 : memref<80xi32, #tpu.memory_space<hbm>>) dst(%dma_wait3A_970 : memref<80xi32, #tpu.memory_space<vmem>>)
      %dma_wait3A_972 = arith.constant 2 : i32
      %dma_wait3A_973 = arith.constant 0 : i32
      %dma_wait3A_974 = tpu.memref_slice %arg10[%dma_wait3A_972, %dma_wait3A_973] : memref<6x80xi32, #tpu.memory_space<vmem>> -> memref<1x80xi32, #tpu.memory_space<vmem>>
      %dma_wait3A_975 = tpu.memref_squeeze %dma_wait3A_974 : memref<1x80xi32, #tpu.memory_space<vmem>> -> memref<80xi32, #tpu.memory_space<vmem>>
      %dma_wait3A_976 = tpu.memref_slice %arg4[%add3A_962] : memref<320000xi32, #tpu.memory_space<hbm>> -> memref<80xi32, #tpu.memory_space<hbm>>
      %dma_wait3A_977 = arith.constant 0 : i32
      %dma_wait3A_978 = tpu.memref_slice %arg10[%dma_wait3A_972, %dma_wait3A_977] : memref<6x80xi32, #tpu.memory_space<vmem>> -> memref<1x80xi32, #tpu.memory_space<vmem>>
      %dma_wait3A_979 = tpu.memref_squeeze %dma_wait3A_978 : memref<1x80xi32, #tpu.memory_space<vmem>> -> memref<80xi32, #tpu.memory_space<vmem>>
      %dma_wait3A_980 = tpu.memref_slice %arg4[%add3A_962] : memref<320000xi32, #tpu.memory_space<hbm>> -> memref<80xi32, #tpu.memory_space<hbm>>
      tpu.wait_dma2 semaphore(%arg16 : memref<!tpu.dma_semaphore, #tpu.memory_space<semaphore_mem>>) src(%dma_wait3A_980 : memref<80xi32, #tpu.memory_space<hbm>>) dst(%dma_wait3A_979 : memref<80xi32, #tpu.memory_space<vmem>>)
      %dma_start3A_981 = arith.constant 2 : i32
      %dma_start3A_982 = arith.constant 0 : i32
      %dma_start3A_983 = tpu.memref_slice %arg23[%dma_start3A_981, %dma_start3A_982] : memref<6x80xi32, #tpu.memory_space<vmem>> -> memref<1x80xi32, #tpu.memory_space<vmem>>
      %dma_start3A_984 = tpu.memref_squeeze %dma_start3A_983 : memref<1x80xi32, #tpu.memory_space<vmem>> -> memref<80xi32, #tpu.memory_space<vmem>>
      %dma_start3A_985 = arith.constant 0 : i32
      %dma_start3A_986 = arith.constant 0 : i32
      %dma_start3A_987 = tpu.memref_slice %arg2[%dma_start3A_985, %dma_start3A_986] : memref<10000x128xf32, #tpu.memory_space<hbm>> -> memref<10000x128xf32, #tpu.memory_space<hbm>>
      tpu.enqueue_indirect_dma source(%dma_start3A_987 : memref<10000x128xf32, #tpu.memory_space<hbm>>) target(%arg22 : memref<80x128xf32, #tpu.memory_space<vmem>>) offsets(%dma_start3A_984 : memref<80xi32, #tpu.memory_space<vmem>>) semaphore(%arg13 : memref<!tpu.dma_semaphore, #tpu.memory_space<semaphore_mem>>)
      %add3A_988 = arith.constant 2 : i32
      %add3A_989 = arith.addi %add3A_950, %add3A_988 : i32
      %mul3A_990 = arith.constant 80 : i32
      %mul3A_991 = arith.muli %add3A_989, %mul3A_990 : i32
      %add3A_992 = arith.addi %mul3A_4, %mul3A_991 : i32
      %dma_start3A_993 = arith.constant 3 : i32
      %dma_start3A_994 = arith.constant 0 : i32
      %dma_start3A_995 = tpu.memref_slice %arg23[%dma_start3A_993, %dma_start3A_994] : memref<6x80xi32, #tpu.memory_space<vmem>> -> memref<1x80xi32, #tpu.memory_space<vmem>>
      %dma_start3A_996 = tpu.memref_squeeze %dma_start3A_995 : memref<1x80xi32, #tpu.memory_space<vmem>> -> memref<80xi32, #tpu.memory_space<vmem>>
      %dma_start3A_997 = tpu.memref_slice %arg3[%add3A_992] : memref<320000xi32, #tpu.memory_space<hbm>> -> memref<80xi32, #tpu.memory_space<hbm>>
      %dma_start3A_998 = arith.constant 0 : i32
      %dma_start3A_999 = tpu.memref_slice %arg23[%dma_start3A_993, %dma_start3A_998] : memref<6x80xi32, #tpu.memory_space<vmem>> -> memref<1x80xi32, #tpu.memory_space<vmem>>
      %dma_start3A_1000 = tpu.memref_squeeze %dma_start3A_999 : memref<1x80xi32, #tpu.memory_space<vmem>> -> memref<80xi32, #tpu.memory_space<vmem>>
      %dma_start3A_1001 = tpu.memref_slice %arg3[%add3A_992] : memref<320000xi32, #tpu.memory_space<hbm>> -> memref<80xi32, #tpu.memory_space<hbm>>
      tpu.enqueue_dma source(%dma_start3A_1001 : memref<80xi32, #tpu.memory_space<hbm>>) target(%dma_start3A_1000 : memref<80xi32, #tpu.memory_space<vmem>>) target_semaphore(%arg17 : memref<!tpu.dma_semaphore, #tpu.memory_space<semaphore_mem>>)
      %dma_start3A_1002 = arith.constant 3 : i32
      %dma_start3A_1003 = arith.constant 0 : i32
      %dma_start3A_1004 = tpu.memref_slice %arg10[%dma_start3A_1002, %dma_start3A_1003] : memref<6x80xi32, #tpu.memory_space<vmem>> -> memref<1x80xi32, #tpu.memory_space<vmem>>
      %dma_start3A_1005 = tpu.memref_squeeze %dma_start3A_1004 : memref<1x80xi32, #tpu.memory_space<vmem>> -> memref<80xi32, #tpu.memory_space<vmem>>
      %dma_start3A_1006 = tpu.memref_slice %arg4[%add3A_992] : memref<320000xi32, #tpu.memory_space<hbm>> -> memref<80xi32, #tpu.memory_space<hbm>>
      %dma_start3A_1007 = arith.constant 0 : i32
      %dma_start3A_1008 = tpu.memref_slice %arg10[%dma_start3A_1002, %dma_start3A_1007] : memref<6x80xi32, #tpu.memory_space<vmem>> -> memref<1x80xi32, #tpu.memory_space<vmem>>
      %dma_start3A_1009 = tpu.memref_squeeze %dma_start3A_1008 : memref<1x80xi32, #tpu.memory_space<vmem>> -> memref<80xi32, #tpu.memory_space<vmem>>
      %dma_start3A_1010 = tpu.memref_slice %arg4[%add3A_992] : memref<320000xi32, #tpu.memory_space<hbm>> -> memref<80xi32, #tpu.memory_space<hbm>>
      tpu.enqueue_dma source(%dma_start3A_1010 : memref<80xi32, #tpu.memory_space<hbm>>) target(%dma_start3A_1009 : memref<80xi32, #tpu.memory_space<vmem>>) target_semaphore(%arg17 : memref<!tpu.dma_semaphore, #tpu.memory_space<semaphore_mem>>)
      %dma_wait3A_1011 = arith.constant 1 : i32
      %dma_wait3A_1012 = arith.constant 0 : i32
      %dma_wait3A_1013 = tpu.memref_slice %arg23[%dma_wait3A_1011, %dma_wait3A_1012] : memref<6x80xi32, #tpu.memory_space<vmem>> -> memref<1x80xi32, #tpu.memory_space<vmem>>
      %dma_wait3A_1014 = tpu.memref_squeeze %dma_wait3A_1013 : memref<1x80xi32, #tpu.memory_space<vmem>> -> memref<80xi32, #tpu.memory_space<vmem>>
      %dma_wait3A_1015 = arith.constant 0 : i32
      %dma_wait3A_1016 = arith.constant 0 : i32
      %dma_wait3A_1017 = tpu.memref_slice %arg2[%dma_wait3A_1015, %dma_wait3A_1016] : memref<10000x128xf32, #tpu.memory_space<hbm>> -> memref<10000x128xf32, #tpu.memory_space<hbm>>
      tpu.wait_indirect_dma semaphore(%arg12 : memref<!tpu.dma_semaphore, #tpu.memory_space<semaphore_mem>>) src(%dma_wait3A_1017 : memref<10000x128xf32, #tpu.memory_space<hbm>>) dst(%arg21 : memref<80x128xf32, #tpu.memory_space<vmem>>)
      %dma_start3A_1018 = arith.constant 1 : i32
      %dma_start3A_1019 = arith.constant 0 : i32
      %dma_start3A_1020 = tpu.memref_slice %arg10[%dma_start3A_1018, %dma_start3A_1019] : memref<6x80xi32, #tpu.memory_space<vmem>> -> memref<1x80xi32, #tpu.memory_space<vmem>>
      %dma_start3A_1021 = tpu.memref_squeeze %dma_start3A_1020 : memref<1x80xi32, #tpu.memory_space<vmem>> -> memref<80xi32, #tpu.memory_space<vmem>>
      %dma_start3A_1022 = arith.constant 0 : i32
      %dma_start3A_1023 = arith.constant 0 : i32
      %dma_start3A_1024 = tpu.memref_slice %arg8[%dma_start3A_1022, %dma_start3A_1023] : memref<10000x128xf32, #tpu.memory_space<vmem_shared>> -> memref<10000x128xf32, #tpu.memory_space<vmem_shared>>
      tpu.enqueue_indirect_dma source(%arg21 : memref<80x128xf32, #tpu.memory_space<vmem>>) target(%dma_start3A_1024 : memref<10000x128xf32, #tpu.memory_space<vmem_shared>>) offsets(%dma_start3A_1021 : memref<80xi32, #tpu.memory_space<vmem>>) semaphore(%arg25 : memref<!tpu.dma_semaphore, #tpu.memory_space<semaphore_mem>>) {add = true}
      %get3A_1025 = arith.constant 1 : i32
      %get3A_1026 = arith.index_cast %get3A_1025 : i32 to index
      %get3A_1027 = arith.constant 0 : index
      %get3A_1028 = tpu.vector_load %arg10[%get3A_1026, %get3A_1027] {strides = array<i32>} : memref<6x80xi32, #tpu.memory_space<vmem>>, vector<16xi32>,
      tpu.vector_store_idx %arg9[%get3A_1028], %broadcast_in_dim3A_12 {add = true} : memref<10000xf32, #tpu.memory_space<vmem>>[vector<16xi32>], vector<16xf32>,
      %get3A_1029 = arith.constant 1 : i32
      %get3A_1030 = arith.index_cast %get3A_1029 : i32 to index
      %get3A_1031 = arith.constant 16 : index
      %get3A_1032 = tpu.vector_load %arg10[%get3A_1030, %get3A_1031] {strides = array<i32>} : memref<6x80xi32, #tpu.memory_space<vmem>>, vector<16xi32>,
      tpu.vector_store_idx %arg9[%get3A_1032], %broadcast_in_dim3A_12 {add = true} : memref<10000xf32, #tpu.memory_space<vmem>>[vector<16xi32>], vector<16xf32>,
      %get3A_1033 = arith.constant 1 : i32
      %get3A_1034 = arith.index_cast %get3A_1033 : i32 to index
      %get3A_1035 = arith.constant 32 : index
      %get3A_1036 = tpu.vector_load %arg10[%get3A_1034, %get3A_1035] {strides = array<i32>} : memref<6x80xi32, #tpu.memory_space<vmem>>, vector<16xi32>,
      tpu.vector_store_idx %arg9[%get3A_1036], %broadcast_in_dim3A_12 {add = true} : memref<10000xf32, #tpu.memory_space<vmem>>[vector<16xi32>], vector<16xf32>,
      %get3A_1037 = arith.constant 1 : i32
      %get3A_1038 = arith.index_cast %get3A_1037 : i32 to index
      %get3A_1039 = arith.constant 48 : index
      %get3A_1040 = tpu.vector_load %arg10[%get3A_1038, %get3A_1039] {strides = array<i32>} : memref<6x80xi32, #tpu.memory_space<vmem>>, vector<16xi32>,
      tpu.vector_store_idx %arg9[%get3A_1040], %broadcast_in_dim3A_12 {add = true} : memref<10000xf32, #tpu.memory_space<vmem>>[vector<16xi32>], vector<16xf32>,
      %get3A_1041 = arith.constant 1 : i32
      %get3A_1042 = arith.index_cast %get3A_1041 : i32 to index
      %get3A_1043 = arith.constant 64 : index
      %get3A_1044 = tpu.vector_load %arg10[%get3A_1042, %get3A_1043] {strides = array<i32>} : memref<6x80xi32, #tpu.memory_space<vmem>>, vector<16xi32>,
      tpu.vector_store_idx %arg9[%get3A_1044], %broadcast_in_dim3A_12 {add = true} : memref<10000xf32, #tpu.memory_space<vmem>>[vector<16xi32>], vector<16xf32>,
    }
    %scan3A_244 = arith.constant 20 : i32
    %dma_wait3A_245 = arith.constant 0 : i32
    %dma_wait3A_246 = arith.constant 0 : i32
    %dma_wait3A_247 = tpu.memref_slice %arg10[%dma_wait3A_245, %dma_wait3A_246] : memref<6x80xi32, #tpu.memory_space<vmem>> -> memref<1x80xi32, #tpu.memory_space<vmem>>
    %dma_wait3A_248 = tpu.memref_squeeze %dma_wait3A_247 : memref<1x80xi32, #tpu.memory_space<vmem>> -> memref<80xi32, #tpu.memory_space<vmem>>
    %dma_wait3A_249 = arith.constant 0 : i32
    %dma_wait3A_250 = arith.constant 0 : i32
    %dma_wait3A_251 = tpu.memref_slice %arg8[%dma_wait3A_249, %dma_wait3A_250] : memref<10000x128xf32, #tpu.memory_space<vmem_shared>> -> memref<10000x128xf32, #tpu.memory_space<vmem_shared>>
    tpu.wait_indirect_dma semaphore(%arg24 : memref<!tpu.dma_semaphore, #tpu.memory_space<semaphore_mem>>) src(%arg20 : memref<80x128xf32, #tpu.memory_space<vmem>>) dst(%dma_wait3A_251 : memref<10000x128xf32, #tpu.memory_space<vmem_shared>>)
    %add3A_252 = arith.constant 9840 : i32
    %add3A_253 = arith.addi %mul3A_4, %add3A_252 : i32
    %dma_wait3A_254 = arith.constant 3 : i32
    %dma_wait3A_255 = arith.constant 0 : i32
    %dma_wait3A_256 = tpu.memref_slice %arg23[%dma_wait3A_254, %dma_wait3A_255] : memref<6x80xi32, #tpu.memory_space<vmem>> -> memref<1x80xi32, #tpu.memory_space<vmem>>
    %dma_wait3A_257 = tpu.memref_squeeze %dma_wait3A_256 : memref<1x80xi32, #tpu.memory_space<vmem>> -> memref<80xi32, #tpu.memory_space<vmem>>
    %dma_wait3A_258 = tpu.memref_slice %arg3[%add3A_253] : memref<320000xi32, #tpu.memory_space<hbm>> -> memref<80xi32, #tpu.memory_space<hbm>>
    %dma_wait3A_259 = arith.constant 0 : i32
    %dma_wait3A_260 = tpu.memref_slice %arg23[%dma_wait3A_254, %dma_wait3A_259] : memref<6x80xi32, #tpu.memory_space<vmem>> -> memref<1x80xi32, #tpu.memory_space<vmem>>
    %dma_wait3A_261 = tpu.memref_squeeze %dma_wait3A_260 : memref<1x80xi32, #tpu.memory_space<vmem>> -> memref<80xi32, #tpu.memory_space<vmem>>
    %dma_wait3A_262 = tpu.memref_slice %arg3[%add3A_253] : memref<320000xi32, #tpu.memory_space<hbm>> -> memref<80xi32, #tpu.memory_space<hbm>>
    tpu.wait_dma2 semaphore(%arg17 : memref<!tpu.dma_semaphore, #tpu.memory_space<semaphore_mem>>) src(%dma_wait3A_262 : memref<80xi32, #tpu.memory_space<hbm>>) dst(%dma_wait3A_261 : memref<80xi32, #tpu.memory_space<vmem>>)
    %dma_wait3A_263 = arith.constant 3 : i32
    %dma_wait3A_264 = arith.constant 0 : i32
    %dma_wait3A_265 = tpu.memref_slice %arg10[%dma_wait3A_263, %dma_wait3A_264] : memref<6x80xi32, #tpu.memory_space<vmem>> -> memref<1x80xi32, #tpu.memory_space<vmem>>
    %dma_wait3A_266 = tpu.memref_squeeze %dma_wait3A_265 : memref<1x80xi32, #tpu.memory_space<vmem>> -> memref<80xi32, #tpu.memory_space<vmem>>
    %dma_wait3A_267 = tpu.memref_slice %arg4[%add3A_253] : memref<320000xi32, #tpu.memory_space<hbm>> -> memref<80xi32, #tpu.memory_space<hbm>>
    %dma_wait3A_268 = arith.constant 0 : i32
    %dma_wait3A_269 = tpu.memref_slice %arg10[%dma_wait3A_263, %dma_wait3A_268] : memref<6x80xi32, #tpu.memory_space<vmem>> -> memref<1x80xi32, #tpu.memory_space<vmem>>
    %dma_wait3A_270 = tpu.memref_squeeze %dma_wait3A_269 : memref<1x80xi32, #tpu.memory_space<vmem>> -> memref<80xi32, #tpu.memory_space<vmem>>
    %dma_wait3A_271 = tpu.memref_slice %arg4[%add3A_253] : memref<320000xi32, #tpu.memory_space<hbm>> -> memref<80xi32, #tpu.memory_space<hbm>>
    tpu.wait_dma2 semaphore(%arg17 : memref<!tpu.dma_semaphore, #tpu.memory_space<semaphore_mem>>) src(%dma_wait3A_271 : memref<80xi32, #tpu.memory_space<hbm>>) dst(%dma_wait3A_270 : memref<80xi32, #tpu.memory_space<vmem>>)
    %dma_start3A_272 = arith.constant 3 : i32
    %dma_start3A_273 = arith.constant 0 : i32
    %dma_start3A_274 = tpu.memref_slice %arg23[%dma_start3A_272, %dma_start3A_273] : memref<6x80xi32, #tpu.memory_space<vmem>> -> memref<1x80xi32, #tpu.memory_space<vmem>>
    %dma_start3A_275 = tpu.memref_squeeze %dma_start3A_274 : memref<1x80xi32, #tpu.memory_space<vmem>> -> memref<80xi32, #tpu.memory_space<vmem>>
    %dma_start3A_276 = arith.constant 0 : i32
    %dma_start3A_277 = arith.constant 0 : i32
    %dma_start3A_278 = tpu.memref_slice %arg2[%dma_start3A_276, %dma_start3A_277] : memref<10000x128xf32, #tpu.memory_space<hbm>> -> memref<10000x128xf32, #tpu.memory_space<hbm>>
    tpu.enqueue_indirect_dma source(%dma_start3A_278 : memref<10000x128xf32, #tpu.memory_space<hbm>>) target(%arg20 : memref<80x128xf32, #tpu.memory_space<vmem>>) offsets(%dma_start3A_275 : memref<80xi32, #tpu.memory_space<vmem>>) semaphore(%arg11 : memref<!tpu.dma_semaphore, #tpu.memory_space<semaphore_mem>>)
    %add3A_279 = arith.constant 9920 : i32
    %add3A_280 = arith.addi %mul3A_4, %add3A_279 : i32
    %dma_start3A_281 = arith.constant 4 : i32
    %dma_start3A_282 = arith.constant 0 : i32
    %dma_start3A_283 = tpu.memref_slice %arg23[%dma_start3A_281, %dma_start3A_282] : memref<6x80xi32, #tpu.memory_space<vmem>> -> memref<1x80xi32, #tpu.memory_space<vmem>>
    %dma_start3A_284 = tpu.memref_squeeze %dma_start3A_283 : memref<1x80xi32, #tpu.memory_space<vmem>> -> memref<80xi32, #tpu.memory_space<vmem>>
    %dma_start3A_285 = tpu.memref_slice %arg3[%add3A_280] : memref<320000xi32, #tpu.memory_space<hbm>> -> memref<80xi32, #tpu.memory_space<hbm>>
    %dma_start3A_286 = arith.constant 0 : i32
    %dma_start3A_287 = tpu.memref_slice %arg23[%dma_start3A_281, %dma_start3A_286] : memref<6x80xi32, #tpu.memory_space<vmem>> -> memref<1x80xi32, #tpu.memory_space<vmem>>
    %dma_start3A_288 = tpu.memref_squeeze %dma_start3A_287 : memref<1x80xi32, #tpu.memory_space<vmem>> -> memref<80xi32, #tpu.memory_space<vmem>>
    %dma_start3A_289 = tpu.memref_slice %arg3[%add3A_280] : memref<320000xi32, #tpu.memory_space<hbm>> -> memref<80xi32, #tpu.memory_space<hbm>>
    tpu.enqueue_dma source(%dma_start3A_289 : memref<80xi32, #tpu.memory_space<hbm>>) target(%dma_start3A_288 : memref<80xi32, #tpu.memory_space<vmem>>) target_semaphore(%arg18 : memref<!tpu.dma_semaphore, #tpu.memory_space<semaphore_mem>>)
    %dma_start3A_290 = arith.constant 4 : i32
    %dma_start3A_291 = arith.constant 0 : i32
    %dma_start3A_292 = tpu.memref_slice %arg10[%dma_start3A_290, %dma_start3A_291] : memref<6x80xi32, #tpu.memory_space<vmem>> -> memref<1x80xi32, #tpu.memory_space<vmem>>
    %dma_start3A_293 = tpu.memref_squeeze %dma_start3A_292 : memref<1x80xi32, #tpu.memory_space<vmem>> -> memref<80xi32, #tpu.memory_space<vmem>>
    %dma_start3A_294 = tpu.memref_slice %arg4[%add3A_280] : memref<320000xi32, #tpu.memory_space<hbm>> -> memref<80xi32, #tpu.memory_space<hbm>>
    %dma_start3A_295 = arith.constant 0 : i32
    %dma_start3A_296 = tpu.memref_slice %arg10[%dma_start3A_290, %dma_start3A_295] : memref<6x80xi32, #tpu.memory_space<vmem>> -> memref<1x80xi32, #tpu.memory_space<vmem>>
    %dma_start3A_297 = tpu.memref_squeeze %dma_start3A_296 : memref<1x80xi32, #tpu.memory_space<vmem>> -> memref<80xi32, #tpu.memory_space<vmem>>
    %dma_start3A_298 = tpu.memref_slice %arg4[%add3A_280] : memref<320000xi32, #tpu.memory_space<hbm>> -> memref<80xi32, #tpu.memory_space<hbm>>
    tpu.enqueue_dma source(%dma_start3A_298 : memref<80xi32, #tpu.memory_space<hbm>>) target(%dma_start3A_297 : memref<80xi32, #tpu.memory_space<vmem>>) target_semaphore(%arg18 : memref<!tpu.dma_semaphore, #tpu.memory_space<semaphore_mem>>)
    %dma_wait3A_299 = arith.constant 2 : i32
    %dma_wait3A_300 = arith.constant 0 : i32
    %dma_wait3A_301 = tpu.memref_slice %arg23[%dma_wait3A_299, %dma_wait3A_300] : memref<6x80xi32, #tpu.memory_space<vmem>> -> memref<1x80xi32, #tpu.memory_space<vmem>>
    %dma_wait3A_302 = tpu.memref_squeeze %dma_wait3A_301 : memref<1x80xi32, #tpu.memory_space<vmem>> -> memref<80xi32, #tpu.memory_space<vmem>>
    %dma_wait3A_303 = arith.constant 0 : i32
    %dma_wait3A_304 = arith.constant 0 : i32
    %dma_wait3A_305 = tpu.memref_slice %arg2[%dma_wait3A_303, %dma_wait3A_304] : memref<10000x128xf32, #tpu.memory_space<hbm>> -> memref<10000x128xf32, #tpu.memory_space<hbm>>
    tpu.wait_indirect_dma semaphore(%arg13 : memref<!tpu.dma_semaphore, #tpu.memory_space<semaphore_mem>>) src(%dma_wait3A_305 : memref<10000x128xf32, #tpu.memory_space<hbm>>) dst(%arg22 : memref<80x128xf32, #tpu.memory_space<vmem>>)
    %dma_start3A_306 = arith.constant 2 : i32
    %dma_start3A_307 = arith.constant 0 : i32
    %dma_start3A_308 = tpu.memref_slice %arg10[%dma_start3A_306, %dma_start3A_307] : memref<6x80xi32, #tpu.memory_space<vmem>> -> memref<1x80xi32, #tpu.memory_space<vmem>>
    %dma_start3A_309 = tpu.memref_squeeze %dma_start3A_308 : memref<1x80xi32, #tpu.memory_space<vmem>> -> memref<80xi32, #tpu.memory_space<vmem>>
    %dma_start3A_310 = arith.constant 0 : i32
    %dma_start3A_311 = arith.constant 0 : i32
    %dma_start3A_312 = tpu.memref_slice %arg8[%dma_start3A_310, %dma_start3A_311] : memref<10000x128xf32, #tpu.memory_space<vmem_shared>> -> memref<10000x128xf32, #tpu.memory_space<vmem_shared>>
    tpu.enqueue_indirect_dma source(%arg22 : memref<80x128xf32, #tpu.memory_space<vmem>>) target(%dma_start3A_312 : memref<10000x128xf32, #tpu.memory_space<vmem_shared>>) offsets(%dma_start3A_309 : memref<80xi32, #tpu.memory_space<vmem>>) semaphore(%arg26 : memref<!tpu.dma_semaphore, #tpu.memory_space<semaphore_mem>>) {add = true}
    %get3A_313 = arith.constant 2 : i32
    %get3A_314 = arith.index_cast %get3A_313 : i32 to index
    %get3A_315 = arith.constant 0 : index
    %get3A_316 = tpu.vector_load %arg10[%get3A_314, %get3A_315] {strides = array<i32>} : memref<6x80xi32, #tpu.memory_space<vmem>>, vector<16xi32>,
    tpu.vector_store_idx %arg9[%get3A_316], %broadcast_in_dim3A_12 {add = true} : memref<10000xf32, #tpu.memory_space<vmem>>[vector<16xi32>], vector<16xf32>,
    %get3A_317 = arith.constant 2 : i32
    %get3A_318 = arith.index_cast %get3A_317 : i32 to index
    %get3A_319 = arith.constant 16 : index
    %get3A_320 = tpu.vector_load %arg10[%get3A_318, %get3A_319] {strides = array<i32>} : memref<6x80xi32, #tpu.memory_space<vmem>>, vector<16xi32>,
    tpu.vector_store_idx %arg9[%get3A_320], %broadcast_in_dim3A_12 {add = true} : memref<10000xf32, #tpu.memory_space<vmem>>[vector<16xi32>], vector<16xf32>,
    %get3A_321 = arith.constant 2 : i32
    %get3A_322 = arith.index_cast %get3A_321 : i32 to index
    %get3A_323 = arith.constant 32 : index
    %get3A_324 = tpu.vector_load %arg10[%get3A_322, %get3A_323] {strides = array<i32>} : memref<6x80xi32, #tpu.memory_space<vmem>>, vector<16xi32>,
    tpu.vector_store_idx %arg9[%get3A_324], %broadcast_in_dim3A_12 {add = true} : memref<10000xf32, #tpu.memory_space<vmem>>[vector<16xi32>], vector<16xf32>,
    %get3A_325 = arith.constant 2 : i32
    %get3A_326 = arith.index_cast %get3A_325 : i32 to index
    %get3A_327 = arith.constant 48 : index
    %get3A_328 = tpu.vector_load %arg10[%get3A_326, %get3A_327] {strides = array<i32>} : memref<6x80xi32, #tpu.memory_space<vmem>>, vector<16xi32>,
    tpu.vector_store_idx %arg9[%get3A_328], %broadcast_in_dim3A_12 {add = true} : memref<10000xf32, #tpu.memory_space<vmem>>[vector<16xi32>], vector<16xf32>,
    %get3A_329 = arith.constant 2 : i32
    %get3A_330 = arith.index_cast %get3A_329 : i32 to index
    %get3A_331 = arith.constant 64 : index
    %get3A_332 = tpu.vector_load %arg10[%get3A_330, %get3A_331] {strides = array<i32>} : memref<6x80xi32, #tpu.memory_space<vmem>>, vector<16xi32>,
    tpu.vector_store_idx %arg9[%get3A_332], %broadcast_in_dim3A_12 {add = true} : memref<10000xf32, #tpu.memory_space<vmem>>[vector<16xi32>], vector<16xf32>,
    %dma_wait3A_333 = arith.constant 1 : i32
    %dma_wait3A_334 = arith.constant 0 : i32
    %dma_wait3A_335 = tpu.memref_slice %arg10[%dma_wait3A_333, %dma_wait3A_334] : memref<6x80xi32, #tpu.memory_space<vmem>> -> memref<1x80xi32, #tpu.memory_space<vmem>>
    %dma_wait3A_336 = tpu.memref_squeeze %dma_wait3A_335 : memref<1x80xi32, #tpu.memory_space<vmem>> -> memref<80xi32, #tpu.memory_space<vmem>>
    %dma_wait3A_337 = arith.constant 0 : i32
    %dma_wait3A_338 = arith.constant 0 : i32
    %dma_wait3A_339 = tpu.memref_slice %arg8[%dma_wait3A_337, %dma_wait3A_338] : memref<10000x128xf32, #tpu.memory_space<vmem_shared>> -> memref<10000x128xf32, #tpu.memory_space<vmem_shared>>
    tpu.wait_indirect_dma semaphore(%arg25 : memref<!tpu.dma_semaphore, #tpu.memory_space<semaphore_mem>>) src(%arg21 : memref<80x128xf32, #tpu.memory_space<vmem>>) dst(%dma_wait3A_339 : memref<10000x128xf32, #tpu.memory_space<vmem_shared>>)
    %add3A_340 = arith.constant 9920 : i32
    %add3A_341 = arith.addi %mul3A_4, %add3A_340 : i32
    %dma_wait3A_342 = arith.constant 4 : i32
    %dma_wait3A_343 = arith.constant 0 : i32
    %dma_wait3A_344 = tpu.memref_slice %arg23[%dma_wait3A_342, %dma_wait3A_343] : memref<6x80xi32, #tpu.memory_space<vmem>> -> memref<1x80xi32, #tpu.memory_space<vmem>>
    %dma_wait3A_345 = tpu.memref_squeeze %dma_wait3A_344 : memref<1x80xi32, #tpu.memory_space<vmem>> -> memref<80xi32, #tpu.memory_space<vmem>>
    %dma_wait3A_346 = tpu.memref_slice %arg3[%add3A_341] : memref<320000xi32, #tpu.memory_space<hbm>> -> memref<80xi32, #tpu.memory_space<hbm>>
    %dma_wait3A_347 = arith.constant 0 : i32
    %dma_wait3A_348 = tpu.memref_slice %arg23[%dma_wait3A_342, %dma_wait3A_347] : memref<6x80xi32, #tpu.memory_space<vmem>> -> memref<1x80xi32, #tpu.memory_space<vmem>>
    %dma_wait3A_349 = tpu.memref_squeeze %dma_wait3A_348 : memref<1x80xi32, #tpu.memory_space<vmem>> -> memref<80xi32, #tpu.memory_space<vmem>>
    %dma_wait3A_350 = tpu.memref_slice %arg3[%add3A_341] : memref<320000xi32, #tpu.memory_space<hbm>> -> memref<80xi32, #tpu.memory_space<hbm>>
    tpu.wait_dma2 semaphore(%arg18 : memref<!tpu.dma_semaphore, #tpu.memory_space<semaphore_mem>>) src(%dma_wait3A_350 : memref<80xi32, #tpu.memory_space<hbm>>) dst(%dma_wait3A_349 : memref<80xi32, #tpu.memory_space<vmem>>)
    %dma_wait3A_351 = arith.constant 4 : i32
    %dma_wait3A_352 = arith.constant 0 : i32
    %dma_wait3A_353 = tpu.memref_slice %arg10[%dma_wait3A_351, %dma_wait3A_352] : memref<6x80xi32, #tpu.memory_space<vmem>> -> memref<1x80xi32, #tpu.memory_space<vmem>>
    %dma_wait3A_354 = tpu.memref_squeeze %dma_wait3A_353 : memref<1x80xi32, #tpu.memory_space<vmem>> -> memref<80xi32, #tpu.memory_space<vmem>>
    %dma_wait3A_355 = tpu.memref_slice %arg4[%add3A_341] : memref<320000xi32, #tpu.memory_space<hbm>> -> memref<80xi32, #tpu.memory_space<hbm>>
    %dma_wait3A_356 = arith.constant 0 : i32
    %dma_wait3A_357 = tpu.memref_slice %arg10[%dma_wait3A_351, %dma_wait3A_356] : memref<6x80xi32, #tpu.memory_space<vmem>> -> memref<1x80xi32, #tpu.memory_space<vmem>>
    %dma_wait3A_358 = tpu.memref_squeeze %dma_wait3A_357 : memref<1x80xi32, #tpu.memory_space<vmem>> -> memref<80xi32, #tpu.memory_space<vmem>>
    %dma_wait3A_359 = tpu.memref_slice %arg4[%add3A_341] : memref<320000xi32, #tpu.memory_space<hbm>> -> memref<80xi32, #tpu.memory_space<hbm>>
    tpu.wait_dma2 semaphore(%arg18 : memref<!tpu.dma_semaphore, #tpu.memory_space<semaphore_mem>>) src(%dma_wait3A_359 : memref<80xi32, #tpu.memory_space<hbm>>) dst(%dma_wait3A_358 : memref<80xi32, #tpu.memory_space<vmem>>)
    %dma_start3A_360 = arith.constant 4 : i32
    %dma_start3A_361 = arith.constant 0 : i32
    %dma_start3A_362 = tpu.memref_slice %arg23[%dma_start3A_360, %dma_start3A_361] : memref<6x80xi32, #tpu.memory_space<vmem>> -> memref<1x80xi32, #tpu.memory_space<vmem>>
    %dma_start3A_363 = tpu.memref_squeeze %dma_start3A_362 : memref<1x80xi32, #tpu.memory_space<vmem>> -> memref<80xi32, #tpu.memory_space<vmem>>
    %dma_start3A_364 = arith.constant 0 : i32
    %dma_start3A_365 = arith.constant 0 : i32
    %dma_start3A_366 = tpu.memref_slice %arg2[%dma_start3A_364, %dma_start3A_365] : memref<10000x128xf32, #tpu.memory_space<hbm>> -> memref<10000x128xf32, #tpu.memory_space<hbm>>
    tpu.enqueue_indirect_dma source(%dma_start3A_366 : memref<10000x128xf32, #tpu.memory_space<hbm>>) target(%arg21 : memref<80x128xf32, #tpu.memory_space<vmem>>) offsets(%dma_start3A_363 : memref<80xi32, #tpu.memory_space<vmem>>) semaphore(%arg12 : memref<!tpu.dma_semaphore, #tpu.memory_space<semaphore_mem>>)
    %dma_wait3A_367 = arith.constant 3 : i32
    %dma_wait3A_368 = arith.constant 0 : i32
    %dma_wait3A_369 = tpu.memref_slice %arg23[%dma_wait3A_367, %dma_wait3A_368] : memref<6x80xi32, #tpu.memory_space<vmem>> -> memref<1x80xi32, #tpu.memory_space<vmem>>
    %dma_wait3A_370 = tpu.memref_squeeze %dma_wait3A_369 : memref<1x80xi32, #tpu.memory_space<vmem>> -> memref<80xi32, #tpu.memory_space<vmem>>
    %dma_wait3A_371 = arith.constant 0 : i32
    %dma_wait3A_372 = arith.constant 0 : i32
    %dma_wait3A_373 = tpu.memref_slice %arg2[%dma_wait3A_371, %dma_wait3A_372] : memref<10000x128xf32, #tpu.memory_space<hbm>> -> memref<10000x128xf32, #tpu.memory_space<hbm>>
    tpu.wait_indirect_dma semaphore(%arg11 : memref<!tpu.dma_semaphore, #tpu.memory_space<semaphore_mem>>) src(%dma_wait3A_373 : memref<10000x128xf32, #tpu.memory_space<hbm>>) dst(%arg20 : memref<80x128xf32, #tpu.memory_space<vmem>>)
    %dma_start3A_374 = arith.constant 3 : i32
    %dma_start3A_375 = arith.constant 0 : i32
    %dma_start3A_376 = tpu.memref_slice %arg10[%dma_start3A_374, %dma_start3A_375] : memref<6x80xi32, #tpu.memory_space<vmem>> -> memref<1x80xi32, #tpu.memory_space<vmem>>
    %dma_start3A_377 = tpu.memref_squeeze %dma_start3A_376 : memref<1x80xi32, #tpu.memory_space<vmem>> -> memref<80xi32, #tpu.memory_space<vmem>>
    %dma_start3A_378 = arith.constant 0 : i32
    %dma_start3A_379 = arith.constant 0 : i32
    %dma_start3A_380 = tpu.memref_slice %arg8[%dma_start3A_378, %dma_start3A_379] : memref<10000x128xf32, #tpu.memory_space<vmem_shared>> -> memref<10000x128xf32, #tpu.memory_space<vmem_shared>>
    tpu.enqueue_indirect_dma source(%arg20 : memref<80x128xf32, #tpu.memory_space<vmem>>) target(%dma_start3A_380 : memref<10000x128xf32, #tpu.memory_space<vmem_shared>>) offsets(%dma_start3A_377 : memref<80xi32, #tpu.memory_space<vmem>>) semaphore(%arg24 : memref<!tpu.dma_semaphore, #tpu.memory_space<semaphore_mem>>) {add = true}
    %get3A_381 = arith.constant 3 : i32
    %get3A_382 = arith.index_cast %get3A_381 : i32 to index
    %get3A_383 = arith.constant 0 : index
    %get3A_384 = tpu.vector_load %arg10[%get3A_382, %get3A_383] {strides = array<i32>} : memref<6x80xi32, #tpu.memory_space<vmem>>, vector<16xi32>,
    tpu.vector_store_idx %arg9[%get3A_384], %broadcast_in_dim3A_12 {add = true} : memref<10000xf32, #tpu.memory_space<vmem>>[vector<16xi32>], vector<16xf32>,
    %get3A_385 = arith.constant 3 : i32
    %get3A_386 = arith.index_cast %get3A_385 : i32 to index
    %get3A_387 = arith.constant 16 : index
    %get3A_388 = tpu.vector_load %arg10[%get3A_386, %get3A_387] {strides = array<i32>} : memref<6x80xi32, #tpu.memory_space<vmem>>, vector<16xi32>,
    tpu.vector_store_idx %arg9[%get3A_388], %broadcast_in_dim3A_12 {add = true} : memref<10000xf32, #tpu.memory_space<vmem>>[vector<16xi32>], vector<16xf32>,
    %get3A_389 = arith.constant 3 : i32
    %get3A_390 = arith.index_cast %get3A_389 : i32 to index
    %get3A_391 = arith.constant 32 : index
    %get3A_392 = tpu.vector_load %arg10[%get3A_390, %get3A_391] {strides = array<i32>} : memref<6x80xi32, #tpu.memory_space<vmem>>, vector<16xi32>,
    tpu.vector_store_idx %arg9[%get3A_392], %broadcast_in_dim3A_12 {add = true} : memref<10000xf32, #tpu.memory_space<vmem>>[vector<16xi32>], vector<16xf32>,
    %get3A_393 = arith.constant 3 : i32
    %get3A_394 = arith.index_cast %get3A_393 : i32 to index
    %get3A_395 = arith.constant 48 : index
    %get3A_396 = tpu.vector_load %arg10[%get3A_394, %get3A_395] {strides = array<i32>} : memref<6x80xi32, #tpu.memory_space<vmem>>, vector<16xi32>,
    tpu.vector_store_idx %arg9[%get3A_396], %broadcast_in_dim3A_12 {add = true} : memref<10000xf32, #tpu.memory_space<vmem>>[vector<16xi32>], vector<16xf32>,
    %get3A_397 = arith.constant 3 : i32
    %get3A_398 = arith.index_cast %get3A_397 : i32 to index
    %get3A_399 = arith.constant 64 : index
    %get3A_400 = tpu.vector_load %arg10[%get3A_398, %get3A_399] {strides = array<i32>} : memref<6x80xi32, #tpu.memory_space<vmem>>, vector<16xi32>,
    tpu.vector_store_idx %arg9[%get3A_400], %broadcast_in_dim3A_12 {add = true} : memref<10000xf32, #tpu.memory_space<vmem>>[vector<16xi32>], vector<16xf32>,
    %dma_wait3A_401 = arith.constant 2 : i32
    %dma_wait3A_402 = arith.constant 0 : i32
    %dma_wait3A_403 = tpu.memref_slice %arg10[%dma_wait3A_401, %dma_wait3A_402] : memref<6x80xi32, #tpu.memory_space<vmem>> -> memref<1x80xi32, #tpu.memory_space<vmem>>
    %dma_wait3A_404 = tpu.memref_squeeze %dma_wait3A_403 : memref<1x80xi32, #tpu.memory_space<vmem>> -> memref<80xi32, #tpu.memory_space<vmem>>
    %dma_wait3A_405 = arith.constant 0 : i32
    %dma_wait3A_406 = arith.constant 0 : i32
    %dma_wait3A_407 = tpu.memref_slice %arg8[%dma_wait3A_405, %dma_wait3A_406] : memref<10000x128xf32, #tpu.memory_space<vmem_shared>> -> memref<10000x128xf32, #tpu.memory_space<vmem_shared>>
    tpu.wait_indirect_dma semaphore(%arg26 : memref<!tpu.dma_semaphore, #tpu.memory_space<semaphore_mem>>) src(%arg22 : memref<80x128xf32, #tpu.memory_space<vmem>>) dst(%dma_wait3A_407 : memref<10000x128xf32, #tpu.memory_space<vmem_shared>>)
    %dma_wait3A_408 = arith.constant 4 : i32
    %dma_wait3A_409 = arith.constant 0 : i32
    %dma_wait3A_410 = tpu.memref_slice %arg23[%dma_wait3A_408, %dma_wait3A_409] : memref<6x80xi32, #tpu.memory_space<vmem>> -> memref<1x80xi32, #tpu.memory_space<vmem>>
    %dma_wait3A_411 = tpu.memref_squeeze %dma_wait3A_410 : memref<1x80xi32, #tpu.memory_space<vmem>> -> memref<80xi32, #tpu.memory_space<vmem>>
    %dma_wait3A_412 = arith.constant 0 : i32
    %dma_wait3A_413 = arith.constant 0 : i32
    %dma_wait3A_414 = tpu.memref_slice %arg2[%dma_wait3A_412, %dma_wait3A_413] : memref<10000x128xf32, #tpu.memory_space<hbm>> -> memref<10000x128xf32, #tpu.memory_space<hbm>>
    tpu.wait_indirect_dma semaphore(%arg12 : memref<!tpu.dma_semaphore, #tpu.memory_space<semaphore_mem>>) src(%dma_wait3A_414 : memref<10000x128xf32, #tpu.memory_space<hbm>>) dst(%arg21 : memref<80x128xf32, #tpu.memory_space<vmem>>)
    %dma_start3A_415 = arith.constant 4 : i32
    %dma_start3A_416 = arith.constant 0 : i32
    %dma_start3A_417 = tpu.memref_slice %arg10[%dma_start3A_415, %dma_start3A_416] : memref<6x80xi32, #tpu.memory_space<vmem>> -> memref<1x80xi32, #tpu.memory_space<vmem>>
    %dma_start3A_418 = tpu.memref_squeeze %dma_start3A_417 : memref<1x80xi32, #tpu.memory_space<vmem>> -> memref<80xi32, #tpu.memory_space<vmem>>
    %dma_start3A_419 = arith.constant 0 : i32
    %dma_start3A_420 = arith.constant 0 : i32
    %dma_start3A_421 = tpu.memref_slice %arg8[%dma_start3A_419, %dma_start3A_420] : memref<10000x128xf32, #tpu.memory_space<vmem_shared>> -> memref<10000x128xf32, #tpu.memory_space<vmem_shared>>
    tpu.enqueue_indirect_dma source(%arg21 : memref<80x128xf32, #tpu.memory_space<vmem>>) target(%dma_start3A_421 : memref<10000x128xf32, #tpu.memory_space<vmem_shared>>) offsets(%dma_start3A_418 : memref<80xi32, #tpu.memory_space<vmem>>) semaphore(%arg25 : memref<!tpu.dma_semaphore, #tpu.memory_space<semaphore_mem>>) {add = true}
    %get3A_422 = arith.constant 4 : i32
    %get3A_423 = arith.index_cast %get3A_422 : i32 to index
    %get3A_424 = arith.constant 0 : index
    %get3A_425 = tpu.vector_load %arg10[%get3A_423, %get3A_424] {strides = array<i32>} : memref<6x80xi32, #tpu.memory_space<vmem>>, vector<16xi32>,
    tpu.vector_store_idx %arg9[%get3A_425], %broadcast_in_dim3A_12 {add = true} : memref<10000xf32, #tpu.memory_space<vmem>>[vector<16xi32>], vector<16xf32>,
    %get3A_426 = arith.constant 4 : i32
    %get3A_427 = arith.index_cast %get3A_426 : i32 to index
    %get3A_428 = arith.constant 16 : index
    %get3A_429 = tpu.vector_load %arg10[%get3A_427, %get3A_428] {strides = array<i32>} : memref<6x80xi32, #tpu.memory_space<vmem>>, vector<16xi32>,
    tpu.vector_store_idx %arg9[%get3A_429], %broadcast_in_dim3A_12 {add = true} : memref<10000xf32, #tpu.memory_space<vmem>>[vector<16xi32>], vector<16xf32>,
    %get3A_430 = arith.constant 4 : i32
    %get3A_431 = arith.index_cast %get3A_430 : i32 to index
    %get3A_432 = arith.constant 32 : index
    %get3A_433 = tpu.vector_load %arg10[%get3A_431, %get3A_432] {strides = array<i32>} : memref<6x80xi32, #tpu.memory_space<vmem>>, vector<16xi32>,
    tpu.vector_store_idx %arg9[%get3A_433], %broadcast_in_dim3A_12 {add = true} : memref<10000xf32, #tpu.memory_space<vmem>>[vector<16xi32>], vector<16xf32>,
    %get3A_434 = arith.constant 4 : i32
    %get3A_435 = arith.index_cast %get3A_434 : i32 to index
    %get3A_436 = arith.constant 48 : index
    %get3A_437 = tpu.vector_load %arg10[%get3A_435, %get3A_436] {strides = array<i32>} : memref<6x80xi32, #tpu.memory_space<vmem>>, vector<16xi32>,
    tpu.vector_store_idx %arg9[%get3A_437], %broadcast_in_dim3A_12 {add = true} : memref<10000xf32, #tpu.memory_space<vmem>>[vector<16xi32>], vector<16xf32>,
    %get3A_438 = arith.constant 4 : i32
    %get3A_439 = arith.index_cast %get3A_438 : i32 to index
    %get3A_440 = arith.constant 64 : index
    %get3A_441 = tpu.vector_load %arg10[%get3A_439, %get3A_440] {strides = array<i32>} : memref<6x80xi32, #tpu.memory_space<vmem>>, vector<16xi32>,
    tpu.vector_store_idx %arg9[%get3A_441], %broadcast_in_dim3A_12 {add = true} : memref<10000xf32, #tpu.memory_space<vmem>>[vector<16xi32>], vector<16xf32>,
    %dma_wait3A_442 = arith.constant 3 : i32
    %dma_wait3A_443 = arith.constant 0 : i32
    %dma_wait3A_444 = tpu.memref_slice %arg10[%dma_wait3A_442, %dma_wait3A_443] : memref<6x80xi32, #tpu.memory_space<vmem>> -> memref<1x80xi32, #tpu.memory_space<vmem>>
    %dma_wait3A_445 = tpu.memref_squeeze %dma_wait3A_444 : memref<1x80xi32, #tpu.memory_space<vmem>> -> memref<80xi32, #tpu.memory_space<vmem>>
    %dma_wait3A_446 = arith.constant 0 : i32
    %dma_wait3A_447 = arith.constant 0 : i32
    %dma_wait3A_448 = tpu.memref_slice %arg8[%dma_wait3A_446, %dma_wait3A_447] : memref<10000x128xf32, #tpu.memory_space<vmem_shared>> -> memref<10000x128xf32, #tpu.memory_space<vmem_shared>>
    tpu.wait_indirect_dma semaphore(%arg24 : memref<!tpu.dma_semaphore, #tpu.memory_space<semaphore_mem>>) src(%arg20 : memref<80x128xf32, #tpu.memory_space<vmem>>) dst(%dma_wait3A_448 : memref<10000x128xf32, #tpu.memory_space<vmem_shared>>)
    %dma_wait3A_449 = arith.constant 4 : i32
    %dma_wait3A_450 = arith.constant 0 : i32
    %dma_wait3A_451 = tpu.memref_slice %arg10[%dma_wait3A_449, %dma_wait3A_450] : memref<6x80xi32, #tpu.memory_space<vmem>> -> memref<1x80xi32, #tpu.memory_space<vmem>>
    %dma_wait3A_452 = tpu.memref_squeeze %dma_wait3A_451 : memref<1x80xi32, #tpu.memory_space<vmem>> -> memref<80xi32, #tpu.memory_space<vmem>>
    %dma_wait3A_453 = arith.constant 0 : i32
    %dma_wait3A_454 = arith.constant 0 : i32
    %dma_wait3A_455 = tpu.memref_slice %arg8[%dma_wait3A_453, %dma_wait3A_454] : memref<10000x128xf32, #tpu.memory_space<vmem_shared>> -> memref<10000x128xf32, #tpu.memory_space<vmem_shared>>
    tpu.wait_indirect_dma semaphore(%arg25 : memref<!tpu.dma_semaphore, #tpu.memory_space<semaphore_mem>>) src(%arg21 : memref<80x128xf32, #tpu.memory_space<vmem>>) dst(%dma_wait3A_455 : memref<10000x128xf32, #tpu.memory_space<vmem_shared>>)
    %barrier3A_456 = arith.constant 0 : index
    tpu.barrier barrier_id(%barrier3A_456)
    "tpu.region"() ({
      %run_scoped3A = tpu.sem_alloc : memref<!tpu.dma_semaphore, #tpu.memory_space<semaphore_mem>>
      %dma_start3A_464 = arith.constant 0 : i32
      %dma_start3A_465 = arith.constant 0 : i32
      %dma_start3A_466 = tpu.memref_slice %arg6[%arg0, %dma_start3A_464, %dma_start3A_465] : memref<2x10000x128xf32, #tpu.memory_space<hbm>> -> memref<1x10000x128xf32, #tpu.memory_space<hbm>>
      %dma_start3A_467 = tpu.memref_squeeze %dma_start3A_466 : memref<1x10000x128xf32, #tpu.memory_space<hbm>> -> memref<10000x128xf32, #tpu.memory_space<hbm>>
      %dma_start3A_468 = arith.constant 0 : i32
      %dma_start3A_469 = tpu.memref_slice %dma_start3A_467[%mul3A_2, %dma_start3A_468] : memref<10000x128xf32, #tpu.memory_space<hbm>> -> memref<624x128xf32, #tpu.memory_space<hbm>>
      %dma_start3A_470 = arith.constant 0 : i32
      %dma_start3A_471 = tpu.memref_slice %arg8[%mul3A_2, %dma_start3A_470] : memref<10000x128xf32, #tpu.memory_space<vmem_shared>> -> memref<624x128xf32, #tpu.memory_space<vmem_shared>>
      tpu.enqueue_dma source(%dma_start3A_471 : memref<624x128xf32, #tpu.memory_space<vmem_shared>>) target(%dma_start3A_469 : memref<624x128xf32, #tpu.memory_space<hbm>>) target_semaphore(%run_scoped3A : memref<!tpu.dma_semaphore, #tpu.memory_space<semaphore_mem>>)
      %dma_wait3A_472 = arith.constant 0 : i32
      %dma_wait3A_473 = arith.constant 0 : i32
      %dma_wait3A_474 = tpu.memref_slice %arg6[%arg0, %dma_wait3A_472, %dma_wait3A_473] : memref<2x10000x128xf32, #tpu.memory_space<hbm>> -> memref<1x10000x128xf32, #tpu.memory_space<hbm>>
      %dma_wait3A_475 = tpu.memref_squeeze %dma_wait3A_474 : memref<1x10000x128xf32, #tpu.memory_space<hbm>> -> memref<10000x128xf32, #tpu.memory_space<hbm>>
      %dma_wait3A_476 = arith.constant 0 : i32
      %dma_wait3A_477 = tpu.memref_slice %dma_wait3A_475[%mul3A_2, %dma_wait3A_476] : memref<10000x128xf32, #tpu.memory_space<hbm>> -> memref<624x128xf32, #tpu.memory_space<hbm>>
      %dma_wait3A_478 = arith.constant 0 : i32
      %dma_wait3A_479 = tpu.memref_slice %arg8[%mul3A_2, %dma_wait3A_478] : memref<10000x128xf32, #tpu.memory_space<vmem_shared>> -> memref<624x128xf32, #tpu.memory_space<vmem_shared>>
      tpu.wait_dma2 semaphore(%run_scoped3A : memref<!tpu.dma_semaphore, #tpu.memory_space<semaphore_mem>>) src(%dma_wait3A_479 : memref<624x128xf32, #tpu.memory_space<vmem_shared>>) dst(%dma_wait3A_477 : memref<624x128xf32, #tpu.memory_space<hbm>>)
      tpu.yield
    }) : () -> ()
    %eq3A_457 = arith.constant 15 : i32
    %eq3A_458 = arith.cmpi eq, %arg1, %eq3A_457 : i32
    %convert_element_type3A_459 = arith.extui %eq3A_458 : i1 to i32
    %cond3A_460 = arith.constant 0 : i32
    %cond3A_461 = arith.cmpi ne, %convert_element_type3A_459, %cond3A_460 : i32
    scf.if %cond3A_461 {
      "tpu.region"() ({
        %run_scoped3A = tpu.sem_alloc : memref<!tpu.dma_semaphore, #tpu.memory_space<semaphore_mem>>
        %dma_start3A_464 = arith.constant 0 : i32
        %dma_start3A_465 = arith.constant 0 : i32
        %dma_start3A_466 = tpu.memref_slice %arg6[%arg0, %dma_start3A_464, %dma_start3A_465] : memref<2x10000x128xf32, #tpu.memory_space<hbm>> -> memref<1x10000x128xf32, #tpu.memory_space<hbm>>
        %dma_start3A_467 = tpu.memref_squeeze %dma_start3A_466 : memref<1x10000x128xf32, #tpu.memory_space<hbm>> -> memref<10000x128xf32, #tpu.memory_space<hbm>>
        %dma_start3A_468 = arith.constant 9984 : i32
        %dma_start3A_469 = arith.constant 0 : i32
        %dma_start3A_470 = tpu.memref_slice %dma_start3A_467[%dma_start3A_468, %dma_start3A_469] : memref<10000x128xf32, #tpu.memory_space<hbm>> -> memref<16x128xf32, #tpu.memory_space<hbm>>
        %dma_start3A_471 = arith.constant 9984 : i32
        %dma_start3A_472 = arith.constant 0 : i32
        %dma_start3A_473 = tpu.memref_slice %arg8[%dma_start3A_471, %dma_start3A_472] : memref<10000x128xf32, #tpu.memory_space<vmem_shared>> -> memref<16x128xf32, #tpu.memory_space<vmem_shared>>
        tpu.enqueue_dma source(%dma_start3A_473 : memref<16x128xf32, #tpu.memory_space<vmem_shared>>) target(%dma_start3A_470 : memref<16x128xf32, #tpu.memory_space<hbm>>) target_semaphore(%run_scoped3A : memref<!tpu.dma_semaphore, #tpu.memory_space<semaphore_mem>>)
        %dma_wait3A_474 = arith.constant 0 : i32
        %dma_wait3A_475 = arith.constant 0 : i32
        %dma_wait3A_476 = tpu.memref_slice %arg6[%arg0, %dma_wait3A_474, %dma_wait3A_475] : memref<2x10000x128xf32, #tpu.memory_space<hbm>> -> memref<1x10000x128xf32, #tpu.memory_space<hbm>>
        %dma_wait3A_477 = tpu.memref_squeeze %dma_wait3A_476 : memref<1x10000x128xf32, #tpu.memory_space<hbm>> -> memref<10000x128xf32, #tpu.memory_space<hbm>>
        %dma_wait3A_478 = arith.constant 9984 : i32
        %dma_wait3A_479 = arith.constant 0 : i32
        %dma_wait3A_480 = tpu.memref_slice %dma_wait3A_477[%dma_wait3A_478, %dma_wait3A_479] : memref<10000x128xf32, #tpu.memory_space<hbm>> -> memref<16x128xf32, #tpu.memory_space<hbm>>
        %dma_wait3A_481 = arith.constant 9984 : i32
        %dma_wait3A_482 = arith.constant 0 : i32
        %dma_wait3A_483 = tpu.memref_slice %arg8[%dma_wait3A_481, %dma_wait3A_482] : memref<10000x128xf32, #tpu.memory_space<vmem_shared>> -> memref<16x128xf32, #tpu.memory_space<vmem_shared>>
        tpu.wait_dma2 semaphore(%run_scoped3A : memref<!tpu.dma_semaphore, #tpu.memory_space<semaphore_mem>>) src(%dma_wait3A_483 : memref<16x128xf32, #tpu.memory_space<vmem_shared>>) dst(%dma_wait3A_480 : memref<16x128xf32, #tpu.memory_space<hbm>>)
        tpu.yield
      }) : () -> ()
    } else {
    }
    %mul3A_462 = arith.constant 10000 : i32
    %mul3A_463 = arith.muli %add3A, %mul3A_462 : i32
    "tpu.region"() ({
      %run_scoped3A = tpu.sem_alloc : memref<!tpu.dma_semaphore, #tpu.memory_space<semaphore_mem>>
      %dma_start3A_464 = tpu.memref_slice %arg7[%mul3A_463] : memref<320000xf32, #tpu.memory_space<hbm>> -> memref<10000xf32, #tpu.memory_space<hbm>>
      %dma_start3A_465 = tpu.memref_slice %arg7[%mul3A_463] : memref<320000xf32, #tpu.memory_space<hbm>> -> memref<10000xf32, #tpu.memory_space<hbm>>
      tpu.enqueue_dma source(%arg9 : memref<10000xf32, #tpu.memory_space<vmem>>) target(%dma_start3A_465 : memref<10000xf32, #tpu.memory_space<hbm>>) target_semaphore(%run_scoped3A : memref<!tpu.dma_semaphore, #tpu.memory_space<semaphore_mem>>)
      %dma_wait3A_466 = tpu.memref_slice %arg7[%mul3A_463] : memref<320000xf32, #tpu.memory_space<hbm>> -> memref<10000xf32, #tpu.memory_space<hbm>>
      %dma_wait3A_467 = tpu.memref_slice %arg7[%mul3A_463] : memref<320000xf32, #tpu.memory_space<hbm>> -> memref<10000xf32, #tpu.memory_space<hbm>>
      tpu.wait_dma2 semaphore(%run_scoped3A : memref<!tpu.dma_semaphore, #tpu.memory_space<semaphore_mem>>) src(%arg9 : memref<10000xf32, #tpu.memory_space<vmem>>) dst(%dma_wait3A_467 : memref<10000xf32, #tpu.memory_space<hbm>>)
      tpu.yield
    }) : () -> ()
    return
  }
}

#map = affine_map<(d0, d1) -> (0, 0)>
#map1 = affine_map<(d0, d1) -> (0)>
#map2 = affine_map<(d0, d1) -> (0, 0, 0)>
module attributes {stable_mosaic.version = 14 : i64} {
  func.func @body_nc(%arg0: i32, %arg1: i32, %arg2: memref<10000x128xf32, #tpu.memory_space<hbm>>, %arg3: memref<320000xi32, #tpu.memory_space<hbm>>, %arg4: memref<320000xi32, #tpu.memory_space<hbm>>, %arg5: memref<624x128xf32, #tpu.memory_space<hbm>>, %arg6: memref<2x10000x128xf32, #tpu.memory_space<hbm>>, %arg7: memref<10000x128xf32, #tpu.memory_space<vmem_shared>>, %arg8: memref<8x80xi32, #tpu.memory_space<vmem>>, %arg9: memref<!tpu.dma_semaphore, #tpu.memory_space<semaphore_mem>>, %arg10: memref<!tpu.dma_semaphore, #tpu.memory_space<semaphore_mem>>, %arg11: memref<!tpu.dma_semaphore, #tpu.memory_space<semaphore_mem>>, %arg12: memref<!tpu.dma_semaphore, #tpu.memory_space<semaphore_mem>>, %arg13: memref<!tpu.dma_semaphore, #tpu.memory_space<semaphore_mem>>, %arg14: memref<!tpu.dma_semaphore, #tpu.memory_space<semaphore_mem>>, %arg15: memref<!tpu.dma_semaphore, #tpu.memory_space<semaphore_mem>>, %arg16: memref<!tpu.dma_semaphore, #tpu.memory_space<semaphore_mem>>, %arg17: memref<!tpu.dma_semaphore, #tpu.memory_space<semaphore_mem>>, %arg18: memref<!tpu.dma_semaphore, #tpu.memory_space<semaphore_mem>>, %arg19: memref<!tpu.dma_semaphore, #tpu.memory_space<semaphore_mem>>, %arg20: memref<!tpu.dma_semaphore, #tpu.memory_space<semaphore_mem>>, %arg21: memref<80x128xf32, #tpu.memory_space<vmem>>, %arg22: memref<80x128xf32, #tpu.memory_space<vmem>>, %arg23: memref<80x128xf32, #tpu.memory_space<vmem>>, %arg24: memref<80x128xf32, #tpu.memory_space<vmem>>, %arg25: memref<8x80xi32, #tpu.memory_space<vmem>>, %arg26: memref<!tpu.dma_semaphore, #tpu.memory_space<semaphore_mem>>, %arg27: memref<!tpu.dma_semaphore, #tpu.memory_space<semaphore_mem>>, %arg28: memref<!tpu.dma_semaphore, #tpu.memory_space<semaphore_mem>>, %arg29: memref<!tpu.dma_semaphore, #tpu.memory_space<semaphore_mem>>) attributes {dimension_semantics = [#tpu.dimension_semantics<core_parallel>, #tpu.dimension_semantics<subcore_parallel>], iteration_bounds = array<i64: 2, 16>, scalar_prefetch = 0 : i64, scratch_operands = 23 : i64, tpu.core_type = #tpu.core_type<sc_vector_subcore>, window_params = [{transform_indices = #map}, {transform_indices = #map1}, {transform_indices = #map1}, {transform_indices = #map}, {transform_indices = #map2}]} {
    %mul3A = arith.constant 16 : i32
    %mul3A_0 = arith.muli %arg0, %mul3A : i32
    %add3A = arith.addi %mul3A_0, %arg1 : i32
    %mul3A_1 = arith.constant 624 : i32
    %mul3A_2 = arith.muli %arg1, %mul3A_1 : i32
    %mul3A_3 = arith.constant 10000 : i32
    %mul3A_4 = arith.muli %add3A, %mul3A_3 : i32
    "tpu.region"() ({
      %run_scoped3A = tpu.sem_alloc : memref<!tpu.dma_semaphore, #tpu.memory_space<semaphore_mem>>
      %dma_start3A_357 = arith.constant 0 : i32
      %dma_start3A_358 = tpu.memref_slice %arg7[%mul3A_2, %dma_start3A_357] : memref<10000x128xf32, #tpu.memory_space<vmem_shared>> -> memref<624x128xf32, #tpu.memory_space<vmem_shared>>
      %dma_start3A_359 = arith.constant 0 : i32
      %dma_start3A_360 = arith.constant 0 : i32
      %dma_start3A_361 = tpu.memref_slice %arg5[%dma_start3A_359, %dma_start3A_360] : memref<624x128xf32, #tpu.memory_space<hbm>> -> memref<624x128xf32, #tpu.memory_space<hbm>>
      tpu.enqueue_dma source(%dma_start3A_361 : memref<624x128xf32, #tpu.memory_space<hbm>>) target(%dma_start3A_358 : memref<624x128xf32, #tpu.memory_space<vmem_shared>>) target_semaphore(%run_scoped3A : memref<!tpu.dma_semaphore, #tpu.memory_space<semaphore_mem>>)
      %dma_wait3A_362 = arith.constant 0 : i32
      %dma_wait3A_363 = tpu.memref_slice %arg7[%mul3A_2, %dma_wait3A_362] : memref<10000x128xf32, #tpu.memory_space<vmem_shared>> -> memref<624x128xf32, #tpu.memory_space<vmem_shared>>
      %dma_wait3A_364 = arith.constant 0 : i32
      %dma_wait3A_365 = arith.constant 0 : i32
      %dma_wait3A_366 = tpu.memref_slice %arg5[%dma_wait3A_364, %dma_wait3A_365] : memref<624x128xf32, #tpu.memory_space<hbm>> -> memref<624x128xf32, #tpu.memory_space<hbm>>
      tpu.wait_dma2 semaphore(%run_scoped3A : memref<!tpu.dma_semaphore, #tpu.memory_space<semaphore_mem>>) src(%dma_wait3A_366 : memref<624x128xf32, #tpu.memory_space<hbm>>) dst(%dma_wait3A_363 : memref<624x128xf32, #tpu.memory_space<vmem_shared>>)
      tpu.yield
    }) : () -> ()
    %eq3A = arith.constant 15 : i32
    %eq3A_5 = arith.cmpi eq, %arg1, %eq3A : i32
    %convert_element_type3A = arith.extui %eq3A_5 : i1 to i32
    %cond3A = arith.constant 0 : i32
    %cond3A_6 = arith.cmpi ne, %convert_element_type3A, %cond3A : i32
    scf.if %cond3A_6 {
      "tpu.region"() ({
        %run_scoped3A = tpu.sem_alloc : memref<!tpu.dma_semaphore, #tpu.memory_space<semaphore_mem>>
        %dma_start3A_357 = arith.constant 9984 : i32
        %dma_start3A_358 = arith.constant 0 : i32
        %dma_start3A_359 = tpu.memref_slice %arg7[%dma_start3A_357, %dma_start3A_358] : memref<10000x128xf32, #tpu.memory_space<vmem_shared>> -> memref<16x128xf32, #tpu.memory_space<vmem_shared>>
        %dma_start3A_360 = arith.constant 0 : i32
        %dma_start3A_361 = arith.constant 0 : i32
        %dma_start3A_362 = tpu.memref_slice %arg5[%dma_start3A_360, %dma_start3A_361] : memref<624x128xf32, #tpu.memory_space<hbm>> -> memref<16x128xf32, #tpu.memory_space<hbm>>
        tpu.enqueue_dma source(%dma_start3A_362 : memref<16x128xf32, #tpu.memory_space<hbm>>) target(%dma_start3A_359 : memref<16x128xf32, #tpu.memory_space<vmem_shared>>) target_semaphore(%run_scoped3A : memref<!tpu.dma_semaphore, #tpu.memory_space<semaphore_mem>>)
        %dma_wait3A_363 = arith.constant 9984 : i32
        %dma_wait3A_364 = arith.constant 0 : i32
        %dma_wait3A_365 = tpu.memref_slice %arg7[%dma_wait3A_363, %dma_wait3A_364] : memref<10000x128xf32, #tpu.memory_space<vmem_shared>> -> memref<16x128xf32, #tpu.memory_space<vmem_shared>>
        %dma_wait3A_366 = arith.constant 0 : i32
        %dma_wait3A_367 = arith.constant 0 : i32
        %dma_wait3A_368 = tpu.memref_slice %arg5[%dma_wait3A_366, %dma_wait3A_367] : memref<624x128xf32, #tpu.memory_space<hbm>> -> memref<16x128xf32, #tpu.memory_space<hbm>>
        tpu.wait_dma2 semaphore(%run_scoped3A : memref<!tpu.dma_semaphore, #tpu.memory_space<semaphore_mem>>) src(%dma_wait3A_368 : memref<16x128xf32, #tpu.memory_space<hbm>>) dst(%dma_wait3A_365 : memref<16x128xf32, #tpu.memory_space<vmem_shared>>)
        tpu.yield
      }) : () -> ()
    } else {
    }
    %barrier3A = arith.constant 0 : index
    tpu.barrier barrier_id(%barrier3A)
    %broadcast_in_dim3A = arith.constant 1.000000e+00 : f32
    %broadcast_in_dim3A_7 = vector.broadcast %broadcast_in_dim3A : f32 to vector<16xf32>
    %add3A_8 = arith.constant 0 : i32
    %add3A_9 = arith.addi %mul3A_4, %add3A_8 : i32
    %dma_start3A = arith.constant 0 : i32
    %dma_start3A_10 = arith.constant 0 : i32
    %dma_start3A_11 = tpu.memref_slice %arg25[%dma_start3A, %dma_start3A_10] : memref<8x80xi32, #tpu.memory_space<vmem>> -> memref<1x80xi32, #tpu.memory_space<vmem>>
    %dma_start3A_12 = tpu.memref_squeeze %dma_start3A_11 : memref<1x80xi32, #tpu.memory_space<vmem>> -> memref<80xi32, #tpu.memory_space<vmem>>
    %dma_start3A_13 = tpu.memref_slice %arg3[%add3A_9] : memref<320000xi32, #tpu.memory_space<hbm>> -> memref<80xi32, #tpu.memory_space<hbm>>
    %dma_start3A_14 = arith.constant 0 : i32
    %dma_start3A_15 = tpu.memref_slice %arg25[%dma_start3A, %dma_start3A_14] : memref<8x80xi32, #tpu.memory_space<vmem>> -> memref<1x80xi32, #tpu.memory_space<vmem>>
    %dma_start3A_16 = tpu.memref_squeeze %dma_start3A_15 : memref<1x80xi32, #tpu.memory_space<vmem>> -> memref<80xi32, #tpu.memory_space<vmem>>
    %dma_start3A_17 = tpu.memref_slice %arg3[%add3A_9] : memref<320000xi32, #tpu.memory_space<hbm>> -> memref<80xi32, #tpu.memory_space<hbm>>
    tpu.enqueue_dma source(%dma_start3A_17 : memref<80xi32, #tpu.memory_space<hbm>>) target(%dma_start3A_16 : memref<80xi32, #tpu.memory_space<vmem>>) target_semaphore(%arg13 : memref<!tpu.dma_semaphore, #tpu.memory_space<semaphore_mem>>)
    %dma_start3A_18 = arith.constant 0 : i32
    %dma_start3A_19 = arith.constant 0 : i32
    %dma_start3A_20 = tpu.memref_slice %arg8[%dma_start3A_18, %dma_start3A_19] : memref<8x80xi32, #tpu.memory_space<vmem>> -> memref<1x80xi32, #tpu.memory_space<vmem>>
    %dma_start3A_21 = tpu.memref_squeeze %dma_start3A_20 : memref<1x80xi32, #tpu.memory_space<vmem>> -> memref<80xi32, #tpu.memory_space<vmem>>
    %dma_start3A_22 = tpu.memref_slice %arg4[%add3A_9] : memref<320000xi32, #tpu.memory_space<hbm>> -> memref<80xi32, #tpu.memory_space<hbm>>
    %dma_start3A_23 = arith.constant 0 : i32
    %dma_start3A_24 = tpu.memref_slice %arg8[%dma_start3A_18, %dma_start3A_23] : memref<8x80xi32, #tpu.memory_space<vmem>> -> memref<1x80xi32, #tpu.memory_space<vmem>>
    %dma_start3A_25 = tpu.memref_squeeze %dma_start3A_24 : memref<1x80xi32, #tpu.memory_space<vmem>> -> memref<80xi32, #tpu.memory_space<vmem>>
    %dma_start3A_26 = tpu.memref_slice %arg4[%add3A_9] : memref<320000xi32, #tpu.memory_space<hbm>> -> memref<80xi32, #tpu.memory_space<hbm>>
    tpu.enqueue_dma source(%dma_start3A_26 : memref<80xi32, #tpu.memory_space<hbm>>) target(%dma_start3A_25 : memref<80xi32, #tpu.memory_space<vmem>>) target_semaphore(%arg13 : memref<!tpu.dma_semaphore, #tpu.memory_space<semaphore_mem>>)
    %add3A_27 = arith.constant 0 : i32
    %add3A_28 = arith.addi %mul3A_4, %add3A_27 : i32
    %dma_wait3A = arith.constant 0 : i32
    %dma_wait3A_29 = arith.constant 0 : i32
    %dma_wait3A_30 = tpu.memref_slice %arg25[%dma_wait3A, %dma_wait3A_29] : memref<8x80xi32, #tpu.memory_space<vmem>> -> memref<1x80xi32, #tpu.memory_space<vmem>>
    %dma_wait3A_31 = tpu.memref_squeeze %dma_wait3A_30 : memref<1x80xi32, #tpu.memory_space<vmem>> -> memref<80xi32, #tpu.memory_space<vmem>>
    %dma_wait3A_32 = tpu.memref_slice %arg3[%add3A_28] : memref<320000xi32, #tpu.memory_space<hbm>> -> memref<80xi32, #tpu.memory_space<hbm>>
    %dma_wait3A_33 = arith.constant 0 : i32
    %dma_wait3A_34 = tpu.memref_slice %arg25[%dma_wait3A, %dma_wait3A_33] : memref<8x80xi32, #tpu.memory_space<vmem>> -> memref<1x80xi32, #tpu.memory_space<vmem>>
    %dma_wait3A_35 = tpu.memref_squeeze %dma_wait3A_34 : memref<1x80xi32, #tpu.memory_space<vmem>> -> memref<80xi32, #tpu.memory_space<vmem>>
    %dma_wait3A_36 = tpu.memref_slice %arg3[%add3A_28] : memref<320000xi32, #tpu.memory_space<hbm>> -> memref<80xi32, #tpu.memory_space<hbm>>
    tpu.wait_dma2 semaphore(%arg13 : memref<!tpu.dma_semaphore, #tpu.memory_space<semaphore_mem>>) src(%dma_wait3A_36 : memref<80xi32, #tpu.memory_space<hbm>>) dst(%dma_wait3A_35 : memref<80xi32, #tpu.memory_space<vmem>>)
    %dma_wait3A_37 = arith.constant 0 : i32
    %dma_wait3A_38 = arith.constant 0 : i32
    %dma_wait3A_39 = tpu.memref_slice %arg8[%dma_wait3A_37, %dma_wait3A_38] : memref<8x80xi32, #tpu.memory_space<vmem>> -> memref<1x80xi32, #tpu.memory_space<vmem>>
    %dma_wait3A_40 = tpu.memref_squeeze %dma_wait3A_39 : memref<1x80xi32, #tpu.memory_space<vmem>> -> memref<80xi32, #tpu.memory_space<vmem>>
    %dma_wait3A_41 = tpu.memref_slice %arg4[%add3A_28] : memref<320000xi32, #tpu.memory_space<hbm>> -> memref<80xi32, #tpu.memory_space<hbm>>
    %dma_wait3A_42 = arith.constant 0 : i32
    %dma_wait3A_43 = tpu.memref_slice %arg8[%dma_wait3A_37, %dma_wait3A_42] : memref<8x80xi32, #tpu.memory_space<vmem>> -> memref<1x80xi32, #tpu.memory_space<vmem>>
    %dma_wait3A_44 = tpu.memref_squeeze %dma_wait3A_43 : memref<1x80xi32, #tpu.memory_space<vmem>> -> memref<80xi32, #tpu.memory_space<vmem>>
    %dma_wait3A_45 = tpu.memref_slice %arg4[%add3A_28] : memref<320000xi32, #tpu.memory_space<hbm>> -> memref<80xi32, #tpu.memory_space<hbm>>
    tpu.wait_dma2 semaphore(%arg13 : memref<!tpu.dma_semaphore, #tpu.memory_space<semaphore_mem>>) src(%dma_wait3A_45 : memref<80xi32, #tpu.memory_space<hbm>>) dst(%dma_wait3A_44 : memref<80xi32, #tpu.memory_space<vmem>>)
    %dma_start3A_46 = arith.constant 0 : i32
    %dma_start3A_47 = arith.constant 0 : i32
    %dma_start3A_48 = tpu.memref_slice %arg25[%dma_start3A_46, %dma_start3A_47] : memref<8x80xi32, #tpu.memory_space<vmem>> -> memref<1x80xi32, #tpu.memory_space<vmem>>
    %dma_start3A_49 = tpu.memref_squeeze %dma_start3A_48 : memref<1x80xi32, #tpu.memory_space<vmem>> -> memref<80xi32, #tpu.memory_space<vmem>>
    %dma_start3A_50 = arith.constant 0 : i32
    %dma_start3A_51 = arith.constant 0 : i32
    %dma_start3A_52 = tpu.memref_slice %arg2[%dma_start3A_50, %dma_start3A_51] : memref<10000x128xf32, #tpu.memory_space<hbm>> -> memref<10000x128xf32, #tpu.memory_space<hbm>>
    tpu.enqueue_indirect_dma source(%dma_start3A_52 : memref<10000x128xf32, #tpu.memory_space<hbm>>) target(%arg21 : memref<80x128xf32, #tpu.memory_space<vmem>>) offsets(%dma_start3A_49 : memref<80xi32, #tpu.memory_space<vmem>>) semaphore(%arg9 : memref<!tpu.dma_semaphore, #tpu.memory_space<semaphore_mem>>)
    %add3A_53 = arith.constant 80 : i32
    %add3A_54 = arith.addi %mul3A_4, %add3A_53 : i32
    %dma_start3A_55 = arith.constant 1 : i32
    %dma_start3A_56 = arith.constant 0 : i32
    %dma_start3A_57 = tpu.memref_slice %arg25[%dma_start3A_55, %dma_start3A_56] : memref<8x80xi32, #tpu.memory_space<vmem>> -> memref<1x80xi32, #tpu.memory_space<vmem>>
    %dma_start3A_58 = tpu.memref_squeeze %dma_start3A_57 : memref<1x80xi32, #tpu.memory_space<vmem>> -> memref<80xi32, #tpu.memory_space<vmem>>
    %dma_start3A_59 = tpu.memref_slice %arg3[%add3A_54] : memref<320000xi32, #tpu.memory_space<hbm>> -> memref<80xi32, #tpu.memory_space<hbm>>
    %dma_start3A_60 = arith.constant 0 : i32
    %dma_start3A_61 = tpu.memref_slice %arg25[%dma_start3A_55, %dma_start3A_60] : memref<8x80xi32, #tpu.memory_space<vmem>> -> memref<1x80xi32, #tpu.memory_space<vmem>>
    %dma_start3A_62 = tpu.memref_squeeze %dma_start3A_61 : memref<1x80xi32, #tpu.memory_space<vmem>> -> memref<80xi32, #tpu.memory_space<vmem>>
    %dma_start3A_63 = tpu.memref_slice %arg3[%add3A_54] : memref<320000xi32, #tpu.memory_space<hbm>> -> memref<80xi32, #tpu.memory_space<hbm>>
    tpu.enqueue_dma source(%dma_start3A_63 : memref<80xi32, #tpu.memory_space<hbm>>) target(%dma_start3A_62 : memref<80xi32, #tpu.memory_space<vmem>>) target_semaphore(%arg14 : memref<!tpu.dma_semaphore, #tpu.memory_space<semaphore_mem>>)
    %dma_start3A_64 = arith.constant 1 : i32
    %dma_start3A_65 = arith.constant 0 : i32
    %dma_start3A_66 = tpu.memref_slice %arg8[%dma_start3A_64, %dma_start3A_65] : memref<8x80xi32, #tpu.memory_space<vmem>> -> memref<1x80xi32, #tpu.memory_space<vmem>>
    %dma_start3A_67 = tpu.memref_squeeze %dma_start3A_66 : memref<1x80xi32, #tpu.memory_space<vmem>> -> memref<80xi32, #tpu.memory_space<vmem>>
    %dma_start3A_68 = tpu.memref_slice %arg4[%add3A_54] : memref<320000xi32, #tpu.memory_space<hbm>> -> memref<80xi32, #tpu.memory_space<hbm>>
    %dma_start3A_69 = arith.constant 0 : i32
    %dma_start3A_70 = tpu.memref_slice %arg8[%dma_start3A_64, %dma_start3A_69] : memref<8x80xi32, #tpu.memory_space<vmem>> -> memref<1x80xi32, #tpu.memory_space<vmem>>
    %dma_start3A_71 = tpu.memref_squeeze %dma_start3A_70 : memref<1x80xi32, #tpu.memory_space<vmem>> -> memref<80xi32, #tpu.memory_space<vmem>>
    %dma_start3A_72 = tpu.memref_slice %arg4[%add3A_54] : memref<320000xi32, #tpu.memory_space<hbm>> -> memref<80xi32, #tpu.memory_space<hbm>>
    tpu.enqueue_dma source(%dma_start3A_72 : memref<80xi32, #tpu.memory_space<hbm>>) target(%dma_start3A_71 : memref<80xi32, #tpu.memory_space<vmem>>) target_semaphore(%arg14 : memref<!tpu.dma_semaphore, #tpu.memory_space<semaphore_mem>>)
    %add3A_73 = arith.constant 80 : i32
    %add3A_74 = arith.addi %mul3A_4, %add3A_73 : i32
    %dma_wait3A_75 = arith.constant 1 : i32
    %dma_wait3A_76 = arith.constant 0 : i32
    %dma_wait3A_77 = tpu.memref_slice %arg25[%dma_wait3A_75, %dma_wait3A_76] : memref<8x80xi32, #tpu.memory_space<vmem>> -> memref<1x80xi32, #tpu.memory_space<vmem>>
    %dma_wait3A_78 = tpu.memref_squeeze %dma_wait3A_77 : memref<1x80xi32, #tpu.memory_space<vmem>> -> memref<80xi32, #tpu.memory_space<vmem>>
    %dma_wait3A_79 = tpu.memref_slice %arg3[%add3A_74] : memref<320000xi32, #tpu.memory_space<hbm>> -> memref<80xi32, #tpu.memory_space<hbm>>
    %dma_wait3A_80 = arith.constant 0 : i32
    %dma_wait3A_81 = tpu.memref_slice %arg25[%dma_wait3A_75, %dma_wait3A_80] : memref<8x80xi32, #tpu.memory_space<vmem>> -> memref<1x80xi32, #tpu.memory_space<vmem>>
    %dma_wait3A_82 = tpu.memref_squeeze %dma_wait3A_81 : memref<1x80xi32, #tpu.memory_space<vmem>> -> memref<80xi32, #tpu.memory_space<vmem>>
    %dma_wait3A_83 = tpu.memref_slice %arg3[%add3A_74] : memref<320000xi32, #tpu.memory_space<hbm>> -> memref<80xi32, #tpu.memory_space<hbm>>
    tpu.wait_dma2 semaphore(%arg14 : memref<!tpu.dma_semaphore, #tpu.memory_space<semaphore_mem>>) src(%dma_wait3A_83 : memref<80xi32, #tpu.memory_space<hbm>>) dst(%dma_wait3A_82 : memref<80xi32, #tpu.memory_space<vmem>>)
    %dma_wait3A_84 = arith.constant 1 : i32
    %dma_wait3A_85 = arith.constant 0 : i32
    %dma_wait3A_86 = tpu.memref_slice %arg8[%dma_wait3A_84, %dma_wait3A_85] : memref<8x80xi32, #tpu.memory_space<vmem>> -> memref<1x80xi32, #tpu.memory_space<vmem>>
    %dma_wait3A_87 = tpu.memref_squeeze %dma_wait3A_86 : memref<1x80xi32, #tpu.memory_space<vmem>> -> memref<80xi32, #tpu.memory_space<vmem>>
    %dma_wait3A_88 = tpu.memref_slice %arg4[%add3A_74] : memref<320000xi32, #tpu.memory_space<hbm>> -> memref<80xi32, #tpu.memory_space<hbm>>
    %dma_wait3A_89 = arith.constant 0 : i32
    %dma_wait3A_90 = tpu.memref_slice %arg8[%dma_wait3A_84, %dma_wait3A_89] : memref<8x80xi32, #tpu.memory_space<vmem>> -> memref<1x80xi32, #tpu.memory_space<vmem>>
    %dma_wait3A_91 = tpu.memref_squeeze %dma_wait3A_90 : memref<1x80xi32, #tpu.memory_space<vmem>> -> memref<80xi32, #tpu.memory_space<vmem>>
    %dma_wait3A_92 = tpu.memref_slice %arg4[%add3A_74] : memref<320000xi32, #tpu.memory_space<hbm>> -> memref<80xi32, #tpu.memory_space<hbm>>
    tpu.wait_dma2 semaphore(%arg14 : memref<!tpu.dma_semaphore, #tpu.memory_space<semaphore_mem>>) src(%dma_wait3A_92 : memref<80xi32, #tpu.memory_space<hbm>>) dst(%dma_wait3A_91 : memref<80xi32, #tpu.memory_space<vmem>>)
    %dma_start3A_93 = arith.constant 1 : i32
    %dma_start3A_94 = arith.constant 0 : i32
    %dma_start3A_95 = tpu.memref_slice %arg25[%dma_start3A_93, %dma_start3A_94] : memref<8x80xi32, #tpu.memory_space<vmem>> -> memref<1x80xi32, #tpu.memory_space<vmem>>
    %dma_start3A_96 = tpu.memref_squeeze %dma_start3A_95 : memref<1x80xi32, #tpu.memory_space<vmem>> -> memref<80xi32, #tpu.memory_space<vmem>>
    %dma_start3A_97 = arith.constant 0 : i32
    %dma_start3A_98 = arith.constant 0 : i32
    %dma_start3A_99 = tpu.memref_slice %arg2[%dma_start3A_97, %dma_start3A_98] : memref<10000x128xf32, #tpu.memory_space<hbm>> -> memref<10000x128xf32, #tpu.memory_space<hbm>>
    tpu.enqueue_indirect_dma source(%dma_start3A_99 : memref<10000x128xf32, #tpu.memory_space<hbm>>) target(%arg22 : memref<80x128xf32, #tpu.memory_space<vmem>>) offsets(%dma_start3A_96 : memref<80xi32, #tpu.memory_space<vmem>>) semaphore(%arg10 : memref<!tpu.dma_semaphore, #tpu.memory_space<semaphore_mem>>)
    %add3A_100 = arith.constant 160 : i32
    %add3A_101 = arith.addi %mul3A_4, %add3A_100 : i32
    %dma_start3A_102 = arith.constant 2 : i32
    %dma_start3A_103 = arith.constant 0 : i32
    %dma_start3A_104 = tpu.memref_slice %arg25[%dma_start3A_102, %dma_start3A_103] : memref<8x80xi32, #tpu.memory_space<vmem>> -> memref<1x80xi32, #tpu.memory_space<vmem>>
    %dma_start3A_105 = tpu.memref_squeeze %dma_start3A_104 : memref<1x80xi32, #tpu.memory_space<vmem>> -> memref<80xi32, #tpu.memory_space<vmem>>
    %dma_start3A_106 = tpu.memref_slice %arg3[%add3A_101] : memref<320000xi32, #tpu.memory_space<hbm>> -> memref<80xi32, #tpu.memory_space<hbm>>
    %dma_start3A_107 = arith.constant 0 : i32
    %dma_start3A_108 = tpu.memref_slice %arg25[%dma_start3A_102, %dma_start3A_107] : memref<8x80xi32, #tpu.memory_space<vmem>> -> memref<1x80xi32, #tpu.memory_space<vmem>>
    %dma_start3A_109 = tpu.memref_squeeze %dma_start3A_108 : memref<1x80xi32, #tpu.memory_space<vmem>> -> memref<80xi32, #tpu.memory_space<vmem>>
    %dma_start3A_110 = tpu.memref_slice %arg3[%add3A_101] : memref<320000xi32, #tpu.memory_space<hbm>> -> memref<80xi32, #tpu.memory_space<hbm>>
    tpu.enqueue_dma source(%dma_start3A_110 : memref<80xi32, #tpu.memory_space<hbm>>) target(%dma_start3A_109 : memref<80xi32, #tpu.memory_space<vmem>>) target_semaphore(%arg15 : memref<!tpu.dma_semaphore, #tpu.memory_space<semaphore_mem>>)
    %dma_start3A_111 = arith.constant 2 : i32
    %dma_start3A_112 = arith.constant 0 : i32
    %dma_start3A_113 = tpu.memref_slice %arg8[%dma_start3A_111, %dma_start3A_112] : memref<8x80xi32, #tpu.memory_space<vmem>> -> memref<1x80xi32, #tpu.memory_space<vmem>>
    %dma_start3A_114 = tpu.memref_squeeze %dma_start3A_113 : memref<1x80xi32, #tpu.memory_space<vmem>> -> memref<80xi32, #tpu.memory_space<vmem>>
    %dma_start3A_115 = tpu.memref_slice %arg4[%add3A_101] : memref<320000xi32, #tpu.memory_space<hbm>> -> memref<80xi32, #tpu.memory_space<hbm>>
    %dma_start3A_116 = arith.constant 0 : i32
    %dma_start3A_117 = tpu.memref_slice %arg8[%dma_start3A_111, %dma_start3A_116] : memref<8x80xi32, #tpu.memory_space<vmem>> -> memref<1x80xi32, #tpu.memory_space<vmem>>
    %dma_start3A_118 = tpu.memref_squeeze %dma_start3A_117 : memref<1x80xi32, #tpu.memory_space<vmem>> -> memref<80xi32, #tpu.memory_space<vmem>>
    %dma_start3A_119 = tpu.memref_slice %arg4[%add3A_101] : memref<320000xi32, #tpu.memory_space<hbm>> -> memref<80xi32, #tpu.memory_space<hbm>>
    tpu.enqueue_dma source(%dma_start3A_119 : memref<80xi32, #tpu.memory_space<hbm>>) target(%dma_start3A_118 : memref<80xi32, #tpu.memory_space<vmem>>) target_semaphore(%arg15 : memref<!tpu.dma_semaphore, #tpu.memory_space<semaphore_mem>>)
    %dma_wait3A_120 = arith.constant 0 : i32
    %dma_wait3A_121 = arith.constant 0 : i32
    %dma_wait3A_122 = tpu.memref_slice %arg25[%dma_wait3A_120, %dma_wait3A_121] : memref<8x80xi32, #tpu.memory_space<vmem>> -> memref<1x80xi32, #tpu.memory_space<vmem>>
    %dma_wait3A_123 = tpu.memref_squeeze %dma_wait3A_122 : memref<1x80xi32, #tpu.memory_space<vmem>> -> memref<80xi32, #tpu.memory_space<vmem>>
    %dma_wait3A_124 = arith.constant 0 : i32
    %dma_wait3A_125 = arith.constant 0 : i32
    %dma_wait3A_126 = tpu.memref_slice %arg2[%dma_wait3A_124, %dma_wait3A_125] : memref<10000x128xf32, #tpu.memory_space<hbm>> -> memref<10000x128xf32, #tpu.memory_space<hbm>>
    tpu.wait_indirect_dma semaphore(%arg9 : memref<!tpu.dma_semaphore, #tpu.memory_space<semaphore_mem>>) src(%dma_wait3A_126 : memref<10000x128xf32, #tpu.memory_space<hbm>>) dst(%arg21 : memref<80x128xf32, #tpu.memory_space<vmem>>)
    %dma_start3A_127 = arith.constant 0 : i32
    %dma_start3A_128 = arith.constant 0 : i32
    %dma_start3A_129 = tpu.memref_slice %arg8[%dma_start3A_127, %dma_start3A_128] : memref<8x80xi32, #tpu.memory_space<vmem>> -> memref<1x80xi32, #tpu.memory_space<vmem>>
    %dma_start3A_130 = tpu.memref_squeeze %dma_start3A_129 : memref<1x80xi32, #tpu.memory_space<vmem>> -> memref<80xi32, #tpu.memory_space<vmem>>
    %dma_start3A_131 = arith.constant 0 : i32
    %dma_start3A_132 = arith.constant 0 : i32
    %dma_start3A_133 = tpu.memref_slice %arg7[%dma_start3A_131, %dma_start3A_132] : memref<10000x128xf32, #tpu.memory_space<vmem_shared>> -> memref<10000x128xf32, #tpu.memory_space<vmem_shared>>
    tpu.enqueue_indirect_dma source(%arg21 : memref<80x128xf32, #tpu.memory_space<vmem>>) target(%dma_start3A_133 : memref<10000x128xf32, #tpu.memory_space<vmem_shared>>) offsets(%dma_start3A_130 : memref<80xi32, #tpu.memory_space<vmem>>) semaphore(%arg26 : memref<!tpu.dma_semaphore, #tpu.memory_space<semaphore_mem>>) {add = true}
    %add3A_134 = arith.constant 160 : i32
    %add3A_135 = arith.addi %mul3A_4, %add3A_134 : i32
    %dma_wait3A_136 = arith.constant 2 : i32
    %dma_wait3A_137 = arith.constant 0 : i32
    %dma_wait3A_138 = tpu.memref_slice %arg25[%dma_wait3A_136, %dma_wait3A_137] : memref<8x80xi32, #tpu.memory_space<vmem>> -> memref<1x80xi32, #tpu.memory_space<vmem>>
    %dma_wait3A_139 = tpu.memref_squeeze %dma_wait3A_138 : memref<1x80xi32, #tpu.memory_space<vmem>> -> memref<80xi32, #tpu.memory_space<vmem>>
    %dma_wait3A_140 = tpu.memref_slice %arg3[%add3A_135] : memref<320000xi32, #tpu.memory_space<hbm>> -> memref<80xi32, #tpu.memory_space<hbm>>
    %dma_wait3A_141 = arith.constant 0 : i32
    %dma_wait3A_142 = tpu.memref_slice %arg25[%dma_wait3A_136, %dma_wait3A_141] : memref<8x80xi32, #tpu.memory_space<vmem>> -> memref<1x80xi32, #tpu.memory_space<vmem>>
    %dma_wait3A_143 = tpu.memref_squeeze %dma_wait3A_142 : memref<1x80xi32, #tpu.memory_space<vmem>> -> memref<80xi32, #tpu.memory_space<vmem>>
    %dma_wait3A_144 = tpu.memref_slice %arg3[%add3A_135] : memref<320000xi32, #tpu.memory_space<hbm>> -> memref<80xi32, #tpu.memory_space<hbm>>
    tpu.wait_dma2 semaphore(%arg15 : memref<!tpu.dma_semaphore, #tpu.memory_space<semaphore_mem>>) src(%dma_wait3A_144 : memref<80xi32, #tpu.memory_space<hbm>>) dst(%dma_wait3A_143 : memref<80xi32, #tpu.memory_space<vmem>>)
    %dma_wait3A_145 = arith.constant 2 : i32
    %dma_wait3A_146 = arith.constant 0 : i32
    %dma_wait3A_147 = tpu.memref_slice %arg8[%dma_wait3A_145, %dma_wait3A_146] : memref<8x80xi32, #tpu.memory_space<vmem>> -> memref<1x80xi32, #tpu.memory_space<vmem>>
    %dma_wait3A_148 = tpu.memref_squeeze %dma_wait3A_147 : memref<1x80xi32, #tpu.memory_space<vmem>> -> memref<80xi32, #tpu.memory_space<vmem>>
    %dma_wait3A_149 = tpu.memref_slice %arg4[%add3A_135] : memref<320000xi32, #tpu.memory_space<hbm>> -> memref<80xi32, #tpu.memory_space<hbm>>
    %dma_wait3A_150 = arith.constant 0 : i32
    %dma_wait3A_151 = tpu.memref_slice %arg8[%dma_wait3A_145, %dma_wait3A_150] : memref<8x80xi32, #tpu.memory_space<vmem>> -> memref<1x80xi32, #tpu.memory_space<vmem>>
    %dma_wait3A_152 = tpu.memref_squeeze %dma_wait3A_151 : memref<1x80xi32, #tpu.memory_space<vmem>> -> memref<80xi32, #tpu.memory_space<vmem>>
    %dma_wait3A_153 = tpu.memref_slice %arg4[%add3A_135] : memref<320000xi32, #tpu.memory_space<hbm>> -> memref<80xi32, #tpu.memory_space<hbm>>
    tpu.wait_dma2 semaphore(%arg15 : memref<!tpu.dma_semaphore, #tpu.memory_space<semaphore_mem>>) src(%dma_wait3A_153 : memref<80xi32, #tpu.memory_space<hbm>>) dst(%dma_wait3A_152 : memref<80xi32, #tpu.memory_space<vmem>>)
    %dma_start3A_154 = arith.constant 2 : i32
    %dma_start3A_155 = arith.constant 0 : i32
    %dma_start3A_156 = tpu.memref_slice %arg25[%dma_start3A_154, %dma_start3A_155] : memref<8x80xi32, #tpu.memory_space<vmem>> -> memref<1x80xi32, #tpu.memory_space<vmem>>
    %dma_start3A_157 = tpu.memref_squeeze %dma_start3A_156 : memref<1x80xi32, #tpu.memory_space<vmem>> -> memref<80xi32, #tpu.memory_space<vmem>>
    %dma_start3A_158 = arith.constant 0 : i32
    %dma_start3A_159 = arith.constant 0 : i32
    %dma_start3A_160 = tpu.memref_slice %arg2[%dma_start3A_158, %dma_start3A_159] : memref<10000x128xf32, #tpu.memory_space<hbm>> -> memref<10000x128xf32, #tpu.memory_space<hbm>>
    tpu.enqueue_indirect_dma source(%dma_start3A_160 : memref<10000x128xf32, #tpu.memory_space<hbm>>) target(%arg23 : memref<80x128xf32, #tpu.memory_space<vmem>>) offsets(%dma_start3A_157 : memref<80xi32, #tpu.memory_space<vmem>>) semaphore(%arg11 : memref<!tpu.dma_semaphore, #tpu.memory_space<semaphore_mem>>)
    %add3A_161 = arith.constant 240 : i32
    %add3A_162 = arith.addi %mul3A_4, %add3A_161 : i32
    %dma_start3A_163 = arith.constant 3 : i32
    %dma_start3A_164 = arith.constant 0 : i32
    %dma_start3A_165 = tpu.memref_slice %arg25[%dma_start3A_163, %dma_start3A_164] : memref<8x80xi32, #tpu.memory_space<vmem>> -> memref<1x80xi32, #tpu.memory_space<vmem>>
    %dma_start3A_166 = tpu.memref_squeeze %dma_start3A_165 : memref<1x80xi32, #tpu.memory_space<vmem>> -> memref<80xi32, #tpu.memory_space<vmem>>
    %dma_start3A_167 = tpu.memref_slice %arg3[%add3A_162] : memref<320000xi32, #tpu.memory_space<hbm>> -> memref<80xi32, #tpu.memory_space<hbm>>
    %dma_start3A_168 = arith.constant 0 : i32
    %dma_start3A_169 = tpu.memref_slice %arg25[%dma_start3A_163, %dma_start3A_168] : memref<8x80xi32, #tpu.memory_space<vmem>> -> memref<1x80xi32, #tpu.memory_space<vmem>>
    %dma_start3A_170 = tpu.memref_squeeze %dma_start3A_169 : memref<1x80xi32, #tpu.memory_space<vmem>> -> memref<80xi32, #tpu.memory_space<vmem>>
    %dma_start3A_171 = tpu.memref_slice %arg3[%add3A_162] : memref<320000xi32, #tpu.memory_space<hbm>> -> memref<80xi32, #tpu.memory_space<hbm>>
    tpu.enqueue_dma source(%dma_start3A_171 : memref<80xi32, #tpu.memory_space<hbm>>) target(%dma_start3A_170 : memref<80xi32, #tpu.memory_space<vmem>>) target_semaphore(%arg16 : memref<!tpu.dma_semaphore, #tpu.memory_space<semaphore_mem>>)
    %dma_start3A_172 = arith.constant 3 : i32
    %dma_start3A_173 = arith.constant 0 : i32
    %dma_start3A_174 = tpu.memref_slice %arg8[%dma_start3A_172, %dma_start3A_173] : memref<8x80xi32, #tpu.memory_space<vmem>> -> memref<1x80xi32, #tpu.memory_space<vmem>>
    %dma_start3A_175 = tpu.memref_squeeze %dma_start3A_174 : memref<1x80xi32, #tpu.memory_space<vmem>> -> memref<80xi32, #tpu.memory_space<vmem>>
    %dma_start3A_176 = tpu.memref_slice %arg4[%add3A_162] : memref<320000xi32, #tpu.memory_space<hbm>> -> memref<80xi32, #tpu.memory_space<hbm>>
    %dma_start3A_177 = arith.constant 0 : i32
    %dma_start3A_178 = tpu.memref_slice %arg8[%dma_start3A_172, %dma_start3A_177] : memref<8x80xi32, #tpu.memory_space<vmem>> -> memref<1x80xi32, #tpu.memory_space<vmem>>
    %dma_start3A_179 = tpu.memref_squeeze %dma_start3A_178 : memref<1x80xi32, #tpu.memory_space<vmem>> -> memref<80xi32, #tpu.memory_space<vmem>>
    %dma_start3A_180 = tpu.memref_slice %arg4[%add3A_162] : memref<320000xi32, #tpu.memory_space<hbm>> -> memref<80xi32, #tpu.memory_space<hbm>>
    tpu.enqueue_dma source(%dma_start3A_180 : memref<80xi32, #tpu.memory_space<hbm>>) target(%dma_start3A_179 : memref<80xi32, #tpu.memory_space<vmem>>) target_semaphore(%arg16 : memref<!tpu.dma_semaphore, #tpu.memory_space<semaphore_mem>>)
    %dma_wait3A_181 = arith.constant 1 : i32
    %dma_wait3A_182 = arith.constant 0 : i32
    %dma_wait3A_183 = tpu.memref_slice %arg25[%dma_wait3A_181, %dma_wait3A_182] : memref<8x80xi32, #tpu.memory_space<vmem>> -> memref<1x80xi32, #tpu.memory_space<vmem>>
    %dma_wait3A_184 = tpu.memref_squeeze %dma_wait3A_183 : memref<1x80xi32, #tpu.memory_space<vmem>> -> memref<80xi32, #tpu.memory_space<vmem>>
    %dma_wait3A_185 = arith.constant 0 : i32
    %dma_wait3A_186 = arith.constant 0 : i32
    %dma_wait3A_187 = tpu.memref_slice %arg2[%dma_wait3A_185, %dma_wait3A_186] : memref<10000x128xf32, #tpu.memory_space<hbm>> -> memref<10000x128xf32, #tpu.memory_space<hbm>>
    tpu.wait_indirect_dma semaphore(%arg10 : memref<!tpu.dma_semaphore, #tpu.memory_space<semaphore_mem>>) src(%dma_wait3A_187 : memref<10000x128xf32, #tpu.memory_space<hbm>>) dst(%arg22 : memref<80x128xf32, #tpu.memory_space<vmem>>)
    %dma_start3A_188 = arith.constant 1 : i32
    %dma_start3A_189 = arith.constant 0 : i32
    %dma_start3A_190 = tpu.memref_slice %arg8[%dma_start3A_188, %dma_start3A_189] : memref<8x80xi32, #tpu.memory_space<vmem>> -> memref<1x80xi32, #tpu.memory_space<vmem>>
    %dma_start3A_191 = tpu.memref_squeeze %dma_start3A_190 : memref<1x80xi32, #tpu.memory_space<vmem>> -> memref<80xi32, #tpu.memory_space<vmem>>
    %dma_start3A_192 = arith.constant 0 : i32
    %dma_start3A_193 = arith.constant 0 : i32
    %dma_start3A_194 = tpu.memref_slice %arg7[%dma_start3A_192, %dma_start3A_193] : memref<10000x128xf32, #tpu.memory_space<vmem_shared>> -> memref<10000x128xf32, #tpu.memory_space<vmem_shared>>
    tpu.enqueue_indirect_dma source(%arg22 : memref<80x128xf32, #tpu.memory_space<vmem>>) target(%dma_start3A_194 : memref<10000x128xf32, #tpu.memory_space<vmem_shared>>) offsets(%dma_start3A_191 : memref<80xi32, #tpu.memory_space<vmem>>) semaphore(%arg27 : memref<!tpu.dma_semaphore, #tpu.memory_space<semaphore_mem>>) {add = true}
    %add3A_195 = arith.constant 240 : i32
    %add3A_196 = arith.addi %mul3A_4, %add3A_195 : i32
    %dma_wait3A_197 = arith.constant 3 : i32
    %dma_wait3A_198 = arith.constant 0 : i32
    %dma_wait3A_199 = tpu.memref_slice %arg25[%dma_wait3A_197, %dma_wait3A_198] : memref<8x80xi32, #tpu.memory_space<vmem>> -> memref<1x80xi32, #tpu.memory_space<vmem>>
    %dma_wait3A_200 = tpu.memref_squeeze %dma_wait3A_199 : memref<1x80xi32, #tpu.memory_space<vmem>> -> memref<80xi32, #tpu.memory_space<vmem>>
    %dma_wait3A_201 = tpu.memref_slice %arg3[%add3A_196] : memref<320000xi32, #tpu.memory_space<hbm>> -> memref<80xi32, #tpu.memory_space<hbm>>
    %dma_wait3A_202 = arith.constant 0 : i32
    %dma_wait3A_203 = tpu.memref_slice %arg25[%dma_wait3A_197, %dma_wait3A_202] : memref<8x80xi32, #tpu.memory_space<vmem>> -> memref<1x80xi32, #tpu.memory_space<vmem>>
    %dma_wait3A_204 = tpu.memref_squeeze %dma_wait3A_203 : memref<1x80xi32, #tpu.memory_space<vmem>> -> memref<80xi32, #tpu.memory_space<vmem>>
    %dma_wait3A_205 = tpu.memref_slice %arg3[%add3A_196] : memref<320000xi32, #tpu.memory_space<hbm>> -> memref<80xi32, #tpu.memory_space<hbm>>
    tpu.wait_dma2 semaphore(%arg16 : memref<!tpu.dma_semaphore, #tpu.memory_space<semaphore_mem>>) src(%dma_wait3A_205 : memref<80xi32, #tpu.memory_space<hbm>>) dst(%dma_wait3A_204 : memref<80xi32, #tpu.memory_space<vmem>>)
    %dma_wait3A_206 = arith.constant 3 : i32
    %dma_wait3A_207 = arith.constant 0 : i32
    %dma_wait3A_208 = tpu.memref_slice %arg8[%dma_wait3A_206, %dma_wait3A_207] : memref<8x80xi32, #tpu.memory_space<vmem>> -> memref<1x80xi32, #tpu.memory_space<vmem>>
    %dma_wait3A_209 = tpu.memref_squeeze %dma_wait3A_208 : memref<1x80xi32, #tpu.memory_space<vmem>> -> memref<80xi32, #tpu.memory_space<vmem>>
    %dma_wait3A_210 = tpu.memref_slice %arg4[%add3A_196] : memref<320000xi32, #tpu.memory_space<hbm>> -> memref<80xi32, #tpu.memory_space<hbm>>
    %dma_wait3A_211 = arith.constant 0 : i32
    %dma_wait3A_212 = tpu.memref_slice %arg8[%dma_wait3A_206, %dma_wait3A_211] : memref<8x80xi32, #tpu.memory_space<vmem>> -> memref<1x80xi32, #tpu.memory_space<vmem>>
    %dma_wait3A_213 = tpu.memref_squeeze %dma_wait3A_212 : memref<1x80xi32, #tpu.memory_space<vmem>> -> memref<80xi32, #tpu.memory_space<vmem>>
    %dma_wait3A_214 = tpu.memref_slice %arg4[%add3A_196] : memref<320000xi32, #tpu.memory_space<hbm>> -> memref<80xi32, #tpu.memory_space<hbm>>
    tpu.wait_dma2 semaphore(%arg16 : memref<!tpu.dma_semaphore, #tpu.memory_space<semaphore_mem>>) src(%dma_wait3A_214 : memref<80xi32, #tpu.memory_space<hbm>>) dst(%dma_wait3A_213 : memref<80xi32, #tpu.memory_space<vmem>>)
    %dma_start3A_215 = arith.constant 3 : i32
    %dma_start3A_216 = arith.constant 0 : i32
    %dma_start3A_217 = tpu.memref_slice %arg25[%dma_start3A_215, %dma_start3A_216] : memref<8x80xi32, #tpu.memory_space<vmem>> -> memref<1x80xi32, #tpu.memory_space<vmem>>
    %dma_start3A_218 = tpu.memref_squeeze %dma_start3A_217 : memref<1x80xi32, #tpu.memory_space<vmem>> -> memref<80xi32, #tpu.memory_space<vmem>>
    %dma_start3A_219 = arith.constant 0 : i32
    %dma_start3A_220 = arith.constant 0 : i32
    %dma_start3A_221 = tpu.memref_slice %arg2[%dma_start3A_219, %dma_start3A_220] : memref<10000x128xf32, #tpu.memory_space<hbm>> -> memref<10000x128xf32, #tpu.memory_space<hbm>>
    tpu.enqueue_indirect_dma source(%dma_start3A_221 : memref<10000x128xf32, #tpu.memory_space<hbm>>) target(%arg24 : memref<80x128xf32, #tpu.memory_space<vmem>>) offsets(%dma_start3A_218 : memref<80xi32, #tpu.memory_space<vmem>>) semaphore(%arg12 : memref<!tpu.dma_semaphore, #tpu.memory_space<semaphore_mem>>)
    %add3A_222 = arith.constant 320 : i32
    %add3A_223 = arith.addi %mul3A_4, %add3A_222 : i32
    %dma_start3A_224 = arith.constant 4 : i32
    %dma_start3A_225 = arith.constant 0 : i32
    %dma_start3A_226 = tpu.memref_slice %arg25[%dma_start3A_224, %dma_start3A_225] : memref<8x80xi32, #tpu.memory_space<vmem>> -> memref<1x80xi32, #tpu.memory_space<vmem>>
    %dma_start3A_227 = tpu.memref_squeeze %dma_start3A_226 : memref<1x80xi32, #tpu.memory_space<vmem>> -> memref<80xi32, #tpu.memory_space<vmem>>
    %dma_start3A_228 = tpu.memref_slice %arg3[%add3A_223] : memref<320000xi32, #tpu.memory_space<hbm>> -> memref<80xi32, #tpu.memory_space<hbm>>
    %dma_start3A_229 = arith.constant 0 : i32
    %dma_start3A_230 = tpu.memref_slice %arg25[%dma_start3A_224, %dma_start3A_229] : memref<8x80xi32, #tpu.memory_space<vmem>> -> memref<1x80xi32, #tpu.memory_space<vmem>>
    %dma_start3A_231 = tpu.memref_squeeze %dma_start3A_230 : memref<1x80xi32, #tpu.memory_space<vmem>> -> memref<80xi32, #tpu.memory_space<vmem>>
    %dma_start3A_232 = tpu.memref_slice %arg3[%add3A_223] : memref<320000xi32, #tpu.memory_space<hbm>> -> memref<80xi32, #tpu.memory_space<hbm>>
    tpu.enqueue_dma source(%dma_start3A_232 : memref<80xi32, #tpu.memory_space<hbm>>) target(%dma_start3A_231 : memref<80xi32, #tpu.memory_space<vmem>>) target_semaphore(%arg17 : memref<!tpu.dma_semaphore, #tpu.memory_space<semaphore_mem>>)
    %dma_start3A_233 = arith.constant 4 : i32
    %dma_start3A_234 = arith.constant 0 : i32
    %dma_start3A_235 = tpu.memref_slice %arg8[%dma_start3A_233, %dma_start3A_234] : memref<8x80xi32, #tpu.memory_space<vmem>> -> memref<1x80xi32, #tpu.memory_space<vmem>>
    %dma_start3A_236 = tpu.memref_squeeze %dma_start3A_235 : memref<1x80xi32, #tpu.memory_space<vmem>> -> memref<80xi32, #tpu.memory_space<vmem>>
    %dma_start3A_237 = tpu.memref_slice %arg4[%add3A_223] : memref<320000xi32, #tpu.memory_space<hbm>> -> memref<80xi32, #tpu.memory_space<hbm>>
    %dma_start3A_238 = arith.constant 0 : i32
    %dma_start3A_239 = tpu.memref_slice %arg8[%dma_start3A_233, %dma_start3A_238] : memref<8x80xi32, #tpu.memory_space<vmem>> -> memref<1x80xi32, #tpu.memory_space<vmem>>
    %dma_start3A_240 = tpu.memref_squeeze %dma_start3A_239 : memref<1x80xi32, #tpu.memory_space<vmem>> -> memref<80xi32, #tpu.memory_space<vmem>>
    %dma_start3A_241 = tpu.memref_slice %arg4[%add3A_223] : memref<320000xi32, #tpu.memory_space<hbm>> -> memref<80xi32, #tpu.memory_space<hbm>>
    tpu.enqueue_dma source(%dma_start3A_241 : memref<80xi32, #tpu.memory_space<hbm>>) target(%dma_start3A_240 : memref<80xi32, #tpu.memory_space<vmem>>) target_semaphore(%arg17 : memref<!tpu.dma_semaphore, #tpu.memory_space<semaphore_mem>>)
    %dma_wait3A_242 = arith.constant 2 : i32
    %dma_wait3A_243 = arith.constant 0 : i32
    %dma_wait3A_244 = tpu.memref_slice %arg25[%dma_wait3A_242, %dma_wait3A_243] : memref<8x80xi32, #tpu.memory_space<vmem>> -> memref<1x80xi32, #tpu.memory_space<vmem>>
    %dma_wait3A_245 = tpu.memref_squeeze %dma_wait3A_244 : memref<1x80xi32, #tpu.memory_space<vmem>> -> memref<80xi32, #tpu.memory_space<vmem>>
    %dma_wait3A_246 = arith.constant 0 : i32
    %dma_wait3A_247 = arith.constant 0 : i32
    %dma_wait3A_248 = tpu.memref_slice %arg2[%dma_wait3A_246, %dma_wait3A_247] : memref<10000x128xf32, #tpu.memory_space<hbm>> -> memref<10000x128xf32, #tpu.memory_space<hbm>>
    tpu.wait_indirect_dma semaphore(%arg11 : memref<!tpu.dma_semaphore, #tpu.memory_space<semaphore_mem>>) src(%dma_wait3A_248 : memref<10000x128xf32, #tpu.memory_space<hbm>>) dst(%arg23 : memref<80x128xf32, #tpu.memory_space<vmem>>)
    %dma_start3A_249 = arith.constant 2 : i32
    %dma_start3A_250 = arith.constant 0 : i32
    %dma_start3A_251 = tpu.memref_slice %arg8[%dma_start3A_249, %dma_start3A_250] : memref<8x80xi32, #tpu.memory_space<vmem>> -> memref<1x80xi32, #tpu.memory_space<vmem>>
    %dma_start3A_252 = tpu.memref_squeeze %dma_start3A_251 : memref<1x80xi32, #tpu.memory_space<vmem>> -> memref<80xi32, #tpu.memory_space<vmem>>
    %dma_start3A_253 = arith.constant 0 : i32
    %dma_start3A_254 = arith.constant 0 : i32
    %dma_start3A_255 = tpu.memref_slice %arg7[%dma_start3A_253, %dma_start3A_254] : memref<10000x128xf32, #tpu.memory_space<vmem_shared>> -> memref<10000x128xf32, #tpu.memory_space<vmem_shared>>
    tpu.enqueue_indirect_dma source(%arg23 : memref<80x128xf32, #tpu.memory_space<vmem>>) target(%dma_start3A_255 : memref<10000x128xf32, #tpu.memory_space<vmem_shared>>) offsets(%dma_start3A_252 : memref<80xi32, #tpu.memory_space<vmem>>) semaphore(%arg28 : memref<!tpu.dma_semaphore, #tpu.memory_space<semaphore_mem>>) {add = true}
    %scan3A = arith.constant 0 : i32
    %scan3A_256 = arith.constant 0 : i32
    %scan3A_257 = arith.constant 15 : i32
    %scan3A_258 = arith.addi %scan3A_256, %scan3A_257 : i32
    %scan3A_259 = arith.constant 1 : i32
    scf.for %scan3A_357 = %scan3A_256 to %scan3A_258 step %scan3A_259  : i32 {
      %mul3A_358 = arith.constant 8 : i32
      %mul3A_359 = arith.muli %mul3A_358, %scan3A_357 : i32
      %add3A_360 = arith.constant 3 : i32
      %add3A_361 = arith.addi %mul3A_359, %add3A_360 : i32
      %add3A_362 = arith.constant 0 : i32
      %add3A_363 = arith.addi %add3A_361, %add3A_362 : i32
      %dma_wait3A_364 = arith.constant 0 : i32
      %dma_wait3A_365 = arith.constant 0 : i32
      %dma_wait3A_366 = tpu.memref_slice %arg8[%dma_wait3A_364, %dma_wait3A_365] : memref<8x80xi32, #tpu.memory_space<vmem>> -> memref<1x80xi32, #tpu.memory_space<vmem>>
      %dma_wait3A_367 = tpu.memref_squeeze %dma_wait3A_366 : memref<1x80xi32, #tpu.memory_space<vmem>> -> memref<80xi32, #tpu.memory_space<vmem>>
      %dma_wait3A_368 = arith.constant 0 : i32
      %dma_wait3A_369 = arith.constant 0 : i32
      %dma_wait3A_370 = tpu.memref_slice %arg7[%dma_wait3A_368, %dma_wait3A_369] : memref<10000x128xf32, #tpu.memory_space<vmem_shared>> -> memref<10000x128xf32, #tpu.memory_space<vmem_shared>>
      tpu.wait_indirect_dma semaphore(%arg26 : memref<!tpu.dma_semaphore, #tpu.memory_space<semaphore_mem>>) src(%arg21 : memref<80x128xf32, #tpu.memory_space<vmem>>) dst(%dma_wait3A_370 : memref<10000x128xf32, #tpu.memory_space<vmem_shared>>)
      %add3A_371 = arith.constant 1 : i32
      %add3A_372 = arith.addi %add3A_363, %add3A_371 : i32
      %mul3A_373 = arith.constant 80 : i32
      %mul3A_374 = arith.muli %add3A_372, %mul3A_373 : i32
      %add3A_375 = arith.addi %mul3A_4, %mul3A_374 : i32
      %dma_wait3A_376 = arith.constant 4 : i32
      %dma_wait3A_377 = arith.constant 0 : i32
      %dma_wait3A_378 = tpu.memref_slice %arg25[%dma_wait3A_376, %dma_wait3A_377] : memref<8x80xi32, #tpu.memory_space<vmem>> -> memref<1x80xi32, #tpu.memory_space<vmem>>
      %dma_wait3A_379 = tpu.memref_squeeze %dma_wait3A_378 : memref<1x80xi32, #tpu.memory_space<vmem>> -> memref<80xi32, #tpu.memory_space<vmem>>
      %dma_wait3A_380 = tpu.memref_slice %arg3[%add3A_375] : memref<320000xi32, #tpu.memory_space<hbm>> -> memref<80xi32, #tpu.memory_space<hbm>>
      %dma_wait3A_381 = arith.constant 0 : i32
      %dma_wait3A_382 = tpu.memref_slice %arg25[%dma_wait3A_376, %dma_wait3A_381] : memref<8x80xi32, #tpu.memory_space<vmem>> -> memref<1x80xi32, #tpu.memory_space<vmem>>
      %dma_wait3A_383 = tpu.memref_squeeze %dma_wait3A_382 : memref<1x80xi32, #tpu.memory_space<vmem>> -> memref<80xi32, #tpu.memory_space<vmem>>
      %dma_wait3A_384 = tpu.memref_slice %arg3[%add3A_375] : memref<320000xi32, #tpu.memory_space<hbm>> -> memref<80xi32, #tpu.memory_space<hbm>>
      tpu.wait_dma2 semaphore(%arg17 : memref<!tpu.dma_semaphore, #tpu.memory_space<semaphore_mem>>) src(%dma_wait3A_384 : memref<80xi32, #tpu.memory_space<hbm>>) dst(%dma_wait3A_383 : memref<80xi32, #tpu.memory_space<vmem>>)
      %dma_wait3A_385 = arith.constant 4 : i32
      %dma_wait3A_386 = arith.constant 0 : i32
      %dma_wait3A_387 = tpu.memref_slice %arg8[%dma_wait3A_385, %dma_wait3A_386] : memref<8x80xi32, #tpu.memory_space<vmem>> -> memref<1x80xi32, #tpu.memory_space<vmem>>
      %dma_wait3A_388 = tpu.memref_squeeze %dma_wait3A_387 : memref<1x80xi32, #tpu.memory_space<vmem>> -> memref<80xi32, #tpu.memory_space<vmem>>
      %dma_wait3A_389 = tpu.memref_slice %arg4[%add3A_375] : memref<320000xi32, #tpu.memory_space<hbm>> -> memref<80xi32, #tpu.memory_space<hbm>>
      %dma_wait3A_390 = arith.constant 0 : i32
      %dma_wait3A_391 = tpu.memref_slice %arg8[%dma_wait3A_385, %dma_wait3A_390] : memref<8x80xi32, #tpu.memory_space<vmem>> -> memref<1x80xi32, #tpu.memory_space<vmem>>
      %dma_wait3A_392 = tpu.memref_squeeze %dma_wait3A_391 : memref<1x80xi32, #tpu.memory_space<vmem>> -> memref<80xi32, #tpu.memory_space<vmem>>
      %dma_wait3A_393 = tpu.memref_slice %arg4[%add3A_375] : memref<320000xi32, #tpu.memory_space<hbm>> -> memref<80xi32, #tpu.memory_space<hbm>>
      tpu.wait_dma2 semaphore(%arg17 : memref<!tpu.dma_semaphore, #tpu.memory_space<semaphore_mem>>) src(%dma_wait3A_393 : memref<80xi32, #tpu.memory_space<hbm>>) dst(%dma_wait3A_392 : memref<80xi32, #tpu.memory_space<vmem>>)
      %dma_start3A_394 = arith.constant 4 : i32
      %dma_start3A_395 = arith.constant 0 : i32
      %dma_start3A_396 = tpu.memref_slice %arg25[%dma_start3A_394, %dma_start3A_395] : memref<8x80xi32, #tpu.memory_space<vmem>> -> memref<1x80xi32, #tpu.memory_space<vmem>>
      %dma_start3A_397 = tpu.memref_squeeze %dma_start3A_396 : memref<1x80xi32, #tpu.memory_space<vmem>> -> memref<80xi32, #tpu.memory_space<vmem>>
      %dma_start3A_398 = arith.constant 0 : i32
      %dma_start3A_399 = arith.constant 0 : i32
      %dma_start3A_400 = tpu.memref_slice %arg2[%dma_start3A_398, %dma_start3A_399] : memref<10000x128xf32, #tpu.memory_space<hbm>> -> memref<10000x128xf32, #tpu.memory_space<hbm>>
      tpu.enqueue_indirect_dma source(%dma_start3A_400 : memref<10000x128xf32, #tpu.memory_space<hbm>>) target(%arg21 : memref<80x128xf32, #tpu.memory_space<vmem>>) offsets(%dma_start3A_397 : memref<80xi32, #tpu.memory_space<vmem>>) semaphore(%arg9 : memref<!tpu.dma_semaphore, #tpu.memory_space<semaphore_mem>>)
      %add3A_401 = arith.constant 2 : i32
      %add3A_402 = arith.addi %add3A_363, %add3A_401 : i32
      %mul3A_403 = arith.constant 80 : i32
      %mul3A_404 = arith.muli %add3A_402, %mul3A_403 : i32
      %add3A_405 = arith.addi %mul3A_4, %mul3A_404 : i32
      %dma_start3A_406 = arith.constant 5 : i32
      %dma_start3A_407 = arith.constant 0 : i32
      %dma_start3A_408 = tpu.memref_slice %arg25[%dma_start3A_406, %dma_start3A_407] : memref<8x80xi32, #tpu.memory_space<vmem>> -> memref<1x80xi32, #tpu.memory_space<vmem>>
      %dma_start3A_409 = tpu.memref_squeeze %dma_start3A_408 : memref<1x80xi32, #tpu.memory_space<vmem>> -> memref<80xi32, #tpu.memory_space<vmem>>
      %dma_start3A_410 = tpu.memref_slice %arg3[%add3A_405] : memref<320000xi32, #tpu.memory_space<hbm>> -> memref<80xi32, #tpu.memory_space<hbm>>
      %dma_start3A_411 = arith.constant 0 : i32
      %dma_start3A_412 = tpu.memref_slice %arg25[%dma_start3A_406, %dma_start3A_411] : memref<8x80xi32, #tpu.memory_space<vmem>> -> memref<1x80xi32, #tpu.memory_space<vmem>>
      %dma_start3A_413 = tpu.memref_squeeze %dma_start3A_412 : memref<1x80xi32, #tpu.memory_space<vmem>> -> memref<80xi32, #tpu.memory_space<vmem>>
      %dma_start3A_414 = tpu.memref_slice %arg3[%add3A_405] : memref<320000xi32, #tpu.memory_space<hbm>> -> memref<80xi32, #tpu.memory_space<hbm>>
      tpu.enqueue_dma source(%dma_start3A_414 : memref<80xi32, #tpu.memory_space<hbm>>) target(%dma_start3A_413 : memref<80xi32, #tpu.memory_space<vmem>>) target_semaphore(%arg18 : memref<!tpu.dma_semaphore, #tpu.memory_space<semaphore_mem>>)
      %dma_start3A_415 = arith.constant 5 : i32
      %dma_start3A_416 = arith.constant 0 : i32
      %dma_start3A_417 = tpu.memref_slice %arg8[%dma_start3A_415, %dma_start3A_416] : memref<8x80xi32, #tpu.memory_space<vmem>> -> memref<1x80xi32, #tpu.memory_space<vmem>>
      %dma_start3A_418 = tpu.memref_squeeze %dma_start3A_417 : memref<1x80xi32, #tpu.memory_space<vmem>> -> memref<80xi32, #tpu.memory_space<vmem>>
      %dma_start3A_419 = tpu.memref_slice %arg4[%add3A_405] : memref<320000xi32, #tpu.memory_space<hbm>> -> memref<80xi32, #tpu.memory_space<hbm>>
      %dma_start3A_420 = arith.constant 0 : i32
      %dma_start3A_421 = tpu.memref_slice %arg8[%dma_start3A_415, %dma_start3A_420] : memref<8x80xi32, #tpu.memory_space<vmem>> -> memref<1x80xi32, #tpu.memory_space<vmem>>
      %dma_start3A_422 = tpu.memref_squeeze %dma_start3A_421 : memref<1x80xi32, #tpu.memory_space<vmem>> -> memref<80xi32, #tpu.memory_space<vmem>>
      %dma_start3A_423 = tpu.memref_slice %arg4[%add3A_405] : memref<320000xi32, #tpu.memory_space<hbm>> -> memref<80xi32, #tpu.memory_space<hbm>>
      tpu.enqueue_dma source(%dma_start3A_423 : memref<80xi32, #tpu.memory_space<hbm>>) target(%dma_start3A_422 : memref<80xi32, #tpu.memory_space<vmem>>) target_semaphore(%arg18 : memref<!tpu.dma_semaphore, #tpu.memory_space<semaphore_mem>>)
      %dma_wait3A_424 = arith.constant 3 : i32
      %dma_wait3A_425 = arith.constant 0 : i32
      %dma_wait3A_426 = tpu.memref_slice %arg25[%dma_wait3A_424, %dma_wait3A_425] : memref<8x80xi32, #tpu.memory_space<vmem>> -> memref<1x80xi32, #tpu.memory_space<vmem>>
      %dma_wait3A_427 = tpu.memref_squeeze %dma_wait3A_426 : memref<1x80xi32, #tpu.memory_space<vmem>> -> memref<80xi32, #tpu.memory_space<vmem>>
      %dma_wait3A_428 = arith.constant 0 : i32
      %dma_wait3A_429 = arith.constant 0 : i32
      %dma_wait3A_430 = tpu.memref_slice %arg2[%dma_wait3A_428, %dma_wait3A_429] : memref<10000x128xf32, #tpu.memory_space<hbm>> -> memref<10000x128xf32, #tpu.memory_space<hbm>>
      tpu.wait_indirect_dma semaphore(%arg12 : memref<!tpu.dma_semaphore, #tpu.memory_space<semaphore_mem>>) src(%dma_wait3A_430 : memref<10000x128xf32, #tpu.memory_space<hbm>>) dst(%arg24 : memref<80x128xf32, #tpu.memory_space<vmem>>)
      %dma_start3A_431 = arith.constant 3 : i32
      %dma_start3A_432 = arith.constant 0 : i32
      %dma_start3A_433 = tpu.memref_slice %arg8[%dma_start3A_431, %dma_start3A_432] : memref<8x80xi32, #tpu.memory_space<vmem>> -> memref<1x80xi32, #tpu.memory_space<vmem>>
      %dma_start3A_434 = tpu.memref_squeeze %dma_start3A_433 : memref<1x80xi32, #tpu.memory_space<vmem>> -> memref<80xi32, #tpu.memory_space<vmem>>
      %dma_start3A_435 = arith.constant 0 : i32
      %dma_start3A_436 = arith.constant 0 : i32
      %dma_start3A_437 = tpu.memref_slice %arg7[%dma_start3A_435, %dma_start3A_436] : memref<10000x128xf32, #tpu.memory_space<vmem_shared>> -> memref<10000x128xf32, #tpu.memory_space<vmem_shared>>
      tpu.enqueue_indirect_dma source(%arg24 : memref<80x128xf32, #tpu.memory_space<vmem>>) target(%dma_start3A_437 : memref<10000x128xf32, #tpu.memory_space<vmem_shared>>) offsets(%dma_start3A_434 : memref<80xi32, #tpu.memory_space<vmem>>) semaphore(%arg29 : memref<!tpu.dma_semaphore, #tpu.memory_space<semaphore_mem>>) {add = true}
      %add3A_438 = arith.constant 1 : i32
      %add3A_439 = arith.addi %add3A_361, %add3A_438 : i32
      %dma_wait3A_440 = arith.constant 1 : i32
      %dma_wait3A_441 = arith.constant 0 : i32
      %dma_wait3A_442 = tpu.memref_slice %arg8[%dma_wait3A_440, %dma_wait3A_441] : memref<8x80xi32, #tpu.memory_space<vmem>> -> memref<1x80xi32, #tpu.memory_space<vmem>>
      %dma_wait3A_443 = tpu.memref_squeeze %dma_wait3A_442 : memref<1x80xi32, #tpu.memory_space<vmem>> -> memref<80xi32, #tpu.memory_space<vmem>>
      %dma_wait3A_444 = arith.constant 0 : i32
      %dma_wait3A_445 = arith.constant 0 : i32
      %dma_wait3A_446 = tpu.memref_slice %arg7[%dma_wait3A_444, %dma_wait3A_445] : memref<10000x128xf32, #tpu.memory_space<vmem_shared>> -> memref<10000x128xf32, #tpu.memory_space<vmem_shared>>
      tpu.wait_indirect_dma semaphore(%arg27 : memref<!tpu.dma_semaphore, #tpu.memory_space<semaphore_mem>>) src(%arg22 : memref<80x128xf32, #tpu.memory_space<vmem>>) dst(%dma_wait3A_446 : memref<10000x128xf32, #tpu.memory_space<vmem_shared>>)
      %add3A_447 = arith.constant 1 : i32
      %add3A_448 = arith.addi %add3A_439, %add3A_447 : i32
      %mul3A_449 = arith.constant 80 : i32
      %mul3A_450 = arith.muli %add3A_448, %mul3A_449 : i32
      %add3A_451 = arith.addi %mul3A_4, %mul3A_450 : i32
      %dma_wait3A_452 = arith.constant 5 : i32
      %dma_wait3A_453 = arith.constant 0 : i32
      %dma_wait3A_454 = tpu.memref_slice %arg25[%dma_wait3A_452, %dma_wait3A_453] : memref<8x80xi32, #tpu.memory_space<vmem>> -> memref<1x80xi32, #tpu.memory_space<vmem>>
      %dma_wait3A_455 = tpu.memref_squeeze %dma_wait3A_454 : memref<1x80xi32, #tpu.memory_space<vmem>> -> memref<80xi32, #tpu.memory_space<vmem>>
      %dma_wait3A_456 = tpu.memref_slice %arg3[%add3A_451] : memref<320000xi32, #tpu.memory_space<hbm>> -> memref<80xi32, #tpu.memory_space<hbm>>
      %dma_wait3A_457 = arith.constant 0 : i32
      %dma_wait3A_458 = tpu.memref_slice %arg25[%dma_wait3A_452, %dma_wait3A_457] : memref<8x80xi32, #tpu.memory_space<vmem>> -> memref<1x80xi32, #tpu.memory_space<vmem>>
      %dma_wait3A_459 = tpu.memref_squeeze %dma_wait3A_458 : memref<1x80xi32, #tpu.memory_space<vmem>> -> memref<80xi32, #tpu.memory_space<vmem>>
      %dma_wait3A_460 = tpu.memref_slice %arg3[%add3A_451] : memref<320000xi32, #tpu.memory_space<hbm>> -> memref<80xi32, #tpu.memory_space<hbm>>
      tpu.wait_dma2 semaphore(%arg18 : memref<!tpu.dma_semaphore, #tpu.memory_space<semaphore_mem>>) src(%dma_wait3A_460 : memref<80xi32, #tpu.memory_space<hbm>>) dst(%dma_wait3A_459 : memref<80xi32, #tpu.memory_space<vmem>>)
      %dma_wait3A_461 = arith.constant 5 : i32
      %dma_wait3A_462 = arith.constant 0 : i32
      %dma_wait3A_463 = tpu.memref_slice %arg8[%dma_wait3A_461, %dma_wait3A_462] : memref<8x80xi32, #tpu.memory_space<vmem>> -> memref<1x80xi32, #tpu.memory_space<vmem>>
      %dma_wait3A_464 = tpu.memref_squeeze %dma_wait3A_463 : memref<1x80xi32, #tpu.memory_space<vmem>> -> memref<80xi32, #tpu.memory_space<vmem>>
      %dma_wait3A_465 = tpu.memref_slice %arg4[%add3A_451] : memref<320000xi32, #tpu.memory_space<hbm>> -> memref<80xi32, #tpu.memory_space<hbm>>
      %dma_wait3A_466 = arith.constant 0 : i32
      %dma_wait3A_467 = tpu.memref_slice %arg8[%dma_wait3A_461, %dma_wait3A_466] : memref<8x80xi32, #tpu.memory_space<vmem>> -> memref<1x80xi32, #tpu.memory_space<vmem>>
      %dma_wait3A_468 = tpu.memref_squeeze %dma_wait3A_467 : memref<1x80xi32, #tpu.memory_space<vmem>> -> memref<80xi32, #tpu.memory_space<vmem>>
      %dma_wait3A_469 = tpu.memref_slice %arg4[%add3A_451] : memref<320000xi32, #tpu.memory_space<hbm>> -> memref<80xi32, #tpu.memory_space<hbm>>
      tpu.wait_dma2 semaphore(%arg18 : memref<!tpu.dma_semaphore, #tpu.memory_space<semaphore_mem>>) src(%dma_wait3A_469 : memref<80xi32, #tpu.memory_space<hbm>>) dst(%dma_wait3A_468 : memref<80xi32, #tpu.memory_space<vmem>>)
      %dma_start3A_470 = arith.constant 5 : i32
      %dma_start3A_471 = arith.constant 0 : i32
      %dma_start3A_472 = tpu.memref_slice %arg25[%dma_start3A_470, %dma_start3A_471] : memref<8x80xi32, #tpu.memory_space<vmem>> -> memref<1x80xi32, #tpu.memory_space<vmem>>
      %dma_start3A_473 = tpu.memref_squeeze %dma_start3A_472 : memref<1x80xi32, #tpu.memory_space<vmem>> -> memref<80xi32, #tpu.memory_space<vmem>>
      %dma_start3A_474 = arith.constant 0 : i32
      %dma_start3A_475 = arith.constant 0 : i32
      %dma_start3A_476 = tpu.memref_slice %arg2[%dma_start3A_474, %dma_start3A_475] : memref<10000x128xf32, #tpu.memory_space<hbm>> -> memref<10000x128xf32, #tpu.memory_space<hbm>>
      tpu.enqueue_indirect_dma source(%dma_start3A_476 : memref<10000x128xf32, #tpu.memory_space<hbm>>) target(%arg22 : memref<80x128xf32, #tpu.memory_space<vmem>>) offsets(%dma_start3A_473 : memref<80xi32, #tpu.memory_space<vmem>>) semaphore(%arg10 : memref<!tpu.dma_semaphore, #tpu.memory_space<semaphore_mem>>)
      %add3A_477 = arith.constant 2 : i32
      %add3A_478 = arith.addi %add3A_439, %add3A_477 : i32
      %mul3A_479 = arith.constant 80 : i32
      %mul3A_480 = arith.muli %add3A_478, %mul3A_479 : i32
      %add3A_481 = arith.addi %mul3A_4, %mul3A_480 : i32
      %dma_start3A_482 = arith.constant 6 : i32
      %dma_start3A_483 = arith.constant 0 : i32
      %dma_start3A_484 = tpu.memref_slice %arg25[%dma_start3A_482, %dma_start3A_483] : memref<8x80xi32, #tpu.memory_space<vmem>> -> memref<1x80xi32, #tpu.memory_space<vmem>>
      %dma_start3A_485 = tpu.memref_squeeze %dma_start3A_484 : memref<1x80xi32, #tpu.memory_space<vmem>> -> memref<80xi32, #tpu.memory_space<vmem>>
      %dma_start3A_486 = tpu.memref_slice %arg3[%add3A_481] : memref<320000xi32, #tpu.memory_space<hbm>> -> memref<80xi32, #tpu.memory_space<hbm>>
      %dma_start3A_487 = arith.constant 0 : i32
      %dma_start3A_488 = tpu.memref_slice %arg25[%dma_start3A_482, %dma_start3A_487] : memref<8x80xi32, #tpu.memory_space<vmem>> -> memref<1x80xi32, #tpu.memory_space<vmem>>
      %dma_start3A_489 = tpu.memref_squeeze %dma_start3A_488 : memref<1x80xi32, #tpu.memory_space<vmem>> -> memref<80xi32, #tpu.memory_space<vmem>>
      %dma_start3A_490 = tpu.memref_slice %arg3[%add3A_481] : memref<320000xi32, #tpu.memory_space<hbm>> -> memref<80xi32, #tpu.memory_space<hbm>>
      tpu.enqueue_dma source(%dma_start3A_490 : memref<80xi32, #tpu.memory_space<hbm>>) target(%dma_start3A_489 : memref<80xi32, #tpu.memory_space<vmem>>) target_semaphore(%arg19 : memref<!tpu.dma_semaphore, #tpu.memory_space<semaphore_mem>>)
      %dma_start3A_491 = arith.constant 6 : i32
      %dma_start3A_492 = arith.constant 0 : i32
      %dma_start3A_493 = tpu.memref_slice %arg8[%dma_start3A_491, %dma_start3A_492] : memref<8x80xi32, #tpu.memory_space<vmem>> -> memref<1x80xi32, #tpu.memory_space<vmem>>
      %dma_start3A_494 = tpu.memref_squeeze %dma_start3A_493 : memref<1x80xi32, #tpu.memory_space<vmem>> -> memref<80xi32, #tpu.memory_space<vmem>>
      %dma_start3A_495 = tpu.memref_slice %arg4[%add3A_481] : memref<320000xi32, #tpu.memory_space<hbm>> -> memref<80xi32, #tpu.memory_space<hbm>>
      %dma_start3A_496 = arith.constant 0 : i32
      %dma_start3A_497 = tpu.memref_slice %arg8[%dma_start3A_491, %dma_start3A_496] : memref<8x80xi32, #tpu.memory_space<vmem>> -> memref<1x80xi32, #tpu.memory_space<vmem>>
      %dma_start3A_498 = tpu.memref_squeeze %dma_start3A_497 : memref<1x80xi32, #tpu.memory_space<vmem>> -> memref<80xi32, #tpu.memory_space<vmem>>
      %dma_start3A_499 = tpu.memref_slice %arg4[%add3A_481] : memref<320000xi32, #tpu.memory_space<hbm>> -> memref<80xi32, #tpu.memory_space<hbm>>
      tpu.enqueue_dma source(%dma_start3A_499 : memref<80xi32, #tpu.memory_space<hbm>>) target(%dma_start3A_498 : memref<80xi32, #tpu.memory_space<vmem>>) target_semaphore(%arg19 : memref<!tpu.dma_semaphore, #tpu.memory_space<semaphore_mem>>)
      %dma_wait3A_500 = arith.constant 4 : i32
      %dma_wait3A_501 = arith.constant 0 : i32
      %dma_wait3A_502 = tpu.memref_slice %arg25[%dma_wait3A_500, %dma_wait3A_501] : memref<8x80xi32, #tpu.memory_space<vmem>> -> memref<1x80xi32, #tpu.memory_space<vmem>>
      %dma_wait3A_503 = tpu.memref_squeeze %dma_wait3A_502 : memref<1x80xi32, #tpu.memory_space<vmem>> -> memref<80xi32, #tpu.memory_space<vmem>>
      %dma_wait3A_504 = arith.constant 0 : i32
      %dma_wait3A_505 = arith.constant 0 : i32
      %dma_wait3A_506 = tpu.memref_slice %arg2[%dma_wait3A_504, %dma_wait3A_505] : memref<10000x128xf32, #tpu.memory_space<hbm>> -> memref<10000x128xf32, #tpu.memory_space<hbm>>
      tpu.wait_indirect_dma semaphore(%arg9 : memref<!tpu.dma_semaphore, #tpu.memory_space<semaphore_mem>>) src(%dma_wait3A_506 : memref<10000x128xf32, #tpu.memory_space<hbm>>) dst(%arg21 : memref<80x128xf32, #tpu.memory_space<vmem>>)
      %dma_start3A_507 = arith.constant 4 : i32
      %dma_start3A_508 = arith.constant 0 : i32
      %dma_start3A_509 = tpu.memref_slice %arg8[%dma_start3A_507, %dma_start3A_508] : memref<8x80xi32, #tpu.memory_space<vmem>> -> memref<1x80xi32, #tpu.memory_space<vmem>>
      %dma_start3A_510 = tpu.memref_squeeze %dma_start3A_509 : memref<1x80xi32, #tpu.memory_space<vmem>> -> memref<80xi32, #tpu.memory_space<vmem>>
      %dma_start3A_511 = arith.constant 0 : i32
      %dma_start3A_512 = arith.constant 0 : i32
      %dma_start3A_513 = tpu.memref_slice %arg7[%dma_start3A_511, %dma_start3A_512] : memref<10000x128xf32, #tpu.memory_space<vmem_shared>> -> memref<10000x128xf32, #tpu.memory_space<vmem_shared>>
      tpu.enqueue_indirect_dma source(%arg21 : memref<80x128xf32, #tpu.memory_space<vmem>>) target(%dma_start3A_513 : memref<10000x128xf32, #tpu.memory_space<vmem_shared>>) offsets(%dma_start3A_510 : memref<80xi32, #tpu.memory_space<vmem>>) semaphore(%arg26 : memref<!tpu.dma_semaphore, #tpu.memory_space<semaphore_mem>>) {add = true}
      %add3A_514 = arith.constant 2 : i32
      %add3A_515 = arith.addi %add3A_361, %add3A_514 : i32
      %dma_wait3A_516 = arith.constant 2 : i32
      %dma_wait3A_517 = arith.constant 0 : i32
      %dma_wait3A_518 = tpu.memref_slice %arg8[%dma_wait3A_516, %dma_wait3A_517] : memref<8x80xi32, #tpu.memory_space<vmem>> -> memref<1x80xi32, #tpu.memory_space<vmem>>
      %dma_wait3A_519 = tpu.memref_squeeze %dma_wait3A_518 : memref<1x80xi32, #tpu.memory_space<vmem>> -> memref<80xi32, #tpu.memory_space<vmem>>
      %dma_wait3A_520 = arith.constant 0 : i32
      %dma_wait3A_521 = arith.constant 0 : i32
      %dma_wait3A_522 = tpu.memref_slice %arg7[%dma_wait3A_520, %dma_wait3A_521] : memref<10000x128xf32, #tpu.memory_space<vmem_shared>> -> memref<10000x128xf32, #tpu.memory_space<vmem_shared>>
      tpu.wait_indirect_dma semaphore(%arg28 : memref<!tpu.dma_semaphore, #tpu.memory_space<semaphore_mem>>) src(%arg23 : memref<80x128xf32, #tpu.memory_space<vmem>>) dst(%dma_wait3A_522 : memref<10000x128xf32, #tpu.memory_space<vmem_shared>>)
      %add3A_523 = arith.constant 1 : i32
      %add3A_524 = arith.addi %add3A_515, %add3A_523 : i32
      %mul3A_525 = arith.constant 80 : i32
      %mul3A_526 = arith.muli %add3A_524, %mul3A_525 : i32
      %add3A_527 = arith.addi %mul3A_4, %mul3A_526 : i32
      %dma_wait3A_528 = arith.constant 6 : i32
      %dma_wait3A_529 = arith.constant 0 : i32
      %dma_wait3A_530 = tpu.memref_slice %arg25[%dma_wait3A_528, %dma_wait3A_529] : memref<8x80xi32, #tpu.memory_space<vmem>> -> memref<1x80xi32, #tpu.memory_space<vmem>>
      %dma_wait3A_531 = tpu.memref_squeeze %dma_wait3A_530 : memref<1x80xi32, #tpu.memory_space<vmem>> -> memref<80xi32, #tpu.memory_space<vmem>>
      %dma_wait3A_532 = tpu.memref_slice %arg3[%add3A_527] : memref<320000xi32, #tpu.memory_space<hbm>> -> memref<80xi32, #tpu.memory_space<hbm>>
      %dma_wait3A_533 = arith.constant 0 : i32
      %dma_wait3A_534 = tpu.memref_slice %arg25[%dma_wait3A_528, %dma_wait3A_533] : memref<8x80xi32, #tpu.memory_space<vmem>> -> memref<1x80xi32, #tpu.memory_space<vmem>>
      %dma_wait3A_535 = tpu.memref_squeeze %dma_wait3A_534 : memref<1x80xi32, #tpu.memory_space<vmem>> -> memref<80xi32, #tpu.memory_space<vmem>>
      %dma_wait3A_536 = tpu.memref_slice %arg3[%add3A_527] : memref<320000xi32, #tpu.memory_space<hbm>> -> memref<80xi32, #tpu.memory_space<hbm>>
      tpu.wait_dma2 semaphore(%arg19 : memref<!tpu.dma_semaphore, #tpu.memory_space<semaphore_mem>>) src(%dma_wait3A_536 : memref<80xi32, #tpu.memory_space<hbm>>) dst(%dma_wait3A_535 : memref<80xi32, #tpu.memory_space<vmem>>)
      %dma_wait3A_537 = arith.constant 6 : i32
      %dma_wait3A_538 = arith.constant 0 : i32
      %dma_wait3A_539 = tpu.memref_slice %arg8[%dma_wait3A_537, %dma_wait3A_538] : memref<8x80xi32, #tpu.memory_space<vmem>> -> memref<1x80xi32, #tpu.memory_space<vmem>>
      %dma_wait3A_540 = tpu.memref_squeeze %dma_wait3A_539 : memref<1x80xi32, #tpu.memory_space<vmem>> -> memref<80xi32, #tpu.memory_space<vmem>>
      %dma_wait3A_541 = tpu.memref_slice %arg4[%add3A_527] : memref<320000xi32, #tpu.memory_space<hbm>> -> memref<80xi32, #tpu.memory_space<hbm>>
      %dma_wait3A_542 = arith.constant 0 : i32
      %dma_wait3A_543 = tpu.memref_slice %arg8[%dma_wait3A_537, %dma_wait3A_542] : memref<8x80xi32, #tpu.memory_space<vmem>> -> memref<1x80xi32, #tpu.memory_space<vmem>>
      %dma_wait3A_544 = tpu.memref_squeeze %dma_wait3A_543 : memref<1x80xi32, #tpu.memory_space<vmem>> -> memref<80xi32, #tpu.memory_space<vmem>>
      %dma_wait3A_545 = tpu.memref_slice %arg4[%add3A_527] : memref<320000xi32, #tpu.memory_space<hbm>> -> memref<80xi32, #tpu.memory_space<hbm>>
      tpu.wait_dma2 semaphore(%arg19 : memref<!tpu.dma_semaphore, #tpu.memory_space<semaphore_mem>>) src(%dma_wait3A_545 : memref<80xi32, #tpu.memory_space<hbm>>) dst(%dma_wait3A_544 : memref<80xi32, #tpu.memory_space<vmem>>)
      %dma_start3A_546 = arith.constant 6 : i32
      %dma_start3A_547 = arith.constant 0 : i32
      %dma_start3A_548 = tpu.memref_slice %arg25[%dma_start3A_546, %dma_start3A_547] : memref<8x80xi32, #tpu.memory_space<vmem>> -> memref<1x80xi32, #tpu.memory_space<vmem>>
      %dma_start3A_549 = tpu.memref_squeeze %dma_start3A_548 : memref<1x80xi32, #tpu.memory_space<vmem>> -> memref<80xi32, #tpu.memory_space<vmem>>
      %dma_start3A_550 = arith.constant 0 : i32
      %dma_start3A_551 = arith.constant 0 : i32
      %dma_start3A_552 = tpu.memref_slice %arg2[%dma_start3A_550, %dma_start3A_551] : memref<10000x128xf32, #tpu.memory_space<hbm>> -> memref<10000x128xf32, #tpu.memory_space<hbm>>
      tpu.enqueue_indirect_dma source(%dma_start3A_552 : memref<10000x128xf32, #tpu.memory_space<hbm>>) target(%arg23 : memref<80x128xf32, #tpu.memory_space<vmem>>) offsets(%dma_start3A_549 : memref<80xi32, #tpu.memory_space<vmem>>) semaphore(%arg11 : memref<!tpu.dma_semaphore, #tpu.memory_space<semaphore_mem>>)
      %add3A_553 = arith.constant 2 : i32
      %add3A_554 = arith.addi %add3A_515, %add3A_553 : i32
      %mul3A_555 = arith.constant 80 : i32
      %mul3A_556 = arith.muli %add3A_554, %mul3A_555 : i32
      %add3A_557 = arith.addi %mul3A_4, %mul3A_556 : i32
      %dma_start3A_558 = arith.constant 7 : i32
      %dma_start3A_559 = arith.constant 0 : i32
      %dma_start3A_560 = tpu.memref_slice %arg25[%dma_start3A_558, %dma_start3A_559] : memref<8x80xi32, #tpu.memory_space<vmem>> -> memref<1x80xi32, #tpu.memory_space<vmem>>
      %dma_start3A_561 = tpu.memref_squeeze %dma_start3A_560 : memref<1x80xi32, #tpu.memory_space<vmem>> -> memref<80xi32, #tpu.memory_space<vmem>>
      %dma_start3A_562 = tpu.memref_slice %arg3[%add3A_557] : memref<320000xi32, #tpu.memory_space<hbm>> -> memref<80xi32, #tpu.memory_space<hbm>>
      %dma_start3A_563 = arith.constant 0 : i32
      %dma_start3A_564 = tpu.memref_slice %arg25[%dma_start3A_558, %dma_start3A_563] : memref<8x80xi32, #tpu.memory_space<vmem>> -> memref<1x80xi32, #tpu.memory_space<vmem>>
      %dma_start3A_565 = tpu.memref_squeeze %dma_start3A_564 : memref<1x80xi32, #tpu.memory_space<vmem>> -> memref<80xi32, #tpu.memory_space<vmem>>
      %dma_start3A_566 = tpu.memref_slice %arg3[%add3A_557] : memref<320000xi32, #tpu.memory_space<hbm>> -> memref<80xi32, #tpu.memory_space<hbm>>
      tpu.enqueue_dma source(%dma_start3A_566 : memref<80xi32, #tpu.memory_space<hbm>>) target(%dma_start3A_565 : memref<80xi32, #tpu.memory_space<vmem>>) target_semaphore(%arg20 : memref<!tpu.dma_semaphore, #tpu.memory_space<semaphore_mem>>)
      %dma_start3A_567 = arith.constant 7 : i32
      %dma_start3A_568 = arith.constant 0 : i32
      %dma_start3A_569 = tpu.memref_slice %arg8[%dma_start3A_567, %dma_start3A_568] : memref<8x80xi32, #tpu.memory_space<vmem>> -> memref<1x80xi32, #tpu.memory_space<vmem>>
      %dma_start3A_570 = tpu.memref_squeeze %dma_start3A_569 : memref<1x80xi32, #tpu.memory_space<vmem>> -> memref<80xi32, #tpu.memory_space<vmem>>
      %dma_start3A_571 = tpu.memref_slice %arg4[%add3A_557] : memref<320000xi32, #tpu.memory_space<hbm>> -> memref<80xi32, #tpu.memory_space<hbm>>
      %dma_start3A_572 = arith.constant 0 : i32
      %dma_start3A_573 = tpu.memref_slice %arg8[%dma_start3A_567, %dma_start3A_572] : memref<8x80xi32, #tpu.memory_space<vmem>> -> memref<1x80xi32, #tpu.memory_space<vmem>>
      %dma_start3A_574 = tpu.memref_squeeze %dma_start3A_573 : memref<1x80xi32, #tpu.memory_space<vmem>> -> memref<80xi32, #tpu.memory_space<vmem>>
      %dma_start3A_575 = tpu.memref_slice %arg4[%add3A_557] : memref<320000xi32, #tpu.memory_space<hbm>> -> memref<80xi32, #tpu.memory_space<hbm>>
      tpu.enqueue_dma source(%dma_start3A_575 : memref<80xi32, #tpu.memory_space<hbm>>) target(%dma_start3A_574 : memref<80xi32, #tpu.memory_space<vmem>>) target_semaphore(%arg20 : memref<!tpu.dma_semaphore, #tpu.memory_space<semaphore_mem>>)
      %dma_wait3A_576 = arith.constant 5 : i32
      %dma_wait3A_577 = arith.constant 0 : i32
      %dma_wait3A_578 = tpu.memref_slice %arg25[%dma_wait3A_576, %dma_wait3A_577] : memref<8x80xi32, #tpu.memory_space<vmem>> -> memref<1x80xi32, #tpu.memory_space<vmem>>
      %dma_wait3A_579 = tpu.memref_squeeze %dma_wait3A_578 : memref<1x80xi32, #tpu.memory_space<vmem>> -> memref<80xi32, #tpu.memory_space<vmem>>
      %dma_wait3A_580 = arith.constant 0 : i32
      %dma_wait3A_581 = arith.constant 0 : i32
      %dma_wait3A_582 = tpu.memref_slice %arg2[%dma_wait3A_580, %dma_wait3A_581] : memref<10000x128xf32, #tpu.memory_space<hbm>> -> memref<10000x128xf32, #tpu.memory_space<hbm>>
      tpu.wait_indirect_dma semaphore(%arg10 : memref<!tpu.dma_semaphore, #tpu.memory_space<semaphore_mem>>) src(%dma_wait3A_582 : memref<10000x128xf32, #tpu.memory_space<hbm>>) dst(%arg22 : memref<80x128xf32, #tpu.memory_space<vmem>>)
      %dma_start3A_583 = arith.constant 5 : i32
      %dma_start3A_584 = arith.constant 0 : i32
      %dma_start3A_585 = tpu.memref_slice %arg8[%dma_start3A_583, %dma_start3A_584] : memref<8x80xi32, #tpu.memory_space<vmem>> -> memref<1x80xi32, #tpu.memory_space<vmem>>
      %dma_start3A_586 = tpu.memref_squeeze %dma_start3A_585 : memref<1x80xi32, #tpu.memory_space<vmem>> -> memref<80xi32, #tpu.memory_space<vmem>>
      %dma_start3A_587 = arith.constant 0 : i32
      %dma_start3A_588 = arith.constant 0 : i32
      %dma_start3A_589 = tpu.memref_slice %arg7[%dma_start3A_587, %dma_start3A_588] : memref<10000x128xf32, #tpu.memory_space<vmem_shared>> -> memref<10000x128xf32, #tpu.memory_space<vmem_shared>>
      tpu.enqueue_indirect_dma source(%arg22 : memref<80x128xf32, #tpu.memory_space<vmem>>) target(%dma_start3A_589 : memref<10000x128xf32, #tpu.memory_space<vmem_shared>>) offsets(%dma_start3A_586 : memref<80xi32, #tpu.memory_space<vmem>>) semaphore(%arg27 : memref<!tpu.dma_semaphore, #tpu.memory_space<semaphore_mem>>) {add = true}
      %add3A_590 = arith.constant 3 : i32
      %add3A_591 = arith.addi %add3A_361, %add3A_590 : i32
      %dma_wait3A_592 = arith.constant 3 : i32
      %dma_wait3A_593 = arith.constant 0 : i32
      %dma_wait3A_594 = tpu.memref_slice %arg8[%dma_wait3A_592, %dma_wait3A_593] : memref<8x80xi32, #tpu.memory_space<vmem>> -> memref<1x80xi32, #tpu.memory_space<vmem>>
      %dma_wait3A_595 = tpu.memref_squeeze %dma_wait3A_594 : memref<1x80xi32, #tpu.memory_space<vmem>> -> memref<80xi32, #tpu.memory_space<vmem>>
      %dma_wait3A_596 = arith.constant 0 : i32
      %dma_wait3A_597 = arith.constant 0 : i32
      %dma_wait3A_598 = tpu.memref_slice %arg7[%dma_wait3A_596, %dma_wait3A_597] : memref<10000x128xf32, #tpu.memory_space<vmem_shared>> -> memref<10000x128xf32, #tpu.memory_space<vmem_shared>>
      tpu.wait_indirect_dma semaphore(%arg29 : memref<!tpu.dma_semaphore, #tpu.memory_space<semaphore_mem>>) src(%arg24 : memref<80x128xf32, #tpu.memory_space<vmem>>) dst(%dma_wait3A_598 : memref<10000x128xf32, #tpu.memory_space<vmem_shared>>)
      %add3A_599 = arith.constant 1 : i32
      %add3A_600 = arith.addi %add3A_591, %add3A_599 : i32
      %mul3A_601 = arith.constant 80 : i32
      %mul3A_602 = arith.muli %add3A_600, %mul3A_601 : i32
      %add3A_603 = arith.addi %mul3A_4, %mul3A_602 : i32
      %dma_wait3A_604 = arith.constant 7 : i32
      %dma_wait3A_605 = arith.constant 0 : i32
      %dma_wait3A_606 = tpu.memref_slice %arg25[%dma_wait3A_604, %dma_wait3A_605] : memref<8x80xi32, #tpu.memory_space<vmem>> -> memref<1x80xi32, #tpu.memory_space<vmem>>
      %dma_wait3A_607 = tpu.memref_squeeze %dma_wait3A_606 : memref<1x80xi32, #tpu.memory_space<vmem>> -> memref<80xi32, #tpu.memory_space<vmem>>
      %dma_wait3A_608 = tpu.memref_slice %arg3[%add3A_603] : memref<320000xi32, #tpu.memory_space<hbm>> -> memref<80xi32, #tpu.memory_space<hbm>>
      %dma_wait3A_609 = arith.constant 0 : i32
      %dma_wait3A_610 = tpu.memref_slice %arg25[%dma_wait3A_604, %dma_wait3A_609] : memref<8x80xi32, #tpu.memory_space<vmem>> -> memref<1x80xi32, #tpu.memory_space<vmem>>
      %dma_wait3A_611 = tpu.memref_squeeze %dma_wait3A_610 : memref<1x80xi32, #tpu.memory_space<vmem>> -> memref<80xi32, #tpu.memory_space<vmem>>
      %dma_wait3A_612 = tpu.memref_slice %arg3[%add3A_603] : memref<320000xi32, #tpu.memory_space<hbm>> -> memref<80xi32, #tpu.memory_space<hbm>>
      tpu.wait_dma2 semaphore(%arg20 : memref<!tpu.dma_semaphore, #tpu.memory_space<semaphore_mem>>) src(%dma_wait3A_612 : memref<80xi32, #tpu.memory_space<hbm>>) dst(%dma_wait3A_611 : memref<80xi32, #tpu.memory_space<vmem>>)
      %dma_wait3A_613 = arith.constant 7 : i32
      %dma_wait3A_614 = arith.constant 0 : i32
      %dma_wait3A_615 = tpu.memref_slice %arg8[%dma_wait3A_613, %dma_wait3A_614] : memref<8x80xi32, #tpu.memory_space<vmem>> -> memref<1x80xi32, #tpu.memory_space<vmem>>
      %dma_wait3A_616 = tpu.memref_squeeze %dma_wait3A_615 : memref<1x80xi32, #tpu.memory_space<vmem>> -> memref<80xi32, #tpu.memory_space<vmem>>
      %dma_wait3A_617 = tpu.memref_slice %arg4[%add3A_603] : memref<320000xi32, #tpu.memory_space<hbm>> -> memref<80xi32, #tpu.memory_space<hbm>>
      %dma_wait3A_618 = arith.constant 0 : i32
      %dma_wait3A_619 = tpu.memref_slice %arg8[%dma_wait3A_613, %dma_wait3A_618] : memref<8x80xi32, #tpu.memory_space<vmem>> -> memref<1x80xi32, #tpu.memory_space<vmem>>
      %dma_wait3A_620 = tpu.memref_squeeze %dma_wait3A_619 : memref<1x80xi32, #tpu.memory_space<vmem>> -> memref<80xi32, #tpu.memory_space<vmem>>
      %dma_wait3A_621 = tpu.memref_slice %arg4[%add3A_603] : memref<320000xi32, #tpu.memory_space<hbm>> -> memref<80xi32, #tpu.memory_space<hbm>>
      tpu.wait_dma2 semaphore(%arg20 : memref<!tpu.dma_semaphore, #tpu.memory_space<semaphore_mem>>) src(%dma_wait3A_621 : memref<80xi32, #tpu.memory_space<hbm>>) dst(%dma_wait3A_620 : memref<80xi32, #tpu.memory_space<vmem>>)
      %dma_start3A_622 = arith.constant 7 : i32
      %dma_start3A_623 = arith.constant 0 : i32
      %dma_start3A_624 = tpu.memref_slice %arg25[%dma_start3A_622, %dma_start3A_623] : memref<8x80xi32, #tpu.memory_space<vmem>> -> memref<1x80xi32, #tpu.memory_space<vmem>>
      %dma_start3A_625 = tpu.memref_squeeze %dma_start3A_624 : memref<1x80xi32, #tpu.memory_space<vmem>> -> memref<80xi32, #tpu.memory_space<vmem>>
      %dma_start3A_626 = arith.constant 0 : i32
      %dma_start3A_627 = arith.constant 0 : i32
      %dma_start3A_628 = tpu.memref_slice %arg2[%dma_start3A_626, %dma_start3A_627] : memref<10000x128xf32, #tpu.memory_space<hbm>> -> memref<10000x128xf32, #tpu.memory_space<hbm>>
      tpu.enqueue_indirect_dma source(%dma_start3A_628 : memref<10000x128xf32, #tpu.memory_space<hbm>>) target(%arg24 : memref<80x128xf32, #tpu.memory_space<vmem>>) offsets(%dma_start3A_625 : memref<80xi32, #tpu.memory_space<vmem>>) semaphore(%arg12 : memref<!tpu.dma_semaphore, #tpu.memory_space<semaphore_mem>>)
      %add3A_629 = arith.constant 2 : i32
      %add3A_630 = arith.addi %add3A_591, %add3A_629 : i32
      %mul3A_631 = arith.constant 80 : i32
      %mul3A_632 = arith.muli %add3A_630, %mul3A_631 : i32
      %add3A_633 = arith.addi %mul3A_4, %mul3A_632 : i32
      %dma_start3A_634 = arith.constant 0 : i32
      %dma_start3A_635 = arith.constant 0 : i32
      %dma_start3A_636 = tpu.memref_slice %arg25[%dma_start3A_634, %dma_start3A_635] : memref<8x80xi32, #tpu.memory_space<vmem>> -> memref<1x80xi32, #tpu.memory_space<vmem>>
      %dma_start3A_637 = tpu.memref_squeeze %dma_start3A_636 : memref<1x80xi32, #tpu.memory_space<vmem>> -> memref<80xi32, #tpu.memory_space<vmem>>
      %dma_start3A_638 = tpu.memref_slice %arg3[%add3A_633] : memref<320000xi32, #tpu.memory_space<hbm>> -> memref<80xi32, #tpu.memory_space<hbm>>
      %dma_start3A_639 = arith.constant 0 : i32
      %dma_start3A_640 = tpu.memref_slice %arg25[%dma_start3A_634, %dma_start3A_639] : memref<8x80xi32, #tpu.memory_space<vmem>> -> memref<1x80xi32, #tpu.memory_space<vmem>>
      %dma_start3A_641 = tpu.memref_squeeze %dma_start3A_640 : memref<1x80xi32, #tpu.memory_space<vmem>> -> memref<80xi32, #tpu.memory_space<vmem>>
      %dma_start3A_642 = tpu.memref_slice %arg3[%add3A_633] : memref<320000xi32, #tpu.memory_space<hbm>> -> memref<80xi32, #tpu.memory_space<hbm>>
      tpu.enqueue_dma source(%dma_start3A_642 : memref<80xi32, #tpu.memory_space<hbm>>) target(%dma_start3A_641 : memref<80xi32, #tpu.memory_space<vmem>>) target_semaphore(%arg13 : memref<!tpu.dma_semaphore, #tpu.memory_space<semaphore_mem>>)
      %dma_start3A_643 = arith.constant 0 : i32
      %dma_start3A_644 = arith.constant 0 : i32
      %dma_start3A_645 = tpu.memref_slice %arg8[%dma_start3A_643, %dma_start3A_644] : memref<8x80xi32, #tpu.memory_space<vmem>> -> memref<1x80xi32, #tpu.memory_space<vmem>>
      %dma_start3A_646 = tpu.memref_squeeze %dma_start3A_645 : memref<1x80xi32, #tpu.memory_space<vmem>> -> memref<80xi32, #tpu.memory_space<vmem>>
      %dma_start3A_647 = tpu.memref_slice %arg4[%add3A_633] : memref<320000xi32, #tpu.memory_space<hbm>> -> memref<80xi32, #tpu.memory_space<hbm>>
      %dma_start3A_648 = arith.constant 0 : i32
      %dma_start3A_649 = tpu.memref_slice %arg8[%dma_start3A_643, %dma_start3A_648] : memref<8x80xi32, #tpu.memory_space<vmem>> -> memref<1x80xi32, #tpu.memory_space<vmem>>
      %dma_start3A_650 = tpu.memref_squeeze %dma_start3A_649 : memref<1x80xi32, #tpu.memory_space<vmem>> -> memref<80xi32, #tpu.memory_space<vmem>>
      %dma_start3A_651 = tpu.memref_slice %arg4[%add3A_633] : memref<320000xi32, #tpu.memory_space<hbm>> -> memref<80xi32, #tpu.memory_space<hbm>>
      tpu.enqueue_dma source(%dma_start3A_651 : memref<80xi32, #tpu.memory_space<hbm>>) target(%dma_start3A_650 : memref<80xi32, #tpu.memory_space<vmem>>) target_semaphore(%arg13 : memref<!tpu.dma_semaphore, #tpu.memory_space<semaphore_mem>>)
      %dma_wait3A_652 = arith.constant 6 : i32
      %dma_wait3A_653 = arith.constant 0 : i32
      %dma_wait3A_654 = tpu.memref_slice %arg25[%dma_wait3A_652, %dma_wait3A_653] : memref<8x80xi32, #tpu.memory_space<vmem>> -> memref<1x80xi32, #tpu.memory_space<vmem>>
      %dma_wait3A_655 = tpu.memref_squeeze %dma_wait3A_654 : memref<1x80xi32, #tpu.memory_space<vmem>> -> memref<80xi32, #tpu.memory_space<vmem>>
      %dma_wait3A_656 = arith.constant 0 : i32
      %dma_wait3A_657 = arith.constant 0 : i32
      %dma_wait3A_658 = tpu.memref_slice %arg2[%dma_wait3A_656, %dma_wait3A_657] : memref<10000x128xf32, #tpu.memory_space<hbm>> -> memref<10000x128xf32, #tpu.memory_space<hbm>>
      tpu.wait_indirect_dma semaphore(%arg11 : memref<!tpu.dma_semaphore, #tpu.memory_space<semaphore_mem>>) src(%dma_wait3A_658 : memref<10000x128xf32, #tpu.memory_space<hbm>>) dst(%arg23 : memref<80x128xf32, #tpu.memory_space<vmem>>)
      %dma_start3A_659 = arith.constant 6 : i32
      %dma_start3A_660 = arith.constant 0 : i32
      %dma_start3A_661 = tpu.memref_slice %arg8[%dma_start3A_659, %dma_start3A_660] : memref<8x80xi32, #tpu.memory_space<vmem>> -> memref<1x80xi32, #tpu.memory_space<vmem>>
      %dma_start3A_662 = tpu.memref_squeeze %dma_start3A_661 : memref<1x80xi32, #tpu.memory_space<vmem>> -> memref<80xi32, #tpu.memory_space<vmem>>
      %dma_start3A_663 = arith.constant 0 : i32
      %dma_start3A_664 = arith.constant 0 : i32
      %dma_start3A_665 = tpu.memref_slice %arg7[%dma_start3A_663, %dma_start3A_664] : memref<10000x128xf32, #tpu.memory_space<vmem_shared>> -> memref<10000x128xf32, #tpu.memory_space<vmem_shared>>
      tpu.enqueue_indirect_dma source(%arg23 : memref<80x128xf32, #tpu.memory_space<vmem>>) target(%dma_start3A_665 : memref<10000x128xf32, #tpu.memory_space<vmem_shared>>) offsets(%dma_start3A_662 : memref<80xi32, #tpu.memory_space<vmem>>) semaphore(%arg28 : memref<!tpu.dma_semaphore, #tpu.memory_space<semaphore_mem>>) {add = true}
      %add3A_666 = arith.constant 4 : i32
      %add3A_667 = arith.addi %add3A_361, %add3A_666 : i32
      %dma_wait3A_668 = arith.constant 4 : i32
      %dma_wait3A_669 = arith.constant 0 : i32
      %dma_wait3A_670 = tpu.memref_slice %arg8[%dma_wait3A_668, %dma_wait3A_669] : memref<8x80xi32, #tpu.memory_space<vmem>> -> memref<1x80xi32, #tpu.memory_space<vmem>>
      %dma_wait3A_671 = tpu.memref_squeeze %dma_wait3A_670 : memref<1x80xi32, #tpu.memory_space<vmem>> -> memref<80xi32, #tpu.memory_space<vmem>>
      %dma_wait3A_672 = arith.constant 0 : i32
      %dma_wait3A_673 = arith.constant 0 : i32
      %dma_wait3A_674 = tpu.memref_slice %arg7[%dma_wait3A_672, %dma_wait3A_673] : memref<10000x128xf32, #tpu.memory_space<vmem_shared>> -> memref<10000x128xf32, #tpu.memory_space<vmem_shared>>
      tpu.wait_indirect_dma semaphore(%arg26 : memref<!tpu.dma_semaphore, #tpu.memory_space<semaphore_mem>>) src(%arg21 : memref<80x128xf32, #tpu.memory_space<vmem>>) dst(%dma_wait3A_674 : memref<10000x128xf32, #tpu.memory_space<vmem_shared>>)
      %add3A_675 = arith.constant 1 : i32
      %add3A_676 = arith.addi %add3A_667, %add3A_675 : i32
      %mul3A_677 = arith.constant 80 : i32
      %mul3A_678 = arith.muli %add3A_676, %mul3A_677 : i32
      %add3A_679 = arith.addi %mul3A_4, %mul3A_678 : i32
      %dma_wait3A_680 = arith.constant 0 : i32
      %dma_wait3A_681 = arith.constant 0 : i32
      %dma_wait3A_682 = tpu.memref_slice %arg25[%dma_wait3A_680, %dma_wait3A_681] : memref<8x80xi32, #tpu.memory_space<vmem>> -> memref<1x80xi32, #tpu.memory_space<vmem>>
      %dma_wait3A_683 = tpu.memref_squeeze %dma_wait3A_682 : memref<1x80xi32, #tpu.memory_space<vmem>> -> memref<80xi32, #tpu.memory_space<vmem>>
      %dma_wait3A_684 = tpu.memref_slice %arg3[%add3A_679] : memref<320000xi32, #tpu.memory_space<hbm>> -> memref<80xi32, #tpu.memory_space<hbm>>
      %dma_wait3A_685 = arith.constant 0 : i32
      %dma_wait3A_686 = tpu.memref_slice %arg25[%dma_wait3A_680, %dma_wait3A_685] : memref<8x80xi32, #tpu.memory_space<vmem>> -> memref<1x80xi32, #tpu.memory_space<vmem>>
      %dma_wait3A_687 = tpu.memref_squeeze %dma_wait3A_686 : memref<1x80xi32, #tpu.memory_space<vmem>> -> memref<80xi32, #tpu.memory_space<vmem>>
      %dma_wait3A_688 = tpu.memref_slice %arg3[%add3A_679] : memref<320000xi32, #tpu.memory_space<hbm>> -> memref<80xi32, #tpu.memory_space<hbm>>
      tpu.wait_dma2 semaphore(%arg13 : memref<!tpu.dma_semaphore, #tpu.memory_space<semaphore_mem>>) src(%dma_wait3A_688 : memref<80xi32, #tpu.memory_space<hbm>>) dst(%dma_wait3A_687 : memref<80xi32, #tpu.memory_space<vmem>>)
      %dma_wait3A_689 = arith.constant 0 : i32
      %dma_wait3A_690 = arith.constant 0 : i32
      %dma_wait3A_691 = tpu.memref_slice %arg8[%dma_wait3A_689, %dma_wait3A_690] : memref<8x80xi32, #tpu.memory_space<vmem>> -> memref<1x80xi32, #tpu.memory_space<vmem>>
      %dma_wait3A_692 = tpu.memref_squeeze %dma_wait3A_691 : memref<1x80xi32, #tpu.memory_space<vmem>> -> memref<80xi32, #tpu.memory_space<vmem>>
      %dma_wait3A_693 = tpu.memref_slice %arg4[%add3A_679] : memref<320000xi32, #tpu.memory_space<hbm>> -> memref<80xi32, #tpu.memory_space<hbm>>
      %dma_wait3A_694 = arith.constant 0 : i32
      %dma_wait3A_695 = tpu.memref_slice %arg8[%dma_wait3A_689, %dma_wait3A_694] : memref<8x80xi32, #tpu.memory_space<vmem>> -> memref<1x80xi32, #tpu.memory_space<vmem>>
      %dma_wait3A_696 = tpu.memref_squeeze %dma_wait3A_695 : memref<1x80xi32, #tpu.memory_space<vmem>> -> memref<80xi32, #tpu.memory_space<vmem>>
      %dma_wait3A_697 = tpu.memref_slice %arg4[%add3A_679] : memref<320000xi32, #tpu.memory_space<hbm>> -> memref<80xi32, #tpu.memory_space<hbm>>
      tpu.wait_dma2 semaphore(%arg13 : memref<!tpu.dma_semaphore, #tpu.memory_space<semaphore_mem>>) src(%dma_wait3A_697 : memref<80xi32, #tpu.memory_space<hbm>>) dst(%dma_wait3A_696 : memref<80xi32, #tpu.memory_space<vmem>>)
      %dma_start3A_698 = arith.constant 0 : i32
      %dma_start3A_699 = arith.constant 0 : i32
      %dma_start3A_700 = tpu.memref_slice %arg25[%dma_start3A_698, %dma_start3A_699] : memref<8x80xi32, #tpu.memory_space<vmem>> -> memref<1x80xi32, #tpu.memory_space<vmem>>
      %dma_start3A_701 = tpu.memref_squeeze %dma_start3A_700 : memref<1x80xi32, #tpu.memory_space<vmem>> -> memref<80xi32, #tpu.memory_space<vmem>>
      %dma_start3A_702 = arith.constant 0 : i32
      %dma_start3A_703 = arith.constant 0 : i32
      %dma_start3A_704 = tpu.memref_slice %arg2[%dma_start3A_702, %dma_start3A_703] : memref<10000x128xf32, #tpu.memory_space<hbm>> -> memref<10000x128xf32, #tpu.memory_space<hbm>>
      tpu.enqueue_indirect_dma source(%dma_start3A_704 : memref<10000x128xf32, #tpu.memory_space<hbm>>) target(%arg21 : memref<80x128xf32, #tpu.memory_space<vmem>>) offsets(%dma_start3A_701 : memref<80xi32, #tpu.memory_space<vmem>>) semaphore(%arg9 : memref<!tpu.dma_semaphore, #tpu.memory_space<semaphore_mem>>)
      %add3A_705 = arith.constant 2 : i32
      %add3A_706 = arith.addi %add3A_667, %add3A_705 : i32
      %mul3A_707 = arith.constant 80 : i32
      %mul3A_708 = arith.muli %add3A_706, %mul3A_707 : i32
      %add3A_709 = arith.addi %mul3A_4, %mul3A_708 : i32
      %dma_start3A_710 = arith.constant 1 : i32
      %dma_start3A_711 = arith.constant 0 : i32
      %dma_start3A_712 = tpu.memref_slice %arg25[%dma_start3A_710, %dma_start3A_711] : memref<8x80xi32, #tpu.memory_space<vmem>> -> memref<1x80xi32, #tpu.memory_space<vmem>>
      %dma_start3A_713 = tpu.memref_squeeze %dma_start3A_712 : memref<1x80xi32, #tpu.memory_space<vmem>> -> memref<80xi32, #tpu.memory_space<vmem>>
      %dma_start3A_714 = tpu.memref_slice %arg3[%add3A_709] : memref<320000xi32, #tpu.memory_space<hbm>> -> memref<80xi32, #tpu.memory_space<hbm>>
      %dma_start3A_715 = arith.constant 0 : i32
      %dma_start3A_716 = tpu.memref_slice %arg25[%dma_start3A_710, %dma_start3A_715] : memref<8x80xi32, #tpu.memory_space<vmem>> -> memref<1x80xi32, #tpu.memory_space<vmem>>
      %dma_start3A_717 = tpu.memref_squeeze %dma_start3A_716 : memref<1x80xi32, #tpu.memory_space<vmem>> -> memref<80xi32, #tpu.memory_space<vmem>>
      %dma_start3A_718 = tpu.memref_slice %arg3[%add3A_709] : memref<320000xi32, #tpu.memory_space<hbm>> -> memref<80xi32, #tpu.memory_space<hbm>>
      tpu.enqueue_dma source(%dma_start3A_718 : memref<80xi32, #tpu.memory_space<hbm>>) target(%dma_start3A_717 : memref<80xi32, #tpu.memory_space<vmem>>) target_semaphore(%arg14 : memref<!tpu.dma_semaphore, #tpu.memory_space<semaphore_mem>>)
      %dma_start3A_719 = arith.constant 1 : i32
      %dma_start3A_720 = arith.constant 0 : i32
      %dma_start3A_721 = tpu.memref_slice %arg8[%dma_start3A_719, %dma_start3A_720] : memref<8x80xi32, #tpu.memory_space<vmem>> -> memref<1x80xi32, #tpu.memory_space<vmem>>
      %dma_start3A_722 = tpu.memref_squeeze %dma_start3A_721 : memref<1x80xi32, #tpu.memory_space<vmem>> -> memref<80xi32, #tpu.memory_space<vmem>>
      %dma_start3A_723 = tpu.memref_slice %arg4[%add3A_709] : memref<320000xi32, #tpu.memory_space<hbm>> -> memref<80xi32, #tpu.memory_space<hbm>>
      %dma_start3A_724 = arith.constant 0 : i32
      %dma_start3A_725 = tpu.memref_slice %arg8[%dma_start3A_719, %dma_start3A_724] : memref<8x80xi32, #tpu.memory_space<vmem>> -> memref<1x80xi32, #tpu.memory_space<vmem>>
      %dma_start3A_726 = tpu.memref_squeeze %dma_start3A_725 : memref<1x80xi32, #tpu.memory_space<vmem>> -> memref<80xi32, #tpu.memory_space<vmem>>
      %dma_start3A_727 = tpu.memref_slice %arg4[%add3A_709] : memref<320000xi32, #tpu.memory_space<hbm>> -> memref<80xi32, #tpu.memory_space<hbm>>
      tpu.enqueue_dma source(%dma_start3A_727 : memref<80xi32, #tpu.memory_space<hbm>>) target(%dma_start3A_726 : memref<80xi32, #tpu.memory_space<vmem>>) target_semaphore(%arg14 : memref<!tpu.dma_semaphore, #tpu.memory_space<semaphore_mem>>)
      %dma_wait3A_728 = arith.constant 7 : i32
      %dma_wait3A_729 = arith.constant 0 : i32
      %dma_wait3A_730 = tpu.memref_slice %arg25[%dma_wait3A_728, %dma_wait3A_729] : memref<8x80xi32, #tpu.memory_space<vmem>> -> memref<1x80xi32, #tpu.memory_space<vmem>>
      %dma_wait3A_731 = tpu.memref_squeeze %dma_wait3A_730 : memref<1x80xi32, #tpu.memory_space<vmem>> -> memref<80xi32, #tpu.memory_space<vmem>>
      %dma_wait3A_732 = arith.constant 0 : i32
      %dma_wait3A_733 = arith.constant 0 : i32
      %dma_wait3A_734 = tpu.memref_slice %arg2[%dma_wait3A_732, %dma_wait3A_733] : memref<10000x128xf32, #tpu.memory_space<hbm>> -> memref<10000x128xf32, #tpu.memory_space<hbm>>
      tpu.wait_indirect_dma semaphore(%arg12 : memref<!tpu.dma_semaphore, #tpu.memory_space<semaphore_mem>>) src(%dma_wait3A_734 : memref<10000x128xf32, #tpu.memory_space<hbm>>) dst(%arg24 : memref<80x128xf32, #tpu.memory_space<vmem>>)
      %dma_start3A_735 = arith.constant 7 : i32
      %dma_start3A_736 = arith.constant 0 : i32
      %dma_start3A_737 = tpu.memref_slice %arg8[%dma_start3A_735, %dma_start3A_736] : memref<8x80xi32, #tpu.memory_space<vmem>> -> memref<1x80xi32, #tpu.memory_space<vmem>>
      %dma_start3A_738 = tpu.memref_squeeze %dma_start3A_737 : memref<1x80xi32, #tpu.memory_space<vmem>> -> memref<80xi32, #tpu.memory_space<vmem>>
      %dma_start3A_739 = arith.constant 0 : i32
      %dma_start3A_740 = arith.constant 0 : i32
      %dma_start3A_741 = tpu.memref_slice %arg7[%dma_start3A_739, %dma_start3A_740] : memref<10000x128xf32, #tpu.memory_space<vmem_shared>> -> memref<10000x128xf32, #tpu.memory_space<vmem_shared>>
      tpu.enqueue_indirect_dma source(%arg24 : memref<80x128xf32, #tpu.memory_space<vmem>>) target(%dma_start3A_741 : memref<10000x128xf32, #tpu.memory_space<vmem_shared>>) offsets(%dma_start3A_738 : memref<80xi32, #tpu.memory_space<vmem>>) semaphore(%arg29 : memref<!tpu.dma_semaphore, #tpu.memory_space<semaphore_mem>>) {add = true}
      %add3A_742 = arith.constant 5 : i32
      %add3A_743 = arith.addi %add3A_361, %add3A_742 : i32
      %dma_wait3A_744 = arith.constant 5 : i32
      %dma_wait3A_745 = arith.constant 0 : i32
      %dma_wait3A_746 = tpu.memref_slice %arg8[%dma_wait3A_744, %dma_wait3A_745] : memref<8x80xi32, #tpu.memory_space<vmem>> -> memref<1x80xi32, #tpu.memory_space<vmem>>
      %dma_wait3A_747 = tpu.memref_squeeze %dma_wait3A_746 : memref<1x80xi32, #tpu.memory_space<vmem>> -> memref<80xi32, #tpu.memory_space<vmem>>
      %dma_wait3A_748 = arith.constant 0 : i32
      %dma_wait3A_749 = arith.constant 0 : i32
      %dma_wait3A_750 = tpu.memref_slice %arg7[%dma_wait3A_748, %dma_wait3A_749] : memref<10000x128xf32, #tpu.memory_space<vmem_shared>> -> memref<10000x128xf32, #tpu.memory_space<vmem_shared>>
      tpu.wait_indirect_dma semaphore(%arg27 : memref<!tpu.dma_semaphore, #tpu.memory_space<semaphore_mem>>) src(%arg22 : memref<80x128xf32, #tpu.memory_space<vmem>>) dst(%dma_wait3A_750 : memref<10000x128xf32, #tpu.memory_space<vmem_shared>>)
      %add3A_751 = arith.constant 1 : i32
      %add3A_752 = arith.addi %add3A_743, %add3A_751 : i32
      %mul3A_753 = arith.constant 80 : i32
      %mul3A_754 = arith.muli %add3A_752, %mul3A_753 : i32
      %add3A_755 = arith.addi %mul3A_4, %mul3A_754 : i32
      %dma_wait3A_756 = arith.constant 1 : i32
      %dma_wait3A_757 = arith.constant 0 : i32
      %dma_wait3A_758 = tpu.memref_slice %arg25[%dma_wait3A_756, %dma_wait3A_757] : memref<8x80xi32, #tpu.memory_space<vmem>> -> memref<1x80xi32, #tpu.memory_space<vmem>>
      %dma_wait3A_759 = tpu.memref_squeeze %dma_wait3A_758 : memref<1x80xi32, #tpu.memory_space<vmem>> -> memref<80xi32, #tpu.memory_space<vmem>>
      %dma_wait3A_760 = tpu.memref_slice %arg3[%add3A_755] : memref<320000xi32, #tpu.memory_space<hbm>> -> memref<80xi32, #tpu.memory_space<hbm>>
      %dma_wait3A_761 = arith.constant 0 : i32
      %dma_wait3A_762 = tpu.memref_slice %arg25[%dma_wait3A_756, %dma_wait3A_761] : memref<8x80xi32, #tpu.memory_space<vmem>> -> memref<1x80xi32, #tpu.memory_space<vmem>>
      %dma_wait3A_763 = tpu.memref_squeeze %dma_wait3A_762 : memref<1x80xi32, #tpu.memory_space<vmem>> -> memref<80xi32, #tpu.memory_space<vmem>>
      %dma_wait3A_764 = tpu.memref_slice %arg3[%add3A_755] : memref<320000xi32, #tpu.memory_space<hbm>> -> memref<80xi32, #tpu.memory_space<hbm>>
      tpu.wait_dma2 semaphore(%arg14 : memref<!tpu.dma_semaphore, #tpu.memory_space<semaphore_mem>>) src(%dma_wait3A_764 : memref<80xi32, #tpu.memory_space<hbm>>) dst(%dma_wait3A_763 : memref<80xi32, #tpu.memory_space<vmem>>)
      %dma_wait3A_765 = arith.constant 1 : i32
      %dma_wait3A_766 = arith.constant 0 : i32
      %dma_wait3A_767 = tpu.memref_slice %arg8[%dma_wait3A_765, %dma_wait3A_766] : memref<8x80xi32, #tpu.memory_space<vmem>> -> memref<1x80xi32, #tpu.memory_space<vmem>>
      %dma_wait3A_768 = tpu.memref_squeeze %dma_wait3A_767 : memref<1x80xi32, #tpu.memory_space<vmem>> -> memref<80xi32, #tpu.memory_space<vmem>>
      %dma_wait3A_769 = tpu.memref_slice %arg4[%add3A_755] : memref<320000xi32, #tpu.memory_space<hbm>> -> memref<80xi32, #tpu.memory_space<hbm>>
      %dma_wait3A_770 = arith.constant 0 : i32
      %dma_wait3A_771 = tpu.memref_slice %arg8[%dma_wait3A_765, %dma_wait3A_770] : memref<8x80xi32, #tpu.memory_space<vmem>> -> memref<1x80xi32, #tpu.memory_space<vmem>>
      %dma_wait3A_772 = tpu.memref_squeeze %dma_wait3A_771 : memref<1x80xi32, #tpu.memory_space<vmem>> -> memref<80xi32, #tpu.memory_space<vmem>>
      %dma_wait3A_773 = tpu.memref_slice %arg4[%add3A_755] : memref<320000xi32, #tpu.memory_space<hbm>> -> memref<80xi32, #tpu.memory_space<hbm>>
      tpu.wait_dma2 semaphore(%arg14 : memref<!tpu.dma_semaphore, #tpu.memory_space<semaphore_mem>>) src(%dma_wait3A_773 : memref<80xi32, #tpu.memory_space<hbm>>) dst(%dma_wait3A_772 : memref<80xi32, #tpu.memory_space<vmem>>)
      %dma_start3A_774 = arith.constant 1 : i32
      %dma_start3A_775 = arith.constant 0 : i32
      %dma_start3A_776 = tpu.memref_slice %arg25[%dma_start3A_774, %dma_start3A_775] : memref<8x80xi32, #tpu.memory_space<vmem>> -> memref<1x80xi32, #tpu.memory_space<vmem>>
      %dma_start3A_777 = tpu.memref_squeeze %dma_start3A_776 : memref<1x80xi32, #tpu.memory_space<vmem>> -> memref<80xi32, #tpu.memory_space<vmem>>
      %dma_start3A_778 = arith.constant 0 : i32
      %dma_start3A_779 = arith.constant 0 : i32
      %dma_start3A_780 = tpu.memref_slice %arg2[%dma_start3A_778, %dma_start3A_779] : memref<10000x128xf32, #tpu.memory_space<hbm>> -> memref<10000x128xf32, #tpu.memory_space<hbm>>
      tpu.enqueue_indirect_dma source(%dma_start3A_780 : memref<10000x128xf32, #tpu.memory_space<hbm>>) target(%arg22 : memref<80x128xf32, #tpu.memory_space<vmem>>) offsets(%dma_start3A_777 : memref<80xi32, #tpu.memory_space<vmem>>) semaphore(%arg10 : memref<!tpu.dma_semaphore, #tpu.memory_space<semaphore_mem>>)
      %add3A_781 = arith.constant 2 : i32
      %add3A_782 = arith.addi %add3A_743, %add3A_781 : i32
      %mul3A_783 = arith.constant 80 : i32
      %mul3A_784 = arith.muli %add3A_782, %mul3A_783 : i32
      %add3A_785 = arith.addi %mul3A_4, %mul3A_784 : i32
      %dma_start3A_786 = arith.constant 2 : i32
      %dma_start3A_787 = arith.constant 0 : i32
      %dma_start3A_788 = tpu.memref_slice %arg25[%dma_start3A_786, %dma_start3A_787] : memref<8x80xi32, #tpu.memory_space<vmem>> -> memref<1x80xi32, #tpu.memory_space<vmem>>
      %dma_start3A_789 = tpu.memref_squeeze %dma_start3A_788 : memref<1x80xi32, #tpu.memory_space<vmem>> -> memref<80xi32, #tpu.memory_space<vmem>>
      %dma_start3A_790 = tpu.memref_slice %arg3[%add3A_785] : memref<320000xi32, #tpu.memory_space<hbm>> -> memref<80xi32, #tpu.memory_space<hbm>>
      %dma_start3A_791 = arith.constant 0 : i32
      %dma_start3A_792 = tpu.memref_slice %arg25[%dma_start3A_786, %dma_start3A_791] : memref<8x80xi32, #tpu.memory_space<vmem>> -> memref<1x80xi32, #tpu.memory_space<vmem>>
      %dma_start3A_793 = tpu.memref_squeeze %dma_start3A_792 : memref<1x80xi32, #tpu.memory_space<vmem>> -> memref<80xi32, #tpu.memory_space<vmem>>
      %dma_start3A_794 = tpu.memref_slice %arg3[%add3A_785] : memref<320000xi32, #tpu.memory_space<hbm>> -> memref<80xi32, #tpu.memory_space<hbm>>
      tpu.enqueue_dma source(%dma_start3A_794 : memref<80xi32, #tpu.memory_space<hbm>>) target(%dma_start3A_793 : memref<80xi32, #tpu.memory_space<vmem>>) target_semaphore(%arg15 : memref<!tpu.dma_semaphore, #tpu.memory_space<semaphore_mem>>)
      %dma_start3A_795 = arith.constant 2 : i32
      %dma_start3A_796 = arith.constant 0 : i32
      %dma_start3A_797 = tpu.memref_slice %arg8[%dma_start3A_795, %dma_start3A_796] : memref<8x80xi32, #tpu.memory_space<vmem>> -> memref<1x80xi32, #tpu.memory_space<vmem>>
      %dma_start3A_798 = tpu.memref_squeeze %dma_start3A_797 : memref<1x80xi32, #tpu.memory_space<vmem>> -> memref<80xi32, #tpu.memory_space<vmem>>
      %dma_start3A_799 = tpu.memref_slice %arg4[%add3A_785] : memref<320000xi32, #tpu.memory_space<hbm>> -> memref<80xi32, #tpu.memory_space<hbm>>
      %dma_start3A_800 = arith.constant 0 : i32
      %dma_start3A_801 = tpu.memref_slice %arg8[%dma_start3A_795, %dma_start3A_800] : memref<8x80xi32, #tpu.memory_space<vmem>> -> memref<1x80xi32, #tpu.memory_space<vmem>>
      %dma_start3A_802 = tpu.memref_squeeze %dma_start3A_801 : memref<1x80xi32, #tpu.memory_space<vmem>> -> memref<80xi32, #tpu.memory_space<vmem>>
      %dma_start3A_803 = tpu.memref_slice %arg4[%add3A_785] : memref<320000xi32, #tpu.memory_space<hbm>> -> memref<80xi32, #tpu.memory_space<hbm>>
      tpu.enqueue_dma source(%dma_start3A_803 : memref<80xi32, #tpu.memory_space<hbm>>) target(%dma_start3A_802 : memref<80xi32, #tpu.memory_space<vmem>>) target_semaphore(%arg15 : memref<!tpu.dma_semaphore, #tpu.memory_space<semaphore_mem>>)
      %dma_wait3A_804 = arith.constant 0 : i32
      %dma_wait3A_805 = arith.constant 0 : i32
      %dma_wait3A_806 = tpu.memref_slice %arg25[%dma_wait3A_804, %dma_wait3A_805] : memref<8x80xi32, #tpu.memory_space<vmem>> -> memref<1x80xi32, #tpu.memory_space<vmem>>
      %dma_wait3A_807 = tpu.memref_squeeze %dma_wait3A_806 : memref<1x80xi32, #tpu.memory_space<vmem>> -> memref<80xi32, #tpu.memory_space<vmem>>
      %dma_wait3A_808 = arith.constant 0 : i32
      %dma_wait3A_809 = arith.constant 0 : i32
      %dma_wait3A_810 = tpu.memref_slice %arg2[%dma_wait3A_808, %dma_wait3A_809] : memref<10000x128xf32, #tpu.memory_space<hbm>> -> memref<10000x128xf32, #tpu.memory_space<hbm>>
      tpu.wait_indirect_dma semaphore(%arg9 : memref<!tpu.dma_semaphore, #tpu.memory_space<semaphore_mem>>) src(%dma_wait3A_810 : memref<10000x128xf32, #tpu.memory_space<hbm>>) dst(%arg21 : memref<80x128xf32, #tpu.memory_space<vmem>>)
      %dma_start3A_811 = arith.constant 0 : i32
      %dma_start3A_812 = arith.constant 0 : i32
      %dma_start3A_813 = tpu.memref_slice %arg8[%dma_start3A_811, %dma_start3A_812] : memref<8x80xi32, #tpu.memory_space<vmem>> -> memref<1x80xi32, #tpu.memory_space<vmem>>
      %dma_start3A_814 = tpu.memref_squeeze %dma_start3A_813 : memref<1x80xi32, #tpu.memory_space<vmem>> -> memref<80xi32, #tpu.memory_space<vmem>>
      %dma_start3A_815 = arith.constant 0 : i32
      %dma_start3A_816 = arith.constant 0 : i32
      %dma_start3A_817 = tpu.memref_slice %arg7[%dma_start3A_815, %dma_start3A_816] : memref<10000x128xf32, #tpu.memory_space<vmem_shared>> -> memref<10000x128xf32, #tpu.memory_space<vmem_shared>>
      tpu.enqueue_indirect_dma source(%arg21 : memref<80x128xf32, #tpu.memory_space<vmem>>) target(%dma_start3A_817 : memref<10000x128xf32, #tpu.memory_space<vmem_shared>>) offsets(%dma_start3A_814 : memref<80xi32, #tpu.memory_space<vmem>>) semaphore(%arg26 : memref<!tpu.dma_semaphore, #tpu.memory_space<semaphore_mem>>) {add = true}
      %add3A_818 = arith.constant 6 : i32
      %add3A_819 = arith.addi %add3A_361, %add3A_818 : i32
      %dma_wait3A_820 = arith.constant 6 : i32
      %dma_wait3A_821 = arith.constant 0 : i32
      %dma_wait3A_822 = tpu.memref_slice %arg8[%dma_wait3A_820, %dma_wait3A_821] : memref<8x80xi32, #tpu.memory_space<vmem>> -> memref<1x80xi32, #tpu.memory_space<vmem>>
      %dma_wait3A_823 = tpu.memref_squeeze %dma_wait3A_822 : memref<1x80xi32, #tpu.memory_space<vmem>> -> memref<80xi32, #tpu.memory_space<vmem>>
      %dma_wait3A_824 = arith.constant 0 : i32
      %dma_wait3A_825 = arith.constant 0 : i32
      %dma_wait3A_826 = tpu.memref_slice %arg7[%dma_wait3A_824, %dma_wait3A_825] : memref<10000x128xf32, #tpu.memory_space<vmem_shared>> -> memref<10000x128xf32, #tpu.memory_space<vmem_shared>>
      tpu.wait_indirect_dma semaphore(%arg28 : memref<!tpu.dma_semaphore, #tpu.memory_space<semaphore_mem>>) src(%arg23 : memref<80x128xf32, #tpu.memory_space<vmem>>) dst(%dma_wait3A_826 : memref<10000x128xf32, #tpu.memory_space<vmem_shared>>)
      %add3A_827 = arith.constant 1 : i32
      %add3A_828 = arith.addi %add3A_819, %add3A_827 : i32
      %mul3A_829 = arith.constant 80 : i32
      %mul3A_830 = arith.muli %add3A_828, %mul3A_829 : i32
      %add3A_831 = arith.addi %mul3A_4, %mul3A_830 : i32
      %dma_wait3A_832 = arith.constant 2 : i32
      %dma_wait3A_833 = arith.constant 0 : i32
      %dma_wait3A_834 = tpu.memref_slice %arg25[%dma_wait3A_832, %dma_wait3A_833] : memref<8x80xi32, #tpu.memory_space<vmem>> -> memref<1x80xi32, #tpu.memory_space<vmem>>
      %dma_wait3A_835 = tpu.memref_squeeze %dma_wait3A_834 : memref<1x80xi32, #tpu.memory_space<vmem>> -> memref<80xi32, #tpu.memory_space<vmem>>
      %dma_wait3A_836 = tpu.memref_slice %arg3[%add3A_831] : memref<320000xi32, #tpu.memory_space<hbm>> -> memref<80xi32, #tpu.memory_space<hbm>>
      %dma_wait3A_837 = arith.constant 0 : i32
      %dma_wait3A_838 = tpu.memref_slice %arg25[%dma_wait3A_832, %dma_wait3A_837] : memref<8x80xi32, #tpu.memory_space<vmem>> -> memref<1x80xi32, #tpu.memory_space<vmem>>
      %dma_wait3A_839 = tpu.memref_squeeze %dma_wait3A_838 : memref<1x80xi32, #tpu.memory_space<vmem>> -> memref<80xi32, #tpu.memory_space<vmem>>
      %dma_wait3A_840 = tpu.memref_slice %arg3[%add3A_831] : memref<320000xi32, #tpu.memory_space<hbm>> -> memref<80xi32, #tpu.memory_space<hbm>>
      tpu.wait_dma2 semaphore(%arg15 : memref<!tpu.dma_semaphore, #tpu.memory_space<semaphore_mem>>) src(%dma_wait3A_840 : memref<80xi32, #tpu.memory_space<hbm>>) dst(%dma_wait3A_839 : memref<80xi32, #tpu.memory_space<vmem>>)
      %dma_wait3A_841 = arith.constant 2 : i32
      %dma_wait3A_842 = arith.constant 0 : i32
      %dma_wait3A_843 = tpu.memref_slice %arg8[%dma_wait3A_841, %dma_wait3A_842] : memref<8x80xi32, #tpu.memory_space<vmem>> -> memref<1x80xi32, #tpu.memory_space<vmem>>
      %dma_wait3A_844 = tpu.memref_squeeze %dma_wait3A_843 : memref<1x80xi32, #tpu.memory_space<vmem>> -> memref<80xi32, #tpu.memory_space<vmem>>
      %dma_wait3A_845 = tpu.memref_slice %arg4[%add3A_831] : memref<320000xi32, #tpu.memory_space<hbm>> -> memref<80xi32, #tpu.memory_space<hbm>>
      %dma_wait3A_846 = arith.constant 0 : i32
      %dma_wait3A_847 = tpu.memref_slice %arg8[%dma_wait3A_841, %dma_wait3A_846] : memref<8x80xi32, #tpu.memory_space<vmem>> -> memref<1x80xi32, #tpu.memory_space<vmem>>
      %dma_wait3A_848 = tpu.memref_squeeze %dma_wait3A_847 : memref<1x80xi32, #tpu.memory_space<vmem>> -> memref<80xi32, #tpu.memory_space<vmem>>
      %dma_wait3A_849 = tpu.memref_slice %arg4[%add3A_831] : memref<320000xi32, #tpu.memory_space<hbm>> -> memref<80xi32, #tpu.memory_space<hbm>>
      tpu.wait_dma2 semaphore(%arg15 : memref<!tpu.dma_semaphore, #tpu.memory_space<semaphore_mem>>) src(%dma_wait3A_849 : memref<80xi32, #tpu.memory_space<hbm>>) dst(%dma_wait3A_848 : memref<80xi32, #tpu.memory_space<vmem>>)
      %dma_start3A_850 = arith.constant 2 : i32
      %dma_start3A_851 = arith.constant 0 : i32
      %dma_start3A_852 = tpu.memref_slice %arg25[%dma_start3A_850, %dma_start3A_851] : memref<8x80xi32, #tpu.memory_space<vmem>> -> memref<1x80xi32, #tpu.memory_space<vmem>>
      %dma_start3A_853 = tpu.memref_squeeze %dma_start3A_852 : memref<1x80xi32, #tpu.memory_space<vmem>> -> memref<80xi32, #tpu.memory_space<vmem>>
      %dma_start3A_854 = arith.constant 0 : i32
      %dma_start3A_855 = arith.constant 0 : i32
      %dma_start3A_856 = tpu.memref_slice %arg2[%dma_start3A_854, %dma_start3A_855] : memref<10000x128xf32, #tpu.memory_space<hbm>> -> memref<10000x128xf32, #tpu.memory_space<hbm>>
      tpu.enqueue_indirect_dma source(%dma_start3A_856 : memref<10000x128xf32, #tpu.memory_space<hbm>>) target(%arg23 : memref<80x128xf32, #tpu.memory_space<vmem>>) offsets(%dma_start3A_853 : memref<80xi32, #tpu.memory_space<vmem>>) semaphore(%arg11 : memref<!tpu.dma_semaphore, #tpu.memory_space<semaphore_mem>>)
      %add3A_857 = arith.constant 2 : i32
      %add3A_858 = arith.addi %add3A_819, %add3A_857 : i32
      %mul3A_859 = arith.constant 80 : i32
      %mul3A_860 = arith.muli %add3A_858, %mul3A_859 : i32
      %add3A_861 = arith.addi %mul3A_4, %mul3A_860 : i32
      %dma_start3A_862 = arith.constant 3 : i32
      %dma_start3A_863 = arith.constant 0 : i32
      %dma_start3A_864 = tpu.memref_slice %arg25[%dma_start3A_862, %dma_start3A_863] : memref<8x80xi32, #tpu.memory_space<vmem>> -> memref<1x80xi32, #tpu.memory_space<vmem>>
      %dma_start3A_865 = tpu.memref_squeeze %dma_start3A_864 : memref<1x80xi32, #tpu.memory_space<vmem>> -> memref<80xi32, #tpu.memory_space<vmem>>
      %dma_start3A_866 = tpu.memref_slice %arg3[%add3A_861] : memref<320000xi32, #tpu.memory_space<hbm>> -> memref<80xi32, #tpu.memory_space<hbm>>
      %dma_start3A_867 = arith.constant 0 : i32
      %dma_start3A_868 = tpu.memref_slice %arg25[%dma_start3A_862, %dma_start3A_867] : memref<8x80xi32, #tpu.memory_space<vmem>> -> memref<1x80xi32, #tpu.memory_space<vmem>>
      %dma_start3A_869 = tpu.memref_squeeze %dma_start3A_868 : memref<1x80xi32, #tpu.memory_space<vmem>> -> memref<80xi32, #tpu.memory_space<vmem>>
      %dma_start3A_870 = tpu.memref_slice %arg3[%add3A_861] : memref<320000xi32, #tpu.memory_space<hbm>> -> memref<80xi32, #tpu.memory_space<hbm>>
      tpu.enqueue_dma source(%dma_start3A_870 : memref<80xi32, #tpu.memory_space<hbm>>) target(%dma_start3A_869 : memref<80xi32, #tpu.memory_space<vmem>>) target_semaphore(%arg16 : memref<!tpu.dma_semaphore, #tpu.memory_space<semaphore_mem>>)
      %dma_start3A_871 = arith.constant 3 : i32
      %dma_start3A_872 = arith.constant 0 : i32
      %dma_start3A_873 = tpu.memref_slice %arg8[%dma_start3A_871, %dma_start3A_872] : memref<8x80xi32, #tpu.memory_space<vmem>> -> memref<1x80xi32, #tpu.memory_space<vmem>>
      %dma_start3A_874 = tpu.memref_squeeze %dma_start3A_873 : memref<1x80xi32, #tpu.memory_space<vmem>> -> memref<80xi32, #tpu.memory_space<vmem>>
      %dma_start3A_875 = tpu.memref_slice %arg4[%add3A_861] : memref<320000xi32, #tpu.memory_space<hbm>> -> memref<80xi32, #tpu.memory_space<hbm>>
      %dma_start3A_876 = arith.constant 0 : i32
      %dma_start3A_877 = tpu.memref_slice %arg8[%dma_start3A_871, %dma_start3A_876] : memref<8x80xi32, #tpu.memory_space<vmem>> -> memref<1x80xi32, #tpu.memory_space<vmem>>
      %dma_start3A_878 = tpu.memref_squeeze %dma_start3A_877 : memref<1x80xi32, #tpu.memory_space<vmem>> -> memref<80xi32, #tpu.memory_space<vmem>>
      %dma_start3A_879 = tpu.memref_slice %arg4[%add3A_861] : memref<320000xi32, #tpu.memory_space<hbm>> -> memref<80xi32, #tpu.memory_space<hbm>>
      tpu.enqueue_dma source(%dma_start3A_879 : memref<80xi32, #tpu.memory_space<hbm>>) target(%dma_start3A_878 : memref<80xi32, #tpu.memory_space<vmem>>) target_semaphore(%arg16 : memref<!tpu.dma_semaphore, #tpu.memory_space<semaphore_mem>>)
      %dma_wait3A_880 = arith.constant 1 : i32
      %dma_wait3A_881 = arith.constant 0 : i32
      %dma_wait3A_882 = tpu.memref_slice %arg25[%dma_wait3A_880, %dma_wait3A_881] : memref<8x80xi32, #tpu.memory_space<vmem>> -> memref<1x80xi32, #tpu.memory_space<vmem>>
      %dma_wait3A_883 = tpu.memref_squeeze %dma_wait3A_882 : memref<1x80xi32, #tpu.memory_space<vmem>> -> memref<80xi32, #tpu.memory_space<vmem>>
      %dma_wait3A_884 = arith.constant 0 : i32
      %dma_wait3A_885 = arith.constant 0 : i32
      %dma_wait3A_886 = tpu.memref_slice %arg2[%dma_wait3A_884, %dma_wait3A_885] : memref<10000x128xf32, #tpu.memory_space<hbm>> -> memref<10000x128xf32, #tpu.memory_space<hbm>>
      tpu.wait_indirect_dma semaphore(%arg10 : memref<!tpu.dma_semaphore, #tpu.memory_space<semaphore_mem>>) src(%dma_wait3A_886 : memref<10000x128xf32, #tpu.memory_space<hbm>>) dst(%arg22 : memref<80x128xf32, #tpu.memory_space<vmem>>)
      %dma_start3A_887 = arith.constant 1 : i32
      %dma_start3A_888 = arith.constant 0 : i32
      %dma_start3A_889 = tpu.memref_slice %arg8[%dma_start3A_887, %dma_start3A_888] : memref<8x80xi32, #tpu.memory_space<vmem>> -> memref<1x80xi32, #tpu.memory_space<vmem>>
      %dma_start3A_890 = tpu.memref_squeeze %dma_start3A_889 : memref<1x80xi32, #tpu.memory_space<vmem>> -> memref<80xi32, #tpu.memory_space<vmem>>
      %dma_start3A_891 = arith.constant 0 : i32
      %dma_start3A_892 = arith.constant 0 : i32
      %dma_start3A_893 = tpu.memref_slice %arg7[%dma_start3A_891, %dma_start3A_892] : memref<10000x128xf32, #tpu.memory_space<vmem_shared>> -> memref<10000x128xf32, #tpu.memory_space<vmem_shared>>
      tpu.enqueue_indirect_dma source(%arg22 : memref<80x128xf32, #tpu.memory_space<vmem>>) target(%dma_start3A_893 : memref<10000x128xf32, #tpu.memory_space<vmem_shared>>) offsets(%dma_start3A_890 : memref<80xi32, #tpu.memory_space<vmem>>) semaphore(%arg27 : memref<!tpu.dma_semaphore, #tpu.memory_space<semaphore_mem>>) {add = true}
      %add3A_894 = arith.constant 7 : i32
      %add3A_895 = arith.addi %add3A_361, %add3A_894 : i32
      %dma_wait3A_896 = arith.constant 7 : i32
      %dma_wait3A_897 = arith.constant 0 : i32
      %dma_wait3A_898 = tpu.memref_slice %arg8[%dma_wait3A_896, %dma_wait3A_897] : memref<8x80xi32, #tpu.memory_space<vmem>> -> memref<1x80xi32, #tpu.memory_space<vmem>>
      %dma_wait3A_899 = tpu.memref_squeeze %dma_wait3A_898 : memref<1x80xi32, #tpu.memory_space<vmem>> -> memref<80xi32, #tpu.memory_space<vmem>>
      %dma_wait3A_900 = arith.constant 0 : i32
      %dma_wait3A_901 = arith.constant 0 : i32
      %dma_wait3A_902 = tpu.memref_slice %arg7[%dma_wait3A_900, %dma_wait3A_901] : memref<10000x128xf32, #tpu.memory_space<vmem_shared>> -> memref<10000x128xf32, #tpu.memory_space<vmem_shared>>
      tpu.wait_indirect_dma semaphore(%arg29 : memref<!tpu.dma_semaphore, #tpu.memory_space<semaphore_mem>>) src(%arg24 : memref<80x128xf32, #tpu.memory_space<vmem>>) dst(%dma_wait3A_902 : memref<10000x128xf32, #tpu.memory_space<vmem_shared>>)
      %add3A_903 = arith.constant 1 : i32
      %add3A_904 = arith.addi %add3A_895, %add3A_903 : i32
      %mul3A_905 = arith.constant 80 : i32
      %mul3A_906 = arith.muli %add3A_904, %mul3A_905 : i32
      %add3A_907 = arith.addi %mul3A_4, %mul3A_906 : i32
      %dma_wait3A_908 = arith.constant 3 : i32
      %dma_wait3A_909 = arith.constant 0 : i32
      %dma_wait3A_910 = tpu.memref_slice %arg25[%dma_wait3A_908, %dma_wait3A_909] : memref<8x80xi32, #tpu.memory_space<vmem>> -> memref<1x80xi32, #tpu.memory_space<vmem>>
      %dma_wait3A_911 = tpu.memref_squeeze %dma_wait3A_910 : memref<1x80xi32, #tpu.memory_space<vmem>> -> memref<80xi32, #tpu.memory_space<vmem>>
      %dma_wait3A_912 = tpu.memref_slice %arg3[%add3A_907] : memref<320000xi32, #tpu.memory_space<hbm>> -> memref<80xi32, #tpu.memory_space<hbm>>
      %dma_wait3A_913 = arith.constant 0 : i32
      %dma_wait3A_914 = tpu.memref_slice %arg25[%dma_wait3A_908, %dma_wait3A_913] : memref<8x80xi32, #tpu.memory_space<vmem>> -> memref<1x80xi32, #tpu.memory_space<vmem>>
      %dma_wait3A_915 = tpu.memref_squeeze %dma_wait3A_914 : memref<1x80xi32, #tpu.memory_space<vmem>> -> memref<80xi32, #tpu.memory_space<vmem>>
      %dma_wait3A_916 = tpu.memref_slice %arg3[%add3A_907] : memref<320000xi32, #tpu.memory_space<hbm>> -> memref<80xi32, #tpu.memory_space<hbm>>
      tpu.wait_dma2 semaphore(%arg16 : memref<!tpu.dma_semaphore, #tpu.memory_space<semaphore_mem>>) src(%dma_wait3A_916 : memref<80xi32, #tpu.memory_space<hbm>>) dst(%dma_wait3A_915 : memref<80xi32, #tpu.memory_space<vmem>>)
      %dma_wait3A_917 = arith.constant 3 : i32
      %dma_wait3A_918 = arith.constant 0 : i32
      %dma_wait3A_919 = tpu.memref_slice %arg8[%dma_wait3A_917, %dma_wait3A_918] : memref<8x80xi32, #tpu.memory_space<vmem>> -> memref<1x80xi32, #tpu.memory_space<vmem>>
      %dma_wait3A_920 = tpu.memref_squeeze %dma_wait3A_919 : memref<1x80xi32, #tpu.memory_space<vmem>> -> memref<80xi32, #tpu.memory_space<vmem>>
      %dma_wait3A_921 = tpu.memref_slice %arg4[%add3A_907] : memref<320000xi32, #tpu.memory_space<hbm>> -> memref<80xi32, #tpu.memory_space<hbm>>
      %dma_wait3A_922 = arith.constant 0 : i32
      %dma_wait3A_923 = tpu.memref_slice %arg8[%dma_wait3A_917, %dma_wait3A_922] : memref<8x80xi32, #tpu.memory_space<vmem>> -> memref<1x80xi32, #tpu.memory_space<vmem>>
      %dma_wait3A_924 = tpu.memref_squeeze %dma_wait3A_923 : memref<1x80xi32, #tpu.memory_space<vmem>> -> memref<80xi32, #tpu.memory_space<vmem>>
      %dma_wait3A_925 = tpu.memref_slice %arg4[%add3A_907] : memref<320000xi32, #tpu.memory_space<hbm>> -> memref<80xi32, #tpu.memory_space<hbm>>
      tpu.wait_dma2 semaphore(%arg16 : memref<!tpu.dma_semaphore, #tpu.memory_space<semaphore_mem>>) src(%dma_wait3A_925 : memref<80xi32, #tpu.memory_space<hbm>>) dst(%dma_wait3A_924 : memref<80xi32, #tpu.memory_space<vmem>>)
      %dma_start3A_926 = arith.constant 3 : i32
      %dma_start3A_927 = arith.constant 0 : i32
      %dma_start3A_928 = tpu.memref_slice %arg25[%dma_start3A_926, %dma_start3A_927] : memref<8x80xi32, #tpu.memory_space<vmem>> -> memref<1x80xi32, #tpu.memory_space<vmem>>
      %dma_start3A_929 = tpu.memref_squeeze %dma_start3A_928 : memref<1x80xi32, #tpu.memory_space<vmem>> -> memref<80xi32, #tpu.memory_space<vmem>>
      %dma_start3A_930 = arith.constant 0 : i32
      %dma_start3A_931 = arith.constant 0 : i32
      %dma_start3A_932 = tpu.memref_slice %arg2[%dma_start3A_930, %dma_start3A_931] : memref<10000x128xf32, #tpu.memory_space<hbm>> -> memref<10000x128xf32, #tpu.memory_space<hbm>>
      tpu.enqueue_indirect_dma source(%dma_start3A_932 : memref<10000x128xf32, #tpu.memory_space<hbm>>) target(%arg24 : memref<80x128xf32, #tpu.memory_space<vmem>>) offsets(%dma_start3A_929 : memref<80xi32, #tpu.memory_space<vmem>>) semaphore(%arg12 : memref<!tpu.dma_semaphore, #tpu.memory_space<semaphore_mem>>)
      %add3A_933 = arith.constant 2 : i32
      %add3A_934 = arith.addi %add3A_895, %add3A_933 : i32
      %mul3A_935 = arith.constant 80 : i32
      %mul3A_936 = arith.muli %add3A_934, %mul3A_935 : i32
      %add3A_937 = arith.addi %mul3A_4, %mul3A_936 : i32
      %dma_start3A_938 = arith.constant 4 : i32
      %dma_start3A_939 = arith.constant 0 : i32
      %dma_start3A_940 = tpu.memref_slice %arg25[%dma_start3A_938, %dma_start3A_939] : memref<8x80xi32, #tpu.memory_space<vmem>> -> memref<1x80xi32, #tpu.memory_space<vmem>>
      %dma_start3A_941 = tpu.memref_squeeze %dma_start3A_940 : memref<1x80xi32, #tpu.memory_space<vmem>> -> memref<80xi32, #tpu.memory_space<vmem>>
      %dma_start3A_942 = tpu.memref_slice %arg3[%add3A_937] : memref<320000xi32, #tpu.memory_space<hbm>> -> memref<80xi32, #tpu.memory_space<hbm>>
      %dma_start3A_943 = arith.constant 0 : i32
      %dma_start3A_944 = tpu.memref_slice %arg25[%dma_start3A_938, %dma_start3A_943] : memref<8x80xi32, #tpu.memory_space<vmem>> -> memref<1x80xi32, #tpu.memory_space<vmem>>
      %dma_start3A_945 = tpu.memref_squeeze %dma_start3A_944 : memref<1x80xi32, #tpu.memory_space<vmem>> -> memref<80xi32, #tpu.memory_space<vmem>>
      %dma_start3A_946 = tpu.memref_slice %arg3[%add3A_937] : memref<320000xi32, #tpu.memory_space<hbm>> -> memref<80xi32, #tpu.memory_space<hbm>>
      tpu.enqueue_dma source(%dma_start3A_946 : memref<80xi32, #tpu.memory_space<hbm>>) target(%dma_start3A_945 : memref<80xi32, #tpu.memory_space<vmem>>) target_semaphore(%arg17 : memref<!tpu.dma_semaphore, #tpu.memory_space<semaphore_mem>>)
      %dma_start3A_947 = arith.constant 4 : i32
      %dma_start3A_948 = arith.constant 0 : i32
      %dma_start3A_949 = tpu.memref_slice %arg8[%dma_start3A_947, %dma_start3A_948] : memref<8x80xi32, #tpu.memory_space<vmem>> -> memref<1x80xi32, #tpu.memory_space<vmem>>
      %dma_start3A_950 = tpu.memref_squeeze %dma_start3A_949 : memref<1x80xi32, #tpu.memory_space<vmem>> -> memref<80xi32, #tpu.memory_space<vmem>>
      %dma_start3A_951 = tpu.memref_slice %arg4[%add3A_937] : memref<320000xi32, #tpu.memory_space<hbm>> -> memref<80xi32, #tpu.memory_space<hbm>>
      %dma_start3A_952 = arith.constant 0 : i32
      %dma_start3A_953 = tpu.memref_slice %arg8[%dma_start3A_947, %dma_start3A_952] : memref<8x80xi32, #tpu.memory_space<vmem>> -> memref<1x80xi32, #tpu.memory_space<vmem>>
      %dma_start3A_954 = tpu.memref_squeeze %dma_start3A_953 : memref<1x80xi32, #tpu.memory_space<vmem>> -> memref<80xi32, #tpu.memory_space<vmem>>
      %dma_start3A_955 = tpu.memref_slice %arg4[%add3A_937] : memref<320000xi32, #tpu.memory_space<hbm>> -> memref<80xi32, #tpu.memory_space<hbm>>
      tpu.enqueue_dma source(%dma_start3A_955 : memref<80xi32, #tpu.memory_space<hbm>>) target(%dma_start3A_954 : memref<80xi32, #tpu.memory_space<vmem>>) target_semaphore(%arg17 : memref<!tpu.dma_semaphore, #tpu.memory_space<semaphore_mem>>)
      %dma_wait3A_956 = arith.constant 2 : i32
      %dma_wait3A_957 = arith.constant 0 : i32
      %dma_wait3A_958 = tpu.memref_slice %arg25[%dma_wait3A_956, %dma_wait3A_957] : memref<8x80xi32, #tpu.memory_space<vmem>> -> memref<1x80xi32, #tpu.memory_space<vmem>>
      %dma_wait3A_959 = tpu.memref_squeeze %dma_wait3A_958 : memref<1x80xi32, #tpu.memory_space<vmem>> -> memref<80xi32, #tpu.memory_space<vmem>>
      %dma_wait3A_960 = arith.constant 0 : i32
      %dma_wait3A_961 = arith.constant 0 : i32
      %dma_wait3A_962 = tpu.memref_slice %arg2[%dma_wait3A_960, %dma_wait3A_961] : memref<10000x128xf32, #tpu.memory_space<hbm>> -> memref<10000x128xf32, #tpu.memory_space<hbm>>
      tpu.wait_indirect_dma semaphore(%arg11 : memref<!tpu.dma_semaphore, #tpu.memory_space<semaphore_mem>>) src(%dma_wait3A_962 : memref<10000x128xf32, #tpu.memory_space<hbm>>) dst(%arg23 : memref<80x128xf32, #tpu.memory_space<vmem>>)
      %dma_start3A_963 = arith.constant 2 : i32
      %dma_start3A_964 = arith.constant 0 : i32
      %dma_start3A_965 = tpu.memref_slice %arg8[%dma_start3A_963, %dma_start3A_964] : memref<8x80xi32, #tpu.memory_space<vmem>> -> memref<1x80xi32, #tpu.memory_space<vmem>>
      %dma_start3A_966 = tpu.memref_squeeze %dma_start3A_965 : memref<1x80xi32, #tpu.memory_space<vmem>> -> memref<80xi32, #tpu.memory_space<vmem>>
      %dma_start3A_967 = arith.constant 0 : i32
      %dma_start3A_968 = arith.constant 0 : i32
      %dma_start3A_969 = tpu.memref_slice %arg7[%dma_start3A_967, %dma_start3A_968] : memref<10000x128xf32, #tpu.memory_space<vmem_shared>> -> memref<10000x128xf32, #tpu.memory_space<vmem_shared>>
      tpu.enqueue_indirect_dma source(%arg23 : memref<80x128xf32, #tpu.memory_space<vmem>>) target(%dma_start3A_969 : memref<10000x128xf32, #tpu.memory_space<vmem_shared>>) offsets(%dma_start3A_966 : memref<80xi32, #tpu.memory_space<vmem>>) semaphore(%arg28 : memref<!tpu.dma_semaphore, #tpu.memory_space<semaphore_mem>>) {add = true}
    }
    %scan3A_260 = arith.constant 15 : i32
    %dma_wait3A_261 = arith.constant 0 : i32
    %dma_wait3A_262 = arith.constant 0 : i32
    %dma_wait3A_263 = tpu.memref_slice %arg8[%dma_wait3A_261, %dma_wait3A_262] : memref<8x80xi32, #tpu.memory_space<vmem>> -> memref<1x80xi32, #tpu.memory_space<vmem>>
    %dma_wait3A_264 = tpu.memref_squeeze %dma_wait3A_263 : memref<1x80xi32, #tpu.memory_space<vmem>> -> memref<80xi32, #tpu.memory_space<vmem>>
    %dma_wait3A_265 = arith.constant 0 : i32
    %dma_wait3A_266 = arith.constant 0 : i32
    %dma_wait3A_267 = tpu.memref_slice %arg7[%dma_wait3A_265, %dma_wait3A_266] : memref<10000x128xf32, #tpu.memory_space<vmem_shared>> -> memref<10000x128xf32, #tpu.memory_space<vmem_shared>>
    tpu.wait_indirect_dma semaphore(%arg26 : memref<!tpu.dma_semaphore, #tpu.memory_space<semaphore_mem>>) src(%arg21 : memref<80x128xf32, #tpu.memory_space<vmem>>) dst(%dma_wait3A_267 : memref<10000x128xf32, #tpu.memory_space<vmem_shared>>)
    %add3A_268 = arith.constant 9920 : i32
    %add3A_269 = arith.addi %mul3A_4, %add3A_268 : i32
    %dma_wait3A_270 = arith.constant 4 : i32
    %dma_wait3A_271 = arith.constant 0 : i32
    %dma_wait3A_272 = tpu.memref_slice %arg25[%dma_wait3A_270, %dma_wait3A_271] : memref<8x80xi32, #tpu.memory_space<vmem>> -> memref<1x80xi32, #tpu.memory_space<vmem>>
    %dma_wait3A_273 = tpu.memref_squeeze %dma_wait3A_272 : memref<1x80xi32, #tpu.memory_space<vmem>> -> memref<80xi32, #tpu.memory_space<vmem>>
    %dma_wait3A_274 = tpu.memref_slice %arg3[%add3A_269] : memref<320000xi32, #tpu.memory_space<hbm>> -> memref<80xi32, #tpu.memory_space<hbm>>
    %dma_wait3A_275 = arith.constant 0 : i32
    %dma_wait3A_276 = tpu.memref_slice %arg25[%dma_wait3A_270, %dma_wait3A_275] : memref<8x80xi32, #tpu.memory_space<vmem>> -> memref<1x80xi32, #tpu.memory_space<vmem>>
    %dma_wait3A_277 = tpu.memref_squeeze %dma_wait3A_276 : memref<1x80xi32, #tpu.memory_space<vmem>> -> memref<80xi32, #tpu.memory_space<vmem>>
    %dma_wait3A_278 = tpu.memref_slice %arg3[%add3A_269] : memref<320000xi32, #tpu.memory_space<hbm>> -> memref<80xi32, #tpu.memory_space<hbm>>
    tpu.wait_dma2 semaphore(%arg17 : memref<!tpu.dma_semaphore, #tpu.memory_space<semaphore_mem>>) src(%dma_wait3A_278 : memref<80xi32, #tpu.memory_space<hbm>>) dst(%dma_wait3A_277 : memref<80xi32, #tpu.memory_space<vmem>>)
    %dma_wait3A_279 = arith.constant 4 : i32
    %dma_wait3A_280 = arith.constant 0 : i32
    %dma_wait3A_281 = tpu.memref_slice %arg8[%dma_wait3A_279, %dma_wait3A_280] : memref<8x80xi32, #tpu.memory_space<vmem>> -> memref<1x80xi32, #tpu.memory_space<vmem>>
    %dma_wait3A_282 = tpu.memref_squeeze %dma_wait3A_281 : memref<1x80xi32, #tpu.memory_space<vmem>> -> memref<80xi32, #tpu.memory_space<vmem>>
    %dma_wait3A_283 = tpu.memref_slice %arg4[%add3A_269] : memref<320000xi32, #tpu.memory_space<hbm>> -> memref<80xi32, #tpu.memory_space<hbm>>
    %dma_wait3A_284 = arith.constant 0 : i32
    %dma_wait3A_285 = tpu.memref_slice %arg8[%dma_wait3A_279, %dma_wait3A_284] : memref<8x80xi32, #tpu.memory_space<vmem>> -> memref<1x80xi32, #tpu.memory_space<vmem>>
    %dma_wait3A_286 = tpu.memref_squeeze %dma_wait3A_285 : memref<1x80xi32, #tpu.memory_space<vmem>> -> memref<80xi32, #tpu.memory_space<vmem>>
    %dma_wait3A_287 = tpu.memref_slice %arg4[%add3A_269] : memref<320000xi32, #tpu.memory_space<hbm>> -> memref<80xi32, #tpu.memory_space<hbm>>
    tpu.wait_dma2 semaphore(%arg17 : memref<!tpu.dma_semaphore, #tpu.memory_space<semaphore_mem>>) src(%dma_wait3A_287 : memref<80xi32, #tpu.memory_space<hbm>>) dst(%dma_wait3A_286 : memref<80xi32, #tpu.memory_space<vmem>>)
    %dma_start3A_288 = arith.constant 4 : i32
    %dma_start3A_289 = arith.constant 0 : i32
    %dma_start3A_290 = tpu.memref_slice %arg25[%dma_start3A_288, %dma_start3A_289] : memref<8x80xi32, #tpu.memory_space<vmem>> -> memref<1x80xi32, #tpu.memory_space<vmem>>
    %dma_start3A_291 = tpu.memref_squeeze %dma_start3A_290 : memref<1x80xi32, #tpu.memory_space<vmem>> -> memref<80xi32, #tpu.memory_space<vmem>>
    %dma_start3A_292 = arith.constant 0 : i32
    %dma_start3A_293 = arith.constant 0 : i32
    %dma_start3A_294 = tpu.memref_slice %arg2[%dma_start3A_292, %dma_start3A_293] : memref<10000x128xf32, #tpu.memory_space<hbm>> -> memref<10000x128xf32, #tpu.memory_space<hbm>>
    tpu.enqueue_indirect_dma source(%dma_start3A_294 : memref<10000x128xf32, #tpu.memory_space<hbm>>) target(%arg21 : memref<80x128xf32, #tpu.memory_space<vmem>>) offsets(%dma_start3A_291 : memref<80xi32, #tpu.memory_space<vmem>>) semaphore(%arg9 : memref<!tpu.dma_semaphore, #tpu.memory_space<semaphore_mem>>)
    %dma_wait3A_295 = arith.constant 3 : i32
    %dma_wait3A_296 = arith.constant 0 : i32
    %dma_wait3A_297 = tpu.memref_slice %arg25[%dma_wait3A_295, %dma_wait3A_296] : memref<8x80xi32, #tpu.memory_space<vmem>> -> memref<1x80xi32, #tpu.memory_space<vmem>>
    %dma_wait3A_298 = tpu.memref_squeeze %dma_wait3A_297 : memref<1x80xi32, #tpu.memory_space<vmem>> -> memref<80xi32, #tpu.memory_space<vmem>>
    %dma_wait3A_299 = arith.constant 0 : i32
    %dma_wait3A_300 = arith.constant 0 : i32
    %dma_wait3A_301 = tpu.memref_slice %arg2[%dma_wait3A_299, %dma_wait3A_300] : memref<10000x128xf32, #tpu.memory_space<hbm>> -> memref<10000x128xf32, #tpu.memory_space<hbm>>
    tpu.wait_indirect_dma semaphore(%arg12 : memref<!tpu.dma_semaphore, #tpu.memory_space<semaphore_mem>>) src(%dma_wait3A_301 : memref<10000x128xf32, #tpu.memory_space<hbm>>) dst(%arg24 : memref<80x128xf32, #tpu.memory_space<vmem>>)
    %dma_start3A_302 = arith.constant 3 : i32
    %dma_start3A_303 = arith.constant 0 : i32
    %dma_start3A_304 = tpu.memref_slice %arg8[%dma_start3A_302, %dma_start3A_303] : memref<8x80xi32, #tpu.memory_space<vmem>> -> memref<1x80xi32, #tpu.memory_space<vmem>>
    %dma_start3A_305 = tpu.memref_squeeze %dma_start3A_304 : memref<1x80xi32, #tpu.memory_space<vmem>> -> memref<80xi32, #tpu.memory_space<vmem>>
    %dma_start3A_306 = arith.constant 0 : i32
    %dma_start3A_307 = arith.constant 0 : i32
    %dma_start3A_308 = tpu.memref_slice %arg7[%dma_start3A_306, %dma_start3A_307] : memref<10000x128xf32, #tpu.memory_space<vmem_shared>> -> memref<10000x128xf32, #tpu.memory_space<vmem_shared>>
    tpu.enqueue_indirect_dma source(%arg24 : memref<80x128xf32, #tpu.memory_space<vmem>>) target(%dma_start3A_308 : memref<10000x128xf32, #tpu.memory_space<vmem_shared>>) offsets(%dma_start3A_305 : memref<80xi32, #tpu.memory_space<vmem>>) semaphore(%arg29 : memref<!tpu.dma_semaphore, #tpu.memory_space<semaphore_mem>>) {add = true}
    %dma_wait3A_309 = arith.constant 1 : i32
    %dma_wait3A_310 = arith.constant 0 : i32
    %dma_wait3A_311 = tpu.memref_slice %arg8[%dma_wait3A_309, %dma_wait3A_310] : memref<8x80xi32, #tpu.memory_space<vmem>> -> memref<1x80xi32, #tpu.memory_space<vmem>>
    %dma_wait3A_312 = tpu.memref_squeeze %dma_wait3A_311 : memref<1x80xi32, #tpu.memory_space<vmem>> -> memref<80xi32, #tpu.memory_space<vmem>>
    %dma_wait3A_313 = arith.constant 0 : i32
    %dma_wait3A_314 = arith.constant 0 : i32
    %dma_wait3A_315 = tpu.memref_slice %arg7[%dma_wait3A_313, %dma_wait3A_314] : memref<10000x128xf32, #tpu.memory_space<vmem_shared>> -> memref<10000x128xf32, #tpu.memory_space<vmem_shared>>
    tpu.wait_indirect_dma semaphore(%arg27 : memref<!tpu.dma_semaphore, #tpu.memory_space<semaphore_mem>>) src(%arg22 : memref<80x128xf32, #tpu.memory_space<vmem>>) dst(%dma_wait3A_315 : memref<10000x128xf32, #tpu.memory_space<vmem_shared>>)
    %dma_wait3A_316 = arith.constant 4 : i32
    %dma_wait3A_317 = arith.constant 0 : i32
    %dma_wait3A_318 = tpu.memref_slice %arg25[%dma_wait3A_316, %dma_wait3A_317] : memref<8x80xi32, #tpu.memory_space<vmem>> -> memref<1x80xi32, #tpu.memory_space<vmem>>
    %dma_wait3A_319 = tpu.memref_squeeze %dma_wait3A_318 : memref<1x80xi32, #tpu.memory_space<vmem>> -> memref<80xi32, #tpu.memory_space<vmem>>
    %dma_wait3A_320 = arith.constant 0 : i32
    %dma_wait3A_321 = arith.constant 0 : i32
    %dma_wait3A_322 = tpu.memref_slice %arg2[%dma_wait3A_320, %dma_wait3A_321] : memref<10000x128xf32, #tpu.memory_space<hbm>> -> memref<10000x128xf32, #tpu.memory_space<hbm>>
    tpu.wait_indirect_dma semaphore(%arg9 : memref<!tpu.dma_semaphore, #tpu.memory_space<semaphore_mem>>) src(%dma_wait3A_322 : memref<10000x128xf32, #tpu.memory_space<hbm>>) dst(%arg21 : memref<80x128xf32, #tpu.memory_space<vmem>>)
    %dma_start3A_323 = arith.constant 4 : i32
    %dma_start3A_324 = arith.constant 0 : i32
    %dma_start3A_325 = tpu.memref_slice %arg8[%dma_start3A_323, %dma_start3A_324] : memref<8x80xi32, #tpu.memory_space<vmem>> -> memref<1x80xi32, #tpu.memory_space<vmem>>
    %dma_start3A_326 = tpu.memref_squeeze %dma_start3A_325 : memref<1x80xi32, #tpu.memory_space<vmem>> -> memref<80xi32, #tpu.memory_space<vmem>>
    %dma_start3A_327 = arith.constant 0 : i32
    %dma_start3A_328 = arith.constant 0 : i32
    %dma_start3A_329 = tpu.memref_slice %arg7[%dma_start3A_327, %dma_start3A_328] : memref<10000x128xf32, #tpu.memory_space<vmem_shared>> -> memref<10000x128xf32, #tpu.memory_space<vmem_shared>>
    tpu.enqueue_indirect_dma source(%arg21 : memref<80x128xf32, #tpu.memory_space<vmem>>) target(%dma_start3A_329 : memref<10000x128xf32, #tpu.memory_space<vmem_shared>>) offsets(%dma_start3A_326 : memref<80xi32, #tpu.memory_space<vmem>>) semaphore(%arg26 : memref<!tpu.dma_semaphore, #tpu.memory_space<semaphore_mem>>) {add = true}
    %dma_wait3A_330 = arith.constant 2 : i32
    %dma_wait3A_331 = arith.constant 0 : i32
    %dma_wait3A_332 = tpu.memref_slice %arg8[%dma_wait3A_330, %dma_wait3A_331] : memref<8x80xi32, #tpu.memory_space<vmem>> -> memref<1x80xi32, #tpu.memory_space<vmem>>
    %dma_wait3A_333 = tpu.memref_squeeze %dma_wait3A_332 : memref<1x80xi32, #tpu.memory_space<vmem>> -> memref<80xi32, #tpu.memory_space<vmem>>
    %dma_wait3A_334 = arith.constant 0 : i32
    %dma_wait3A_335 = arith.constant 0 : i32
    %dma_wait3A_336 = tpu.memref_slice %arg7[%dma_wait3A_334, %dma_wait3A_335] : memref<10000x128xf32, #tpu.memory_space<vmem_shared>> -> memref<10000x128xf32, #tpu.memory_space<vmem_shared>>
    tpu.wait_indirect_dma semaphore(%arg28 : memref<!tpu.dma_semaphore, #tpu.memory_space<semaphore_mem>>) src(%arg23 : memref<80x128xf32, #tpu.memory_space<vmem>>) dst(%dma_wait3A_336 : memref<10000x128xf32, #tpu.memory_space<vmem_shared>>)
    %dma_wait3A_337 = arith.constant 3 : i32
    %dma_wait3A_338 = arith.constant 0 : i32
    %dma_wait3A_339 = tpu.memref_slice %arg8[%dma_wait3A_337, %dma_wait3A_338] : memref<8x80xi32, #tpu.memory_space<vmem>> -> memref<1x80xi32, #tpu.memory_space<vmem>>
    %dma_wait3A_340 = tpu.memref_squeeze %dma_wait3A_339 : memref<1x80xi32, #tpu.memory_space<vmem>> -> memref<80xi32, #tpu.memory_space<vmem>>
    %dma_wait3A_341 = arith.constant 0 : i32
    %dma_wait3A_342 = arith.constant 0 : i32
    %dma_wait3A_343 = tpu.memref_slice %arg7[%dma_wait3A_341, %dma_wait3A_342] : memref<10000x128xf32, #tpu.memory_space<vmem_shared>> -> memref<10000x128xf32, #tpu.memory_space<vmem_shared>>
    tpu.wait_indirect_dma semaphore(%arg29 : memref<!tpu.dma_semaphore, #tpu.memory_space<semaphore_mem>>) src(%arg24 : memref<80x128xf32, #tpu.memory_space<vmem>>) dst(%dma_wait3A_343 : memref<10000x128xf32, #tpu.memory_space<vmem_shared>>)
    %dma_wait3A_344 = arith.constant 4 : i32
    %dma_wait3A_345 = arith.constant 0 : i32
    %dma_wait3A_346 = tpu.memref_slice %arg8[%dma_wait3A_344, %dma_wait3A_345] : memref<8x80xi32, #tpu.memory_space<vmem>> -> memref<1x80xi32, #tpu.memory_space<vmem>>
    %dma_wait3A_347 = tpu.memref_squeeze %dma_wait3A_346 : memref<1x80xi32, #tpu.memory_space<vmem>> -> memref<80xi32, #tpu.memory_space<vmem>>
    %dma_wait3A_348 = arith.constant 0 : i32
    %dma_wait3A_349 = arith.constant 0 : i32
    %dma_wait3A_350 = tpu.memref_slice %arg7[%dma_wait3A_348, %dma_wait3A_349] : memref<10000x128xf32, #tpu.memory_space<vmem_shared>> -> memref<10000x128xf32, #tpu.memory_space<vmem_shared>>
    tpu.wait_indirect_dma semaphore(%arg26 : memref<!tpu.dma_semaphore, #tpu.memory_space<semaphore_mem>>) src(%arg21 : memref<80x128xf32, #tpu.memory_space<vmem>>) dst(%dma_wait3A_350 : memref<10000x128xf32, #tpu.memory_space<vmem_shared>>)
    %barrier3A_351 = arith.constant 0 : index
    tpu.barrier barrier_id(%barrier3A_351)
    "tpu.region"() ({
      %run_scoped3A = tpu.sem_alloc : memref<!tpu.dma_semaphore, #tpu.memory_space<semaphore_mem>>
      %dma_start3A_357 = arith.constant 0 : i32
      %dma_start3A_358 = arith.constant 0 : i32
      %dma_start3A_359 = tpu.memref_slice %arg6[%arg0, %dma_start3A_357, %dma_start3A_358] : memref<2x10000x128xf32, #tpu.memory_space<hbm>> -> memref<1x10000x128xf32, #tpu.memory_space<hbm>>
      %dma_start3A_360 = tpu.memref_squeeze %dma_start3A_359 : memref<1x10000x128xf32, #tpu.memory_space<hbm>> -> memref<10000x128xf32, #tpu.memory_space<hbm>>
      %dma_start3A_361 = arith.constant 0 : i32
      %dma_start3A_362 = tpu.memref_slice %dma_start3A_360[%mul3A_2, %dma_start3A_361] : memref<10000x128xf32, #tpu.memory_space<hbm>> -> memref<624x128xf32, #tpu.memory_space<hbm>>
      %dma_start3A_363 = arith.constant 0 : i32
      %dma_start3A_364 = tpu.memref_slice %arg7[%mul3A_2, %dma_start3A_363] : memref<10000x128xf32, #tpu.memory_space<vmem_shared>> -> memref<624x128xf32, #tpu.memory_space<vmem_shared>>
      tpu.enqueue_dma source(%dma_start3A_364 : memref<624x128xf32, #tpu.memory_space<vmem_shared>>) target(%dma_start3A_362 : memref<624x128xf32, #tpu.memory_space<hbm>>) target_semaphore(%run_scoped3A : memref<!tpu.dma_semaphore, #tpu.memory_space<semaphore_mem>>)
      %dma_wait3A_365 = arith.constant 0 : i32
      %dma_wait3A_366 = arith.constant 0 : i32
      %dma_wait3A_367 = tpu.memref_slice %arg6[%arg0, %dma_wait3A_365, %dma_wait3A_366] : memref<2x10000x128xf32, #tpu.memory_space<hbm>> -> memref<1x10000x128xf32, #tpu.memory_space<hbm>>
      %dma_wait3A_368 = tpu.memref_squeeze %dma_wait3A_367 : memref<1x10000x128xf32, #tpu.memory_space<hbm>> -> memref<10000x128xf32, #tpu.memory_space<hbm>>
      %dma_wait3A_369 = arith.constant 0 : i32
      %dma_wait3A_370 = tpu.memref_slice %dma_wait3A_368[%mul3A_2, %dma_wait3A_369] : memref<10000x128xf32, #tpu.memory_space<hbm>> -> memref<624x128xf32, #tpu.memory_space<hbm>>
      %dma_wait3A_371 = arith.constant 0 : i32
      %dma_wait3A_372 = tpu.memref_slice %arg7[%mul3A_2, %dma_wait3A_371] : memref<10000x128xf32, #tpu.memory_space<vmem_shared>> -> memref<624x128xf32, #tpu.memory_space<vmem_shared>>
      tpu.wait_dma2 semaphore(%run_scoped3A : memref<!tpu.dma_semaphore, #tpu.memory_space<semaphore_mem>>) src(%dma_wait3A_372 : memref<624x128xf32, #tpu.memory_space<vmem_shared>>) dst(%dma_wait3A_370 : memref<624x128xf32, #tpu.memory_space<hbm>>)
      tpu.yield
    }) : () -> ()
    %eq3A_352 = arith.constant 15 : i32
    %eq3A_353 = arith.cmpi eq, %arg1, %eq3A_352 : i32
    %convert_element_type3A_354 = arith.extui %eq3A_353 : i1 to i32
    %cond3A_355 = arith.constant 0 : i32
    %cond3A_356 = arith.cmpi ne, %convert_element_type3A_354, %cond3A_355 : i32
    scf.if %cond3A_356 {
      "tpu.region"() ({
        %run_scoped3A = tpu.sem_alloc : memref<!tpu.dma_semaphore, #tpu.memory_space<semaphore_mem>>
        %dma_start3A_357 = arith.constant 0 : i32
        %dma_start3A_358 = arith.constant 0 : i32
        %dma_start3A_359 = tpu.memref_slice %arg6[%arg0, %dma_start3A_357, %dma_start3A_358] : memref<2x10000x128xf32, #tpu.memory_space<hbm>> -> memref<1x10000x128xf32, #tpu.memory_space<hbm>>
        %dma_start3A_360 = tpu.memref_squeeze %dma_start3A_359 : memref<1x10000x128xf32, #tpu.memory_space<hbm>> -> memref<10000x128xf32, #tpu.memory_space<hbm>>
        %dma_start3A_361 = arith.constant 9984 : i32
        %dma_start3A_362 = arith.constant 0 : i32
        %dma_start3A_363 = tpu.memref_slice %dma_start3A_360[%dma_start3A_361, %dma_start3A_362] : memref<10000x128xf32, #tpu.memory_space<hbm>> -> memref<16x128xf32, #tpu.memory_space<hbm>>
        %dma_start3A_364 = arith.constant 9984 : i32
        %dma_start3A_365 = arith.constant 0 : i32
        %dma_start3A_366 = tpu.memref_slice %arg7[%dma_start3A_364, %dma_start3A_365] : memref<10000x128xf32, #tpu.memory_space<vmem_shared>> -> memref<16x128xf32, #tpu.memory_space<vmem_shared>>
        tpu.enqueue_dma source(%dma_start3A_366 : memref<16x128xf32, #tpu.memory_space<vmem_shared>>) target(%dma_start3A_363 : memref<16x128xf32, #tpu.memory_space<hbm>>) target_semaphore(%run_scoped3A : memref<!tpu.dma_semaphore, #tpu.memory_space<semaphore_mem>>)
        %dma_wait3A_367 = arith.constant 0 : i32
        %dma_wait3A_368 = arith.constant 0 : i32
        %dma_wait3A_369 = tpu.memref_slice %arg6[%arg0, %dma_wait3A_367, %dma_wait3A_368] : memref<2x10000x128xf32, #tpu.memory_space<hbm>> -> memref<1x10000x128xf32, #tpu.memory_space<hbm>>
        %dma_wait3A_370 = tpu.memref_squeeze %dma_wait3A_369 : memref<1x10000x128xf32, #tpu.memory_space<hbm>> -> memref<10000x128xf32, #tpu.memory_space<hbm>>
        %dma_wait3A_371 = arith.constant 9984 : i32
        %dma_wait3A_372 = arith.constant 0 : i32
        %dma_wait3A_373 = tpu.memref_slice %dma_wait3A_370[%dma_wait3A_371, %dma_wait3A_372] : memref<10000x128xf32, #tpu.memory_space<hbm>> -> memref<16x128xf32, #tpu.memory_space<hbm>>
        %dma_wait3A_374 = arith.constant 9984 : i32
        %dma_wait3A_375 = arith.constant 0 : i32
        %dma_wait3A_376 = tpu.memref_slice %arg7[%dma_wait3A_374, %dma_wait3A_375] : memref<10000x128xf32, #tpu.memory_space<vmem_shared>> -> memref<16x128xf32, #tpu.memory_space<vmem_shared>>
        tpu.wait_dma2 semaphore(%run_scoped3A : memref<!tpu.dma_semaphore, #tpu.memory_space<semaphore_mem>>) src(%dma_wait3A_376 : memref<16x128xf32, #tpu.memory_space<vmem_shared>>) dst(%dma_wait3A_373 : memref<16x128xf32, #tpu.memory_space<hbm>>)
        tpu.yield
      }) : () -> ()
    } else {
    }
    return
  }
}

module attributes {stable_mosaic.version = 14 : i64} {
  func.func @_tc2_body(%arg0: memref<2x10000x128xf32, #tpu.memory_space<vmem>>, %arg1: memref<10000x1xf32, #tpu.memory_space<vmem>>, %arg2: memref<10000x128xf32, #tpu.memory_space<vmem>>, %arg3: memref<128x128xf32, #tpu.memory_space<vmem>>, %arg4: memref<1x128xf32, #tpu.memory_space<vmem>>, %arg5: memref<128x128xf32, #tpu.memory_space<vmem>>, %arg6: memref<10000x128xf32, #tpu.memory_space<vmem>>) attributes {dimension_semantics = [], scalar_prefetch = 0 : i64, scratch_operands = 0 : i64, tpu.core_type = #tpu.core_type<tc>} {
    %get3A = arith.constant 0 : index
    %get3A_0 = arith.constant 0 : index
    %get3A_1 = arith.constant 0 : index
    %get3A_2 = vector.load %arg0[%get3A, %get3A_0, %get3A_1] : memref<2x10000x128xf32, #tpu.memory_space<vmem>>, vector<1x10000x128xf32>
    %get3A_3 = vector.shape_cast %get3A_2 : vector<1x10000x128xf32> to vector<10000x128xf32>
    %get3A_4 = arith.constant 1 : index
    %get3A_5 = arith.constant 0 : index
    %get3A_6 = arith.constant 0 : index
    %get3A_7 = vector.load %arg0[%get3A_4, %get3A_5, %get3A_6] : memref<2x10000x128xf32, #tpu.memory_space<vmem>>, vector<1x10000x128xf32>
    %get3A_8 = vector.shape_cast %get3A_7 : vector<1x10000x128xf32> to vector<10000x128xf32>
    %add3A = arith.addf %get3A_3, %get3A_8 : vector<10000x128xf32>
    %get3A_9 = arith.constant 0 : index
    %get3A_10 = arith.constant 0 : index
    %get3A_11 = vector.load %arg1[%get3A_9, %get3A_10] : memref<10000x1xf32, #tpu.memory_space<vmem>>, vector<10000x1xf32>
    %div3A = vector.broadcast %get3A_11 : vector<10000x1xf32> to vector<10000x128xf32>
    %div3A_12 = arith.divf %add3A, %div3A : vector<10000x128xf32>
    %get3A_13 = arith.constant 0 : index
    %get3A_14 = arith.constant 0 : index
    %get3A_15 = vector.load %arg3[%get3A_13, %get3A_14] : memref<128x128xf32, #tpu.memory_space<vmem>>, vector<128x128xf32>
    %dot_general3A = arith.constant dense<0.000000e+00> : vector<10000x128xf32>
    %dot_general3A_16 = tpu.matmul %div3A_12, %get3A_15, %dot_general3A {dimension_numbers = #tpu.dot_dimension_numbers<[1], [0], [0], [1], [0, 0, 1, 1], [], []>, transpose_lhs_hint = false} : vector<10000x128xf32>, vector<128x128xf32>, vector<10000x128xf32> -> vector<10000x128xf32>
    %get3A_17 = arith.constant 0 : index
    %get3A_18 = arith.constant 0 : index
    %get3A_19 = vector.load %arg4[%get3A_17, %get3A_18] : memref<1x128xf32, #tpu.memory_space<vmem>>, vector<1x128xf32>
    %add3A_20 = vector.broadcast %get3A_19 : vector<1x128xf32> to vector<10000x128xf32>
    %add3A_21 = arith.addf %dot_general3A_16, %add3A_20 : vector<10000x128xf32>
    %get3A_22 = arith.constant 0 : index
    %get3A_23 = arith.constant 0 : index
    %get3A_24 = vector.load %arg2[%get3A_22, %get3A_23] : memref<10000x128xf32, #tpu.memory_space<vmem>>, vector<10000x128xf32>
    %get3A_25 = arith.constant 0 : index
    %get3A_26 = arith.constant 0 : index
    %get3A_27 = vector.load %arg5[%get3A_25, %get3A_26] : memref<128x128xf32, #tpu.memory_space<vmem>>, vector<128x128xf32>
    %dot_general3A_28 = arith.constant dense<0.000000e+00> : vector<10000x128xf32>
    %dot_general3A_29 = tpu.matmul %get3A_24, %get3A_27, %dot_general3A_28 {dimension_numbers = #tpu.dot_dimension_numbers<[1], [0], [0], [1], [0, 0, 1, 1], [], []>, transpose_lhs_hint = false} : vector<10000x128xf32>, vector<128x128xf32>, vector<10000x128xf32> -> vector<10000x128xf32>
    %add3A_30 = arith.addf %add3A_21, %dot_general3A_29 : vector<10000x128xf32>
    %swap3A = arith.constant 0 : index
    %swap3A_31 = arith.constant 0 : index
    %swap3A_32 = vector.load %arg6[%swap3A, %swap3A_31] : memref<10000x128xf32, #tpu.memory_space<vmem>>, vector<10000x128xf32>
    tpu.vector_store %arg6[%swap3A, %swap3A_31], %add3A_30 {strides = array<i32>} : memref<10000x128xf32, #tpu.memory_space<vmem>>, vector<10000x128xf32>,
    return
  }
}

module attributes {stable_mosaic.version = 14 : i64} {
  func.func @_tc1_body(%arg0: memref<2x10000x128xf32, #tpu.memory_space<vmem>>, %arg1: memref<32x10000xf32, #tpu.memory_space<vmem>>, %arg2: memref<10000x128xf32, #tpu.memory_space<vmem>>, %arg3: memref<128x128xf32, #tpu.memory_space<vmem>>, %arg4: memref<1x128xf32, #tpu.memory_space<vmem>>, %arg5: memref<128x128xf32, #tpu.memory_space<vmem>>, %arg6: memref<1x128xf32, #tpu.memory_space<vmem>>, %arg7: memref<1x128xf32, #tpu.memory_space<vmem>>, %arg8: memref<10000x128xf32, #tpu.memory_space<vmem>>, %arg9: memref<10000x1xf32, #tpu.memory_space<vmem>>) attributes {dimension_semantics = [], scalar_prefetch = 0 : i64, scratch_operands = 0 : i64, tpu.core_type = #tpu.core_type<tc>} {
    %get3A = arith.constant 0 : index
    %get3A_0 = arith.constant 0 : index
    %get3A_1 = vector.load %arg1[%get3A, %get3A_0] : memref<32x10000xf32, #tpu.memory_space<vmem>>, vector<32x10000xf32>
    %reduce_sum3A = arith.constant dense<0.000000e+00> : vector<10000xf32>
    %reduce_sum3A_2 = vector.multi_reduction <add>, %get3A_1, %reduce_sum3A [0] : vector<32x10000xf32> to vector<10000xf32>
    %max3A = arith.constant 1.000000e+00 : f32
    %max3A_3 = vector.broadcast %max3A : f32 to vector<10000xf32>
    %max3A_4 = arith.maximumf %reduce_sum3A_2, %max3A_3 : vector<10000xf32>
    %broadcast_in_dim3A = vector.shape_cast %max3A_4 : vector<10000xf32> to vector<10000x1xf32>
    %swap3A = arith.constant 0 : index
    %swap3A_5 = arith.constant 0 : index
    %swap3A_6 = vector.load %arg9[%swap3A, %swap3A_5] : memref<10000x1xf32, #tpu.memory_space<vmem>>, vector<10000x1xf32>
    tpu.vector_store %arg9[%swap3A, %swap3A_5], %broadcast_in_dim3A {strides = array<i32>} : memref<10000x1xf32, #tpu.memory_space<vmem>>, vector<10000x1xf32>,
    %get3A_7 = arith.constant 0 : index
    %get3A_8 = arith.constant 0 : index
    %get3A_9 = arith.constant 0 : index
    %get3A_10 = vector.load %arg0[%get3A_7, %get3A_8, %get3A_9] : memref<2x10000x128xf32, #tpu.memory_space<vmem>>, vector<1x10000x128xf32>
    %get3A_11 = vector.shape_cast %get3A_10 : vector<1x10000x128xf32> to vector<10000x128xf32>
    %get3A_12 = arith.constant 1 : index
    %get3A_13 = arith.constant 0 : index
    %get3A_14 = arith.constant 0 : index
    %get3A_15 = vector.load %arg0[%get3A_12, %get3A_13, %get3A_14] : memref<2x10000x128xf32, #tpu.memory_space<vmem>>, vector<1x10000x128xf32>
    %get3A_16 = vector.shape_cast %get3A_15 : vector<1x10000x128xf32> to vector<10000x128xf32>
    %add3A = arith.addf %get3A_11, %get3A_16 : vector<10000x128xf32>
    %div3A = vector.broadcast %broadcast_in_dim3A : vector<10000x1xf32> to vector<10000x128xf32>
    %div3A_17 = arith.divf %add3A, %div3A : vector<10000x128xf32>
    %get3A_18 = arith.constant 0 : index
    %get3A_19 = arith.constant 0 : index
    %get3A_20 = vector.load %arg3[%get3A_18, %get3A_19] : memref<128x128xf32, #tpu.memory_space<vmem>>, vector<128x128xf32>
    %dot_general3A = arith.constant dense<0.000000e+00> : vector<10000x128xf32>
    %dot_general3A_21 = tpu.matmul %div3A_17, %get3A_20, %dot_general3A {dimension_numbers = #tpu.dot_dimension_numbers<[1], [0], [0], [1], [0, 0, 1, 1], [], []>, transpose_lhs_hint = false} : vector<10000x128xf32>, vector<128x128xf32>, vector<10000x128xf32> -> vector<10000x128xf32>
    %get3A_22 = arith.constant 0 : index
    %get3A_23 = arith.constant 0 : index
    %get3A_24 = vector.load %arg4[%get3A_22, %get3A_23] : memref<1x128xf32, #tpu.memory_space<vmem>>, vector<1x128xf32>
    %add3A_25 = vector.broadcast %get3A_24 : vector<1x128xf32> to vector<10000x128xf32>
    %add3A_26 = arith.addf %dot_general3A_21, %add3A_25 : vector<10000x128xf32>
    %get3A_27 = arith.constant 0 : index
    %get3A_28 = arith.constant 0 : index
    %get3A_29 = vector.load %arg2[%get3A_27, %get3A_28] : memref<10000x128xf32, #tpu.memory_space<vmem>>, vector<10000x128xf32>
    %get3A_30 = arith.constant 0 : index
    %get3A_31 = arith.constant 0 : index
    %get3A_32 = vector.load %arg5[%get3A_30, %get3A_31] : memref<128x128xf32, #tpu.memory_space<vmem>>, vector<128x128xf32>
    %dot_general3A_33 = arith.constant dense<0.000000e+00> : vector<10000x128xf32>
    %dot_general3A_34 = tpu.matmul %get3A_29, %get3A_32, %dot_general3A_33 {dimension_numbers = #tpu.dot_dimension_numbers<[1], [0], [0], [1], [0, 0, 1, 1], [], []>, transpose_lhs_hint = false} : vector<10000x128xf32>, vector<128x128xf32>, vector<10000x128xf32> -> vector<10000x128xf32>
    %add3A_35 = arith.addf %add3A_26, %dot_general3A_34 : vector<10000x128xf32>
    %reduce_sum3A_36 = arith.constant dense<0.000000e+00> : vector<128xf32>
    %reduce_sum3A_37 = vector.multi_reduction <add>, %add3A_35, %reduce_sum3A_36 [0] : vector<10000x128xf32> to vector<128xf32>
    %broadcast_in_dim3A_38 = vector.shape_cast %reduce_sum3A_37 : vector<128xf32> to vector<1x128xf32>
    %div3A_39 = arith.constant 1.000000e+04 : f32
    %div3A_40 = vector.broadcast %div3A_39 : f32 to vector<1x128xf32>
    %div3A_41 = arith.divf %broadcast_in_dim3A_38, %div3A_40 : vector<1x128xf32>
    %sub3A = vector.broadcast %div3A_41 : vector<1x128xf32> to vector<10000x128xf32>
    %sub3A_42 = arith.subf %add3A_35, %sub3A : vector<10000x128xf32>
    %integer_pow3A = arith.mulf %sub3A_42, %sub3A_42 : vector<10000x128xf32>
    %reduce_sum3A_43 = arith.constant dense<0.000000e+00> : vector<128xf32>
    %reduce_sum3A_44 = vector.multi_reduction <add>, %integer_pow3A, %reduce_sum3A_43 [0] : vector<10000x128xf32> to vector<128xf32>
    %broadcast_in_dim3A_45 = vector.shape_cast %reduce_sum3A_44 : vector<128xf32> to vector<1x128xf32>
    %div3A_46 = arith.constant 1.000000e+04 : f32
    %div3A_47 = vector.broadcast %div3A_46 : f32 to vector<1x128xf32>
    %div3A_48 = arith.divf %broadcast_in_dim3A_45, %div3A_47 : vector<1x128xf32>
    %sub3A_49 = vector.broadcast %div3A_41 : vector<1x128xf32> to vector<10000x128xf32>
    %sub3A_50 = arith.subf %add3A_35, %sub3A_49 : vector<10000x128xf32>
    %add3A_51 = arith.constant 9.99999974E-6 : f32
    %add3A_52 = vector.broadcast %add3A_51 : f32 to vector<1x128xf32>
    %add3A_53 = arith.addf %div3A_48, %add3A_52 : vector<1x128xf32>
    %rsqrt3A = math.rsqrt %add3A_53 : vector<1x128xf32>
    %mul3A = vector.broadcast %rsqrt3A : vector<1x128xf32> to vector<10000x128xf32>
    %mul3A_54 = arith.mulf %sub3A_50, %mul3A : vector<10000x128xf32>
    %get3A_55 = arith.constant 0 : index
    %get3A_56 = arith.constant 0 : index
    %get3A_57 = vector.load %arg6[%get3A_55, %get3A_56] : memref<1x128xf32, #tpu.memory_space<vmem>>, vector<1x128xf32>
    %mul3A_58 = vector.broadcast %get3A_57 : vector<1x128xf32> to vector<10000x128xf32>
    %mul3A_59 = arith.mulf %mul3A_54, %mul3A_58 : vector<10000x128xf32>
    %get3A_60 = arith.constant 0 : index
    %get3A_61 = arith.constant 0 : index
    %get3A_62 = vector.load %arg7[%get3A_60, %get3A_61] : memref<1x128xf32, #tpu.memory_space<vmem>>, vector<1x128xf32>
    %add3A_63 = vector.broadcast %get3A_62 : vector<1x128xf32> to vector<10000x128xf32>
    %add3A_64 = arith.addf %mul3A_59, %add3A_63 : vector<10000x128xf32>
    %ge3A = arith.constant 0.000000e+00 : f32
    %ge3A_65 = vector.broadcast %ge3A : f32 to vector<10000x128xf32>
    %ge3A_66 = arith.cmpf oge, %add3A_64, %ge3A_65 : vector<10000x128xf32>
    %mul3A_67 = arith.constant 0.00999999977 : f32
    %mul3A_68 = vector.broadcast %mul3A_67 : f32 to vector<10000x128xf32>
    %mul3A_69 = arith.mulf %mul3A_68, %add3A_64 : vector<10000x128xf32>
    %select_n3A = arith.select %ge3A_66, %add3A_64, %mul3A_69 : vector<10000x128xi1>, vector<10000x128xf32>
    %swap3A_70 = arith.constant 0 : index
    %swap3A_71 = arith.constant 0 : index
    %swap3A_72 = vector.load %arg8[%swap3A_70, %swap3A_71] : memref<10000x128xf32, #tpu.memory_space<vmem>>, vector<10000x128xf32>
    tpu.vector_store %arg8[%swap3A_70, %swap3A_71], %select_n3A {strides = array<i32>} : memref<10000x128xf32, #tpu.memory_space<vmem>>, vector<10000x128xf32>,
    return
  }
}

</mosaic_0001>

<sc_bundles>
// kernel: kernel.6.cloned.1.call-start
scs
__scs_entry_jumppad:
0x0: {  	(pc) =	sbr.rel $0x88, $3  }
0x1: {  	(tag) =	ssettag $0x0;
	lr =	simm.s32 $0x1  }
0x2: {  	[smem:$0x3F97] =	sst lr;
	_ =	strace $0xD0000000  }
0x3: {  	_ = 	snop  }
0x4: {  	_ = 	snop  }
0x5: {  	_ = 	snop  }
0x6: {  	_ = 	snop  }
0x7: {  	_ = 	snop  }
__scs_overlays_trampoline_lowered:
0x8: {  	[smem:$0x3FA6] =	sst s0  }
0x9: {  	[smem:$0x3FA7] =	sst s1  }
0xa: {  	[smem:$0x3FA8] =	sst s2  }
0xb: {  	[smem:$0x3FA9] =	sst s3  }
0xc: {  	[smem:$0x3FAA] =	sst s4  }
0xd: {  	[smem:$0x3FAB] =	sst s5  }
0xe: {  	[smem:$0x3FAC] =	sst s6  }
0xf: {  	[smem:$0x3FAD] =	sst s7  }
0x10: {  	[smem:$0x3FAE] =	sst s8  }
0x11: {  	[smem:$0x3FAF] =	sst s9;
	s0 =	simm.s32 @!p0 $0x0  }
0x12: {  	s1 =	sld [smem:$0x3F95];
	s0 =	simm.s32 @p0 $0x1  }
0x13: {  	[smem:$0x3FB0] =	sst s0;
	s0 =	simm.s32 @!p1 $0x0  }
0x14: {  	s2 =	sld [smem:$0x3F94];
	s0 =	simm.s32 @p1 $0x1  }
0x15: {  	[smem:$0x3FB1] =	sst s0;
	s0 =	simm.s32 @!p2 $0x0  }
0x16: {  	s3 =	sld [smem:$0x3FDB];
	s0 =	simm.s32 @p2 $0x1  }
0x17: {  	s4 =	simm.s32 $0x1BF5;
	[smem:$0x3FB3] =	sst s0  }
0x18: {  	s0 =	sld [smem:$0x3F96];
	_ =	swait.ge [sflag:s4], $0x0  }
0x19: {  	s7 =	sld [smem:$0x3F97]  }
0x1a: {  	s8 =	sadd.s32 $0xFFFFE003, lr  }
0x1b: {  	s9 =	sadd.s32 $0xFFFFFEF7, lr;
	s5 =	simm.s32 $0xFFFFFFFF;
	p2 =	slt.u32 s8, $0xFFFFF086  }
0x1c: {  	p1 =	slt.u32 s9, $0xF7A;
	s5 =	simm.s32 @!p2 $0x0  }
0x1d: {  	s5 =	simm.s32 @p1 $0x1;
	p0 =	seq.s32 s7, s2  }
0x1e: {  	s7 =	smul.u32 @!p0 $0xF7A, s2;
	p2 =	seq.s32 @!p0 s5, $0x0  }
0x1f: {  	s9 =	smul.u32 $0xF7A, s1;
	s8 =	simm.s32 @!p0 $0x1BF5;
	p2 =	por !p2, p0  }
0x20: {  	[sflag:s8] =	ssyncset.s32 @!p0 $0xFFFFF086;
	s6 =	sadd.s32 @!p0 s3, s7;
	s7 =	simm.s32 @!p0 $0x108  }
0x21: {  	s3 =	sadd.s32 s3, s9;
	s6 =	sadd.s32 @!p0 $0x88, s6;
	s7 =	simm.s32 @p2 $0x1082  }
0x22: {  	[simem:s7], [sflag:s8] =	dma.local @!p0 [hbm:s6], $0xF7A  }
0x23: {  	s9 =	sor.u32 $0xD0000000, s2;
	s6 =	simm.s32 $0x108;
	_ =	swait.ge @!p0 [sflag:s8], $0x0  }
0x24: {  	s3 =	sadd.s32 $0x88, s3;
	s6 =	simm.s32 @!p1 $0x1082;
	[sflag:s4] =	ssyncset.s32 $0xFFFFF086  }
0x25: {  	[simem:s6], [sflag:s4] =	dma.local [hbm:s3], $0xF7A  }
0x26: {  	[smem:$0x3F97] =	sst s1;
	(tag) =	ssettag s2;
	_ =	strace s9  }
0x27: {  	s1 =	sld [smem:$0x3FA7]  }
0x28: {  	s2 =	sld [smem:$0x3FA8]  }
0x29: {  	s4 =	sld [smem:$0x3FAA]  }
0x2a: {  	p0 =	seq.s32 s5, $0x0;
	s5 =	sld [smem:$0x3FAB]  }
0x2b: {  	s6 =	sld [smem:$0x3FAC]  }
0x2c: {  	s7 =	sld [smem:$0x3FAD]  }
0x2d: {  	s3 =	simm.s32 $0x108;
	s8 =	sld [smem:$0x3FAE]  }
0x2e: {  	s3 =	simm.s32 @!p0 $0x1082;
	s9 =	sld [smem:$0x3FAF]  }
0x2f: {  	lr =	sadd.s32 s0, s3;
	s0 =	sld [smem:$0x3FA6]  }
0x30: {  	s3 =	sld [smem:$0x3FA9]  }
0x31: {  	[smem:$0x3FB2] =	sst s10  }
0x32: {  	s10 =	sld [smem:$0x3FB0];
	_ =	sdelay $0x3  }
0x33: {  	p0 =	seq.s32 s10, $0x1;
	s10 =	sld [smem:$0x3FB2];
	_ =	sdelay $0x3  }
0x34: {  	[smem:$0x3FB2] =	sst s10  }
0x35: {  	s10 =	sld [smem:$0x3FB1];
	_ =	sdelay $0x3  }
0x36: {  	p1 =	seq.s32 s10, $0x1;
	s10 =	sld [smem:$0x3FB2];
	_ =	sdelay $0x3  }
0x37: {  	[smem:$0x3FB2] =	sst s10  }
0x38: {  	s10 =	sld [smem:$0x3FB3]  }
0x39: {  	_ = 	snop;
	(pc) =	sbr.ind lr, $3  }
0x3a: {  	_ = 	snop  }
0x3b: {  	_ = 	snop  }
0x3c: {  	p2 =	seq.s32 s10, $0x1;
	s10 =	sld [smem:$0x3FB2]  }
0x3d: {  	_ =	shalt  }
0x3e: {  	_ =	shalt  }
0x3f: {  	_ =	shalt  }
0x40: {  	_ =	shalt  }
0x41: {  	_ =	shalt  }
0x42: {  	_ =	shalt  }
0x43: {  	_ =	shalt  }
0x44: {  	_ =	shalt  }
0x45: {  	_ =	shalt  }
0x46: {  	_ =	shalt  }
0x47: {  	_ =	shalt  }
0x48: {  	_ =	shalt  }
0x49: {  	_ =	shalt  }
0x4a: {  	_ =	shalt  }
0x4b: {  	_ =	shalt  }
0x4c: {  	_ =	shalt  }
0x4d: {  	_ =	shalt  }
0x4e: {  	_ =	shalt  }
0x4f: {  	_ =	shalt  }
0x50: {  	_ =	shalt  }
0x51: {  	_ =	shalt  }
0x52: {  	_ =	shalt  }
0x53: {  	_ =	shalt  }
0x54: {  	_ =	shalt  }
0x55: {  	_ =	shalt  }
0x56: {  	_ =	shalt  }
0x57: {  	_ =	shalt  }
0x58: {  	_ =	shalt  }
0x59: {  	_ =	shalt  }
0x5a: {  	_ =	shalt  }
0x5b: {  	_ =	shalt  }
0x5c: {  	_ =	shalt  }
0x5d: {  	_ =	shalt  }
0x5e: {  	_ =	shalt  }
0x5f: {  	_ =	shalt  }
0x60: {  	_ =	shalt  }
0x61: {  	_ =	shalt  }
0x62: {  	_ =	shalt  }
0x63: {  	_ =	shalt  }
0x64: {  	_ =	shalt  }
0x65: {  	_ =	shalt  }
0x66: {  	_ =	shalt  }
0x67: {  	_ =	shalt  }
0x68: {  	_ =	shalt  }
0x69: {  	_ =	shalt  }
0x6a: {  	_ =	shalt  }
0x6b: {  	_ =	shalt  }
0x6c: {  	_ =	shalt  }
0x6d: {  	_ =	shalt  }
0x6e: {  	_ =	shalt  }
0x6f: {  	_ =	shalt  }
0x70: {  	_ =	shalt  }
0x71: {  	_ =	shalt  }
0x72: {  	_ =	shalt  }
0x73: {  	_ =	shalt  }
0x74: {  	_ =	shalt  }
0x75: {  	_ =	shalt  }
0x76: {  	_ =	shalt  }
0x77: {  	_ =	shalt  }
0x78: {  	_ =	shalt  }
0x79: {  	_ =	shalt  }
0x7a: {  	_ =	shalt  }
0x7b: {  	_ =	shalt  }
0x7c: {  	_ =	shalt  }
0x7d: {  	_ =	shalt  }
0x7e: {  	_ =	shalt  }
0x7f: {  	_ =	shalt  }
0x80: {  	_ =	shalt  }
0x81: {  	_ =	shalt  }
0x82: {  	_ =	shalt  }
0x83: {  	_ =	shalt  }
0x84: {  	_ =	shalt  }
0x85: {  	_ =	shalt  }
0x86: {  	_ =	shalt  }
0x87: {  	_ =	shalt  }
.Lfunc_end0:
.L_simem_size_0:
called_computation_lowered:
.L_overlay_start_0:
0x88: {  	s2 =	sld [smem:$0x3FD9]  }
0x89: {  	s3 =	sld [smem:$0x3FFE];
	_ =	sdelay $0x1  }
0x8a: {  	s1 =	srdreg.scid  }
0x8b: {  	s0 =	sand.u32 $0x1, s1  }
0x8c: {  	s17 =	sshll.u32 s0, $0xA;
	s2 =	sadd.s32 s3, s2  }
0x8d: {  	s2 =	sadd.s32 s2, s17  }
0x8e: {  	[smem:$0x3FBE] =	sst s2  }
0x8f: {  	_ = 	snop  }
0x90: {  	s2 =	sld [smem:$0x3FC9]  }
0x91: {  	s18 =	sld [smem:$0x3FD0];
	(tm) =	ssettm $0x1  }
0x92: {  	s4 =	sld [smem:$0x3FFB];
	_ =	sdelay $0x3  }
0x93: {  	_ =	strace s4  }
0x94: {  	s4 =	sld [smem:$0x3FFC];
	_ =	sdelay $0x3  }
0x95: {  	_ =	strace s4  }
0x96: {  	s4 =	sld [smem:$0x3FFD];
	_ =	sdelay $0x3  }
0x97: {  	_ =	strace s4  }
0x98: {  	_ =	strace $0x8FFFFFFF  }
0x99: {  	s19 =	sld [smem:$0x3FDB];
	_ =	sdelay $0x1  }
0x9a: {  	s5 =	simm.s32 $_scs_section_size  }
0x9b: {  	s6 =	simm.s32 $_size__tile_overlayer_lowered;
	s7 =	simm.s32 $_tile_overlayer_lowered  }
0x9c: {  	s22 =	simm.s32 $0x1BFF;
	s21 =	sshll.u32 s7, $0x1;
	s4 =	sadd.s32 s5, s19  }
0x9d: {  	s8 =	simm.s32 $0x0;
	s20 =	sshll.u32 s6, $0x1;
	s6 =	sadd.s32 s21, s4  }
0x9e: {  	[timem:s8], [sflag:s22] =	dma.local [hbm:s6], s20  }
0x9f: {  	_ =	swait.ge [sflag:s22], s20  }
0xa0: {  	s5 =	ssub.s32 $0x0, s20;
	[sflag:s22] =	ssyncset.done $0x0  }
0xa1: {  	[sflag:s22] =	ssyncadd.s32 s5;
	_ =	sdelay $0x1  }
0xa2: {  	s23 =	simm.s32 $0x1B8B  }
0xa3: {  	_ =	swait.ge [sflag:s23], $0x1  }
0xa4: {  	[sflag:s23] =	ssyncset.done $0x0  }
0xa5: {  	s25 =	simm.s32 $0x1B8E;
	s24 =	sld [smem:$0x3FFE];
	[sflag:s23] =	ssyncadd.s32 $0xFFFFFFFF  }
0xa6: {  	s26 =	simm.s32 $execute0_lowered;
	[smem:$0x3FD2] =	sst s25  }
0xa7: {  	s6 =	sshll.u32 s26, $0x1;
	_ =	strace $0x80000046;
	[dreg:$0x1] =	wrdreg $0xFFFFFFFF  }
0xa8: {  	s28 =	simm.s32 $_size_execute0_lowered;
	s4 =	sadd.s32 s4, s6;
	[dreg:$0x0] =	wrdreg $0x0  }
0xa9: {  	s6 =	sshll.u32 s28, $0x1;
	[dreg:$0x2] =	wrdreg s4  }
0xaa: {  	[dreg:$0x3] =	wrdreg s6  }
0xab: {  	[dreg:$0x4] =	wrdreg $0xC0  }
0xac: {  	_ =	task [dreg:s8], $0x5FFFF  }
0xad: {  	[dreg:$0x1] =	wrdreg $0xFFFFFFFF  }
0xae: {  	[dreg:$0x0] =	wrdreg $0x60  }
0xaf: {  	[dreg:$0x2] =	wrdreg s2  }
0xb0: {  	[dreg:$0x3] =	wrdreg s24  }
0xb1: {  	[dreg:$0x4] =	wrdreg s18  }
0xb2: {  	[dreg:$0x5] =	wrdreg $0x0  }
0xb3: {  	[dreg:$0x6] =	wrdreg $0x9  }
0xb4: {  	_ =	task.clear_ibuf [dreg:s8], $0x7FFFF;
	_ =	strace $0x90000046  }
0xb5: {  	s29 =	simm.s32 $0x9;
	_ =	strace $0x80000048  }
0xb6: {  	_ =	swait.ge [sflag:s29], $0x1  }
0xb7: {  	[sflag:s29] =	ssyncadd.s32 $0xFFFFFFFF  }
0xb8: {  	_ =	strace $0x90000048  }
0xb9: {  	_ =	sfence  }
0xba: {  	s30 =	sld [smem:$0x0];
	_ =	sdelay $0x2  }
0xbb: {  	s31 =	sshll.u32 s1, $0xD;
	s1 =	sshrl.u32 s1, $0x2  }
0xbc: {  	s3 =	sand.u32 $0x4000, s31;
	s1 =	sadd.s32 s1, s30  }
0xbd: {  	s0 =	sor.u32 s3, s0;
	s1 =	sshll.u32 s1, $0x11  }
0xbe: {  	s0 =	sor.u32 s1, s0  }
0xbf: {  	s0 =	sadd.s32 $0x8F2B, s0  }
0xc0: {  	[sflag:s0] =	ssyncadd.remote.s32 $0x1  }
0xc1: {  	_ =	sfence.sel $0xFFFF  }
0xc2: {  	[dreg:$0x0] =	wrdreg $0xFFFFFFFF;
	(pc) =	sbr.abs _section_cstart, $3  }
0xc3: {  	[dreg:$0x1] =	wrdreg $0xFFFFFFFF  }
0xc4: {  	_ =	task.clear_ibuf [dreg:s8], $0x2FFFF;
	_ =	strace $0x9FFFFFFF  }
0xc5: {  	(tm) =	ssettm $0x7FFFFFFF  }
tec
execute0_lowered:
.L_overlay_start_1:
0x0: {  	(tag) =	ssettag $0x1  }
0x1: {  	s1 =	rddreg [dreg:$0x0]  }
0x2: {  	s4 =	rddreg [dreg:$0x1]  }
0x3: {  	s0 =	rddreg [dreg:$0x2]  }
0x4: {  	s2 =	rddreg [dreg:$0x3];
	s3 =	simm.s32 $0x0  }
0x5: {  	s5 =	srdreg.scid;
	s12 =	stileid.u32;
	s31 =	simm.s32 $0x50  }
0x6: {  	s28 =	simm.s32 $0x9;
	s29 =	simm.s32 $0x0;
	s30 =	simm.s32 $0x16280  }
0x7: {  	[smem:$0x7FF] =	sst s3;
	s13 =	sadd.s32 $0xC800, s4;
	s5 =	sand.u32 $0x1, s5  }
0x8: {  	s14 =	sadd.s32 $0x2A00, s4;
	s7 =	sadd.s32 $0x16600, s4;
	s8 =	smul.u32 $0x4E000, s12  }
0x9: {  	s20 =	sshll.u32 s12, $0x6;
	s21 =	smul.u32 $0x2710, s12;
	s22 =	sadd.s32 $0x138000, s2  }
0xa: {  	p0 =	sne.s32 s12, $0xF;
	_ =	strace $0x80000047;
	[dreg:$0x11] =	wrdreg s7  }
0xb: {  	s6 =	smul.u32 $0x27100, s5;
	s19 =	sshll.u32 s5, $0x4;
	[dreg:$0x14] =	wrdreg s22  }
0xc: {  	s5 =	ssub.s32 $0x2, s5;
	s26 =	sor.u32 $0x1C0D, s20;
	[dreg:$0xf] =	wrdreg s13  }
0xd: {  	[dreg:$0x10] =	wrdreg s14;
	s7 =	sor.u32 s12, s19;
	s9 =	sshrl.u32 s5, $0x1  }
0xe: {  	s8 =	sshrl.u32 s8, $0x2;
	[dreg:$0x13] =	wrdreg s26;
	s4 =	sadd.s32 s6, s4  }
0xf: {  	s7 =	smul.u32 $0x2710, s7;
	s5 =	ssub.s32 s5, s9;
	s8 =	sadd.s32 s8, s2  }
0x10: {  	s6 =	sadd.s32 s21, s6;
	[dreg:$0x12] =	wrdreg s8;
	s5 =	smax.u32 s5, $0x1  }
0x11: {  	s4 =	sadd.s32 $0x18E00, s4;
	s7 =	sshrl.u32 s7, $0x3;
	[smem:$0x7FA] =	sst s5  }
0x12: {  	s15 =	sadd.s32 $0x2D0, s6;
	[smem:$0x7FC] =	sst s4;
	s23 =	sadd.s32 s13, s7  }
0x13: {  	s17 =	sshrl.u32 s15, $0x3;
	s10 =	sadd.s32 s14, s7;
	[dreg:$0x15] =	wrdreg s23  }
0x14: {  	s21 =	sadd.s32 $0x230, s6;
	s18 =	sadd.s32 s17, s14;
	[dreg:$0x16] =	wrdreg s10  }
0x15: {  	s24 =	sadd.s32 $0xA, s7;
	s0 =	sadd.s32 s0, s7;
	[dreg:$0x5] =	wrdreg s18  }
0x16: {  	s5 =	simm.s32 $0x1DC00;
	s25 =	sadd.s32 s13, s24;
	[dreg:$0x1d] =	wrdreg s0  }
0x17: {  	s11 =	sadd.s32 $0x14, s7;
	s10 =	sadd.s32 s14, s24;
	[dreg:$0x17] =	wrdreg s25  }
0x18: {  	s9 =	sadd.s32 $0x1E, s7;
	s16 =	sadd.s32 s13, s11;
	[dreg:$0x18] =	wrdreg s10  }
0x19: {  	s7 =	sadd.s32 $0x4D8, s7;
	s8 =	sadd.s32 s14, s11;
	[dreg:$0x19] =	wrdreg s16  }
0x1a: {  	s11 =	sadd.s32 $0x280, s6;
	s23 =	sshrl.u32 s21, $0x3;
	[dreg:$0x1a] =	wrdreg s8  }
0x1b: {  	s8 =	sadd.s32 s17, s13;
	s19 =	sshrl.u32 s11, $0x3;
	s24 =	sadd.s32 s23, s14  }
0x1c: {  	s25 =	sadd.s32 $0x190, s6;
	s15 =	sadd.s32 s23, s13;
	[dreg:$0x6] =	wrdreg s8  }
0x1d: {  	s17 =	sadd.s32 s13, s9;
	s9 =	sadd.s32 s14, s9;
	[dreg:$0x9] =	wrdreg s24  }
0x1e: {  	s10 =	simm.s32 $0x5;
	s11 =	simm.s32 $0x18C00;
	[dreg:$0x1b] =	wrdreg s17  }
0x1f: {  	s20 =	sadd.s32 s19, s14;
	s22 =	sadd.s32 s19, s13;
	[dreg:$0xa] =	wrdreg s15  }
0x20: {  	s16 =	sshrl.u32 s25, $0x3;
	[dreg:$0x1c] =	wrdreg s9;
	s19 =	sadd.s32 $0x140, s6  }
0x21: {  	s24 =	smul.u32 $0x2700, s12;
	s25 =	sadd.s32 $0x1E0, s6;
	s12 =	simm.s32 $0x16000  }
0x22: {  	s17 =	simm.s32 $0x4;
	s15 =	simm.s32 $0x13880;
	[dreg:$0x7] =	wrdreg s20  }
0x23: {  	s9 =	simm.s32 $0x8;
	s6 =	simm.s32 $0xC;
	[dreg:$0x8] =	wrdreg s22  }
0x24: {  	s18 =	sadd.s32 s16, s14;
	s20 =	sadd.s32 s16, s13;
	[smem:$0x7FB] =	sst s25  }
0x25: {  	s8 =	sshrl.u32 s19, $0x3;
	s22 =	sadd.s32 s13, s7;
	[dreg:$0xb] =	wrdreg s18  }
0x26: {  	s7 =	sadd.s32 s14, s7;
	s19 =	simm.s32 $0x1DD00;
	[dreg:$0xc] =	wrdreg s20  }
0x27: {  	s16 =	simm.s32 $0x6;
	s25 =	simm.s32 $0x1DD80;
	[dreg:$0x1e] =	wrdreg s22  }
0x28: {  	s21 =	sadd.s32 s8, s14;
	s23 =	sadd.s32 s8, s13;
	[dreg:$0x1f] =	wrdreg s7  }
0x29: {  	s0 =	sadd.s32 s24, s4;
	s8 =	simm.s32 $0xD;
	s13 =	simm.s32 $0x1DC80  }
0x2a: {  	s18 =	simm.s32 $0x16080;
	s24 =	simm.s32 $0x16100;
	[dreg:$0xd] =	wrdreg s21  }
0x2b: {  	s14 =	simm.s32 $0x1;
	s20 =	simm.s32 $0x2;
	[dreg:$0xe] =	wrdreg s23  }
0x2c: {  	s22 =	simm.s32 $0x3;
	s7 =	simm.s32 $0xB;
	[smem:$0x7FD] =	sst s0  }
0x2d: {  	v0 =	vimm.f32 $0.0e+00;
	v1 =	vimm.f32 $1.000000000e+00;
	s0 =	simm.s32 $0x16400;
	s21 =	simm.s32 $0xA;
	s23 =	simm.s32 $0x7  }
.LBB2_1:
0x2e: {  	[smem:$0x7F7] =	sst s29  }
0x2f: {  	s4 =	rddreg [dreg:$0x12]  }
0x30: {  	s29 =	sshrl.u32 s4, $0x3;
	s4 =	rddreg [dreg:$0x11]  }
0x31: {  	[smem:$0x7F8] =	sst s29  }
0x32: {  	[spmem:s29], [sflag:s26] =	dma.local [hbm:s4], $0x2700  }
0x33: {  	_ =	swait.ge [sflag:s8], $0x2700  }
0x34: {  	[sflag:s8] =	ssyncset.done $0x0  }
0x35: {  	[sflag:s8] =	ssyncadd.s32 $0xFFFFD900;
	s8 =	rddreg [dreg:$0x14]  }
0x36: {  	s8 =	sshrl.u32 @!p0 s8, $0x3  }
0x37: {  	[smem:$0x7F9] =	sst s8  }
0x38: {  	[spmem:s8], [sflag:s26] =	dma.local @!p0 [hbm:s4], $0x100  }
0x39: {  	s4 =	simm.s32 @!p0 $0xD  }
0x3a: {  	_ =	swait.ge @!p0 [sflag:s4], $0x100  }
0x3b: {  	[sflag:s4] =	ssyncset.done @!p0 $0x0  }
0x3c: {  	s29 =	simm.s32 $0x0;
	[sflag:s4] =	ssyncadd.s32 @!p0 $0xFFFFFF00;
	s4 =	simm.s32 $0x40  }
.LBB2_2:
0x3d: {  	p1 =	sne.s32 s4, $0x9C00;
	[tilespmem:s29+$0x13880] =	vst v0;
	s29 =	smov.u32 s4;
	s4 =	sadd.s32 $0x40, s4  }
.Ltmp0:
0x3e: {  	(pc) =	sbr.rel @p1 .LBB2_2-.Ltmp0, $2  }
0x3f: {  	_ =	sdelay $0x2  }
0x40: {  	s29 =	sshra.s32 s29, $0x2  }
0x41: {  	[tilespmem:s29+$0x13880] =	vst v0  }
0x42: {  	[bflag:$0x0] =	sbarrier.arrive $0xFFFF  }
0x43: {  	s29 =	simm.s32 $0x0;
	s4 =	rddreg [dreg:$0x15]  }
0x44: {  	[tilespmem:s5], [sflag:$0x4] =	stream.linear.gather [hbm4b:s4+s29], $0x50, $0x38;
	[tilespmem:$0x1E000] =	vst v63  }
0x45: {  	s8 =	rddreg [dreg:$0x16]  }
0x46: {  	[tilespmem:s12], [sflag:$0x4] =	stream.linear.gather [hbm4b:s8+s29], $0x50, $0x38;
	[tilespmem:$0x1E000] =	vst v63  }
0x47: {  	_ =	swait.ge [sflag:s17], $0x50  }
0x48: {  	[sflag:s17] =	ssyncset.done $0x0  }
0x49: {  	[sflag:s17] =	ssyncadd.s32 $0xFFFFFFB0  }
0x4a: {  	_ =	swait.ge [sflag:s17], $0x50  }
0x4b: {  	[sflag:s17] =	ssyncset.done $0x0  }
0x4c: {  	[sflag:s17] =	ssyncadd.s32 $0xFFFFFFB0  }
0x4d: {  	[tilespmem:s0], [sflag:$0x1] =	stream.indirect.gather [hbm4b:s1+s31], $0x80, s5, s31, $0xb8;
	[tilespmem:$0x1E000] =	vst v63  }
0x4e: {  	s26 =	rddreg [dreg:$0x17]  }
0x4f: {  	[tilespmem:s13], [sflag:$0x5] =	stream.linear.gather [hbm4b:s26+s29], $0x50, $0x38;
	[tilespmem:$0x1E000] =	vst v63  }
0x50: {  	s5 =	rddreg [dreg:$0x18]  }
0x51: {  	[tilespmem:s18], [sflag:$0x5] =	stream.linear.gather [hbm4b:s5+s29], $0x50, $0x38;
	[tilespmem:$0x1E000] =	vst v63  }
0x52: {  	_ =	swait.ge [sflag:s10], $0x50  }
0x53: {  	[sflag:s10] =	ssyncset.done $0x0  }
0x54: {  	[sflag:s10] =	ssyncadd.s32 $0xFFFFFFB0  }
0x55: {  	_ =	swait.ge [sflag:s10], $0x50  }
0x56: {  	[sflag:s10] =	ssyncset.done $0x0  }
0x57: {  	[sflag:s10] =	ssyncadd.s32 $0xFFFFFFB0  }
0x58: {  	[tilespmem:s11], [sflag:$0x2] =	stream.indirect.gather [hbm4b:s1+s31], $0x80, s13, s31, $0xb8;
	[tilespmem:$0x1E000] =	vst v63  }
0x59: {  	s8 =	rddreg [dreg:$0x19]  }
0x5a: {  	[tilespmem:s19], [sflag:$0x6] =	stream.linear.gather [hbm4b:s8+s29], $0x50, $0x38;
	[tilespmem:$0x1E000] =	vst v63  }
0x5b: {  	s13 =	rddreg [dreg:$0x1a]  }
0x5c: {  	[tilespmem:s24], [sflag:$0x6] =	stream.linear.gather [hbm4b:s13+s29], $0x50, $0x38;
	[tilespmem:$0x1E000] =	vst v63  }
0x5d: {  	_ =	swait.ge [sflag:s14], $0x2800  }
0x5e: {  	[sflag:s14] =	ssyncset.done $0x0  }
0x5f: {  	[sflag:s14] =	ssyncadd.s32 $0xFFFFD800  }
0x60: {  	[spmem:s2] =	stream.indirect.scatter.add.f32 [tilespmem:s0], [sflag:$0xA], $0x80, s12, s31, $0xb8;
	[tilespmem:$0x1E000] =	vst v63  }
0x61: {  	v2 =	vld [tilespmem:$0x16000];
	_ =	sdelay $0x7  }
0x62: {  	[tilespmem:v2+s15+$0x0] =	vst.idx.add.f32.msk $0xffff, v1  }
0x63: {  	v2 =	vld [tilespmem:$0x16010];
	_ =	sdelay $0x7  }
0x64: {  	[tilespmem:v2+s15+$0x0] =	vst.idx.add.f32.msk $0xffff, v1  }
0x65: {  	v2 =	vld [tilespmem:$0x16020];
	_ =	sdelay $0x7  }
0x66: {  	[tilespmem:v2+s15+$0x0] =	vst.idx.add.f32.msk $0xffff, v1  }
0x67: {  	v2 =	vld [tilespmem:$0x16030];
	_ =	sdelay $0x7  }
0x68: {  	[tilespmem:v2+s15+$0x0] =	vst.idx.add.f32.msk $0xffff, v1  }
0x69: {  	v2 =	vld [tilespmem:$0x16040];
	_ =	sdelay $0x7  }
0x6a: {  	[tilespmem:v2+s15+$0x0] =	vst.idx.add.f32.msk $0xffff, v1  }
0x6b: {  	_ =	swait.ge [sflag:s16], $0x50  }
0x6c: {  	[sflag:s16] =	ssyncset.done $0x0  }
0x6d: {  	[sflag:s16] =	ssyncadd.s32 $0xFFFFFFB0  }
0x6e: {  	_ =	swait.ge [sflag:s16], $0x50  }
0x6f: {  	[sflag:s16] =	ssyncset.done $0x0  }
0x70: {  	s24 =	simm.s32 $0x1B400;
	[sflag:s16] =	ssyncadd.s32 $0xFFFFFFB0  }
0x71: {  	[tilespmem:s24], [sflag:$0x3] =	stream.indirect.gather [hbm4b:s1+s31], $0x80, s19, s31, $0xb8;
	[tilespmem:$0x1E000] =	vst v63  }
0x72: {  	s19 =	rddreg [dreg:$0x1b]  }
0x73: {  	[tilespmem:s25], [sflag:$0x7] =	stream.linear.gather [hbm4b:s19+s29], $0x50, $0x38;
	[tilespmem:$0x1E000] =	vst v63  }
0x74: {  	s26 =	simm.s32 $0x16180;
	s25 =	rddreg [dreg:$0x1c]  }
0x75: {  	[tilespmem:s26], [sflag:$0x7] =	stream.linear.gather [hbm4b:s25+s29], $0x50, $0x38;
	[tilespmem:$0x1E000] =	vst v63  }
0x76: {  	_ =	swait.ge [sflag:s20], $0x2800  }
0x77: {  	[sflag:s20] =	ssyncset.done $0x0  }
0x78: {  	[sflag:s20] =	ssyncadd.s32 $0xFFFFD800  }
0x79: {  	[spmem:s2] =	stream.indirect.scatter.add.f32 [tilespmem:s11], [sflag:$0xB], $0x80, s18, s31, $0xb8;
	[tilespmem:$0x1E000] =	vst v63  }
0x7a: {  	v2 =	vld [tilespmem:$0x16080];
	_ =	sdelay $0x7  }
0x7b: {  	[tilespmem:v2+s15+$0x0] =	vst.idx.add.f32.msk $0xffff, v1  }
0x7c: {  	v2 =	vld [tilespmem:$0x16090];
	_ =	sdelay $0x7  }
0x7d: {  	[tilespmem:v2+s15+$0x0] =	vst.idx.add.f32.msk $0xffff, v1  }
0x7e: {  	v2 =	vld [tilespmem:$0x160A0];
	_ =	sdelay $0x7  }
0x7f: {  	[tilespmem:v2+s15+$0x0] =	vst.idx.add.f32.msk $0xffff, v1  }
0x80: {  	v2 =	vld [tilespmem:$0x160B0];
	_ =	sdelay $0x7  }
0x81: {  	[tilespmem:v2+s15+$0x0] =	vst.idx.add.f32.msk $0xffff, v1  }
0x82: {  	v2 =	vld [tilespmem:$0x160C0];
	_ =	sdelay $0x7  }
0x83: {  	s19 =	simm.s32 $0x16400;
	s4 =	sld [smem:$0x7FB];
	[tilespmem:v2+s15+$0x0] =	vst.idx.add.f32.msk $0xffff, v1  }
.LBB2_4:
0x84: {  	_ =	swait.ge [sflag:s21], $0x2800  }
0x85: {  	[sflag:s21] =	ssyncset.done $0x0  }
0x86: {  	[sflag:s21] =	ssyncadd.s32 $0xFFFFD800  }
0x87: {  	_ =	swait.ge [sflag:s23], $0x50  }
0x88: {  	[sflag:s23] =	ssyncset.done $0x0  }
0x89: {  	[sflag:s23] =	ssyncadd.s32 $0xFFFFFFB0  }
0x8a: {  	_ =	swait.ge [sflag:s23], $0x50  }
0x8b: {  	[sflag:s23] =	ssyncset.done $0x0  }
0x8c: {  	s0 =	simm.s32 $0x1DD80;
	s8 =	rddreg [dreg:$0xe];
	[sflag:s23] =	ssyncadd.s32 $0xFFFFFFB0  }
0x8d: {  	[tilespmem:s19], [sflag:$0x1] =	stream.indirect.gather [hbm4b:s1+s31], $0x80, s0, s31, $0xb8;
	[tilespmem:$0x1E000] =	vst v63  }
0x8e: {  	s5 =	simm.s32 $0x1DE00;
	s12 =	rddreg [dreg:$0xd];
	s8 =	sadd.s32 s29, s8  }
0x8f: {  	[tilespmem:s5], [sflag:$0x8] =	stream.linear.gather [hbm4b:s8+s3], $0x50, $0x38;
	[tilespmem:$0x1E000] =	vst v63  }
0x90: {  	s18 =	simm.s32 $0x16200;
	s26 =	sadd.s32 s29, s12  }
0x91: {  	[tilespmem:s18], [sflag:$0x8] =	stream.linear.gather [hbm4b:s26+s3], $0x50, $0x38;
	[tilespmem:$0x1E000] =	vst v63  }
0x92: {  	_ =	swait.ge [sflag:s22], $0x2800  }
0x93: {  	[sflag:s22] =	ssyncset.done $0x0  }
0x94: {  	s25 =	simm.s32 $0x16100;
	[sflag:s22] =	ssyncadd.s32 $0xFFFFD800  }
0x95: {  	[spmem:s2] =	stream.indirect.scatter.add.f32 [tilespmem:s24], [sflag:$0xC], $0x80, s25, s31, $0xb8;
	[tilespmem:$0x1E000] =	vst v63  }
0x96: {  	v2 =	vld [tilespmem:$0x16100];
	_ =	sdelay $0x7  }
0x97: {  	[tilespmem:v2+s15+$0x0] =	vst.idx.add.f32.msk $0xffff, v1  }
0x98: {  	v2 =	vld [tilespmem:$0x16110];
	_ =	sdelay $0x7  }
0x99: {  	[tilespmem:v2+s15+$0x0] =	vst.idx.add.f32.msk $0xffff, v1  }
0x9a: {  	v2 =	vld [tilespmem:$0x16120];
	_ =	sdelay $0x7  }
0x9b: {  	[tilespmem:v2+s15+$0x0] =	vst.idx.add.f32.msk $0xffff, v1  }
0x9c: {  	v2 =	vld [tilespmem:$0x16130];
	_ =	sdelay $0x7  }
0x9d: {  	[tilespmem:v2+s15+$0x0] =	vst.idx.add.f32.msk $0xffff, v1  }
0x9e: {  	v2 =	vld [tilespmem:$0x16140];
	_ =	sdelay $0x7  }
0x9f: {  	[tilespmem:v2+s15+$0x0] =	vst.idx.add.f32.msk $0xffff, v1  }
0xa0: {  	_ =	swait.ge [sflag:s7], $0x2800  }
0xa1: {  	[sflag:s7] =	ssyncset.done $0x0  }
0xa2: {  	[sflag:s7] =	ssyncadd.s32 $0xFFFFD800  }
0xa3: {  	_ =	swait.ge [sflag:s9], $0x50  }
0xa4: {  	[sflag:s9] =	ssyncset.done $0x0  }
0xa5: {  	[sflag:s9] =	ssyncadd.s32 $0xFFFFFFB0  }
0xa6: {  	_ =	swait.ge [sflag:s9], $0x50  }
0xa7: {  	[sflag:s9] =	ssyncset.done $0x0  }
0xa8: {  	s12 =	rddreg [dreg:$0xc];
	[sflag:s9] =	ssyncadd.s32 $0xFFFFFFB0  }
0xa9: {  	[tilespmem:s11], [sflag:$0x2] =	stream.indirect.gather [hbm4b:s1+s31], $0x80, s5, s31, $0xb8;
	[tilespmem:$0x1E000] =	vst v63  }
0xaa: {  	s26 =	simm.s32 $0x1DE80;
	s13 =	rddreg [dreg:$0xb];
	s8 =	sadd.s32 s29, s12  }
0xab: {  	[tilespmem:s26], [sflag:$0x9] =	stream.linear.gather [hbm4b:s8+s3], $0x50, $0x38;
	[tilespmem:$0x1E000] =	vst v63  }
0xac: {  	s13 =	sadd.s32 s29, s13  }
0xad: {  	[tilespmem:s30], [sflag:$0x9] =	stream.linear.gather [hbm4b:s13+s3], $0x50, $0x38;
	[tilespmem:$0x1E000] =	vst v63  }
0xae: {  	_ =	swait.ge [sflag:s14], $0x2800  }
0xaf: {  	[sflag:s14] =	ssyncset.done $0x0  }
0xb0: {  	s5 =	simm.s32 $0x16180;
	[sflag:s14] =	ssyncadd.s32 $0xFFFFD800  }
0xb1: {  	[spmem:s2] =	stream.indirect.scatter.add.f32 [tilespmem:s19], [sflag:$0xA], $0x80, s5, s31, $0xb8;
	[tilespmem:$0x1E000] =	vst v63  }
0xb2: {  	v2 =	vld [tilespmem:$0x16180];
	_ =	sdelay $0x7  }
0xb3: {  	[tilespmem:v2+s15+$0x0] =	vst.idx.add.f32.msk $0xffff, v1  }
0xb4: {  	v2 =	vld [tilespmem:$0x16190];
	_ =	sdelay $0x7  }
0xb5: {  	[tilespmem:v2+s15+$0x0] =	vst.idx.add.f32.msk $0xffff, v1  }
0xb6: {  	v2 =	vld [tilespmem:$0x161A0];
	_ =	sdelay $0x7  }
0xb7: {  	[tilespmem:v2+s15+$0x0] =	vst.idx.add.f32.msk $0xffff, v1  }
0xb8: {  	v2 =	vld [tilespmem:$0x161B0];
	_ =	sdelay $0x7  }
0xb9: {  	[tilespmem:v2+s15+$0x0] =	vst.idx.add.f32.msk $0xffff, v1  }
0xba: {  	v2 =	vld [tilespmem:$0x161C0];
	_ =	sdelay $0x7  }
0xbb: {  	[tilespmem:v2+s15+$0x0] =	vst.idx.add.f32.msk $0xffff, v1  }
0xbc: {  	_ =	swait.ge [sflag:s6], $0x2800  }
0xbd: {  	[sflag:s6] =	ssyncset.done $0x0  }
0xbe: {  	[sflag:s6] =	ssyncadd.s32 $0xFFFFD800  }
0xbf: {  	_ =	swait.ge [sflag:s28], $0x50  }
0xc0: {  	[sflag:s28] =	ssyncset.done $0x0  }
0xc1: {  	[sflag:s28] =	ssyncadd.s32 $0xFFFFFFB0  }
0xc2: {  	_ =	swait.ge [sflag:s28], $0x50  }
0xc3: {  	[sflag:s28] =	ssyncset.done $0x0  }
0xc4: {  	[sflag:s28] =	ssyncadd.s32 $0xFFFFFFB0  }
0xc5: {  	[tilespmem:s24], [sflag:$0x3] =	stream.indirect.gather [hbm4b:s1+s31], $0x80, s26, s31, $0xb8;
	[tilespmem:$0x1E000] =	vst v63  }
0xc6: {  	s8 =	sshrl.u32 s4, $0x3;
	s24 =	rddreg [dreg:$0xf]  }
0xc7: {  	s26 =	sadd.s32 s24, s8;
	s24 =	simm.s32 $0x1DC00  }
0xc8: {  	[tilespmem:s24], [sflag:$0x4] =	stream.linear.gather [hbm4b:s26+s3], $0x50, $0x38;
	[tilespmem:$0x1E000] =	vst v63  }
0xc9: {  	s26 =	rddreg [dreg:$0x10]  }
0xca: {  	s8 =	sadd.s32 s26, s8;
	s26 =	simm.s32 $0x16000  }
0xcb: {  	[tilespmem:s26], [sflag:$0x4] =	stream.linear.gather [hbm4b:s8+s3], $0x50, $0x38;
	[tilespmem:$0x1E000] =	vst v63  }
0xcc: {  	_ =	swait.ge [sflag:s20], $0x2800  }
0xcd: {  	[sflag:s20] =	ssyncset.done $0x0  }
0xce: {  	s13 =	simm.s32 $0x18C00;
	[sflag:s20] =	ssyncadd.s32 $0xFFFFD800  }
0xcf: {  	[spmem:s2] =	stream.indirect.scatter.add.f32 [tilespmem:s13], [sflag:$0xB], $0x80, s18, s31, $0xb8;
	[tilespmem:$0x1E000] =	vst v63  }
0xd0: {  	v2 =	vld [tilespmem:$0x16200];
	_ =	sdelay $0x7  }
0xd1: {  	[tilespmem:v2+s15+$0x0] =	vst.idx.add.f32.msk $0xffff, v1  }
0xd2: {  	v2 =	vld [tilespmem:$0x16210];
	_ =	sdelay $0x7  }
0xd3: {  	[tilespmem:v2+s15+$0x0] =	vst.idx.add.f32.msk $0xffff, v1  }
0xd4: {  	v2 =	vld [tilespmem:$0x16220];
	_ =	sdelay $0x7  }
0xd5: {  	[tilespmem:v2+s15+$0x0] =	vst.idx.add.f32.msk $0xffff, v1  }
0xd6: {  	v2 =	vld [tilespmem:$0x16230];
	_ =	sdelay $0x7  }
0xd7: {  	[tilespmem:v2+s15+$0x0] =	vst.idx.add.f32.msk $0xffff, v1  }
0xd8: {  	v2 =	vld [tilespmem:$0x16240];
	_ =	sdelay $0x7  }
0xd9: {  	[tilespmem:v2+s15+$0x0] =	vst.idx.add.f32.msk $0xffff, v1  }
0xda: {  	_ =	swait.ge [sflag:s21], $0x2800  }
0xdb: {  	[sflag:s21] =	ssyncset.done $0x0  }
0xdc: {  	[sflag:s21] =	ssyncadd.s32 $0xFFFFD800  }
0xdd: {  	_ =	swait.ge [sflag:s17], $0x50  }
0xde: {  	[sflag:s17] =	ssyncset.done $0x0  }
0xdf: {  	[sflag:s17] =	ssyncadd.s32 $0xFFFFFFB0  }
0xe0: {  	_ =	swait.ge [sflag:s17], $0x50  }
0xe1: {  	[sflag:s17] =	ssyncset.done $0x0  }
0xe2: {  	s12 =	rddreg [dreg:$0xa];
	[sflag:s17] =	ssyncadd.s32 $0xFFFFFFB0  }
0xe3: {  	[tilespmem:s19], [sflag:$0x1] =	stream.indirect.gather [hbm4b:s1+s31], $0x80, s24, s31, $0xb8;
	[tilespmem:$0x1E000] =	vst v63  }
0xe4: {  	s18 =	simm.s32 $0x1DC80;
	s17 =	rddreg [dreg:$0x9];
	s8 =	sadd.s32 s29, s12  }
0xe5: {  	[tilespmem:s18], [sflag:$0x5] =	stream.linear.gather [hbm4b:s8+s3], $0x50, $0x38;
	[tilespmem:$0x1E000] =	vst v63  }
0xe6: {  	s24 =	sadd.s32 s29, s17;
	s17 =	simm.s32 $0x16080  }
0xe7: {  	[tilespmem:s17], [sflag:$0x5] =	stream.linear.gather [hbm4b:s24+s3], $0x50, $0x38;
	[tilespmem:$0x1E000] =	vst v63  }
0xe8: {  	_ =	swait.ge [sflag:s22], $0x2800  }
0xe9: {  	[sflag:s22] =	ssyncset.done $0x0  }
0xea: {  	s11 =	simm.s32 $0x1B400;
	[sflag:s22] =	ssyncadd.s32 $0xFFFFD800  }
0xeb: {  	[spmem:s2] =	stream.indirect.scatter.add.f32 [tilespmem:s11], [sflag:$0xC], $0x80, s30, s31, $0xb8;
	[tilespmem:$0x1E000] =	vst v63  }
0xec: {  	v2 =	vld [tilespmem:$0x16280];
	_ =	sdelay $0x7  }
0xed: {  	[tilespmem:v2+s15+$0x0] =	vst.idx.add.f32.msk $0xffff, v1  }
0xee: {  	v2 =	vld [tilespmem:$0x16290];
	_ =	sdelay $0x7  }
0xef: {  	[tilespmem:v2+s15+$0x0] =	vst.idx.add.f32.msk $0xffff, v1  }
0xf0: {  	v2 =	vld [tilespmem:$0x162A0];
	_ =	sdelay $0x7  }
0xf1: {  	[tilespmem:v2+s15+$0x0] =	vst.idx.add.f32.msk $0xffff, v1  }
0xf2: {  	v2 =	vld [tilespmem:$0x162B0];
	_ =	sdelay $0x7  }
0xf3: {  	[tilespmem:v2+s15+$0x0] =	vst.idx.add.f32.msk $0xffff, v1  }
0xf4: {  	v2 =	vld [tilespmem:$0x162C0];
	_ =	sdelay $0x7  }
0xf5: {  	[tilespmem:v2+s15+$0x0] =	vst.idx.add.f32.msk $0xffff, v1  }
0xf6: {  	_ =	swait.ge [sflag:s7], $0x2800  }
0xf7: {  	[sflag:s7] =	ssyncset.done $0x0  }
0xf8: {  	[sflag:s7] =	ssyncadd.s32 $0xFFFFD800  }
0xf9: {  	_ =	swait.ge [sflag:s10], $0x50  }
0xfa: {  	[sflag:s10] =	ssyncset.done $0x0  }
0xfb: {  	[sflag:s10] =	ssyncadd.s32 $0xFFFFFFB0  }
0xfc: {  	_ =	swait.ge [sflag:s10], $0x50  }
0xfd: {  	[sflag:s10] =	ssyncset.done $0x0  }
0xfe: {  	s12 =	rddreg [dreg:$0x8];
	[sflag:s10] =	ssyncadd.s32 $0xFFFFFFB0  }
0xff: {  	[tilespmem:s13], [sflag:$0x2] =	stream.indirect.gather [hbm4b:s1+s31], $0x80, s18, s31, $0xb8;
	[tilespmem:$0x1E000] =	vst v63  }
0x100: {  	s24 =	simm.s32 $0x1DD00;
	s8 =	sadd.s32 s29, s12;
	s18 =	rddreg [dreg:$0x7]  }
0x101: {  	[tilespmem:s24], [sflag:$0x6] =	stream.linear.gather [hbm4b:s8+s3], $0x50, $0x38;
	[tilespmem:$0x1E000] =	vst v63  }
0x102: {  	s13 =	sadd.s32 s29, s18  }
0x103: {  	[tilespmem:s25], [sflag:$0x6] =	stream.linear.gather [hbm4b:s13+s3], $0x50, $0x38;
	[tilespmem:$0x1E000] =	vst v63  }
0x104: {  	_ =	swait.ge [sflag:s14], $0x2800  }
0x105: {  	[sflag:s14] =	ssyncset.done $0x0  }
0x106: {  	[sflag:s14] =	ssyncadd.s32 $0xFFFFD800  }
0x107: {  	[spmem:s2] =	stream.indirect.scatter.add.f32 [tilespmem:s19], [sflag:$0xA], $0x80, s26, s31, $0xb8;
	[tilespmem:$0x1E000] =	vst v63  }
0x108: {  	v2 =	vld [tilespmem:$0x16000];
	_ =	sdelay $0x7  }
0x109: {  	[tilespmem:v2+s15+$0x0] =	vst.idx.add.f32.msk $0xffff, v1  }
0x10a: {  	v2 =	vld [tilespmem:$0x16010];
	_ =	sdelay $0x7  }
0x10b: {  	[tilespmem:v2+s15+$0x0] =	vst.idx.add.f32.msk $0xffff, v1  }
0x10c: {  	v2 =	vld [tilespmem:$0x16020];
	_ =	sdelay $0x7  }
0x10d: {  	[tilespmem:v2+s15+$0x0] =	vst.idx.add.f32.msk $0xffff, v1  }
0x10e: {  	v2 =	vld [tilespmem:$0x16030];
	_ =	sdelay $0x7  }
0x10f: {  	[tilespmem:v2+s15+$0x0] =	vst.idx.add.f32.msk $0xffff, v1  }
0x110: {  	v2 =	vld [tilespmem:$0x16040];
	_ =	sdelay $0x7  }
0x111: {  	[tilespmem:v2+s15+$0x0] =	vst.idx.add.f32.msk $0xffff, v1  }
0x112: {  	_ =	swait.ge [sflag:s6], $0x2800  }
0x113: {  	[sflag:s6] =	ssyncset.done $0x0  }
0x114: {  	[sflag:s6] =	ssyncadd.s32 $0xFFFFD800  }
0x115: {  	_ =	swait.ge [sflag:s16], $0x50  }
0x116: {  	[sflag:s16] =	ssyncset.done $0x0  }
0x117: {  	[sflag:s16] =	ssyncadd.s32 $0xFFFFFFB0  }
0x118: {  	_ =	swait.ge [sflag:s16], $0x50  }
0x119: {  	[sflag:s16] =	ssyncset.done $0x0  }
0x11a: {  	s12 =	rddreg [dreg:$0x6];
	[sflag:s16] =	ssyncadd.s32 $0xFFFFFFB0  }
0x11b: {  	[tilespmem:s11], [sflag:$0x3] =	stream.indirect.gather [hbm4b:s1+s31], $0x80, s24, s31, $0xb8;
	[tilespmem:$0x1E000] =	vst v63  }
0x11c: {  	s13 =	rddreg [dreg:$0x5];
	s8 =	sadd.s32 s29, s12  }
0x11d: {  	[tilespmem:s0], [sflag:$0x7] =	stream.linear.gather [hbm4b:s8+s3], $0x50, $0x38;
	[tilespmem:$0x1E000] =	vst v63  }
0x11e: {  	s26 =	sadd.s32 s29, s13  }
0x11f: {  	[tilespmem:s5], [sflag:$0x7] =	stream.linear.gather [hbm4b:s26+s3], $0x50, $0x38;
	[tilespmem:$0x1E000] =	vst v63  }
0x120: {  	_ =	swait.ge [sflag:s20], $0x2800  }
0x121: {  	[sflag:s20] =	ssyncset.done $0x0  }
0x122: {  	s11 =	simm.s32 $0x18C00;
	[sflag:s20] =	ssyncadd.s32 $0xFFFFD800  }
0x123: {  	[spmem:s2] =	stream.indirect.scatter.add.f32 [tilespmem:s11], [sflag:$0xB], $0x80, s17, s31, $0xb8;
	[tilespmem:$0x1E000] =	vst v63  }
0x124: {  	v2 =	vld [tilespmem:$0x16080];
	_ =	sdelay $0x7  }
0x125: {  	[tilespmem:v2+s15+$0x0] =	vst.idx.add.f32.msk $0xffff, v1  }
0x126: {  	v2 =	vld [tilespmem:$0x16090];
	_ =	sdelay $0x7  }
0x127: {  	[tilespmem:v2+s15+$0x0] =	vst.idx.add.f32.msk $0xffff, v1  }
0x128: {  	v2 =	vld [tilespmem:$0x160A0];
	_ =	sdelay $0x7  }
0x129: {  	[tilespmem:v2+s15+$0x0] =	vst.idx.add.f32.msk $0xffff, v1  }
0x12a: {  	v2 =	vld [tilespmem:$0x160B0];
	_ =	sdelay $0x7  }
0x12b: {  	[tilespmem:v2+s15+$0x0] =	vst.idx.add.f32.msk $0xffff, v1  }
0x12c: {  	v2 =	vld [tilespmem:$0x160C0];
	_ =	sdelay $0x2  }
0x12d: {  	p1 =	sne.s32 s29, $0x474  }
.Ltmp1:
0x12e: {  	_ = 	snop;
	(pc) =	sbr.rel @p1 .LBB2_4-.Ltmp1, $4  }
0x12f: {  	_ = 	snop  }
0x130: {  	s4 =	sadd.s32 $0x1E0, s4  }
0x131: {  	s18 =	simm.s32 $0x16100;
	s25 =	simm.s32 $0x1DD80;
	s12 =	simm.s32 $0x16180  }
0x132: {  	s29 =	sadd.s32 $0x3C, s29;
	s24 =	simm.s32 $0x1B400;
	s17 =	simm.s32 $0x4;
	[tilespmem:v2+s15+$0x0] =	vst.idx.add.f32.msk $0xffff, v1  }
0x133: {  	_ =	swait.ge [sflag:s21], $0x2800  }
0x134: {  	[sflag:s21] =	ssyncset.done $0x0  }
0x135: {  	[sflag:s21] =	ssyncadd.s32 $0xFFFFD800  }
0x136: {  	_ =	swait.ge [sflag:s23], $0x50  }
0x137: {  	[sflag:s23] =	ssyncset.done $0x0  }
0x138: {  	[sflag:s23] =	ssyncadd.s32 $0xFFFFFFB0  }
0x139: {  	_ =	swait.ge [sflag:s23], $0x50  }
0x13a: {  	[sflag:s23] =	ssyncset.done $0x0  }
0x13b: {  	[sflag:s23] =	ssyncadd.s32 $0xFFFFFFB0  }
0x13c: {  	[tilespmem:s19], [sflag:$0x1] =	stream.indirect.gather [hbm4b:s1+s31], $0x80, s25, s31, $0xb8;
	[tilespmem:$0x1E000] =	vst v63  }
0x13d: {  	s8 =	simm.s32 $0x1DE00;
	s4 =	rddreg [dreg:$0x1e]  }
0x13e: {  	[tilespmem:s8], [sflag:$0x8] =	stream.linear.gather [hbm4b:s4+s3], $0x50, $0x38;
	[tilespmem:$0x1E000] =	vst v63  }
0x13f: {  	s5 =	simm.s32 $0x16200;
	s13 =	rddreg [dreg:$0x1f]  }
0x140: {  	[tilespmem:s5], [sflag:$0x8] =	stream.linear.gather [hbm4b:s13+s3], $0x50, $0x38;
	[tilespmem:$0x1E000] =	vst v63  }
0x141: {  	_ =	swait.ge [sflag:s22], $0x2800  }
0x142: {  	[sflag:s22] =	ssyncset.done $0x0  }
0x143: {  	[sflag:s22] =	ssyncadd.s32 $0xFFFFD800  }
0x144: {  	[spmem:s2] =	stream.indirect.scatter.add.f32 [tilespmem:s24], [sflag:$0xC], $0x80, s18, s31, $0xb8;
	[tilespmem:$0x1E000] =	vst v63  }
0x145: {  	v2 =	vld [tilespmem:$0x16100];
	_ =	sdelay $0x7  }
0x146: {  	[tilespmem:v2+s15+$0x0] =	vst.idx.add.f32.msk $0xffff, v1  }
0x147: {  	v2 =	vld [tilespmem:$0x16110];
	_ =	sdelay $0x7  }
0x148: {  	[tilespmem:v2+s15+$0x0] =	vst.idx.add.f32.msk $0xffff, v1  }
0x149: {  	v2 =	vld [tilespmem:$0x16120];
	_ =	sdelay $0x7  }
0x14a: {  	[tilespmem:v2+s15+$0x0] =	vst.idx.add.f32.msk $0xffff, v1  }
0x14b: {  	v2 =	vld [tilespmem:$0x16130];
	_ =	sdelay $0x7  }
0x14c: {  	[tilespmem:v2+s15+$0x0] =	vst.idx.add.f32.msk $0xffff, v1  }
0x14d: {  	v2 =	vld [tilespmem:$0x16140];
	_ =	sdelay $0x7  }
0x14e: {  	[tilespmem:v2+s15+$0x0] =	vst.idx.add.f32.msk $0xffff, v1  }
0x14f: {  	_ =	swait.ge [sflag:s7], $0x2800  }
0x150: {  	[sflag:s7] =	ssyncset.done $0x0  }
0x151: {  	[sflag:s7] =	ssyncadd.s32 $0xFFFFD800  }
0x152: {  	_ =	swait.ge [sflag:s9], $0x50  }
0x153: {  	[sflag:s9] =	ssyncset.done $0x0  }
0x154: {  	[sflag:s9] =	ssyncadd.s32 $0xFFFFFFB0  }
0x155: {  	_ =	swait.ge [sflag:s9], $0x50  }
0x156: {  	[sflag:s9] =	ssyncset.done $0x0  }
0x157: {  	[sflag:s9] =	ssyncadd.s32 $0xFFFFFFB0  }
0x158: {  	[tilespmem:s11], [sflag:$0x2] =	stream.indirect.gather [hbm4b:s1+s31], $0x80, s8, s31, $0xb8;
	[tilespmem:$0x1E000] =	vst v63  }
0x159: {  	_ =	swait.ge [sflag:s14], $0x2800  }
0x15a: {  	[sflag:s14] =	ssyncset.done $0x0  }
0x15b: {  	[sflag:s14] =	ssyncadd.s32 $0xFFFFD800  }
0x15c: {  	[spmem:s2] =	stream.indirect.scatter.add.f32 [tilespmem:s19], [sflag:$0xA], $0x80, s12, s31, $0xb8;
	[tilespmem:$0x1E000] =	vst v63  }
0x15d: {  	v2 =	vld [tilespmem:$0x16180];
	_ =	sdelay $0x7  }
0x15e: {  	[tilespmem:v2+s15+$0x0] =	vst.idx.add.f32.msk $0xffff, v1  }
0x15f: {  	v2 =	vld [tilespmem:$0x16190];
	_ =	sdelay $0x7  }
0x160: {  	[tilespmem:v2+s15+$0x0] =	vst.idx.add.f32.msk $0xffff, v1  }
0x161: {  	v2 =	vld [tilespmem:$0x161A0];
	_ =	sdelay $0x7  }
0x162: {  	[tilespmem:v2+s15+$0x0] =	vst.idx.add.f32.msk $0xffff, v1  }
0x163: {  	v2 =	vld [tilespmem:$0x161B0];
	_ =	sdelay $0x7  }
0x164: {  	[tilespmem:v2+s15+$0x0] =	vst.idx.add.f32.msk $0xffff, v1  }
0x165: {  	v2 =	vld [tilespmem:$0x161C0];
	_ =	sdelay $0x7  }
0x166: {  	[tilespmem:v2+s15+$0x0] =	vst.idx.add.f32.msk $0xffff, v1  }
0x167: {  	_ =	swait.ge [sflag:s6], $0x2800  }
0x168: {  	[sflag:s6] =	ssyncset.done $0x0  }
0x169: {  	[sflag:s6] =	ssyncadd.s32 $0xFFFFD800  }
0x16a: {  	_ =	swait.ge [sflag:s20], $0x2800  }
0x16b: {  	[sflag:s20] =	ssyncset.done $0x0  }
0x16c: {  	[sflag:s20] =	ssyncadd.s32 $0xFFFFD800  }
0x16d: {  	[spmem:s2] =	stream.indirect.scatter.add.f32 [tilespmem:s11], [sflag:$0xB], $0x80, s5, s31, $0xb8;
	[tilespmem:$0x1E000] =	vst v63  }
0x16e: {  	v2 =	vld [tilespmem:$0x16200];
	_ =	sdelay $0x7  }
0x16f: {  	[tilespmem:v2+s15+$0x0] =	vst.idx.add.f32.msk $0xffff, v1  }
0x170: {  	v2 =	vld [tilespmem:$0x16210];
	_ =	sdelay $0x7  }
0x171: {  	[tilespmem:v2+s15+$0x0] =	vst.idx.add.f32.msk $0xffff, v1  }
0x172: {  	v2 =	vld [tilespmem:$0x16220];
	_ =	sdelay $0x7  }
0x173: {  	[tilespmem:v2+s15+$0x0] =	vst.idx.add.f32.msk $0xffff, v1  }
0x174: {  	v2 =	vld [tilespmem:$0x16230];
	_ =	sdelay $0x7  }
0x175: {  	[tilespmem:v2+s15+$0x0] =	vst.idx.add.f32.msk $0xffff, v1  }
0x176: {  	v2 =	vld [tilespmem:$0x16240];
	_ =	sdelay $0x7  }
0x177: {  	[tilespmem:v2+s15+$0x0] =	vst.idx.add.f32.msk $0xffff, v1  }
0x178: {  	_ =	swait.ge [sflag:s21], $0x2800  }
0x179: {  	[sflag:s21] =	ssyncset.done $0x0  }
0x17a: {  	[sflag:s21] =	ssyncadd.s32 $0xFFFFD800  }
0x17b: {  	_ =	swait.ge [sflag:s7], $0x2800  }
0x17c: {  	[sflag:s7] =	ssyncset.done $0x0  }
0x17d: {  	[sflag:s7] =	ssyncadd.s32 $0xFFFFD800  }
0x17e: {  	[bflag:$0x0] =	sbarrier.arrive $0xFFFF  }
0x17f: {  	s18 =	sld [smem:$0x7FD]  }
0x180: {  	s19 =	sld [smem:$0x7F8];
	_ =	sdelay $0x1  }
0x181: {  	s8 =	simm.s32 $0xD;
	s26 =	rddreg [dreg:$0x13]  }
0x182: {  	[hbm:s18], [sflag:s26] =	dma.local [spmem:s19], $0x2700  }
0x183: {  	_ =	swait.ge [sflag:s8], $0x2700  }
0x184: {  	s4 =	sld [smem:$0x7FC]  }
0x185: {  	s5 =	sld [smem:$0x7F9]  }
0x186: {  	[sflag:s8] =	ssyncset.done $0x0  }
0x187: {  	[sflag:s8] =	ssyncadd.s32 $0xFFFFD900;
	s4 =	sadd.s32 @!p0 $0x27000, s4  }
0x188: {  	[hbm:s4], [sflag:s26] =	dma.local @!p0 [spmem:s5], $0x100  }
0x189: {  	s4 =	simm.s32 @!p0 $0xD  }
0x18a: {  	_ =	swait.ge @!p0 [sflag:s4], $0x100  }
0x18b: {  	[sflag:s4] =	ssyncset.done @!p0 $0x0  }
0x18c: {  	s24 =	rddreg [dreg:$0x1d];
	[sflag:s4] =	ssyncadd.s32 @!p0 $0xFFFFFF00  }
0x18d: {  	[hbm4b:s24+s3] =	stream.linear.scatter [tilespmem:s15], [sflag:$0xD], $0x2710, $0x38;
	[tilespmem:$0x1E000] =	vst v63  }
0x18e: {  	_ =	swait.ge [sflag:s8], $0x2710  }
0x18f: {  	s29 =	sld [smem:$0x7F7]  }
0x190: {  	s25 =	sld [smem:$0x7FA];
	_ =	sdelay $0x1  }
0x191: {  	s29 =	sadd.s32 $0x1, s29  }
0x192: {  	p1 =	sne.s32 s29, s25  }
.Ltmp2:
0x193: {  	_ = 	snop;
	(pc) =	sbr.rel @p1 .LBB2_1-.Ltmp2, $4  }
0x194: {  	s0 =	simm.s32 $0x16400  }
0x195: {  	s13 =	simm.s32 $0x1DC80;
	s12 =	simm.s32 $0x16000;
	s18 =	simm.s32 $0x16080  }
0x196: {  	s19 =	simm.s32 $0x1DD00;
	s5 =	simm.s32 $0x1DC00;
	[sflag:s8] =	ssyncset.done $0x0  }
0x197: {  	s24 =	simm.s32 $0x16100;
	[sflag:s8] =	ssyncadd.s32 $0xFFFFD8F0;
	s25 =	simm.s32 $0x1DD80  }
0x198: {  	_ =	sfence.sel $0x180000  }
0x199: {  	[bflag:$0x0] =	sbarrier.arrive $0xFFFF  }
0x19a: {  	_ =	strace $0x90000047  }
0x19b: {  	s0 =	stileid.u32;
	[bflag:$0x2] =	sbarrier.arrive $0xFFFF  }
0x19c: {  	p0 =	sne.s32 s0, $0x0;
	s0 =	rddreg [dreg:$0x4]  }
0x19d: {  	s0 =	sadd.s32 @!p0 $0x100000, s0  }
0x19e: {  	[sflag:s0] =	ssyncadd.tile.s32 @!p0 $0x1;
	_ =	shalt  }
.Lfunc_end2:
_tile_overlayer_lowered:
.L_overlay_start_2:
0x19f: {  	(tag) =	ssettag $0x2  }
0x1a0: {  	s0 =	rddreg [dreg:$0x0];
	s2 =	stileid.u32  }
0x1a1: {  	s1 =	rddreg [dreg:$0x1];
	p0 =	sne.s32 s2, $0x0  }
0x1a2: {  	s3 =	rddreg [dreg:$0x2];
	[bflag:$0x3] =	sbarrier.arrive $0xFFFF;
	s2 =	simm.s32 @!p0 $0x1C0D  }
0x1a3: {  	[timem:s3], [sflag:s2] =	dma.local @!p0 [hbm:s0], s1  }
0x1a4: {  	s0 =	simm.s32 @!p0 $0xD  }
0x1a5: {  	_ =	swait.ge @!p0 [sflag:s0], s1  }
0x1a6: {  	s1 =	ssub.s32 @!p0 $0x0, s1;
	[sflag:s0] =	ssyncset.done @!p0 $0x0  }
0x1a7: {  	[sflag:s0] =	ssyncadd.s32 @!p0 s1  }
0x1a8: {  	[bflag:$0x3] =	sbarrier.arrive $0xFFFF  }
0x1a9: {  	_ =	shalt  }

// kernel: kernel.9.cloned.1.call-start
scs
__scs_entry_jumppad:
0x0: {  	(pc) =	sbr.rel $0x88, $3  }
0x1: {  	(tag) =	ssettag $0x0;
	lr =	simm.s32 $0x1  }
0x2: {  	[smem:$0x3F97] =	sst lr;
	_ =	strace $0xD0000000  }
0x3: {  	_ = 	snop  }
0x4: {  	_ = 	snop  }
0x5: {  	_ = 	snop  }
0x6: {  	_ = 	snop  }
0x7: {  	_ = 	snop  }
__scs_overlays_trampoline_lowered:
0x8: {  	[smem:$0x3FA6] =	sst s0  }
0x9: {  	[smem:$0x3FA7] =	sst s1  }
0xa: {  	[smem:$0x3FA8] =	sst s2  }
0xb: {  	[smem:$0x3FA9] =	sst s3  }
0xc: {  	[smem:$0x3FAA] =	sst s4  }
0xd: {  	[smem:$0x3FAB] =	sst s5  }
0xe: {  	[smem:$0x3FAC] =	sst s6  }
0xf: {  	[smem:$0x3FAD] =	sst s7  }
0x10: {  	[smem:$0x3FAE] =	sst s8  }
0x11: {  	[smem:$0x3FAF] =	sst s9;
	s0 =	simm.s32 @!p0 $0x0  }
0x12: {  	s1 =	sld [smem:$0x3F95];
	s0 =	simm.s32 @p0 $0x1  }
0x13: {  	[smem:$0x3FB0] =	sst s0;
	s0 =	simm.s32 @!p1 $0x0  }
0x14: {  	s2 =	sld [smem:$0x3F94];
	s0 =	simm.s32 @p1 $0x1  }
0x15: {  	[smem:$0x3FB1] =	sst s0;
	s0 =	simm.s32 @!p2 $0x0  }
0x16: {  	s3 =	sld [smem:$0x3FDB];
	s0 =	simm.s32 @p2 $0x1  }
0x17: {  	s4 =	simm.s32 $0x1BF5;
	[smem:$0x3FB3] =	sst s0  }
0x18: {  	s0 =	sld [smem:$0x3F96];
	_ =	swait.ge [sflag:s4], $0x0  }
0x19: {  	s7 =	sld [smem:$0x3F97]  }
0x1a: {  	s8 =	sadd.s32 $0xFFFFE003, lr  }
0x1b: {  	s9 =	sadd.s32 $0xFFFFFEF7, lr;
	s5 =	simm.s32 $0xFFFFFFFF;
	p2 =	slt.u32 s8, $0xFFFFF086  }
0x1c: {  	p1 =	slt.u32 s9, $0xF7A;
	s5 =	simm.s32 @!p2 $0x0  }
0x1d: {  	s5 =	simm.s32 @p1 $0x1;
	p0 =	seq.s32 s7, s2  }
0x1e: {  	s7 =	smul.u32 @!p0 $0xF7A, s2;
	p2 =	seq.s32 @!p0 s5, $0x0  }
0x1f: {  	s9 =	smul.u32 $0xF7A, s1;
	s8 =	simm.s32 @!p0 $0x1BF5;
	p2 =	por !p2, p0  }
0x20: {  	[sflag:s8] =	ssyncset.s32 @!p0 $0xFFFFF086;
	s6 =	sadd.s32 @!p0 s3, s7;
	s7 =	simm.s32 @!p0 $0x108  }
0x21: {  	s3 =	sadd.s32 s3, s9;
	s6 =	sadd.s32 @!p0 $0x88, s6;
	s7 =	simm.s32 @p2 $0x1082  }
0x22: {  	[simem:s7], [sflag:s8] =	dma.local @!p0 [hbm:s6], $0xF7A  }
0x23: {  	s9 =	sor.u32 $0xD0000000, s2;
	s6 =	simm.s32 $0x108;
	_ =	swait.ge @!p0 [sflag:s8], $0x0  }
0x24: {  	s3 =	sadd.s32 $0x88, s3;
	s6 =	simm.s32 @!p1 $0x1082;
	[sflag:s4] =	ssyncset.s32 $0xFFFFF086  }
0x25: {  	[simem:s6], [sflag:s4] =	dma.local [hbm:s3], $0xF7A  }
0x26: {  	[smem:$0x3F97] =	sst s1;
	(tag) =	ssettag s2;
	_ =	strace s9  }
0x27: {  	s1 =	sld [smem:$0x3FA7]  }
0x28: {  	s2 =	sld [smem:$0x3FA8]  }
0x29: {  	s4 =	sld [smem:$0x3FAA]  }
0x2a: {  	p0 =	seq.s32 s5, $0x0;
	s5 =	sld [smem:$0x3FAB]  }
0x2b: {  	s6 =	sld [smem:$0x3FAC]  }
0x2c: {  	s7 =	sld [smem:$0x3FAD]  }
0x2d: {  	s3 =	simm.s32 $0x108;
	s8 =	sld [smem:$0x3FAE]  }
0x2e: {  	s3 =	simm.s32 @!p0 $0x1082;
	s9 =	sld [smem:$0x3FAF]  }
0x2f: {  	lr =	sadd.s32 s0, s3;
	s0 =	sld [smem:$0x3FA6]  }
0x30: {  	s3 =	sld [smem:$0x3FA9]  }
0x31: {  	[smem:$0x3FB2] =	sst s10  }
0x32: {  	s10 =	sld [smem:$0x3FB0];
	_ =	sdelay $0x3  }
0x33: {  	p0 =	seq.s32 s10, $0x1;
	s10 =	sld [smem:$0x3FB2];
	_ =	sdelay $0x3  }
0x34: {  	[smem:$0x3FB2] =	sst s10  }
0x35: {  	s10 =	sld [smem:$0x3FB1];
	_ =	sdelay $0x3  }
0x36: {  	p1 =	seq.s32 s10, $0x1;
	s10 =	sld [smem:$0x3FB2];
	_ =	sdelay $0x3  }
0x37: {  	[smem:$0x3FB2] =	sst s10  }
0x38: {  	s10 =	sld [smem:$0x3FB3]  }
0x39: {  	_ = 	snop;
	(pc) =	sbr.ind lr, $3  }
0x3a: {  	_ = 	snop  }
0x3b: {  	_ = 	snop  }
0x3c: {  	p2 =	seq.s32 s10, $0x1;
	s10 =	sld [smem:$0x3FB2]  }
0x3d: {  	_ =	shalt  }
0x3e: {  	_ =	shalt  }
0x3f: {  	_ =	shalt  }
0x40: {  	_ =	shalt  }
0x41: {  	_ =	shalt  }
0x42: {  	_ =	shalt  }
0x43: {  	_ =	shalt  }
0x44: {  	_ =	shalt  }
0x45: {  	_ =	shalt  }
0x46: {  	_ =	shalt  }
0x47: {  	_ =	shalt  }
0x48: {  	_ =	shalt  }
0x49: {  	_ =	shalt  }
0x4a: {  	_ =	shalt  }
0x4b: {  	_ =	shalt  }
0x4c: {  	_ =	shalt  }
0x4d: {  	_ =	shalt  }
0x4e: {  	_ =	shalt  }
0x4f: {  	_ =	shalt  }
0x50: {  	_ =	shalt  }
0x51: {  	_ =	shalt  }
0x52: {  	_ =	shalt  }
0x53: {  	_ =	shalt  }
0x54: {  	_ =	shalt  }
0x55: {  	_ =	shalt  }
0x56: {  	_ =	shalt  }
0x57: {  	_ =	shalt  }
0x58: {  	_ =	shalt  }
0x59: {  	_ =	shalt  }
0x5a: {  	_ =	shalt  }
0x5b: {  	_ =	shalt  }
0x5c: {  	_ =	shalt  }
0x5d: {  	_ =	shalt  }
0x5e: {  	_ =	shalt  }
0x5f: {  	_ =	shalt  }
0x60: {  	_ =	shalt  }
0x61: {  	_ =	shalt  }
0x62: {  	_ =	shalt  }
0x63: {  	_ =	shalt  }
0x64: {  	_ =	shalt  }
0x65: {  	_ =	shalt  }
0x66: {  	_ =	shalt  }
0x67: {  	_ =	shalt  }
0x68: {  	_ =	shalt  }
0x69: {  	_ =	shalt  }
0x6a: {  	_ =	shalt  }
0x6b: {  	_ =	shalt  }
0x6c: {  	_ =	shalt  }
0x6d: {  	_ =	shalt  }
0x6e: {  	_ =	shalt  }
0x6f: {  	_ =	shalt  }
0x70: {  	_ =	shalt  }
0x71: {  	_ =	shalt  }
0x72: {  	_ =	shalt  }
0x73: {  	_ =	shalt  }
0x74: {  	_ =	shalt  }
0x75: {  	_ =	shalt  }
0x76: {  	_ =	shalt  }
0x77: {  	_ =	shalt  }
0x78: {  	_ =	shalt  }
0x79: {  	_ =	shalt  }
0x7a: {  	_ =	shalt  }
0x7b: {  	_ =	shalt  }
0x7c: {  	_ =	shalt  }
0x7d: {  	_ =	shalt  }
0x7e: {  	_ =	shalt  }
0x7f: {  	_ =	shalt  }
0x80: {  	_ =	shalt  }
0x81: {  	_ =	shalt  }
0x82: {  	_ =	shalt  }
0x83: {  	_ =	shalt  }
0x84: {  	_ =	shalt  }
0x85: {  	_ =	shalt  }
0x86: {  	_ =	shalt  }
0x87: {  	_ =	shalt  }
.Lfunc_end0:
.L_simem_size_0:
called_computation.1_lowered:
.L_overlay_start_0:
0x88: {  	s2 =	sld [smem:$0x3FD9]  }
0x89: {  	s3 =	sld [smem:$0x3FFE];
	_ =	sdelay $0x1  }
0x8a: {  	s1 =	srdreg.scid  }
0x8b: {  	s0 =	sand.u32 $0x1, s1  }
0x8c: {  	s17 =	sshll.u32 s0, $0xA;
	s2 =	sadd.s32 s3, s2  }
0x8d: {  	s2 =	sadd.s32 s2, s17  }
0x8e: {  	[smem:$0x3FBE] =	sst s2  }
0x8f: {  	_ = 	snop  }
0x90: {  	s2 =	sld [smem:$0x3FD0];
	(tm) =	ssettm $0x1  }
0x91: {  	s18 =	sld [smem:$0x3FFB];
	_ =	sdelay $0x3  }
0x92: {  	_ =	strace s18  }
0x93: {  	s3 =	sld [smem:$0x3FFC];
	_ =	sdelay $0x3  }
0x94: {  	_ =	strace s3  }
0x95: {  	s3 =	sld [smem:$0x3FFD];
	_ =	sdelay $0x3  }
0x96: {  	_ =	strace s3  }
0x97: {  	_ =	strace $0x8FFFFFFF  }
0x98: {  	s19 =	sld [smem:$0x3FDB];
	_ =	sdelay $0x1  }
0x99: {  	s4 =	simm.s32 $_scs_section_size  }
0x9a: {  	s5 =	simm.s32 $_size__tile_overlayer_lowered;
	s6 =	simm.s32 $_tile_overlayer_lowered  }
0x9b: {  	s22 =	simm.s32 $0x1BFF;
	s21 =	sshll.u32 s6, $0x1;
	s3 =	sadd.s32 s4, s19  }
0x9c: {  	s7 =	simm.s32 $0x0;
	s20 =	sshll.u32 s5, $0x1;
	s5 =	sadd.s32 s21, s3  }
0x9d: {  	[timem:s7], [sflag:s22] =	dma.local [hbm:s5], s20  }
0x9e: {  	_ =	swait.ge [sflag:s22], s20  }
0x9f: {  	s4 =	ssub.s32 $0x0, s20;
	[sflag:s22] =	ssyncset.done $0x0  }
0xa0: {  	[sflag:s22] =	ssyncadd.s32 s4;
	_ =	sdelay $0x1  }
0xa1: {  	s23 =	simm.s32 $0x1B8B  }
0xa2: {  	_ =	swait.ge [sflag:s23], $0x1  }
0xa3: {  	[sflag:s23] =	ssyncset.done $0x0  }
0xa4: {  	s25 =	simm.s32 $0x1B8E;
	s24 =	sld [smem:$0x3FFE];
	[sflag:s23] =	ssyncadd.s32 $0xFFFFFFFF  }
0xa5: {  	s26 =	simm.s32 $execute0_lowered;
	[smem:$0x3FD2] =	sst s25  }
0xa6: {  	s5 =	sshll.u32 s26, $0x1;
	_ =	strace $0x80000049;
	[dreg:$0x1] =	wrdreg $0xFFFFFFFF  }
0xa7: {  	s28 =	simm.s32 $_size_execute0_lowered;
	s3 =	sadd.s32 s3, s5;
	[dreg:$0x0] =	wrdreg $0x0  }
0xa8: {  	s5 =	sshll.u32 s28, $0x1;
	[dreg:$0x2] =	wrdreg s3  }
0xa9: {  	[dreg:$0x3] =	wrdreg s5  }
0xaa: {  	[dreg:$0x4] =	wrdreg $0xC0  }
0xab: {  	_ =	task [dreg:s7], $0x5FFFF  }
0xac: {  	[dreg:$0x1] =	wrdreg $0xFFFFFFFF  }
0xad: {  	[dreg:$0x0] =	wrdreg $0x60  }
0xae: {  	[dreg:$0x2] =	wrdreg s2  }
0xaf: {  	[dreg:$0x3] =	wrdreg s24  }
0xb0: {  	[dreg:$0x4] =	wrdreg $0x0  }
0xb1: {  	[dreg:$0x5] =	wrdreg $0x9  }
0xb2: {  	_ =	task.clear_ibuf [dreg:s7], $0x6FFFF;
	_ =	strace $0x90000049  }
0xb3: {  	s29 =	simm.s32 $0x9;
	_ =	strace $0x8000004B  }
0xb4: {  	_ =	swait.ge [sflag:s29], $0x1  }
0xb5: {  	[sflag:s29] =	ssyncadd.s32 $0xFFFFFFFF  }
0xb6: {  	_ =	strace $0x9000004B  }
0xb7: {  	_ =	sfence  }
0xb8: {  	s30 =	sld [smem:$0x0];
	_ =	sdelay $0x2  }
0xb9: {  	s31 =	sshll.u32 s1, $0xD;
	s1 =	sshrl.u32 s1, $0x2  }
0xba: {  	s3 =	sand.u32 $0x4000, s31;
	s1 =	sadd.s32 s1, s30  }
0xbb: {  	s0 =	sor.u32 s3, s0;
	s1 =	sshll.u32 s1, $0x11  }
0xbc: {  	s0 =	sor.u32 s1, s0  }
0xbd: {  	s0 =	sadd.s32 $0x8F2B, s0  }
0xbe: {  	[sflag:s0] =	ssyncadd.remote.s32 $0x1  }
0xbf: {  	_ =	sfence.sel $0xFFFF  }
0xc0: {  	[dreg:$0x0] =	wrdreg $0xFFFFFFFF;
	(pc) =	sbr.abs _section_cstart, $3  }
0xc1: {  	[dreg:$0x1] =	wrdreg $0xFFFFFFFF  }
0xc2: {  	_ =	task.clear_ibuf [dreg:s7], $0x2FFFF;
	_ =	strace $0x9FFFFFFF  }
0xc3: {  	(tm) =	ssettm $0x7FFFFFFF  }
tec
execute0_lowered:
.L_overlay_start_1:
0x0: {  	(tag) =	ssettag $0x1  }
0x1: {  	s0 =	rddreg [dreg:$0x1]  }
0x2: {  	s1 =	rddreg [dreg:$0x2];
	s3 =	simm.s32 $0x0  }
0x3: {  	s4 =	srdreg.scid;
	s11 =	stileid.u32;
	s28 =	simm.s32 $0x1DC80  }
0x4: {  	s30 =	simm.s32 $0x50;
	s31 =	simm.s32 $0x16480;
	[smem:$0x7FF] =	sst s3  }
0x5: {  	s16 =	sadd.s32 $0xC800, s0;
	s2 =	sadd.s32 $0x2A00, s0;
	s4 =	sand.u32 $0x1, s4  }
0x6: {  	s5 =	sadd.s32 $0x16600, s0;
	s7 =	smul.u32 $0x4E000, s11;
	s10 =	sshll.u32 s11, $0x6  }
0x7: {  	s20 =	sadd.s32 $0x138000, s1;
	_ =	strace $0x8000004A;
	[dreg:$0x14] =	wrdreg s5  }
0x8: {  	s21 =	smul.u32 $0x2710, s11;
	p0 =	sne.s32 s11, $0xF;
	[dreg:$0x17] =	wrdreg s20  }
0x9: {  	s18 =	smul.u32 $0x27100, s4;
	s6 =	ssub.s32 $0x2, s4;
	[dreg:$0x12] =	wrdreg s16  }
0xa: {  	s4 =	sshll.u32 s4, $0x4;
	s24 =	sor.u32 $0x1C11, s10;
	[dreg:$0x13] =	wrdreg s2  }
0xb: {  	s8 =	sshrl.u32 s6, $0x1;
	s4 =	sor.u32 s11, s4;
	s7 =	sshrl.u32 s7, $0x2  }
0xc: {  	[dreg:$0x16] =	wrdreg s24;
	s0 =	sadd.s32 s18, s0;
	s9 =	smul.u32 $0x2710, s4  }
0xd: {  	s4 =	ssub.s32 s6, s8;
	s19 =	sadd.s32 s7, s1;
	s5 =	sadd.s32 s21, s18  }
0xe: {  	[dreg:$0x15] =	wrdreg s19;
	s4 =	smax.u32 s4, $0x1;
	s6 =	sshrl.u32 s9, $0x3  }
0xf: {  	s10 =	sadd.s32 $0x3C0, s5;
	[smem:$0x7FA] =	sst s4;
	s22 =	sadd.s32 s16, s6  }
0x10: {  	s7 =	sshrl.u32 s10, $0x3;
	s23 =	sadd.s32 s2, s6;
	[dreg:$0x18] =	wrdreg s22  }
0x11: {  	s15 =	sadd.s32 $0x370, s5;
	s14 =	sadd.s32 s7, s2;
	[dreg:$0x19] =	wrdreg s23  }
0x12: {  	s17 =	sshrl.u32 s15, $0x3;
	s7 =	sadd.s32 s7, s16;
	[dreg:$0x4] =	wrdreg s14  }
0x13: {  	s19 =	sadd.s32 $0x320, s5;
	s18 =	sadd.s32 s17, s2;
	[dreg:$0x5] =	wrdreg s7  }
0x14: {  	s25 =	sadd.s32 $0xA, s6;
	s20 =	sadd.s32 s17, s16;
	[dreg:$0x6] =	wrdreg s18  }
0x15: {  	s21 =	sshrl.u32 s19, $0x3;
	s26 =	sadd.s32 s16, s25;
	[dreg:$0x7] =	wrdreg s20  }
0x16: {  	s29 =	sadd.s32 $0x14, s6;
	s1 =	sadd.s32 s2, s25;
	[dreg:$0x1a] =	wrdreg s26  }
0x17: {  	s4 =	simm.s32 $0x0;
	s8 =	sadd.s32 s16, s29;
	[dreg:$0x1b] =	wrdreg s1  }
0x18: {  	s12 =	sadd.s32 s2, s29;
	s22 =	sadd.s32 s21, s2;
	[dreg:$0x1c] =	wrdreg s8  }
0x19: {  	s23 =	sadd.s32 $0x2D0, s5;
	s25 =	sadd.s32 s21, s16;
	[dreg:$0x1d] =	wrdreg s12  }
0x1a: {  	s18 =	sadd.s32 $0x190, s5;
	s8 =	sadd.s32 $0x1E, s6;
	[dreg:$0x8] =	wrdreg s22  }
0x1b: {  	s26 =	sshrl.u32 s23, $0x3;
	[dreg:$0x9] =	wrdreg s25;
	s22 =	sadd.s32 $0x18E00, s0  }
0x1c: {  	s1 =	sadd.s32 $0x230, s5;
	s13 =	sadd.s32 s16, s8;
	[smem:$0x7FC] =	sst s22  }
0x1d: {  	s6 =	sadd.s32 $0x28, s6;
	s29 =	sadd.s32 s26, s2;
	[dreg:$0x1e] =	wrdreg s13  }
0x1e: {  	s7 =	sshrl.u32 s18, $0x3;
	s9 =	sadd.s32 s26, s16;
	[dreg:$0xa] =	wrdreg s29  }
0x1f: {  	s23 =	smul.u32 $0x2700, s11;
	s8 =	sadd.s32 s2, s8;
	[dreg:$0xb] =	wrdreg s9  }
0x20: {  	s25 =	simm.s32 $0x11;
	s19 =	sadd.s32 s16, s6;
	[dreg:$0x1f] =	wrdreg s8  }
0x21: {  	s11 =	simm.s32 $0x13B80;
	s6 =	sadd.s32 s2, s6;
	[smem:$0x7F8] =	sst s19  }
0x22: {  	s10 =	sshrl.u32 s1, $0x3;
	s21 =	sadd.s32 s7, s2;
	[smem:$0x7F9] =	sst s6  }
0x23: {  	s26 =	sadd.s32 $0x280, s5;
	s12 =	sadd.s32 s10, s2;
	[dreg:$0x10] =	wrdreg s21  }
0x24: {  	s13 =	sadd.s32 $0x1E0, s5;
	s14 =	sadd.s32 s10, s16;
	[smem:$0x7FB] =	sst s26  }
0x25: {  	s29 =	sadd.s32 s7, s16;
	s0 =	sadd.s32 s23, s22;
	[dreg:$0xc] =	wrdreg s12  }
0x26: {  	s8 =	simm.s32 $0x5;
	s6 =	simm.s32 $0x13B00;
	[dreg:$0xd] =	wrdreg s14  }
0x27: {  	s22 =	simm.s32 $0x13C00;
	s15 =	sshrl.u32 s13, $0x3;
	[dreg:$0x11] =	wrdreg s29  }
0x28: {  	[smem:$0x7FD] =	sst s0;
	s13 =	simm.s32 $0x6;
	s17 =	sadd.s32 s15, s2  }
0x29: {  	s12 =	simm.s32 $0x7;
	s20 =	sadd.s32 s15, s16;
	[dreg:$0xe] =	wrdreg s17  }
0x2a: {  	s14 =	simm.s32 $0x2;
	s15 =	simm.s32 $0x8;
	[dreg:$0xf] =	wrdreg s20  }
.LBB2_1:
0x2b: {  	[smem:$0x7F5] =	sst s4  }
0x2c: {  	s0 =	rddreg [dreg:$0x15]  }
0x2d: {  	s21 =	sshrl.u32 s0, $0x3;
	s0 =	rddreg [dreg:$0x14]  }
0x2e: {  	[smem:$0x7F6] =	sst s21  }
0x2f: {  	[spmem:s21], [sflag:s24] =	dma.local [hbm:s0], $0x2700  }
0x30: {  	_ =	swait.ge [sflag:s25], $0x2700  }
0x31: {  	s9 =	rddreg [dreg:$0x17]  }
0x32: {  	[sflag:s25] =	ssyncset.done $0x0;
	s4 =	sshrl.u32 @!p0 s9, $0x3  }
0x33: {  	[sflag:s25] =	ssyncadd.s32 $0xFFFFD900;
	s9 =	simm.s32 @!p0 $0x11;
	[smem:$0x7F7] =	sst s4  }
0x34: {  	[spmem:s4], [sflag:s24] =	dma.local @!p0 [hbm:s0], $0x100  }
0x35: {  	_ =	swait.ge @!p0 [sflag:s9], $0x100  }
0x36: {  	[sflag:s9] =	ssyncset.done @!p0 $0x0  }
0x37: {  	[sflag:s9] =	ssyncadd.s32 @!p0 $0xFFFFFF00  }
0x38: {  	[bflag:$0x0] =	sbarrier.arrive $0xFFFF  }
0x39: {  	s23 =	rddreg [dreg:$0x18]  }
0x3a: {  	[tilespmem:s28], [sflag:$0x5] =	stream.linear.gather [hbm4b:s23+s3], $0x50, $0x38;
	[tilespmem:$0x1E080] =	vst v63  }
0x3b: {  	s1 =	simm.s32 $0x13880;
	s24 =	rddreg [dreg:$0x19]  }
0x3c: {  	[tilespmem:s1], [sflag:$0x5] =	stream.linear.gather [hbm4b:s24+s3], $0x50, $0x38;
	[tilespmem:$0x1E080] =	vst v63  }
0x3d: {  	_ =	swait.ge [sflag:s8], $0x50  }
0x3e: {  	[sflag:s8] =	ssyncset.done $0x0  }
0x3f: {  	[sflag:s8] =	ssyncadd.s32 $0xFFFFFFB0  }
0x40: {  	_ =	swait.ge [sflag:s8], $0x50  }
0x41: {  	[sflag:s8] =	ssyncset.done $0x0  }
0x42: {  	[sflag:s8] =	ssyncadd.s32 $0xFFFFFFB0  }
0x43: {  	s20 =	simm.s32 $0x13C80;
	s1 =	rddreg [dreg:$0x0]  }
0x44: {  	[tilespmem:s20], [sflag:$0x1] =	stream.indirect.gather [hbm4b:s1+s30], $0x80, s28, s30, $0xb8;
	[tilespmem:$0x1E080] =	vst v63  }
0x45: {  	s7 =	simm.s32 $0x1DD00;
	s25 =	rddreg [dreg:$0x1a]  }
0x46: {  	[tilespmem:s7], [sflag:$0x6] =	stream.linear.gather [hbm4b:s25+s3], $0x50, $0x38;
	[tilespmem:$0x1E080] =	vst v63  }
0x47: {  	s29 =	simm.s32 $0x13900;
	s26 =	rddreg [dreg:$0x1b]  }
0x48: {  	[tilespmem:s29], [sflag:$0x6] =	stream.linear.gather [hbm4b:s26+s3], $0x50, $0x38;
	[tilespmem:$0x1E080] =	vst v63  }
0x49: {  	_ =	swait.ge [sflag:s13], $0x50  }
0x4a: {  	[sflag:s13] =	ssyncset.done $0x0  }
0x4b: {  	[sflag:s13] =	ssyncadd.s32 $0xFFFFFFB0  }
0x4c: {  	_ =	swait.ge [sflag:s13], $0x50  }
0x4d: {  	[sflag:s13] =	ssyncset.done $0x0  }
0x4e: {  	[sflag:s13] =	ssyncadd.s32 $0xFFFFFFB0  }
0x4f: {  	[tilespmem:s31], [sflag:$0x2] =	stream.indirect.gather [hbm4b:s1+s30], $0x80, s7, s30, $0xb8;
	[tilespmem:$0x1E080] =	vst v63  }
0x50: {  	s10 =	simm.s32 $0x1DD80;
	s9 =	rddreg [dreg:$0x1c]  }
0x51: {  	[tilespmem:s10], [sflag:$0x7] =	stream.linear.gather [hbm4b:s9+s3], $0x50, $0x38;
	[tilespmem:$0x1E080] =	vst v63  }
0x52: {  	s19 =	simm.s32 $0x13980;
	s29 =	simm.s32 $0x1;
	s18 =	rddreg [dreg:$0x1d]  }
0x53: {  	[tilespmem:s19], [sflag:$0x7] =	stream.linear.gather [hbm4b:s18+s3], $0x50, $0x38;
	[tilespmem:$0x1E080] =	vst v63  }
0x54: {  	_ =	swait.ge [sflag:s29], $0x2800  }
0x55: {  	[sflag:s29] =	ssyncset.done $0x0  }
0x56: {  	[sflag:s29] =	ssyncadd.s32 $0xFFFFD800  }
0x57: {  	s5 =	simm.s32 $0x13880;
	s25 =	smov.u32 s2;
	s2 =	rddreg [dreg:$0x2]  }
0x58: {  	[spmem:s2] =	stream.indirect.scatter.add.f32 [tilespmem:s20], [sflag:$0xD], $0x80, s5, s30, $0xb8;
	[tilespmem:$0x1E080] =	vst v63  }
0x59: {  	_ =	swait.ge [sflag:s12], $0x50  }
0x5a: {  	[sflag:s12] =	ssyncset.done $0x0  }
0x5b: {  	[sflag:s12] =	ssyncadd.s32 $0xFFFFFFB0  }
0x5c: {  	_ =	swait.ge [sflag:s12], $0x50  }
0x5d: {  	[sflag:s12] =	ssyncset.done $0x0  }
0x5e: {  	s17 =	simm.s32 $0x1DD80;
	[sflag:s12] =	ssyncadd.s32 $0xFFFFFFB0;
	s12 =	simm.s32 $0x18C80  }
0x5f: {  	[tilespmem:s12], [sflag:$0x3] =	stream.indirect.gather [hbm4b:s1+s30], $0x80, s17, s30, $0xb8;
	[tilespmem:$0x1E080] =	vst v63  }
0x60: {  	s23 =	simm.s32 $0x1DE00;
	s21 =	rddreg [dreg:$0x1e]  }
0x61: {  	[tilespmem:s23], [sflag:$0x8] =	stream.linear.gather [hbm4b:s21+s3], $0x50, $0x38;
	[tilespmem:$0x1E080] =	vst v63  }
0x62: {  	s31 =	simm.s32 $0x13A00;
	s26 =	rddreg [dreg:$0x1f]  }
0x63: {  	[tilespmem:s31], [sflag:$0x8] =	stream.linear.gather [hbm4b:s26+s3], $0x50, $0x38;
	[tilespmem:$0x1E080] =	vst v63  }
0x64: {  	_ =	swait.ge [sflag:s14], $0x2800  }
0x65: {  	[sflag:s14] =	ssyncset.done $0x0  }
0x66: {  	s4 =	simm.s32 $0x13900;
	s23 =	simm.s32 $0x16480;
	[sflag:s14] =	ssyncadd.s32 $0xFFFFD800  }
0x67: {  	[spmem:s2] =	stream.indirect.scatter.add.f32 [tilespmem:s23], [sflag:$0xE], $0x80, s4, s30, $0xb8;
	[tilespmem:$0x1E080] =	vst v63  }
0x68: {  	_ =	swait.ge [sflag:s15], $0x50  }
0x69: {  	[sflag:s15] =	ssyncset.done $0x0  }
0x6a: {  	[sflag:s15] =	ssyncadd.s32 $0xFFFFFFB0  }
0x6b: {  	_ =	swait.ge [sflag:s15], $0x50  }
0x6c: {  	s24 =	simm.s32 $0x1DE00;
	[sflag:s15] =	ssyncset.done $0x0  }
0x6d: {  	s14 =	simm.s32 $0x1B480;
	s4 =	sld [smem:$0x7F8];
	[sflag:s15] =	ssyncadd.s32 $0xFFFFFFB0  }
0x6e: {  	[tilespmem:s14], [sflag:$0x4] =	stream.indirect.gather [hbm4b:s1+s30], $0x80, s24, s30, $0xb8;
	[tilespmem:$0x1E080] =	vst v63  }
0x6f: {  	s7 =	simm.s32 $0x1DE80;
	s17 =	sld [smem:$0x7F9]  }
0x70: {  	[tilespmem:s7], [sflag:$0x9] =	stream.linear.gather [hbm4b:s4+s3], $0x50, $0x38;
	[tilespmem:$0x1E080] =	vst v63  }
0x71: {  	s19 =	simm.s32 $0x13A80  }
0x72: {  	[tilespmem:s19], [sflag:$0x9] =	stream.linear.gather [hbm4b:s17+s3], $0x50, $0x38;
	[tilespmem:$0x1E080] =	vst v63  }
0x73: {  	s19 =	simm.s32 $0x3  }
0x74: {  	_ =	swait.ge [sflag:s19], $0x2800  }
0x75: {  	[sflag:s19] =	ssyncset.done $0x0  }
0x76: {  	s9 =	simm.s32 $0x13980;
	s4 =	simm.s32 $0xD;
	[sflag:s19] =	ssyncadd.s32 $0xFFFFD800  }
0x77: {  	[spmem:s2] =	stream.indirect.scatter.add.f32 [tilespmem:s12], [sflag:$0xF], $0x80, s9, s30, $0xb8;
	[tilespmem:$0x1E080] =	vst v63  }
0x78: {  	_ =	swait.ge [sflag:s4], $0x2800  }
0x79: {  	[sflag:s4] =	ssyncset.done $0x0  }
0x7a: {  	s24 =	simm.s32 $0x9;
	[sflag:s4] =	ssyncadd.s32 $0xFFFFD800  }
0x7b: {  	_ =	swait.ge [sflag:s24], $0x50  }
0x7c: {  	[sflag:s24] =	ssyncset.done $0x0  }
0x7d: {  	[sflag:s24] =	ssyncadd.s32 $0xFFFFFFB0  }
0x7e: {  	_ =	swait.ge [sflag:s24], $0x50  }
0x7f: {  	[sflag:s24] =	ssyncset.done $0x0  }
0x80: {  	s15 =	simm.s32 $0x1DE80;
	s26 =	rddreg [dreg:$0x11];
	[sflag:s24] =	ssyncadd.s32 $0xFFFFFFB0  }
0x81: {  	[tilespmem:s20], [sflag:$0x1] =	stream.indirect.gather [hbm4b:s1+s30], $0x80, s15, s30, $0xb8;
	[tilespmem:$0x1E080] =	vst v63  }
0x82: {  	s0 =	simm.s32 $0x1DF00;
	s31 =	rddreg [dreg:$0x10];
	s9 =	sadd.s32 $0x0, s26  }
0x83: {  	[tilespmem:s0], [sflag:$0xA] =	stream.linear.gather [hbm4b:s9+s3], $0x50, $0x38;
	[tilespmem:$0x1E080] =	vst v63  }
0x84: {  	s15 =	sadd.s32 $0x0, s31  }
0x85: {  	[tilespmem:s6], [sflag:$0xA] =	stream.linear.gather [hbm4b:s15+s3], $0x50, $0x38;
	[tilespmem:$0x1E080] =	vst v63  }
0x86: {  	s6 =	simm.s32 $0x4  }
0x87: {  	_ =	swait.ge [sflag:s6], $0x2800  }
0x88: {  	[sflag:s6] =	ssyncset.done $0x0  }
0x89: {  	s18 =	simm.s32 $0x13A00;
	s26 =	simm.s32 $0xE;
	[sflag:s6] =	ssyncadd.s32 $0xFFFFD800  }
0x8a: {  	[spmem:s2] =	stream.indirect.scatter.add.f32 [tilespmem:s14], [sflag:$0x10], $0x80, s18, s30, $0xb8;
	[tilespmem:$0x1E080] =	vst v63  }
0x8b: {  	_ =	swait.ge [sflag:s26], $0x2800  }
0x8c: {  	[sflag:s26] =	ssyncset.done $0x0  }
0x8d: {  	s24 =	simm.s32 $0xA;
	[sflag:s26] =	ssyncadd.s32 $0xFFFFD800  }
0x8e: {  	_ =	swait.ge [sflag:s24], $0x50  }
0x8f: {  	[sflag:s24] =	ssyncset.done $0x0  }
0x90: {  	[sflag:s24] =	ssyncadd.s32 $0xFFFFFFB0  }
0x91: {  	_ =	swait.ge [sflag:s24], $0x50  }
0x92: {  	[sflag:s24] =	ssyncset.done $0x0  }
0x93: {  	s31 =	rddreg [dreg:$0xf];
	[sflag:s24] =	ssyncadd.s32 $0xFFFFFFB0  }
0x94: {  	[tilespmem:s23], [sflag:$0x2] =	stream.indirect.gather [hbm4b:s1+s30], $0x80, s0, s30, $0xb8;
	[tilespmem:$0x1E080] =	vst v63  }
0x95: {  	s7 =	rddreg [dreg:$0xe];
	s9 =	sadd.s32 $0x0, s31;
	s0 =	simm.s32 $0x1DF80  }
0x96: {  	[tilespmem:s0], [sflag:$0xB] =	stream.linear.gather [hbm4b:s9+s3], $0x50, $0x38;
	[tilespmem:$0x1E080] =	vst v63  }
0x97: {  	s18 =	sadd.s32 $0x0, s7  }
0x98: {  	[tilespmem:s11], [sflag:$0xB] =	stream.linear.gather [hbm4b:s18+s3], $0x50, $0x38;
	[tilespmem:$0x1E080] =	vst v63  }
0x99: {  	_ =	swait.ge [sflag:s29], $0x2800  }
0x9a: {  	[sflag:s29] =	ssyncset.done $0x0  }
0x9b: {  	s17 =	simm.s32 $0x13A80;
	s11 =	simm.s32 $0xF;
	[sflag:s29] =	ssyncadd.s32 $0xFFFFD800  }
0x9c: {  	[spmem:s2] =	stream.indirect.scatter.add.f32 [tilespmem:s20], [sflag:$0xD], $0x80, s17, s30, $0xb8;
	[tilespmem:$0x1E080] =	vst v63  }
0x9d: {  	_ =	swait.ge [sflag:s11], $0x2800  }
0x9e: {  	[sflag:s11] =	ssyncset.done $0x0  }
0x9f: {  	s17 =	simm.s32 $0xB;
	[sflag:s11] =	ssyncadd.s32 $0xFFFFD800  }
0xa0: {  	_ =	swait.ge [sflag:s17], $0x50  }
0xa1: {  	[sflag:s17] =	ssyncset.done $0x0  }
0xa2: {  	[sflag:s17] =	ssyncadd.s32 $0xFFFFFFB0  }
0xa3: {  	_ =	swait.ge [sflag:s17], $0x50  }
0xa4: {  	[sflag:s17] =	ssyncset.done $0x0  }
0xa5: {  	s24 =	rddreg [dreg:$0xd];
	[sflag:s17] =	ssyncadd.s32 $0xFFFFFFB0  }
0xa6: {  	[tilespmem:s12], [sflag:$0x3] =	stream.indirect.gather [hbm4b:s1+s30], $0x80, s0, s30, $0xb8;
	[tilespmem:$0x1E080] =	vst v63  }
0xa7: {  	s18 =	simm.s32 $0x1E000;
	s31 =	rddreg [dreg:$0xc];
	s9 =	sadd.s32 $0x0, s24  }
0xa8: {  	[tilespmem:s18], [sflag:$0xC] =	stream.linear.gather [hbm4b:s9+s3], $0x50, $0x38;
	[tilespmem:$0x1E080] =	vst v63  }
0xa9: {  	s21 =	simm.s32 $0x2;
	s0 =	sadd.s32 $0x0, s31  }
0xaa: {  	[tilespmem:s22], [sflag:$0xC] =	stream.linear.gather [hbm4b:s0+s3], $0x50, $0x38;
	[tilespmem:$0x1E080] =	vst v63  }
0xab: {  	_ =	swait.ge [sflag:s21], $0x2800  }
0xac: {  	[sflag:s21] =	ssyncset.done $0x0  }
0xad: {  	s15 =	simm.s32 $0x13B00;
	s22 =	simm.s32 $0x10;
	[sflag:s21] =	ssyncadd.s32 $0xFFFFD800  }
0xae: {  	[spmem:s2] =	stream.indirect.scatter.add.f32 [tilespmem:s23], [sflag:$0xE], $0x80, s15, s30, $0xb8;
	[tilespmem:$0x1E080] =	vst v63  }
0xaf: {  	_ =	swait.ge [sflag:s22], $0x2800  }
0xb0: {  	[sflag:s22] =	ssyncset.done $0x0  }
0xb1: {  	s15 =	simm.s32 $0xC;
	[sflag:s22] =	ssyncadd.s32 $0xFFFFD800  }
0xb2: {  	_ =	swait.ge [sflag:s15], $0x50  }
0xb3: {  	[sflag:s15] =	ssyncset.done $0x0  }
0xb4: {  	[sflag:s15] =	ssyncadd.s32 $0xFFFFFFB0  }
0xb5: {  	_ =	swait.ge [sflag:s15], $0x50  }
0xb6: {  	[sflag:s15] =	ssyncset.done $0x0;
	s0 =	sld [smem:$0x7FB]  }
0xb7: {  	[sflag:s15] =	ssyncadd.s32 $0xFFFFFFB0  }
0xb8: {  	[tilespmem:s14], [sflag:$0x4] =	stream.indirect.gather [hbm4b:s1+s30], $0x80, s18, s30, $0xb8;
	[tilespmem:$0x1E080] =	vst v63  }
0xb9: {  	s10 =	smov.u32 s16;
	s9 =	sshrl.u32 s0, $0x3  }
0xba: {  	s18 =	sadd.s32 s10, s9  }
0xbb: {  	[tilespmem:s28], [sflag:$0x5] =	stream.linear.gather [hbm4b:s18+s3], $0x50, $0x38;
	[tilespmem:$0x1E080] =	vst v63  }
0xbc: {  	s9 =	sadd.s32 s25, s9;
	s10 =	simm.s32 $0x13880  }
0xbd: {  	[tilespmem:s10], [sflag:$0x5] =	stream.linear.gather [hbm4b:s9+s3], $0x50, $0x38;
	[tilespmem:$0x1E080] =	vst v63  }
0xbe: {  	_ =	swait.ge [sflag:s19], $0x2800  }
0xbf: {  	[sflag:s19] =	ssyncset.done $0x0  }
0xc0: {  	s7 =	simm.s32 $0x13B80;
	[sflag:s19] =	ssyncadd.s32 $0xFFFFD800  }
0xc1: {  	[spmem:s2] =	stream.indirect.scatter.add.f32 [tilespmem:s12], [sflag:$0xF], $0x80, s7, s30, $0xb8;
	[tilespmem:$0x1E080] =	vst v63  }
0xc2: {  	_ =	swait.ge [sflag:s4], $0x2800  }
0xc3: {  	[sflag:s4] =	ssyncset.done $0x0  }
0xc4: {  	[sflag:s4] =	ssyncadd.s32 $0xFFFFD800  }
0xc5: {  	_ =	swait.ge [sflag:s8], $0x50  }
0xc6: {  	[sflag:s8] =	ssyncset.done $0x0  }
0xc7: {  	[sflag:s8] =	ssyncadd.s32 $0xFFFFFFB0  }
0xc8: {  	_ =	swait.ge [sflag:s8], $0x50  }
0xc9: {  	[sflag:s8] =	ssyncset.done $0x0  }
0xca: {  	s7 =	rddreg [dreg:$0xb];
	[sflag:s8] =	ssyncadd.s32 $0xFFFFFFB0  }
0xcb: {  	[tilespmem:s20], [sflag:$0x1] =	stream.indirect.gather [hbm4b:s1+s30], $0x80, s28, s30, $0xb8;
	[tilespmem:$0x1E080] =	vst v63  }
0xcc: {  	s18 =	simm.s32 $0x1DD00;
	s8 =	rddreg [dreg:$0xa];
	s9 =	sadd.s32 $0x0, s7  }
0xcd: {  	[tilespmem:s18], [sflag:$0x6] =	stream.linear.gather [hbm4b:s9+s3], $0x50, $0x38;
	[tilespmem:$0x1E080] =	vst v63  }
0xce: {  	s25 =	simm.s32 $0x13900;
	s24 =	sadd.s32 $0x0, s8  }
0xcf: {  	[tilespmem:s25], [sflag:$0x6] =	stream.linear.gather [hbm4b:s24+s3], $0x50, $0x38;
	[tilespmem:$0x1E080] =	vst v63  }
0xd0: {  	_ =	swait.ge [sflag:s6], $0x2800  }
0xd1: {  	[sflag:s6] =	ssyncset.done $0x0  }
0xd2: {  	s31 =	simm.s32 $0x13C00;
	[sflag:s6] =	ssyncadd.s32 $0xFFFFD800  }
0xd3: {  	[spmem:s2] =	stream.indirect.scatter.add.f32 [tilespmem:s14], [sflag:$0x10], $0x80, s31, s30, $0xb8;
	[tilespmem:$0x1E080] =	vst v63  }
0xd4: {  	_ =	swait.ge [sflag:s26], $0x2800  }
0xd5: {  	[sflag:s26] =	ssyncset.done $0x0  }
0xd6: {  	[sflag:s26] =	ssyncadd.s32 $0xFFFFD800  }
0xd7: {  	_ =	swait.ge [sflag:s13], $0x50  }
0xd8: {  	[sflag:s13] =	ssyncset.done $0x0  }
0xd9: {  	[sflag:s13] =	ssyncadd.s32 $0xFFFFFFB0  }
0xda: {  	_ =	swait.ge [sflag:s13], $0x50  }
0xdb: {  	[sflag:s13] =	ssyncset.done $0x0  }
0xdc: {  	s26 =	rddreg [dreg:$0x9];
	[sflag:s13] =	ssyncadd.s32 $0xFFFFFFB0  }
0xdd: {  	[tilespmem:s23], [sflag:$0x2] =	stream.indirect.gather [hbm4b:s1+s30], $0x80, s18, s30, $0xb8;
	[tilespmem:$0x1E080] =	vst v63  }
0xde: {  	s31 =	simm.s32 $0x1DD80;
	s28 =	rddreg [dreg:$0x8];
	s9 =	sadd.s32 $0x0, s26  }
0xdf: {  	[tilespmem:s31], [sflag:$0x7] =	stream.linear.gather [hbm4b:s9+s3], $0x50, $0x38;
	[tilespmem:$0x1E080] =	vst v63  }
0xe0: {  	s8 =	simm.s32 $0x13980;
	s6 =	sadd.s32 $0x0, s28  }
0xe1: {  	[tilespmem:s8], [sflag:$0x7] =	stream.linear.gather [hbm4b:s6+s3], $0x50, $0x38;
	[tilespmem:$0x1E080] =	vst v63  }
0xe2: {  	_ =	swait.ge [sflag:s29], $0x2800  }
0xe3: {  	[sflag:s29] =	ssyncset.done $0x0  }
0xe4: {  	[sflag:s29] =	ssyncadd.s32 $0xFFFFD800  }
0xe5: {  	[spmem:s2] =	stream.indirect.scatter.add.f32 [tilespmem:s20], [sflag:$0xD], $0x80, s10, s30, $0xb8;
	[tilespmem:$0x1E080] =	vst v63  }
0xe6: {  	_ =	swait.ge [sflag:s11], $0x2800  }
0xe7: {  	[sflag:s11] =	ssyncset.done $0x0  }
0xe8: {  	s16 =	simm.s32 $0x7;
	[sflag:s11] =	ssyncadd.s32 $0xFFFFD800  }
0xe9: {  	_ =	swait.ge [sflag:s16], $0x50  }
0xea: {  	[sflag:s16] =	ssyncset.done $0x0  }
0xeb: {  	[sflag:s16] =	ssyncadd.s32 $0xFFFFFFB0  }
0xec: {  	_ =	swait.ge [sflag:s16], $0x50  }
0xed: {  	[sflag:s16] =	ssyncset.done $0x0  }
0xee: {  	s13 =	rddreg [dreg:$0x7];
	[sflag:s16] =	ssyncadd.s32 $0xFFFFFFB0  }
0xef: {  	[tilespmem:s12], [sflag:$0x3] =	stream.indirect.gather [hbm4b:s1+s30], $0x80, s31, s30, $0xb8;
	[tilespmem:$0x1E080] =	vst v63  }
0xf0: {  	s18 =	simm.s32 $0x1DE00;
	s16 =	rddreg [dreg:$0x6];
	s9 =	sadd.s32 $0x0, s13  }
0xf1: {  	[tilespmem:s18], [sflag:$0x8] =	stream.linear.gather [hbm4b:s9+s3], $0x50, $0x38;
	[tilespmem:$0x1E080] =	vst v63  }
0xf2: {  	s23 =	simm.s32 $0x13A00;
	s20 =	sadd.s32 $0x0, s16  }
0xf3: {  	[tilespmem:s23], [sflag:$0x8] =	stream.linear.gather [hbm4b:s20+s3], $0x50, $0x38;
	[tilespmem:$0x1E080] =	vst v63  }
0xf4: {  	_ =	swait.ge [sflag:s21], $0x2800  }
0xf5: {  	[sflag:s21] =	ssyncset.done $0x0  }
0xf6: {  	s24 =	simm.s32 $0x16480;
	[sflag:s21] =	ssyncadd.s32 $0xFFFFD800  }
0xf7: {  	[spmem:s2] =	stream.indirect.scatter.add.f32 [tilespmem:s24], [sflag:$0xE], $0x80, s25, s30, $0xb8;
	[tilespmem:$0x1E080] =	vst v63  }
0xf8: {  	_ =	swait.ge [sflag:s22], $0x2800  }
0xf9: {  	[sflag:s22] =	ssyncset.done $0x0  }
0xfa: {  	s5 =	simm.s32 $0x8;
	[sflag:s22] =	ssyncadd.s32 $0xFFFFD800  }
0xfb: {  	_ =	swait.ge [sflag:s5], $0x50  }
0xfc: {  	[sflag:s5] =	ssyncset.done $0x0  }
0xfd: {  	[sflag:s5] =	ssyncadd.s32 $0xFFFFFFB0  }
0xfe: {  	_ =	swait.ge [sflag:s5], $0x50  }
0xff: {  	[sflag:s5] =	ssyncset.done $0x0  }
0x100: {  	s25 =	rddreg [dreg:$0x5];
	[sflag:s5] =	ssyncadd.s32 $0xFFFFFFB0  }
0x101: {  	[tilespmem:s14], [sflag:$0x4] =	stream.indirect.gather [hbm4b:s1+s30], $0x80, s18, s30, $0xb8;
	[tilespmem:$0x1E080] =	vst v63  }
0x102: {  	s28 =	simm.s32 $0x1DE80;
	s26 =	rddreg [dreg:$0x4];
	s9 =	sadd.s32 $0x0, s25  }
0x103: {  	[tilespmem:s28], [sflag:$0x9] =	stream.linear.gather [hbm4b:s9+s3], $0x50, $0x38;
	[tilespmem:$0x1E080] =	vst v63  }
0x104: {  	s31 =	simm.s32 $0x13A80;
	s29 =	sadd.s32 $0x0, s26  }
0x105: {  	[tilespmem:s31], [sflag:$0x9] =	stream.linear.gather [hbm4b:s29+s3], $0x50, $0x38;
	[tilespmem:$0x1E080] =	vst v63  }
0x106: {  	_ =	swait.ge [sflag:s19], $0x2800  }
0x107: {  	s8 =	simm.s32 $0x5;
	s13 =	simm.s32 $0x6;
	[sflag:s19] =	ssyncset.done $0x0  }
0x108: {  	s24 =	sadd.s32 $0x280, s0;
	s25 =	simm.s32 $0x50;
	[sflag:s19] =	ssyncadd.s32 $0xFFFFD800  }
.LBB2_2:
0x109: {  	s12 =	simm.s32 $0x13980  }
0x10a: {  	s20 =	simm.s32 $0x18C80;
	s18 =	rddreg [dreg:$0x2];
	s4 =	simm.s32 $0xD  }
0x10b: {  	[spmem:s18] =	stream.indirect.scatter.add.f32 [tilespmem:s20], [sflag:$0xF], $0x80, s12, s30, $0xb8;
	[tilespmem:$0x1E080] =	vst v63  }
0x10c: {  	_ =	swait.ge [sflag:s4], $0x2800  }
0x10d: {  	[sflag:s4] =	ssyncset.done $0x0  }
0x10e: {  	s0 =	simm.s32 $0x9;
	[sflag:s4] =	ssyncadd.s32 $0xFFFFD800  }
0x10f: {  	_ =	swait.ge [sflag:s0], $0x50  }
0x110: {  	[sflag:s0] =	ssyncset.done $0x0  }
0x111: {  	[sflag:s0] =	ssyncadd.s32 $0xFFFFFFB0  }
0x112: {  	_ =	swait.ge [sflag:s0], $0x50  }
0x113: {  	[sflag:s0] =	ssyncset.done $0x0  }
0x114: {  	s9 =	smov.u32 s25;
	s28 =	rddreg [dreg:$0x11];
	[sflag:s0] =	ssyncadd.s32 $0xFFFFFFB0  }
0x115: {  	s10 =	simm.s32 $0x13C80;
	s1 =	simm.s32 $0x1DE80;
	s2 =	rddreg [dreg:$0x0]  }
0x116: {  	[tilespmem:s10], [sflag:$0x1] =	stream.indirect.gather [hbm4b:s2+s30], $0x80, s1, s30, $0xb8;
	[tilespmem:$0x1E080] =	vst v63  }
0x117: {  	s21 =	simm.s32 $0x1DF00;
	s19 =	rddreg [dreg:$0x10];
	s28 =	sadd.s32 s9, s28  }
0x118: {  	[tilespmem:s21], [sflag:$0xA] =	stream.linear.gather [hbm4b:s28+s3], $0x50, $0x38;
	[tilespmem:$0x1E080] =	vst v63  }
0x119: {  	s6 =	simm.s32 $0x4;
	s0 =	sadd.s32 s9, s19;
	s19 =	simm.s32 $0x13B00  }
0x11a: {  	[tilespmem:s19], [sflag:$0xA] =	stream.linear.gather [hbm4b:s0+s3], $0x50, $0x38;
	[tilespmem:$0x1E080] =	vst v63  }
0x11b: {  	_ =	swait.ge [sflag:s6], $0x2800  }
0x11c: {  	s31 =	simm.s32 $0x13A00;
	[sflag:s6] =	ssyncset.done $0x0  }
0x11d: {  	s14 =	simm.s32 $0x1B480;
	s26 =	simm.s32 $0xE;
	[sflag:s6] =	ssyncadd.s32 $0xFFFFD800  }
0x11e: {  	[spmem:s18] =	stream.indirect.scatter.add.f32 [tilespmem:s14], [sflag:$0x10], $0x80, s31, s30, $0xb8;
	[tilespmem:$0x1E080] =	vst v63  }
0x11f: {  	_ =	swait.ge [sflag:s26], $0x2800  }
0x120: {  	[sflag:s26] =	ssyncset.done $0x0  }
0x121: {  	s5 =	simm.s32 $0xA;
	[sflag:s26] =	ssyncadd.s32 $0xFFFFD800  }
0x122: {  	_ =	swait.ge [sflag:s5], $0x50  }
0x123: {  	[sflag:s5] =	ssyncset.done $0x0  }
0x124: {  	[sflag:s5] =	ssyncadd.s32 $0xFFFFFFB0  }
0x125: {  	_ =	swait.ge [sflag:s5], $0x50  }
0x126: {  	[sflag:s5] =	ssyncset.done $0x0  }
0x127: {  	s16 =	simm.s32 $0x16480;
	s22 =	rddreg [dreg:$0xf];
	[sflag:s5] =	ssyncadd.s32 $0xFFFFFFB0  }
0x128: {  	[tilespmem:s16], [sflag:$0x2] =	stream.indirect.gather [hbm4b:s2+s30], $0x80, s21, s30, $0xb8;
	[tilespmem:$0x1E080] =	vst v63  }
0x129: {  	s23 =	rddreg [dreg:$0xe];
	s0 =	sadd.s32 s9, s22;
	s5 =	simm.s32 $0x1DF80  }
0x12a: {  	[tilespmem:s5], [sflag:$0xB] =	stream.linear.gather [hbm4b:s0+s3], $0x50, $0x38;
	[tilespmem:$0x1E080] =	vst v63  }
0x12b: {  	s7 =	simm.s32 $0x13B80;
	s29 =	simm.s32 $0x1;
	s11 =	sadd.s32 s9, s23  }
0x12c: {  	[tilespmem:s7], [sflag:$0xB] =	stream.linear.gather [hbm4b:s11+s3], $0x50, $0x38;
	[tilespmem:$0x1E080] =	vst v63  }
0x12d: {  	_ =	swait.ge [sflag:s29], $0x2800  }
0x12e: {  	[sflag:s29] =	ssyncset.done $0x0  }
0x12f: {  	s21 =	simm.s32 $0x13A80;
	s11 =	simm.s32 $0xF;
	[sflag:s29] =	ssyncadd.s32 $0xFFFFD800  }
0x130: {  	[spmem:s18] =	stream.indirect.scatter.add.f32 [tilespmem:s10], [sflag:$0xD], $0x80, s21, s30, $0xb8;
	[tilespmem:$0x1E080] =	vst v63  }
0x131: {  	_ =	swait.ge [sflag:s11], $0x2800  }
0x132: {  	[sflag:s11] =	ssyncset.done $0x0  }
0x133: {  	[sflag:s11] =	ssyncadd.s32 $0xFFFFD800  }
0x134: {  	_ =	swait.ge [sflag:s17], $0x50  }
0x135: {  	[sflag:s17] =	ssyncset.done $0x0  }
0x136: {  	[sflag:s17] =	ssyncadd.s32 $0xFFFFFFB0  }
0x137: {  	_ =	swait.ge [sflag:s17], $0x50  }
0x138: {  	[sflag:s17] =	ssyncset.done $0x0  }
0x139: {  	s22 =	rddreg [dreg:$0xd];
	[sflag:s17] =	ssyncadd.s32 $0xFFFFFFB0  }
0x13a: {  	[tilespmem:s20], [sflag:$0x3] =	stream.indirect.gather [hbm4b:s2+s30], $0x80, s5, s30, $0xb8;
	[tilespmem:$0x1E080] =	vst v63  }
0x13b: {  	s23 =	rddreg [dreg:$0xc];
	s0 =	sadd.s32 s9, s22;
	s5 =	simm.s32 $0x1E000  }
0x13c: {  	[tilespmem:s5], [sflag:$0xC] =	stream.linear.gather [hbm4b:s0+s3], $0x50, $0x38;
	[tilespmem:$0x1E080] =	vst v63  }
0x13d: {  	s21 =	simm.s32 $0x2;
	s22 =	sadd.s32 s9, s23;
	s23 =	simm.s32 $0x13C00  }
0x13e: {  	[tilespmem:s23], [sflag:$0xC] =	stream.linear.gather [hbm4b:s22+s3], $0x50, $0x38;
	[tilespmem:$0x1E080] =	vst v63  }
0x13f: {  	_ =	swait.ge [sflag:s21], $0x2800  }
0x140: {  	[sflag:s21] =	ssyncset.done $0x0  }
0x141: {  	s22 =	simm.s32 $0x10;
	[sflag:s21] =	ssyncadd.s32 $0xFFFFD800  }
0x142: {  	[spmem:s18] =	stream.indirect.scatter.add.f32 [tilespmem:s16], [sflag:$0xE], $0x80, s19, s30, $0xb8;
	[tilespmem:$0x1E080] =	vst v63  }
0x143: {  	_ =	swait.ge [sflag:s22], $0x2800  }
0x144: {  	[sflag:s22] =	ssyncset.done $0x0  }
0x145: {  	[sflag:s22] =	ssyncadd.s32 $0xFFFFD800  }
0x146: {  	_ =	swait.ge [sflag:s15], $0x50  }
0x147: {  	[sflag:s15] =	ssyncset.done $0x0  }
0x148: {  	[sflag:s15] =	ssyncadd.s32 $0xFFFFFFB0  }
0x149: {  	_ =	swait.ge [sflag:s15], $0x50  }
0x14a: {  	[sflag:s15] =	ssyncset.done $0x0  }
0x14b: {  	s0 =	sshrl.u32 s24, $0x3;
	s28 =	rddreg [dreg:$0x12];
	[sflag:s15] =	ssyncadd.s32 $0xFFFFFFB0  }
0x14c: {  	[tilespmem:s14], [sflag:$0x4] =	stream.indirect.gather [hbm4b:s2+s30], $0x80, s5, s30, $0xb8;
	[tilespmem:$0x1E080] =	vst v63  }
0x14d: {  	s19 =	simm.s32 $0x1DC80;
	s5 =	sadd.s32 s28, s0;
	s28 =	rddreg [dreg:$0x13]  }
0x14e: {  	[tilespmem:s19], [sflag:$0x5] =	stream.linear.gather [hbm4b:s5+s3], $0x50, $0x38;
	[tilespmem:$0x1E080] =	vst v63  }
0x14f: {  	s1 =	simm.s32 $0x13880;
	s0 =	sadd.s32 s28, s0;
	s5 =	simm.s32 $0x3  }
0x150: {  	[tilespmem:s1], [sflag:$0x5] =	stream.linear.gather [hbm4b:s0+s3], $0x50, $0x38;
	[tilespmem:$0x1E080] =	vst v63  }
0x151: {  	_ =	swait.ge [sflag:s5], $0x2800  }
0x152: {  	[sflag:s5] =	ssyncset.done $0x0  }
0x153: {  	[sflag:s5] =	ssyncadd.s32 $0xFFFFD800  }
0x154: {  	[spmem:s18] =	stream.indirect.scatter.add.f32 [tilespmem:s20], [sflag:$0xF], $0x80, s7, s30, $0xb8;
	[tilespmem:$0x1E080] =	vst v63  }
0x155: {  	_ =	swait.ge [sflag:s4], $0x2800  }
0x156: {  	[sflag:s4] =	ssyncset.done $0x0  }
0x157: {  	[sflag:s4] =	ssyncadd.s32 $0xFFFFD800  }
0x158: {  	_ =	swait.ge [sflag:s8], $0x50  }
0x159: {  	[sflag:s8] =	ssyncset.done $0x0  }
0x15a: {  	[sflag:s8] =	ssyncadd.s32 $0xFFFFFFB0  }
0x15b: {  	_ =	swait.ge [sflag:s8], $0x50  }
0x15c: {  	[sflag:s8] =	ssyncset.done $0x0  }
0x15d: {  	s4 =	rddreg [dreg:$0xb];
	[sflag:s8] =	ssyncadd.s32 $0xFFFFFFB0  }
0x15e: {  	[tilespmem:s10], [sflag:$0x1] =	stream.indirect.gather [hbm4b:s2+s30], $0x80, s19, s30, $0xb8;
	[tilespmem:$0x1E080] =	vst v63  }
0x15f: {  	s7 =	rddreg [dreg:$0xa];
	s0 =	sadd.s32 s9, s4;
	s4 =	simm.s32 $0x1DD00  }
0x160: {  	[tilespmem:s4], [sflag:$0x6] =	stream.linear.gather [hbm4b:s0+s3], $0x50, $0x38;
	[tilespmem:$0x1E080] =	vst v63  }
0x161: {  	s28 =	sadd.s32 s9, s7;
	s19 =	simm.s32 $0x13900  }
0x162: {  	[tilespmem:s19], [sflag:$0x6] =	stream.linear.gather [hbm4b:s28+s3], $0x50, $0x38;
	[tilespmem:$0x1E080] =	vst v63  }
0x163: {  	_ =	swait.ge [sflag:s6], $0x2800  }
0x164: {  	[sflag:s6] =	ssyncset.done $0x0  }
0x165: {  	[sflag:s6] =	ssyncadd.s32 $0xFFFFD800  }
0x166: {  	[spmem:s18] =	stream.indirect.scatter.add.f32 [tilespmem:s14], [sflag:$0x10], $0x80, s23, s30, $0xb8;
	[tilespmem:$0x1E080] =	vst v63  }
0x167: {  	_ =	swait.ge [sflag:s26], $0x2800  }
0x168: {  	[sflag:s26] =	ssyncset.done $0x0  }
0x169: {  	[sflag:s26] =	ssyncadd.s32 $0xFFFFD800  }
0x16a: {  	_ =	swait.ge [sflag:s13], $0x50  }
0x16b: {  	[sflag:s13] =	ssyncset.done $0x0  }
0x16c: {  	[sflag:s13] =	ssyncadd.s32 $0xFFFFFFB0  }
0x16d: {  	_ =	swait.ge [sflag:s13], $0x50  }
0x16e: {  	[sflag:s13] =	ssyncset.done $0x0  }
0x16f: {  	s7 =	rddreg [dreg:$0x9];
	[sflag:s13] =	ssyncadd.s32 $0xFFFFFFB0  }
0x170: {  	[tilespmem:s16], [sflag:$0x2] =	stream.indirect.gather [hbm4b:s2+s30], $0x80, s4, s30, $0xb8;
	[tilespmem:$0x1E080] =	vst v63  }
0x171: {  	s26 =	simm.s32 $0x1DD80;
	s23 =	rddreg [dreg:$0x8];
	s0 =	sadd.s32 s9, s7  }
0x172: {  	[tilespmem:s26], [sflag:$0x7] =	stream.linear.gather [hbm4b:s0+s3], $0x50, $0x38;
	[tilespmem:$0x1E080] =	vst v63  }
0x173: {  	s28 =	sadd.s32 s9, s23  }
0x174: {  	[tilespmem:s12], [sflag:$0x7] =	stream.linear.gather [hbm4b:s28+s3], $0x50, $0x38;
	[tilespmem:$0x1E080] =	vst v63  }
0x175: {  	_ =	swait.ge [sflag:s29], $0x2800  }
0x176: {  	[sflag:s29] =	ssyncset.done $0x0  }
0x177: {  	[sflag:s29] =	ssyncadd.s32 $0xFFFFD800  }
0x178: {  	[spmem:s18] =	stream.indirect.scatter.add.f32 [tilespmem:s10], [sflag:$0xD], $0x80, s1, s30, $0xb8;
	[tilespmem:$0x1E080] =	vst v63  }
0x179: {  	_ =	swait.ge [sflag:s11], $0x2800  }
0x17a: {  	[sflag:s11] =	ssyncset.done $0x0  }
0x17b: {  	s0 =	simm.s32 $0x7;
	[sflag:s11] =	ssyncadd.s32 $0xFFFFD800  }
0x17c: {  	_ =	swait.ge [sflag:s0], $0x50  }
0x17d: {  	[sflag:s0] =	ssyncset.done $0x0  }
0x17e: {  	[sflag:s0] =	ssyncadd.s32 $0xFFFFFFB0  }
0x17f: {  	_ =	swait.ge [sflag:s0], $0x50  }
0x180: {  	[sflag:s0] =	ssyncset.done $0x0  }
0x181: {  	s6 =	rddreg [dreg:$0x7];
	[sflag:s0] =	ssyncadd.s32 $0xFFFFFFB0  }
0x182: {  	[tilespmem:s20], [sflag:$0x3] =	stream.indirect.gather [hbm4b:s2+s30], $0x80, s26, s30, $0xb8;
	[tilespmem:$0x1E080] =	vst v63  }
0x183: {  	s10 =	simm.s32 $0x1DE00;
	s7 =	rddreg [dreg:$0x6];
	s0 =	sadd.s32 s9, s6  }
0x184: {  	[tilespmem:s10], [sflag:$0x8] =	stream.linear.gather [hbm4b:s0+s3], $0x50, $0x38;
	[tilespmem:$0x1E080] =	vst v63  }
0x185: {  	s11 =	sadd.s32 s9, s7  }
0x186: {  	[tilespmem:s31], [sflag:$0x8] =	stream.linear.gather [hbm4b:s11+s3], $0x50, $0x38;
	[tilespmem:$0x1E080] =	vst v63  }
0x187: {  	_ =	swait.ge [sflag:s21], $0x2800  }
0x188: {  	[sflag:s21] =	ssyncset.done $0x0  }
0x189: {  	s31 =	simm.s32 $0x16480;
	[sflag:s21] =	ssyncadd.s32 $0xFFFFD800  }
0x18a: {  	[spmem:s18] =	stream.indirect.scatter.add.f32 [tilespmem:s31], [sflag:$0xE], $0x80, s19, s30, $0xb8;
	[tilespmem:$0x1E080] =	vst v63  }
0x18b: {  	_ =	swait.ge [sflag:s22], $0x2800  }
0x18c: {  	[sflag:s22] =	ssyncset.done $0x0  }
0x18d: {  	s20 =	simm.s32 $0x8;
	[sflag:s22] =	ssyncadd.s32 $0xFFFFD800  }
0x18e: {  	_ =	swait.ge [sflag:s20], $0x50  }
0x18f: {  	[sflag:s20] =	ssyncset.done $0x0  }
0x190: {  	[sflag:s20] =	ssyncadd.s32 $0xFFFFFFB0  }
0x191: {  	_ =	swait.ge [sflag:s20], $0x50  }
0x192: {  	p1 =	sne.s32 s25, $0x460;
	s25 =	sadd.s32 $0x50, s25;
	[sflag:s20] =	ssyncset.done $0x0  }
0x193: {  	s24 =	sadd.s32 $0x280, s24;
	s21 =	rddreg [dreg:$0x5];
	[sflag:s20] =	ssyncadd.s32 $0xFFFFFFB0  }
0x194: {  	[tilespmem:s14], [sflag:$0x4] =	stream.indirect.gather [hbm4b:s2+s30], $0x80, s10, s30, $0xb8;
	[tilespmem:$0x1E080] =	vst v63  }
0x195: {  	s23 =	simm.s32 $0x1DE80;
	s22 =	rddreg [dreg:$0x4];
	s0 =	sadd.s32 s9, s21  }
0x196: {  	[tilespmem:s23], [sflag:$0x9] =	stream.linear.gather [hbm4b:s0+s3], $0x50, $0x38;
	[tilespmem:$0x1E080] =	vst v63  }
.Ltmp0:
0x197: {  	s28 =	simm.s32 $0x13A80;
	s26 =	sadd.s32 s9, s22;
	(pc) =	sbr.rel @p1 .LBB2_2-.Ltmp0, $4  }
0x198: {  	[tilespmem:s28], [sflag:$0x9] =	stream.linear.gather [hbm4b:s26+s3], $0x50, $0x38;
	[tilespmem:$0x1E080] =	vst v63  }
0x199: {  	s16 =	simm.s32 $0x13980;
	s12 =	simm.s32 $0x13A00;
	_ =	swait.ge [sflag:s5], $0x2800  }
0x19a: {  	s29 =	simm.s32 $0x18C80;
	s20 =	simm.s32 $0x1B480;
	[sflag:s5] =	ssyncset.done $0x0  }
0x19b: {  	s9 =	simm.s32 $0x13A80;
	s10 =	simm.s32 $0x1DE80;
	[sflag:s5] =	ssyncadd.s32 $0xFFFFD800  }
0x19c: {  	s2 =	rddreg [dreg:$0x2];
	s4 =	simm.s32 $0xD  }
0x19d: {  	[spmem:s2] =	stream.indirect.scatter.add.f32 [tilespmem:s29], [sflag:$0xF], $0x80, s16, s30, $0xb8;
	[tilespmem:$0x1E080] =	vst v63  }
0x19e: {  	_ =	swait.ge [sflag:s4], $0x2800  }
0x19f: {  	[sflag:s4] =	ssyncset.done $0x0  }
0x1a0: {  	s0 =	simm.s32 $0x9;
	[sflag:s4] =	ssyncadd.s32 $0xFFFFD800  }
0x1a1: {  	_ =	swait.ge [sflag:s0], $0x50  }
0x1a2: {  	[sflag:s0] =	ssyncset.done $0x0  }
0x1a3: {  	[sflag:s0] =	ssyncadd.s32 $0xFFFFFFB0  }
0x1a4: {  	_ =	swait.ge [sflag:s0], $0x50  }
0x1a5: {  	[sflag:s0] =	ssyncset.done $0x0  }
0x1a6: {  	[sflag:s0] =	ssyncadd.s32 $0xFFFFFFB0  }
0x1a7: {  	s19 =	simm.s32 $0x13C80;
	s6 =	simm.s32 $0x4;
	s1 =	rddreg [dreg:$0x0]  }
0x1a8: {  	[tilespmem:s19], [sflag:$0x1] =	stream.indirect.gather [hbm4b:s1+s30], $0x80, s10, s30, $0xb8;
	[tilespmem:$0x1E080] =	vst v63  }
0x1a9: {  	_ =	swait.ge [sflag:s6], $0x2800  }
0x1aa: {  	[sflag:s6] =	ssyncset.done $0x0  }
0x1ab: {  	[sflag:s6] =	ssyncadd.s32 $0xFFFFD800  }
0x1ac: {  	[spmem:s2] =	stream.indirect.scatter.add.f32 [tilespmem:s20], [sflag:$0x10], $0x80, s12, s30, $0xb8;
	[tilespmem:$0x1E080] =	vst v63  }
0x1ad: {  	s20 =	simm.s32 $0xE  }
0x1ae: {  	_ =	swait.ge [sflag:s20], $0x2800  }
0x1af: {  	[sflag:s20] =	ssyncset.done $0x0  }
0x1b0: {  	s8 =	simm.s32 $0x1;
	[sflag:s20] =	ssyncadd.s32 $0xFFFFD800  }
0x1b1: {  	_ =	swait.ge [sflag:s8], $0x2800  }
0x1b2: {  	[sflag:s8] =	ssyncset.done $0x0  }
0x1b3: {  	s21 =	simm.s32 $0xF;
	[sflag:s8] =	ssyncadd.s32 $0xFFFFD800  }
0x1b4: {  	[spmem:s2] =	stream.indirect.scatter.add.f32 [tilespmem:s19], [sflag:$0xD], $0x80, s9, s30, $0xb8;
	[tilespmem:$0x1E080] =	vst v63  }
0x1b5: {  	_ =	swait.ge [sflag:s21], $0x2800  }
0x1b6: {  	[sflag:s21] =	ssyncset.done $0x0  }
0x1b7: {  	s22 =	simm.s32 $0x10;
	[sflag:s21] =	ssyncadd.s32 $0xFFFFD800  }
0x1b8: {  	_ =	swait.ge [sflag:s22], $0x2800  }
0x1b9: {  	[sflag:s22] =	ssyncset.done $0x0  }
0x1ba: {  	[sflag:s22] =	ssyncadd.s32 $0xFFFFD800  }
0x1bb: {  	_ =	swait.ge [sflag:s4], $0x2800  }
0x1bc: {  	[sflag:s4] =	ssyncset.done $0x0  }
0x1bd: {  	[sflag:s4] =	ssyncadd.s32 $0xFFFFD800  }
0x1be: {  	[bflag:$0x0] =	sbarrier.arrive $0xFFFF  }
0x1bf: {  	s23 =	sld [smem:$0x7FD]  }
0x1c0: {  	s25 =	sld [smem:$0x7F6];
	_ =	sdelay $0x1  }
0x1c1: {  	s24 =	rddreg [dreg:$0x16]  }
0x1c2: {  	[hbm:s23], [sflag:s24] =	dma.local [spmem:s25], $0x2700  }
0x1c3: {  	s25 =	simm.s32 $0x11  }
0x1c4: {  	_ =	swait.ge [sflag:s25], $0x2700  }
0x1c5: {  	s0 =	sld [smem:$0x7FC]  }
0x1c6: {  	s4 =	sld [smem:$0x7F7]  }
0x1c7: {  	[sflag:s25] =	ssyncset.done $0x0  }
0x1c8: {  	[sflag:s25] =	ssyncadd.s32 $0xFFFFD900;
	s0 =	sadd.s32 @!p0 $0x27000, s0  }
0x1c9: {  	[hbm:s0], [sflag:s24] =	dma.local @!p0 [spmem:s4], $0x100  }
0x1ca: {  	s0 =	simm.s32 @!p0 $0x11  }
0x1cb: {  	_ =	swait.ge @!p0 [sflag:s0], $0x100  }
0x1cc: {  	s26 =	sld [smem:$0x7F5]  }
0x1cd: {  	s29 =	sld [smem:$0x7FA];
	_ =	sdelay $0x1  }
0x1ce: {  	s4 =	sadd.s32 $0x1, s26  }
0x1cf: {  	p1 =	sne.s32 s4, s29  }
.Ltmp1:
0x1d0: {  	s28 =	simm.s32 $0x1DC80;
	(pc) =	sbr.rel @p1 .LBB2_1-.Ltmp1, $4  }
0x1d1: {  	s13 =	simm.s32 $0x6;
	s14 =	simm.s32 $0x2;
	s15 =	simm.s32 $0x8  }
0x1d2: {  	s11 =	simm.s32 $0x13B80;
	s6 =	simm.s32 $0x13B00;
	s12 =	simm.s32 $0x7  }
0x1d3: {  	s8 =	simm.s32 $0x5;
	[sflag:s0] =	ssyncset.done @!p0 $0x0;
	s16 =	rddreg [dreg:$0x12]  }
0x1d4: {  	s22 =	simm.s32 $0x13C00;
	s2 =	rddreg [dreg:$0x13];
	[sflag:s0] =	ssyncadd.s32 @!p0 $0xFFFFFF00  }
0x1d5: {  	_ =	sfence.sel $0x180000  }
0x1d6: {  	[bflag:$0x0] =	sbarrier.arrive $0xFFFF  }
0x1d7: {  	_ =	strace $0x9000004A  }
0x1d8: {  	s0 =	stileid.u32;
	[bflag:$0x2] =	sbarrier.arrive $0xFFFF  }
0x1d9: {  	p0 =	sne.s32 s0, $0x0;
	s0 =	rddreg [dreg:$0x3]  }
0x1da: {  	s0 =	sadd.s32 @!p0 $0x100000, s0  }
0x1db: {  	[sflag:s0] =	ssyncadd.tile.s32 @!p0 $0x1;
	_ =	shalt  }
.Lfunc_end2:
_tile_overlayer_lowered:
.L_overlay_start_2:
0x1dc: {  	(tag) =	ssettag $0x2  }
0x1dd: {  	s0 =	rddreg [dreg:$0x0];
	s2 =	stileid.u32  }
0x1de: {  	s1 =	rddreg [dreg:$0x1];
	p0 =	sne.s32 s2, $0x0  }
0x1df: {  	s3 =	rddreg [dreg:$0x2];
	[bflag:$0x3] =	sbarrier.arrive $0xFFFF;
	s2 =	simm.s32 @!p0 $0x1C11  }
0x1e0: {  	[timem:s3], [sflag:s2] =	dma.local @!p0 [hbm:s0], s1  }
0x1e1: {  	s0 =	simm.s32 @!p0 $0x11  }
0x1e2: {  	_ =	swait.ge @!p0 [sflag:s0], s1  }
0x1e3: {  	s1 =	ssub.s32 @!p0 $0x0, s1;
	[sflag:s0] =	ssyncset.done @!p0 $0x0  }
0x1e4: {  	[sflag:s0] =	ssyncadd.s32 @!p0 s1  }
0x1e5: {  	[bflag:$0x3] =	sbarrier.arrive $0xFFFF  }
0x1e6: {  	_ =	shalt  }

</sc_bundles>
